<compile_context>
chip_gen: v7x
topology: tpu7x:2x2x1
jax: 0.10.2.dev20260603
libtpu: 0.0.44.dev20260713+nightly
codegen_flags: <defaults>
</compile_context>

<pallas_src>
import functools

import jax
import jax.numpy as jnp
from jax import lax
from jax.experimental import pallas as pl
from jax.experimental.pallas import tpu as pltpu
from jax.experimental.pallas import tpu_sc as plsc

D = 32
OUT = 64
BB = 1024



@functools.partial(jax.jit, static_argnums=(2, 3))
def _sc_gather(table, idx, n, d):
    info = plsc.get_sparse_core_info()
    nw = info.num_cores * info.num_subcores
    nc = info.num_cores
    n_per_w = n // nw
    k = 32
    mega = 640
    n_mega = n_per_w // mega
    n_bat = mega // k
    mesh = plsc.VectorSubcoreMesh(core_axis_name="c", subcore_axis_name="s")

    @functools.partial(
        pl.kernel,
        mesh=mesh,
        out_type=jax.ShapeDtypeStruct((n, d), jnp.float32),
        scratch_types=[
            pltpu.VMEM((n_per_w,), jnp.int32),
            pltpu.VMEM((mega, d), jnp.float32),
            pltpu.SemaphoreType.DMA,
        ],
        compiler_params=pltpu.CompilerParams(use_tc_tiling_on_sc=True),
    )
    def gather_kernel(table_hbm, idx_hbm, out_hbm, idx_v, buf_v, gsem):
        wid = lax.axis_index("s") * nc + lax.axis_index("c")
        base = wid * n_per_w
        pltpu.sync_copy(idx_hbm.at[pl.ds(base, n_per_w)], idx_v)

        def drain_batch():
            for _ in range(k):
                pltpu.make_async_copy(
                    table_hbm.at[pl.ds(0, 1)],
                    buf_v.at[pl.ds(0, 1)],
                    gsem).wait()

        for m in range(n_mega):
            def body(it, _, m=m):
                @pl.when(it < n_bat)
                def _():
                    j0 = it * k
                    ivecs = [idx_v[pl.ds(m * mega + j0 + 16 * q, 16)]
                             for q in range(k // 16)]
                    for kk in range(k):
                        pltpu.async_copy(
                            table_hbm.at[pl.ds(ivecs[kk // 16][kk % 16], 1)],
                            buf_v.at[pl.ds(j0 + kk, 1)],
                            gsem)

                @pl.when(it > 0)
                def _():
                    drain_batch()
                return 0

            lax.fori_loop(0, n_bat + 1, body, 0)
            pltpu.sync_copy(buf_v, out_hbm.at[pl.ds(base + m * mega, mega)])

    return gather_kernel(table, idx)



def _gru_body(emb_ref, w_ref, bias_ref, wo_ref, bo_ref, out_ref, hseq_ref,
              *, seq_len):
    w = w_ref[...]
    bias = bias_ref[...]
    h = jnp.zeros((BB, 2 * D), jnp.float32)
    for i in range(seq_len):
        xf = emb_ref[:, D * i : D * (i + 1)]
        xb = emb_ref[:, D * (seq_len - 1 - i) : D * (seq_len - i)]
        x = jnp.concatenate([xf, xb, h], axis=-1)
        g = jnp.dot(x, w, preferred_element_type=jnp.float32) + bias
        z = jax.nn.sigmoid(g[:, : 2 * D])
        r = jax.nn.sigmoid(g[:, 2 * D : 4 * D])
        c = jnp.tanh(g[:, 4 * D : 6 * D] + r * g[:, 6 * D :])
        h = z * h + (1.0 - z) * c
        hseq_ref[i, :, :D] = h[:, :D]
        hseq_ref[seq_len - 1 - i, :, D:] = h[:, D:]
    wo = wo_ref[...]
    bo = bo_ref[...]
    for t in range(seq_len):
        o = jnp.dot(hseq_ref[t], wo, preferred_element_type=jnp.float32) + bo
        out_ref[t] = o.T


def _gru_dense(emb, w, bias, wo, bo, seq_len):
    b = emb.shape[0]
    grid = (b // BB,)
    return pl.pallas_call(
        functools.partial(_gru_body, seq_len=seq_len),
        grid=grid,
        in_specs=[
            pl.BlockSpec((BB, seq_len * D), lambda i: (i, 0)),
            pl.BlockSpec((4 * D, 8 * D), lambda i: (0, 0)),
            pl.BlockSpec((1, 8 * D), lambda i: (0, 0)),
            pl.BlockSpec((2 * D, OUT), lambda i: (0, 0)),
            pl.BlockSpec((1, OUT), lambda i: (0, 0)),
        ],
        out_specs=pl.BlockSpec((seq_len, OUT, BB), lambda i: (0, 0, i)),
        out_shape=jax.ShapeDtypeStruct((seq_len, OUT, b), jnp.float32),
        scratch_shapes=[
            pltpu.VMEM((seq_len, BB, 2 * D), jnp.float32),
        ],
    )(emb, w, bias, wo, bo)


def _build_step_weights(K_f, RK_f, b_f, K_b, RK_b, b_b):
    Z = jnp.zeros((D, D), jnp.float32)

    def quad(g, fw, bw):
        c0 = fw[:, g * D : (g + 1) * D]
        c1 = bw[:, g * D : (g + 1) * D]
        return jnp.block([[c0, Z], [Z, c1]])

    rows_xf_xb = jnp.concatenate(
        [quad(0, K_f, K_b), quad(1, K_f, K_b), quad(2, K_f, K_b),
         jnp.zeros((2 * D, 2 * D), jnp.float32)], axis=1)
    rows_hf_hb = jnp.concatenate(
        [quad(0, RK_f, RK_b), quad(1, RK_f, RK_b),
         jnp.zeros((2 * D, 2 * D), jnp.float32), quad(2, RK_f, RK_b)], axis=1)
    w = jnp.concatenate([rows_xf_xb, rows_hf_hb], axis=0)

    def bpair(g, src_f, src_b):
        return jnp.concatenate(
            [src_f[g * D : (g + 1) * D], src_b[g * D : (g + 1) * D]])

    bias = jnp.concatenate([
        bpair(0, b_f[0] + b_f[1], b_b[0] + b_b[1]),
        bpair(1, b_f[0] + b_f[1], b_b[0] + b_b[1]),
        bpair(2, b_f[0], b_b[0]),
        bpair(2, b_f[1], b_b[1]),
    ]).reshape(1, 8 * D)
    return w, bias


def kernel(inputs, table, K_f, RK_f, b_f, K_b, RK_b, b_b, W_out, b_out):
    b, seq_len = inputs.shape
    n = b * seq_len
    idx = inputs.reshape(n).astype(jnp.int32)
    emb_flat = _sc_gather(table, idx, n, D)
    emb = emb_flat.reshape(b, seq_len * D)

    w, bias = _build_step_weights(K_f, RK_f, b_f, K_b, RK_b, b_b)
    bo = b_out.reshape(1, OUT)
    out_p = _gru_dense(emb, w, bias, W_out, bo, seq_len)
    return jnp.transpose(out_p, (2, 0, 1))

# --- scband reference (transcript-rebuilt; emitter-appended) ---
"""Pipeline reference for scband-embedding-layer-10788957847952 (READ-ONLY COPY).

The authoritative reference and input builder live on the scoring server;
editing this copy changes nothing except your own understanding.
"""

import jax, jax.numpy as jnp
import numpy as np

VOCAB = 1000001  # vocab_num + 1 per module __init__
D = 32           # embedding_dim == GRU units
OUT = 64         # output_size
B = 4096
L = 20


def setup_inputs(seed: int = 0) -> dict:
    key = jax.random.key(seed)
    ks = jax.random.split(key, 10)
    s = 1.0 / np.sqrt(D)
    inp = {}
    inp["inputs"] = jax.random.randint(ks[0], (B, L), 0, VOCAB, dtype=jnp.int64 if jax.config.jax_enable_x64 else jnp.int32)
    inp["table"] = jax.random.normal(ks[1], (VOCAB, D), dtype=jnp.float32)
    inp["K_f"] = jax.random.uniform(ks[2], (D, 3 * D), minval=-s, maxval=s, dtype=jnp.float32)
    inp["RK_f"] = jax.random.uniform(ks[3], (D, 3 * D), minval=-s, maxval=s, dtype=jnp.float32)
    inp["b_f"] = jnp.zeros((2, 3 * D), dtype=jnp.float32)
    inp["K_b"] = jax.random.uniform(ks[4], (D, 3 * D), minval=-s, maxval=s, dtype=jnp.float32)
    inp["RK_b"] = jax.random.uniform(ks[5], (D, 3 * D), minval=-s, maxval=s, dtype=jnp.float32)
    inp["b_b"] = jnp.zeros((2, 3 * D), dtype=jnp.float32)
    so = 1.0 / np.sqrt(2 * D)
    inp["W_out"] = jax.random.uniform(ks[6], (2 * D, OUT), minval=-so, maxval=so, dtype=jnp.float32)
    inp["b_out"] = jnp.zeros((OUT,), dtype=jnp.float32)
    return inp


def _gru(x, K, RK, b):
    # Keras GRU with reset_after=True, activation=tanh, recurrent_activation=sigmoid
    # x: [B, L, D] -> returns full sequence [B, L, D]
    b_x, b_h = b[0], b[1]

    def step(h, xt):
        gx = xt @ K + b_x
        gh = h @ RK + b_h
        xz, xr, xh = jnp.split(gx, 3, axis=-1)
        hz, hr, hh = jnp.split(gh, 3, axis=-1)
        z = jax.nn.sigmoid(xz + hz)
        r = jax.nn.sigmoid(xr + hr)
        c = jnp.tanh(xh + r * hh)
        hn = z * h + (1.0 - z) * c
        return hn, hn

    h0 = jnp.zeros((x.shape[0], RK.shape[0]), dtype=x.dtype)
    _, ys = jax.lax.scan(step, h0, jnp.swapaxes(x, 0, 1))
    return jnp.swapaxes(ys, 0, 1)


def reference(inputs, table, K_f, RK_f, b_f, K_b, RK_b, b_b, W_out, b_out):
    # tf.nn.embedding_lookup
    emb = jnp.take(table, inputs, axis=0)  # [B, L, D]
    # Bidirectional GRU, merge_mode='concat', return_sequences=True
    fwd = _gru(emb, K_f, RK_f, b_f)
    bwd = _gru(emb[:, ::-1, :], K_b, RK_b, b_b)[:, ::-1, :]
    h = jnp.concatenate([fwd, bwd], axis=-1)  # [B, L, 2D]
    # output Dense
    return h @ W_out + b_out

if __name__ == "__main__":
    import jax
    _d = setup_inputs()
    print(jax.jit(kernel)(*tuple(_d.values())))

</pallas_src>

<mosaic_0001>
#map = affine_map<(d0, d1) -> (0, 0)>
#map1 = affine_map<(d0, d1) -> (0)>
module attributes {stable_mosaic.version = 14 : i64} {
  func.func @gather_kernel(%arg0: i32, %arg1: i32, %arg2: memref<1000001x32xf32, #tpu.memory_space<hbm>>, %arg3: memref<81920xi32, #tpu.memory_space<hbm>>, %arg4: memref<81920x32xf32, #tpu.memory_space<hbm>>, %arg5: memref<2560xi32, #tpu.memory_space<vmem>>, %arg6: memref<640x32xf32, #tpu.memory_space<vmem>>, %arg7: memref<!tpu.dma_semaphore, #tpu.memory_space<semaphore_mem>>) attributes {dimension_semantics = [#tpu.dimension_semantics<core_parallel>, #tpu.dimension_semantics<subcore_parallel>], iteration_bounds = array<i64: 2, 16>, scalar_prefetch = 0 : i64, scratch_operands = 3 : i64, tpu.core_type = #tpu.core_type<sc_vector_subcore>, window_params = [{transform_indices = #map}, {transform_indices = #map1}, {transform_indices = #map}]} {
    %mul3A = arith.constant 2 : i32
    %mul3A_0 = arith.muli %arg1, %mul3A : i32
    %add3A = arith.addi %mul3A_0, %arg0 : i32
    %mul3A_1 = arith.constant 2560 : i32
    %mul3A_2 = arith.muli %add3A, %mul3A_1 : i32
    "tpu.region"() ({
      %run_scoped3A = tpu.sem_alloc : memref<!tpu.dma_semaphore, #tpu.memory_space<semaphore_mem>>
      %dma_start3A = tpu.memref_slice %arg3[%mul3A_2] : memref<81920xi32, #tpu.memory_space<hbm>> -> memref<2560xi32, #tpu.memory_space<hbm>>
      %dma_start3A_38 = tpu.memref_slice %arg3[%mul3A_2] : memref<81920xi32, #tpu.memory_space<hbm>> -> memref<2560xi32, #tpu.memory_space<hbm>>
      tpu.enqueue_dma source(%dma_start3A_38 : memref<2560xi32, #tpu.memory_space<hbm>>) target(%arg5 : memref<2560xi32, #tpu.memory_space<vmem>>) target_semaphore(%run_scoped3A : memref<!tpu.dma_semaphore, #tpu.memory_space<semaphore_mem>>)
      %dma_wait3A = tpu.memref_slice %arg3[%mul3A_2] : memref<81920xi32, #tpu.memory_space<hbm>> -> memref<2560xi32, #tpu.memory_space<hbm>>
      %dma_wait3A_39 = tpu.memref_slice %arg3[%mul3A_2] : memref<81920xi32, #tpu.memory_space<hbm>> -> memref<2560xi32, #tpu.memory_space<hbm>>
      tpu.wait_dma2 semaphore(%run_scoped3A : memref<!tpu.dma_semaphore, #tpu.memory_space<semaphore_mem>>) src(%dma_wait3A_39 : memref<2560xi32, #tpu.memory_space<hbm>>) dst(%arg5 : memref<2560xi32, #tpu.memory_space<vmem>>)
      tpu.yield
    }) : () -> ()
    %scan3A = arith.constant 0 : i32
    %scan3A_3 = arith.constant 0 : i32
    %scan3A_4 = arith.constant 21 : i32
    %scan3A_5 = arith.addi %scan3A_3, %scan3A_4 : i32
    %scan3A_6 = arith.constant 1 : i32
    %scan3A_7 = scf.for %scan3A_38 = %scan3A_3 to %scan3A_5 step %scan3A_6 iter_args(%scan3A_39 = %scan3A) -> (i32)  : i32 {
      %lt3A = arith.constant 20 : i32
      %lt3A_40 = arith.cmpi slt, %scan3A_38, %lt3A : i32
      %convert_element_type3A = arith.extui %lt3A_40 : i1 to i32
      %cond3A = arith.constant 0 : i32
      %cond3A_41 = arith.cmpi ne, %convert_element_type3A, %cond3A : i32
      scf.if %cond3A_41 {
        %mul3A_47 = arith.constant 32 : i32
        %mul3A_48 = arith.muli %scan3A_38, %mul3A_47 : i32
        %add3A_49 = arith.constant 0 : i32
        %add3A_50 = arith.addi %add3A_49, %mul3A_48 : i32
        %add3A_51 = arith.constant 0 : i32
        %add3A_52 = arith.addi %add3A_50, %add3A_51 : i32
        %get3A = arith.index_cast %add3A_52 : i32 to index
        %get3A_53 = tpu.vector_load %arg5[%get3A] {strides = array<i32>} : memref<2560xi32, #tpu.memory_space<vmem>>, vector<16xi32>,
        %get3A_54 = vector.shape_cast %get3A_53 : vector<16xi32> to vector<16xi32>
        %add3A_55 = arith.constant 0 : i32
        %add3A_56 = arith.addi %add3A_55, %mul3A_48 : i32
        %add3A_57 = arith.constant 16 : i32
        %add3A_58 = arith.addi %add3A_56, %add3A_57 : i32
        %get3A_59 = arith.index_cast %add3A_58 : i32 to index
        %get3A_60 = tpu.vector_load %arg5[%get3A_59] {strides = array<i32>} : memref<2560xi32, #tpu.memory_space<vmem>>, vector<16xi32>,
        %get3A_61 = vector.shape_cast %get3A_60 : vector<16xi32> to vector<16xi32>
        %slice3A = vector.extract_strided_slice %get3A_54 {offsets = [0], sizes = [1], strides = [1]} : vector<16xi32> to vector<1xi32>
        %squeeze3A = vector.extract %slice3A[0] : i32 from vector<1xi32>
        %add3A_62 = arith.constant 0 : i32
        %add3A_63 = arith.addi %mul3A_48, %add3A_62 : i32
        %dma_start3A = arith.constant 0 : i32
        %dma_start3A_64 = tpu.memref_slice %arg6[%add3A_63, %dma_start3A] : memref<640x32xf32, #tpu.memory_space<vmem>> -> memref<1x32xf32, #tpu.memory_space<vmem>>
        %dma_start3A_65 = arith.constant 0 : i32
        %dma_start3A_66 = tpu.memref_slice %arg2[%squeeze3A, %dma_start3A_65] : memref<1000001x32xf32, #tpu.memory_space<hbm>> -> memref<1x32xf32, #tpu.memory_space<hbm>>
        %dma_start3A_67 = arith.constant 0 : i32
        %dma_start3A_68 = tpu.memref_slice %arg6[%add3A_63, %dma_start3A_67] : memref<640x32xf32, #tpu.memory_space<vmem>> -> memref<1x32xf32, #tpu.memory_space<vmem>>
        %dma_start3A_69 = arith.constant 0 : i32
        %dma_start3A_70 = tpu.memref_slice %arg2[%squeeze3A, %dma_start3A_69] : memref<1000001x32xf32, #tpu.memory_space<hbm>> -> memref<1x32xf32, #tpu.memory_space<hbm>>
        tpu.enqueue_dma source(%dma_start3A_70 : memref<1x32xf32, #tpu.memory_space<hbm>>) target(%dma_start3A_68 : memref<1x32xf32, #tpu.memory_space<vmem>>) target_semaphore(%arg7 : memref<!tpu.dma_semaphore, #tpu.memory_space<semaphore_mem>>)
        %slice3A_71 = vector.extract_strided_slice %get3A_54 {offsets = [1], sizes = [1], strides = [1]} : vector<16xi32> to vector<1xi32>
        %squeeze3A_72 = vector.extract %slice3A_71[0] : i32 from vector<1xi32>
        %add3A_73 = arith.constant 1 : i32
        %add3A_74 = arith.addi %mul3A_48, %add3A_73 : i32
        %dma_start3A_75 = arith.constant 0 : i32
        %dma_start3A_76 = tpu.memref_slice %arg6[%add3A_74, %dma_start3A_75] : memref<640x32xf32, #tpu.memory_space<vmem>> -> memref<1x32xf32, #tpu.memory_space<vmem>>
        %dma_start3A_77 = arith.constant 0 : i32
        %dma_start3A_78 = tpu.memref_slice %arg2[%squeeze3A_72, %dma_start3A_77] : memref<1000001x32xf32, #tpu.memory_space<hbm>> -> memref<1x32xf32, #tpu.memory_space<hbm>>
        %dma_start3A_79 = arith.constant 0 : i32
        %dma_start3A_80 = tpu.memref_slice %arg6[%add3A_74, %dma_start3A_79] : memref<640x32xf32, #tpu.memory_space<vmem>> -> memref<1x32xf32, #tpu.memory_space<vmem>>
        %dma_start3A_81 = arith.constant 0 : i32
        %dma_start3A_82 = tpu.memref_slice %arg2[%squeeze3A_72, %dma_start3A_81] : memref<1000001x32xf32, #tpu.memory_space<hbm>> -> memref<1x32xf32, #tpu.memory_space<hbm>>
        tpu.enqueue_dma source(%dma_start3A_82 : memref<1x32xf32, #tpu.memory_space<hbm>>) target(%dma_start3A_80 : memref<1x32xf32, #tpu.memory_space<vmem>>) target_semaphore(%arg7 : memref<!tpu.dma_semaphore, #tpu.memory_space<semaphore_mem>>)
        %slice3A_83 = vector.extract_strided_slice %get3A_54 {offsets = [2], sizes = [1], strides = [1]} : vector<16xi32> to vector<1xi32>
        %squeeze3A_84 = vector.extract %slice3A_83[0] : i32 from vector<1xi32>
        %add3A_85 = arith.constant 2 : i32
        %add3A_86 = arith.addi %mul3A_48, %add3A_85 : i32
        %dma_start3A_87 = arith.constant 0 : i32
        %dma_start3A_88 = tpu.memref_slice %arg6[%add3A_86, %dma_start3A_87] : memref<640x32xf32, #tpu.memory_space<vmem>> -> memref<1x32xf32, #tpu.memory_space<vmem>>
        %dma_start3A_89 = arith.constant 0 : i32
        %dma_start3A_90 = tpu.memref_slice %arg2[%squeeze3A_84, %dma_start3A_89] : memref<1000001x32xf32, #tpu.memory_space<hbm>> -> memref<1x32xf32, #tpu.memory_space<hbm>>
        %dma_start3A_91 = arith.constant 0 : i32
        %dma_start3A_92 = tpu.memref_slice %arg6[%add3A_86, %dma_start3A_91] : memref<640x32xf32, #tpu.memory_space<vmem>> -> memref<1x32xf32, #tpu.memory_space<vmem>>
        %dma_start3A_93 = arith.constant 0 : i32
        %dma_start3A_94 = tpu.memref_slice %arg2[%squeeze3A_84, %dma_start3A_93] : memref<1000001x32xf32, #tpu.memory_space<hbm>> -> memref<1x32xf32, #tpu.memory_space<hbm>>
        tpu.enqueue_dma source(%dma_start3A_94 : memref<1x32xf32, #tpu.memory_space<hbm>>) target(%dma_start3A_92 : memref<1x32xf32, #tpu.memory_space<vmem>>) target_semaphore(%arg7 : memref<!tpu.dma_semaphore, #tpu.memory_space<semaphore_mem>>)
        %slice3A_95 = vector.extract_strided_slice %get3A_54 {offsets = [3], sizes = [1], strides = [1]} : vector<16xi32> to vector<1xi32>
        %squeeze3A_96 = vector.extract %slice3A_95[0] : i32 from vector<1xi32>
        %add3A_97 = arith.constant 3 : i32
        %add3A_98 = arith.addi %mul3A_48, %add3A_97 : i32
        %dma_start3A_99 = arith.constant 0 : i32
        %dma_start3A_100 = tpu.memref_slice %arg6[%add3A_98, %dma_start3A_99] : memref<640x32xf32, #tpu.memory_space<vmem>> -> memref<1x32xf32, #tpu.memory_space<vmem>>
        %dma_start3A_101 = arith.constant 0 : i32
        %dma_start3A_102 = tpu.memref_slice %arg2[%squeeze3A_96, %dma_start3A_101] : memref<1000001x32xf32, #tpu.memory_space<hbm>> -> memref<1x32xf32, #tpu.memory_space<hbm>>
        %dma_start3A_103 = arith.constant 0 : i32
        %dma_start3A_104 = tpu.memref_slice %arg6[%add3A_98, %dma_start3A_103] : memref<640x32xf32, #tpu.memory_space<vmem>> -> memref<1x32xf32, #tpu.memory_space<vmem>>
        %dma_start3A_105 = arith.constant 0 : i32
        %dma_start3A_106 = tpu.memref_slice %arg2[%squeeze3A_96, %dma_start3A_105] : memref<1000001x32xf32, #tpu.memory_space<hbm>> -> memref<1x32xf32, #tpu.memory_space<hbm>>
        tpu.enqueue_dma source(%dma_start3A_106 : memref<1x32xf32, #tpu.memory_space<hbm>>) target(%dma_start3A_104 : memref<1x32xf32, #tpu.memory_space<vmem>>) target_semaphore(%arg7 : memref<!tpu.dma_semaphore, #tpu.memory_space<semaphore_mem>>)
        %slice3A_107 = vector.extract_strided_slice %get3A_54 {offsets = [4], sizes = [1], strides = [1]} : vector<16xi32> to vector<1xi32>
        %squeeze3A_108 = vector.extract %slice3A_107[0] : i32 from vector<1xi32>
        %add3A_109 = arith.constant 4 : i32
        %add3A_110 = arith.addi %mul3A_48, %add3A_109 : i32
        %dma_start3A_111 = arith.constant 0 : i32
        %dma_start3A_112 = tpu.memref_slice %arg6[%add3A_110, %dma_start3A_111] : memref<640x32xf32, #tpu.memory_space<vmem>> -> memref<1x32xf32, #tpu.memory_space<vmem>>
        %dma_start3A_113 = arith.constant 0 : i32
        %dma_start3A_114 = tpu.memref_slice %arg2[%squeeze3A_108, %dma_start3A_113] : memref<1000001x32xf32, #tpu.memory_space<hbm>> -> memref<1x32xf32, #tpu.memory_space<hbm>>
        %dma_start3A_115 = arith.constant 0 : i32
        %dma_start3A_116 = tpu.memref_slice %arg6[%add3A_110, %dma_start3A_115] : memref<640x32xf32, #tpu.memory_space<vmem>> -> memref<1x32xf32, #tpu.memory_space<vmem>>
        %dma_start3A_117 = arith.constant 0 : i32
        %dma_start3A_118 = tpu.memref_slice %arg2[%squeeze3A_108, %dma_start3A_117] : memref<1000001x32xf32, #tpu.memory_space<hbm>> -> memref<1x32xf32, #tpu.memory_space<hbm>>
        tpu.enqueue_dma source(%dma_start3A_118 : memref<1x32xf32, #tpu.memory_space<hbm>>) target(%dma_start3A_116 : memref<1x32xf32, #tpu.memory_space<vmem>>) target_semaphore(%arg7 : memref<!tpu.dma_semaphore, #tpu.memory_space<semaphore_mem>>)
        %slice3A_119 = vector.extract_strided_slice %get3A_54 {offsets = [5], sizes = [1], strides = [1]} : vector<16xi32> to vector<1xi32>
        %squeeze3A_120 = vector.extract %slice3A_119[0] : i32 from vector<1xi32>
        %add3A_121 = arith.constant 5 : i32
        %add3A_122 = arith.addi %mul3A_48, %add3A_121 : i32
        %dma_start3A_123 = arith.constant 0 : i32
        %dma_start3A_124 = tpu.memref_slice %arg6[%add3A_122, %dma_start3A_123] : memref<640x32xf32, #tpu.memory_space<vmem>> -> memref<1x32xf32, #tpu.memory_space<vmem>>
        %dma_start3A_125 = arith.constant 0 : i32
        %dma_start3A_126 = tpu.memref_slice %arg2[%squeeze3A_120, %dma_start3A_125] : memref<1000001x32xf32, #tpu.memory_space<hbm>> -> memref<1x32xf32, #tpu.memory_space<hbm>>
        %dma_start3A_127 = arith.constant 0 : i32
        %dma_start3A_128 = tpu.memref_slice %arg6[%add3A_122, %dma_start3A_127] : memref<640x32xf32, #tpu.memory_space<vmem>> -> memref<1x32xf32, #tpu.memory_space<vmem>>
        %dma_start3A_129 = arith.constant 0 : i32
        %dma_start3A_130 = tpu.memref_slice %arg2[%squeeze3A_120, %dma_start3A_129] : memref<1000001x32xf32, #tpu.memory_space<hbm>> -> memref<1x32xf32, #tpu.memory_space<hbm>>
        tpu.enqueue_dma source(%dma_start3A_130 : memref<1x32xf32, #tpu.memory_space<hbm>>) target(%dma_start3A_128 : memref<1x32xf32, #tpu.memory_space<vmem>>) target_semaphore(%arg7 : memref<!tpu.dma_semaphore, #tpu.memory_space<semaphore_mem>>)
        %slice3A_131 = vector.extract_strided_slice %get3A_54 {offsets = [6], sizes = [1], strides = [1]} : vector<16xi32> to vector<1xi32>
        %squeeze3A_132 = vector.extract %slice3A_131[0] : i32 from vector<1xi32>
        %add3A_133 = arith.constant 6 : i32
        %add3A_134 = arith.addi %mul3A_48, %add3A_133 : i32
        %dma_start3A_135 = arith.constant 0 : i32
        %dma_start3A_136 = tpu.memref_slice %arg6[%add3A_134, %dma_start3A_135] : memref<640x32xf32, #tpu.memory_space<vmem>> -> memref<1x32xf32, #tpu.memory_space<vmem>>
        %dma_start3A_137 = arith.constant 0 : i32
        %dma_start3A_138 = tpu.memref_slice %arg2[%squeeze3A_132, %dma_start3A_137] : memref<1000001x32xf32, #tpu.memory_space<hbm>> -> memref<1x32xf32, #tpu.memory_space<hbm>>
        %dma_start3A_139 = arith.constant 0 : i32
        %dma_start3A_140 = tpu.memref_slice %arg6[%add3A_134, %dma_start3A_139] : memref<640x32xf32, #tpu.memory_space<vmem>> -> memref<1x32xf32, #tpu.memory_space<vmem>>
        %dma_start3A_141 = arith.constant 0 : i32
        %dma_start3A_142 = tpu.memref_slice %arg2[%squeeze3A_132, %dma_start3A_141] : memref<1000001x32xf32, #tpu.memory_space<hbm>> -> memref<1x32xf32, #tpu.memory_space<hbm>>
        tpu.enqueue_dma source(%dma_start3A_142 : memref<1x32xf32, #tpu.memory_space<hbm>>) target(%dma_start3A_140 : memref<1x32xf32, #tpu.memory_space<vmem>>) target_semaphore(%arg7 : memref<!tpu.dma_semaphore, #tpu.memory_space<semaphore_mem>>)
        %slice3A_143 = vector.extract_strided_slice %get3A_54 {offsets = [7], sizes = [1], strides = [1]} : vector<16xi32> to vector<1xi32>
        %squeeze3A_144 = vector.extract %slice3A_143[0] : i32 from vector<1xi32>
        %add3A_145 = arith.constant 7 : i32
        %add3A_146 = arith.addi %mul3A_48, %add3A_145 : i32
        %dma_start3A_147 = arith.constant 0 : i32
        %dma_start3A_148 = tpu.memref_slice %arg6[%add3A_146, %dma_start3A_147] : memref<640x32xf32, #tpu.memory_space<vmem>> -> memref<1x32xf32, #tpu.memory_space<vmem>>
        %dma_start3A_149 = arith.constant 0 : i32
        %dma_start3A_150 = tpu.memref_slice %arg2[%squeeze3A_144, %dma_start3A_149] : memref<1000001x32xf32, #tpu.memory_space<hbm>> -> memref<1x32xf32, #tpu.memory_space<hbm>>
        %dma_start3A_151 = arith.constant 0 : i32
        %dma_start3A_152 = tpu.memref_slice %arg6[%add3A_146, %dma_start3A_151] : memref<640x32xf32, #tpu.memory_space<vmem>> -> memref<1x32xf32, #tpu.memory_space<vmem>>
        %dma_start3A_153 = arith.constant 0 : i32
        %dma_start3A_154 = tpu.memref_slice %arg2[%squeeze3A_144, %dma_start3A_153] : memref<1000001x32xf32, #tpu.memory_space<hbm>> -> memref<1x32xf32, #tpu.memory_space<hbm>>
        tpu.enqueue_dma source(%dma_start3A_154 : memref<1x32xf32, #tpu.memory_space<hbm>>) target(%dma_start3A_152 : memref<1x32xf32, #tpu.memory_space<vmem>>) target_semaphore(%arg7 : memref<!tpu.dma_semaphore, #tpu.memory_space<semaphore_mem>>)
        %slice3A_155 = vector.extract_strided_slice %get3A_54 {offsets = [8], sizes = [1], strides = [1]} : vector<16xi32> to vector<1xi32>
        %squeeze3A_156 = vector.extract %slice3A_155[0] : i32 from vector<1xi32>
        %add3A_157 = arith.constant 8 : i32
        %add3A_158 = arith.addi %mul3A_48, %add3A_157 : i32
        %dma_start3A_159 = arith.constant 0 : i32
        %dma_start3A_160 = tpu.memref_slice %arg6[%add3A_158, %dma_start3A_159] : memref<640x32xf32, #tpu.memory_space<vmem>> -> memref<1x32xf32, #tpu.memory_space<vmem>>
        %dma_start3A_161 = arith.constant 0 : i32
        %dma_start3A_162 = tpu.memref_slice %arg2[%squeeze3A_156, %dma_start3A_161] : memref<1000001x32xf32, #tpu.memory_space<hbm>> -> memref<1x32xf32, #tpu.memory_space<hbm>>
        %dma_start3A_163 = arith.constant 0 : i32
        %dma_start3A_164 = tpu.memref_slice %arg6[%add3A_158, %dma_start3A_163] : memref<640x32xf32, #tpu.memory_space<vmem>> -> memref<1x32xf32, #tpu.memory_space<vmem>>
        %dma_start3A_165 = arith.constant 0 : i32
        %dma_start3A_166 = tpu.memref_slice %arg2[%squeeze3A_156, %dma_start3A_165] : memref<1000001x32xf32, #tpu.memory_space<hbm>> -> memref<1x32xf32, #tpu.memory_space<hbm>>
        tpu.enqueue_dma source(%dma_start3A_166 : memref<1x32xf32, #tpu.memory_space<hbm>>) target(%dma_start3A_164 : memref<1x32xf32, #tpu.memory_space<vmem>>) target_semaphore(%arg7 : memref<!tpu.dma_semaphore, #tpu.memory_space<semaphore_mem>>)
        %slice3A_167 = vector.extract_strided_slice %get3A_54 {offsets = [9], sizes = [1], strides = [1]} : vector<16xi32> to vector<1xi32>
        %squeeze3A_168 = vector.extract %slice3A_167[0] : i32 from vector<1xi32>
        %add3A_169 = arith.constant 9 : i32
        %add3A_170 = arith.addi %mul3A_48, %add3A_169 : i32
        %dma_start3A_171 = arith.constant 0 : i32
        %dma_start3A_172 = tpu.memref_slice %arg6[%add3A_170, %dma_start3A_171] : memref<640x32xf32, #tpu.memory_space<vmem>> -> memref<1x32xf32, #tpu.memory_space<vmem>>
        %dma_start3A_173 = arith.constant 0 : i32
        %dma_start3A_174 = tpu.memref_slice %arg2[%squeeze3A_168, %dma_start3A_173] : memref<1000001x32xf32, #tpu.memory_space<hbm>> -> memref<1x32xf32, #tpu.memory_space<hbm>>
        %dma_start3A_175 = arith.constant 0 : i32
        %dma_start3A_176 = tpu.memref_slice %arg6[%add3A_170, %dma_start3A_175] : memref<640x32xf32, #tpu.memory_space<vmem>> -> memref<1x32xf32, #tpu.memory_space<vmem>>
        %dma_start3A_177 = arith.constant 0 : i32
        %dma_start3A_178 = tpu.memref_slice %arg2[%squeeze3A_168, %dma_start3A_177] : memref<1000001x32xf32, #tpu.memory_space<hbm>> -> memref<1x32xf32, #tpu.memory_space<hbm>>
        tpu.enqueue_dma source(%dma_start3A_178 : memref<1x32xf32, #tpu.memory_space<hbm>>) target(%dma_start3A_176 : memref<1x32xf32, #tpu.memory_space<vmem>>) target_semaphore(%arg7 : memref<!tpu.dma_semaphore, #tpu.memory_space<semaphore_mem>>)
        %slice3A_179 = vector.extract_strided_slice %get3A_54 {offsets = [10], sizes = [1], strides = [1]} : vector<16xi32> to vector<1xi32>
        %squeeze3A_180 = vector.extract %slice3A_179[0] : i32 from vector<1xi32>
        %add3A_181 = arith.constant 10 : i32
        %add3A_182 = arith.addi %mul3A_48, %add3A_181 : i32
        %dma_start3A_183 = arith.constant 0 : i32
        %dma_start3A_184 = tpu.memref_slice %arg6[%add3A_182, %dma_start3A_183] : memref<640x32xf32, #tpu.memory_space<vmem>> -> memref<1x32xf32, #tpu.memory_space<vmem>>
        %dma_start3A_185 = arith.constant 0 : i32
        %dma_start3A_186 = tpu.memref_slice %arg2[%squeeze3A_180, %dma_start3A_185] : memref<1000001x32xf32, #tpu.memory_space<hbm>> -> memref<1x32xf32, #tpu.memory_space<hbm>>
        %dma_start3A_187 = arith.constant 0 : i32
        %dma_start3A_188 = tpu.memref_slice %arg6[%add3A_182, %dma_start3A_187] : memref<640x32xf32, #tpu.memory_space<vmem>> -> memref<1x32xf32, #tpu.memory_space<vmem>>
        %dma_start3A_189 = arith.constant 0 : i32
        %dma_start3A_190 = tpu.memref_slice %arg2[%squeeze3A_180, %dma_start3A_189] : memref<1000001x32xf32, #tpu.memory_space<hbm>> -> memref<1x32xf32, #tpu.memory_space<hbm>>
        tpu.enqueue_dma source(%dma_start3A_190 : memref<1x32xf32, #tpu.memory_space<hbm>>) target(%dma_start3A_188 : memref<1x32xf32, #tpu.memory_space<vmem>>) target_semaphore(%arg7 : memref<!tpu.dma_semaphore, #tpu.memory_space<semaphore_mem>>)
        %slice3A_191 = vector.extract_strided_slice %get3A_54 {offsets = [11], sizes = [1], strides = [1]} : vector<16xi32> to vector<1xi32>
        %squeeze3A_192 = vector.extract %slice3A_191[0] : i32 from vector<1xi32>
        %add3A_193 = arith.constant 11 : i32
        %add3A_194 = arith.addi %mul3A_48, %add3A_193 : i32
        %dma_start3A_195 = arith.constant 0 : i32
        %dma_start3A_196 = tpu.memref_slice %arg6[%add3A_194, %dma_start3A_195] : memref<640x32xf32, #tpu.memory_space<vmem>> -> memref<1x32xf32, #tpu.memory_space<vmem>>
        %dma_start3A_197 = arith.constant 0 : i32
        %dma_start3A_198 = tpu.memref_slice %arg2[%squeeze3A_192, %dma_start3A_197] : memref<1000001x32xf32, #tpu.memory_space<hbm>> -> memref<1x32xf32, #tpu.memory_space<hbm>>
        %dma_start3A_199 = arith.constant 0 : i32
        %dma_start3A_200 = tpu.memref_slice %arg6[%add3A_194, %dma_start3A_199] : memref<640x32xf32, #tpu.memory_space<vmem>> -> memref<1x32xf32, #tpu.memory_space<vmem>>
        %dma_start3A_201 = arith.constant 0 : i32
        %dma_start3A_202 = tpu.memref_slice %arg2[%squeeze3A_192, %dma_start3A_201] : memref<1000001x32xf32, #tpu.memory_space<hbm>> -> memref<1x32xf32, #tpu.memory_space<hbm>>
        tpu.enqueue_dma source(%dma_start3A_202 : memref<1x32xf32, #tpu.memory_space<hbm>>) target(%dma_start3A_200 : memref<1x32xf32, #tpu.memory_space<vmem>>) target_semaphore(%arg7 : memref<!tpu.dma_semaphore, #tpu.memory_space<semaphore_mem>>)
        %slice3A_203 = vector.extract_strided_slice %get3A_54 {offsets = [12], sizes = [1], strides = [1]} : vector<16xi32> to vector<1xi32>
        %squeeze3A_204 = vector.extract %slice3A_203[0] : i32 from vector<1xi32>
        %add3A_205 = arith.constant 12 : i32
        %add3A_206 = arith.addi %mul3A_48, %add3A_205 : i32
        %dma_start3A_207 = arith.constant 0 : i32
        %dma_start3A_208 = tpu.memref_slice %arg6[%add3A_206, %dma_start3A_207] : memref<640x32xf32, #tpu.memory_space<vmem>> -> memref<1x32xf32, #tpu.memory_space<vmem>>
        %dma_start3A_209 = arith.constant 0 : i32
        %dma_start3A_210 = tpu.memref_slice %arg2[%squeeze3A_204, %dma_start3A_209] : memref<1000001x32xf32, #tpu.memory_space<hbm>> -> memref<1x32xf32, #tpu.memory_space<hbm>>
        %dma_start3A_211 = arith.constant 0 : i32
        %dma_start3A_212 = tpu.memref_slice %arg6[%add3A_206, %dma_start3A_211] : memref<640x32xf32, #tpu.memory_space<vmem>> -> memref<1x32xf32, #tpu.memory_space<vmem>>
        %dma_start3A_213 = arith.constant 0 : i32
        %dma_start3A_214 = tpu.memref_slice %arg2[%squeeze3A_204, %dma_start3A_213] : memref<1000001x32xf32, #tpu.memory_space<hbm>> -> memref<1x32xf32, #tpu.memory_space<hbm>>
        tpu.enqueue_dma source(%dma_start3A_214 : memref<1x32xf32, #tpu.memory_space<hbm>>) target(%dma_start3A_212 : memref<1x32xf32, #tpu.memory_space<vmem>>) target_semaphore(%arg7 : memref<!tpu.dma_semaphore, #tpu.memory_space<semaphore_mem>>)
        %slice3A_215 = vector.extract_strided_slice %get3A_54 {offsets = [13], sizes = [1], strides = [1]} : vector<16xi32> to vector<1xi32>
        %squeeze3A_216 = vector.extract %slice3A_215[0] : i32 from vector<1xi32>
        %add3A_217 = arith.constant 13 : i32
        %add3A_218 = arith.addi %mul3A_48, %add3A_217 : i32
        %dma_start3A_219 = arith.constant 0 : i32
        %dma_start3A_220 = tpu.memref_slice %arg6[%add3A_218, %dma_start3A_219] : memref<640x32xf32, #tpu.memory_space<vmem>> -> memref<1x32xf32, #tpu.memory_space<vmem>>
        %dma_start3A_221 = arith.constant 0 : i32
        %dma_start3A_222 = tpu.memref_slice %arg2[%squeeze3A_216, %dma_start3A_221] : memref<1000001x32xf32, #tpu.memory_space<hbm>> -> memref<1x32xf32, #tpu.memory_space<hbm>>
        %dma_start3A_223 = arith.constant 0 : i32
        %dma_start3A_224 = tpu.memref_slice %arg6[%add3A_218, %dma_start3A_223] : memref<640x32xf32, #tpu.memory_space<vmem>> -> memref<1x32xf32, #tpu.memory_space<vmem>>
        %dma_start3A_225 = arith.constant 0 : i32
        %dma_start3A_226 = tpu.memref_slice %arg2[%squeeze3A_216, %dma_start3A_225] : memref<1000001x32xf32, #tpu.memory_space<hbm>> -> memref<1x32xf32, #tpu.memory_space<hbm>>
        tpu.enqueue_dma source(%dma_start3A_226 : memref<1x32xf32, #tpu.memory_space<hbm>>) target(%dma_start3A_224 : memref<1x32xf32, #tpu.memory_space<vmem>>) target_semaphore(%arg7 : memref<!tpu.dma_semaphore, #tpu.memory_space<semaphore_mem>>)
        %slice3A_227 = vector.extract_strided_slice %get3A_54 {offsets = [14], sizes = [1], strides = [1]} : vector<16xi32> to vector<1xi32>
        %squeeze3A_228 = vector.extract %slice3A_227[0] : i32 from vector<1xi32>
        %add3A_229 = arith.constant 14 : i32
        %add3A_230 = arith.addi %mul3A_48, %add3A_229 : i32
        %dma_start3A_231 = arith.constant 0 : i32
        %dma_start3A_232 = tpu.memref_slice %arg6[%add3A_230, %dma_start3A_231] : memref<640x32xf32, #tpu.memory_space<vmem>> -> memref<1x32xf32, #tpu.memory_space<vmem>>
        %dma_start3A_233 = arith.constant 0 : i32
        %dma_start3A_234 = tpu.memref_slice %arg2[%squeeze3A_228, %dma_start3A_233] : memref<1000001x32xf32, #tpu.memory_space<hbm>> -> memref<1x32xf32, #tpu.memory_space<hbm>>
        %dma_start3A_235 = arith.constant 0 : i32
        %dma_start3A_236 = tpu.memref_slice %arg6[%add3A_230, %dma_start3A_235] : memref<640x32xf32, #tpu.memory_space<vmem>> -> memref<1x32xf32, #tpu.memory_space<vmem>>
        %dma_start3A_237 = arith.constant 0 : i32
        %dma_start3A_238 = tpu.memref_slice %arg2[%squeeze3A_228, %dma_start3A_237] : memref<1000001x32xf32, #tpu.memory_space<hbm>> -> memref<1x32xf32, #tpu.memory_space<hbm>>
        tpu.enqueue_dma source(%dma_start3A_238 : memref<1x32xf32, #tpu.memory_space<hbm>>) target(%dma_start3A_236 : memref<1x32xf32, #tpu.memory_space<vmem>>) target_semaphore(%arg7 : memref<!tpu.dma_semaphore, #tpu.memory_space<semaphore_mem>>)
        %slice3A_239 = vector.extract_strided_slice %get3A_54 {offsets = [15], sizes = [1], strides = [1]} : vector<16xi32> to vector<1xi32>
        %squeeze3A_240 = vector.extract %slice3A_239[0] : i32 from vector<1xi32>
        %add3A_241 = arith.constant 15 : i32
        %add3A_242 = arith.addi %mul3A_48, %add3A_241 : i32
        %dma_start3A_243 = arith.constant 0 : i32
        %dma_start3A_244 = tpu.memref_slice %arg6[%add3A_242, %dma_start3A_243] : memref<640x32xf32, #tpu.memory_space<vmem>> -> memref<1x32xf32, #tpu.memory_space<vmem>>
        %dma_start3A_245 = arith.constant 0 : i32
        %dma_start3A_246 = tpu.memref_slice %arg2[%squeeze3A_240, %dma_start3A_245] : memref<1000001x32xf32, #tpu.memory_space<hbm>> -> memref<1x32xf32, #tpu.memory_space<hbm>>
        %dma_start3A_247 = arith.constant 0 : i32
        %dma_start3A_248 = tpu.memref_slice %arg6[%add3A_242, %dma_start3A_247] : memref<640x32xf32, #tpu.memory_space<vmem>> -> memref<1x32xf32, #tpu.memory_space<vmem>>
        %dma_start3A_249 = arith.constant 0 : i32
        %dma_start3A_250 = tpu.memref_slice %arg2[%squeeze3A_240, %dma_start3A_249] : memref<1000001x32xf32, #tpu.memory_space<hbm>> -> memref<1x32xf32, #tpu.memory_space<hbm>>
        tpu.enqueue_dma source(%dma_start3A_250 : memref<1x32xf32, #tpu.memory_space<hbm>>) target(%dma_start3A_248 : memref<1x32xf32, #tpu.memory_space<vmem>>) target_semaphore(%arg7 : memref<!tpu.dma_semaphore, #tpu.memory_space<semaphore_mem>>)
        %slice3A_251 = vector.extract_strided_slice %get3A_61 {offsets = [0], sizes = [1], strides = [1]} : vector<16xi32> to vector<1xi32>
        %squeeze3A_252 = vector.extract %slice3A_251[0] : i32 from vector<1xi32>
        %add3A_253 = arith.constant 16 : i32
        %add3A_254 = arith.addi %mul3A_48, %add3A_253 : i32
        %dma_start3A_255 = arith.constant 0 : i32
        %dma_start3A_256 = tpu.memref_slice %arg6[%add3A_254, %dma_start3A_255] : memref<640x32xf32, #tpu.memory_space<vmem>> -> memref<1x32xf32, #tpu.memory_space<vmem>>
        %dma_start3A_257 = arith.constant 0 : i32
        %dma_start3A_258 = tpu.memref_slice %arg2[%squeeze3A_252, %dma_start3A_257] : memref<1000001x32xf32, #tpu.memory_space<hbm>> -> memref<1x32xf32, #tpu.memory_space<hbm>>
        %dma_start3A_259 = arith.constant 0 : i32
        %dma_start3A_260 = tpu.memref_slice %arg6[%add3A_254, %dma_start3A_259] : memref<640x32xf32, #tpu.memory_space<vmem>> -> memref<1x32xf32, #tpu.memory_space<vmem>>
        %dma_start3A_261 = arith.constant 0 : i32
        %dma_start3A_262 = tpu.memref_slice %arg2[%squeeze3A_252, %dma_start3A_261] : memref<1000001x32xf32, #tpu.memory_space<hbm>> -> memref<1x32xf32, #tpu.memory_space<hbm>>
        tpu.enqueue_dma source(%dma_start3A_262 : memref<1x32xf32, #tpu.memory_space<hbm>>) target(%dma_start3A_260 : memref<1x32xf32, #tpu.memory_space<vmem>>) target_semaphore(%arg7 : memref<!tpu.dma_semaphore, #tpu.memory_space<semaphore_mem>>)
        %slice3A_263 = vector.extract_strided_slice %get3A_61 {offsets = [1], sizes = [1], strides = [1]} : vector<16xi32> to vector<1xi32>
        %squeeze3A_264 = vector.extract %slice3A_263[0] : i32 from vector<1xi32>
        %add3A_265 = arith.constant 17 : i32
        %add3A_266 = arith.addi %mul3A_48, %add3A_265 : i32
        %dma_start3A_267 = arith.constant 0 : i32
        %dma_start3A_268 = tpu.memref_slice %arg6[%add3A_266, %dma_start3A_267] : memref<640x32xf32, #tpu.memory_space<vmem>> -> memref<1x32xf32, #tpu.memory_space<vmem>>
        %dma_start3A_269 = arith.constant 0 : i32
        %dma_start3A_270 = tpu.memref_slice %arg2[%squeeze3A_264, %dma_start3A_269] : memref<1000001x32xf32, #tpu.memory_space<hbm>> -> memref<1x32xf32, #tpu.memory_space<hbm>>
        %dma_start3A_271 = arith.constant 0 : i32
        %dma_start3A_272 = tpu.memref_slice %arg6[%add3A_266, %dma_start3A_271] : memref<640x32xf32, #tpu.memory_space<vmem>> -> memref<1x32xf32, #tpu.memory_space<vmem>>
        %dma_start3A_273 = arith.constant 0 : i32
        %dma_start3A_274 = tpu.memref_slice %arg2[%squeeze3A_264, %dma_start3A_273] : memref<1000001x32xf32, #tpu.memory_space<hbm>> -> memref<1x32xf32, #tpu.memory_space<hbm>>
        tpu.enqueue_dma source(%dma_start3A_274 : memref<1x32xf32, #tpu.memory_space<hbm>>) target(%dma_start3A_272 : memref<1x32xf32, #tpu.memory_space<vmem>>) target_semaphore(%arg7 : memref<!tpu.dma_semaphore, #tpu.memory_space<semaphore_mem>>)
        %slice3A_275 = vector.extract_strided_slice %get3A_61 {offsets = [2], sizes = [1], strides = [1]} : vector<16xi32> to vector<1xi32>
        %squeeze3A_276 = vector.extract %slice3A_275[0] : i32 from vector<1xi32>
        %add3A_277 = arith.constant 18 : i32
        %add3A_278 = arith.addi %mul3A_48, %add3A_277 : i32
        %dma_start3A_279 = arith.constant 0 : i32
        %dma_start3A_280 = tpu.memref_slice %arg6[%add3A_278, %dma_start3A_279] : memref<640x32xf32, #tpu.memory_space<vmem>> -> memref<1x32xf32, #tpu.memory_space<vmem>>
        %dma_start3A_281 = arith.constant 0 : i32
        %dma_start3A_282 = tpu.memref_slice %arg2[%squeeze3A_276, %dma_start3A_281] : memref<1000001x32xf32, #tpu.memory_space<hbm>> -> memref<1x32xf32, #tpu.memory_space<hbm>>
        %dma_start3A_283 = arith.constant 0 : i32
        %dma_start3A_284 = tpu.memref_slice %arg6[%add3A_278, %dma_start3A_283] : memref<640x32xf32, #tpu.memory_space<vmem>> -> memref<1x32xf32, #tpu.memory_space<vmem>>
        %dma_start3A_285 = arith.constant 0 : i32
        %dma_start3A_286 = tpu.memref_slice %arg2[%squeeze3A_276, %dma_start3A_285] : memref<1000001x32xf32, #tpu.memory_space<hbm>> -> memref<1x32xf32, #tpu.memory_space<hbm>>
        tpu.enqueue_dma source(%dma_start3A_286 : memref<1x32xf32, #tpu.memory_space<hbm>>) target(%dma_start3A_284 : memref<1x32xf32, #tpu.memory_space<vmem>>) target_semaphore(%arg7 : memref<!tpu.dma_semaphore, #tpu.memory_space<semaphore_mem>>)
        %slice3A_287 = vector.extract_strided_slice %get3A_61 {offsets = [3], sizes = [1], strides = [1]} : vector<16xi32> to vector<1xi32>
        %squeeze3A_288 = vector.extract %slice3A_287[0] : i32 from vector<1xi32>
        %add3A_289 = arith.constant 19 : i32
        %add3A_290 = arith.addi %mul3A_48, %add3A_289 : i32
        %dma_start3A_291 = arith.constant 0 : i32
        %dma_start3A_292 = tpu.memref_slice %arg6[%add3A_290, %dma_start3A_291] : memref<640x32xf32, #tpu.memory_space<vmem>> -> memref<1x32xf32, #tpu.memory_space<vmem>>
        %dma_start3A_293 = arith.constant 0 : i32
        %dma_start3A_294 = tpu.memref_slice %arg2[%squeeze3A_288, %dma_start3A_293] : memref<1000001x32xf32, #tpu.memory_space<hbm>> -> memref<1x32xf32, #tpu.memory_space<hbm>>
        %dma_start3A_295 = arith.constant 0 : i32
        %dma_start3A_296 = tpu.memref_slice %arg6[%add3A_290, %dma_start3A_295] : memref<640x32xf32, #tpu.memory_space<vmem>> -> memref<1x32xf32, #tpu.memory_space<vmem>>
        %dma_start3A_297 = arith.constant 0 : i32
        %dma_start3A_298 = tpu.memref_slice %arg2[%squeeze3A_288, %dma_start3A_297] : memref<1000001x32xf32, #tpu.memory_space<hbm>> -> memref<1x32xf32, #tpu.memory_space<hbm>>
        tpu.enqueue_dma source(%dma_start3A_298 : memref<1x32xf32, #tpu.memory_space<hbm>>) target(%dma_start3A_296 : memref<1x32xf32, #tpu.memory_space<vmem>>) target_semaphore(%arg7 : memref<!tpu.dma_semaphore, #tpu.memory_space<semaphore_mem>>)
        %slice3A_299 = vector.extract_strided_slice %get3A_61 {offsets = [4], sizes = [1], strides = [1]} : vector<16xi32> to vector<1xi32>
        %squeeze3A_300 = vector.extract %slice3A_299[0] : i32 from vector<1xi32>
        %add3A_301 = arith.constant 20 : i32
        %add3A_302 = arith.addi %mul3A_48, %add3A_301 : i32
        %dma_start3A_303 = arith.constant 0 : i32
        %dma_start3A_304 = tpu.memref_slice %arg6[%add3A_302, %dma_start3A_303] : memref<640x32xf32, #tpu.memory_space<vmem>> -> memref<1x32xf32, #tpu.memory_space<vmem>>
        %dma_start3A_305 = arith.constant 0 : i32
        %dma_start3A_306 = tpu.memref_slice %arg2[%squeeze3A_300, %dma_start3A_305] : memref<1000001x32xf32, #tpu.memory_space<hbm>> -> memref<1x32xf32, #tpu.memory_space<hbm>>
        %dma_start3A_307 = arith.constant 0 : i32
        %dma_start3A_308 = tpu.memref_slice %arg6[%add3A_302, %dma_start3A_307] : memref<640x32xf32, #tpu.memory_space<vmem>> -> memref<1x32xf32, #tpu.memory_space<vmem>>
        %dma_start3A_309 = arith.constant 0 : i32
        %dma_start3A_310 = tpu.memref_slice %arg2[%squeeze3A_300, %dma_start3A_309] : memref<1000001x32xf32, #tpu.memory_space<hbm>> -> memref<1x32xf32, #tpu.memory_space<hbm>>
        tpu.enqueue_dma source(%dma_start3A_310 : memref<1x32xf32, #tpu.memory_space<hbm>>) target(%dma_start3A_308 : memref<1x32xf32, #tpu.memory_space<vmem>>) target_semaphore(%arg7 : memref<!tpu.dma_semaphore, #tpu.memory_space<semaphore_mem>>)
        %slice3A_311 = vector.extract_strided_slice %get3A_61 {offsets = [5], sizes = [1], strides = [1]} : vector<16xi32> to vector<1xi32>
        %squeeze3A_312 = vector.extract %slice3A_311[0] : i32 from vector<1xi32>
        %add3A_313 = arith.constant 21 : i32
        %add3A_314 = arith.addi %mul3A_48, %add3A_313 : i32
        %dma_start3A_315 = arith.constant 0 : i32
        %dma_start3A_316 = tpu.memref_slice %arg6[%add3A_314, %dma_start3A_315] : memref<640x32xf32, #tpu.memory_space<vmem>> -> memref<1x32xf32, #tpu.memory_space<vmem>>
        %dma_start3A_317 = arith.constant 0 : i32
        %dma_start3A_318 = tpu.memref_slice %arg2[%squeeze3A_312, %dma_start3A_317] : memref<1000001x32xf32, #tpu.memory_space<hbm>> -> memref<1x32xf32, #tpu.memory_space<hbm>>
        %dma_start3A_319 = arith.constant 0 : i32
        %dma_start3A_320 = tpu.memref_slice %arg6[%add3A_314, %dma_start3A_319] : memref<640x32xf32, #tpu.memory_space<vmem>> -> memref<1x32xf32, #tpu.memory_space<vmem>>
        %dma_start3A_321 = arith.constant 0 : i32
        %dma_start3A_322 = tpu.memref_slice %arg2[%squeeze3A_312, %dma_start3A_321] : memref<1000001x32xf32, #tpu.memory_space<hbm>> -> memref<1x32xf32, #tpu.memory_space<hbm>>
        tpu.enqueue_dma source(%dma_start3A_322 : memref<1x32xf32, #tpu.memory_space<hbm>>) target(%dma_start3A_320 : memref<1x32xf32, #tpu.memory_space<vmem>>) target_semaphore(%arg7 : memref<!tpu.dma_semaphore, #tpu.memory_space<semaphore_mem>>)
        %slice3A_323 = vector.extract_strided_slice %get3A_61 {offsets = [6], sizes = [1], strides = [1]} : vector<16xi32> to vector<1xi32>
        %squeeze3A_324 = vector.extract %slice3A_323[0] : i32 from vector<1xi32>
        %add3A_325 = arith.constant 22 : i32
        %add3A_326 = arith.addi %mul3A_48, %add3A_325 : i32
        %dma_start3A_327 = arith.constant 0 : i32
        %dma_start3A_328 = tpu.memref_slice %arg6[%add3A_326, %dma_start3A_327] : memref<640x32xf32, #tpu.memory_space<vmem>> -> memref<1x32xf32, #tpu.memory_space<vmem>>
        %dma_start3A_329 = arith.constant 0 : i32
        %dma_start3A_330 = tpu.memref_slice %arg2[%squeeze3A_324, %dma_start3A_329] : memref<1000001x32xf32, #tpu.memory_space<hbm>> -> memref<1x32xf32, #tpu.memory_space<hbm>>
        %dma_start3A_331 = arith.constant 0 : i32
        %dma_start3A_332 = tpu.memref_slice %arg6[%add3A_326, %dma_start3A_331] : memref<640x32xf32, #tpu.memory_space<vmem>> -> memref<1x32xf32, #tpu.memory_space<vmem>>
        %dma_start3A_333 = arith.constant 0 : i32
        %dma_start3A_334 = tpu.memref_slice %arg2[%squeeze3A_324, %dma_start3A_333] : memref<1000001x32xf32, #tpu.memory_space<hbm>> -> memref<1x32xf32, #tpu.memory_space<hbm>>
        tpu.enqueue_dma source(%dma_start3A_334 : memref<1x32xf32, #tpu.memory_space<hbm>>) target(%dma_start3A_332 : memref<1x32xf32, #tpu.memory_space<vmem>>) target_semaphore(%arg7 : memref<!tpu.dma_semaphore, #tpu.memory_space<semaphore_mem>>)
        %slice3A_335 = vector.extract_strided_slice %get3A_61 {offsets = [7], sizes = [1], strides = [1]} : vector<16xi32> to vector<1xi32>
        %squeeze3A_336 = vector.extract %slice3A_335[0] : i32 from vector<1xi32>
        %add3A_337 = arith.constant 23 : i32
        %add3A_338 = arith.addi %mul3A_48, %add3A_337 : i32
        %dma_start3A_339 = arith.constant 0 : i32
        %dma_start3A_340 = tpu.memref_slice %arg6[%add3A_338, %dma_start3A_339] : memref<640x32xf32, #tpu.memory_space<vmem>> -> memref<1x32xf32, #tpu.memory_space<vmem>>
        %dma_start3A_341 = arith.constant 0 : i32
        %dma_start3A_342 = tpu.memref_slice %arg2[%squeeze3A_336, %dma_start3A_341] : memref<1000001x32xf32, #tpu.memory_space<hbm>> -> memref<1x32xf32, #tpu.memory_space<hbm>>
        %dma_start3A_343 = arith.constant 0 : i32
        %dma_start3A_344 = tpu.memref_slice %arg6[%add3A_338, %dma_start3A_343] : memref<640x32xf32, #tpu.memory_space<vmem>> -> memref<1x32xf32, #tpu.memory_space<vmem>>
        %dma_start3A_345 = arith.constant 0 : i32
        %dma_start3A_346 = tpu.memref_slice %arg2[%squeeze3A_336, %dma_start3A_345] : memref<1000001x32xf32, #tpu.memory_space<hbm>> -> memref<1x32xf32, #tpu.memory_space<hbm>>
        tpu.enqueue_dma source(%dma_start3A_346 : memref<1x32xf32, #tpu.memory_space<hbm>>) target(%dma_start3A_344 : memref<1x32xf32, #tpu.memory_space<vmem>>) target_semaphore(%arg7 : memref<!tpu.dma_semaphore, #tpu.memory_space<semaphore_mem>>)
        %slice3A_347 = vector.extract_strided_slice %get3A_61 {offsets = [8], sizes = [1], strides = [1]} : vector<16xi32> to vector<1xi32>
        %squeeze3A_348 = vector.extract %slice3A_347[0] : i32 from vector<1xi32>
        %add3A_349 = arith.constant 24 : i32
        %add3A_350 = arith.addi %mul3A_48, %add3A_349 : i32
        %dma_start3A_351 = arith.constant 0 : i32
        %dma_start3A_352 = tpu.memref_slice %arg6[%add3A_350, %dma_start3A_351] : memref<640x32xf32, #tpu.memory_space<vmem>> -> memref<1x32xf32, #tpu.memory_space<vmem>>
        %dma_start3A_353 = arith.constant 0 : i32
        %dma_start3A_354 = tpu.memref_slice %arg2[%squeeze3A_348, %dma_start3A_353] : memref<1000001x32xf32, #tpu.memory_space<hbm>> -> memref<1x32xf32, #tpu.memory_space<hbm>>
        %dma_start3A_355 = arith.constant 0 : i32
        %dma_start3A_356 = tpu.memref_slice %arg6[%add3A_350, %dma_start3A_355] : memref<640x32xf32, #tpu.memory_space<vmem>> -> memref<1x32xf32, #tpu.memory_space<vmem>>
        %dma_start3A_357 = arith.constant 0 : i32
        %dma_start3A_358 = tpu.memref_slice %arg2[%squeeze3A_348, %dma_start3A_357] : memref<1000001x32xf32, #tpu.memory_space<hbm>> -> memref<1x32xf32, #tpu.memory_space<hbm>>
        tpu.enqueue_dma source(%dma_start3A_358 : memref<1x32xf32, #tpu.memory_space<hbm>>) target(%dma_start3A_356 : memref<1x32xf32, #tpu.memory_space<vmem>>) target_semaphore(%arg7 : memref<!tpu.dma_semaphore, #tpu.memory_space<semaphore_mem>>)
        %slice3A_359 = vector.extract_strided_slice %get3A_61 {offsets = [9], sizes = [1], strides = [1]} : vector<16xi32> to vector<1xi32>
        %squeeze3A_360 = vector.extract %slice3A_359[0] : i32 from vector<1xi32>
        %add3A_361 = arith.constant 25 : i32
        %add3A_362 = arith.addi %mul3A_48, %add3A_361 : i32
        %dma_start3A_363 = arith.constant 0 : i32
        %dma_start3A_364 = tpu.memref_slice %arg6[%add3A_362, %dma_start3A_363] : memref<640x32xf32, #tpu.memory_space<vmem>> -> memref<1x32xf32, #tpu.memory_space<vmem>>
        %dma_start3A_365 = arith.constant 0 : i32
        %dma_start3A_366 = tpu.memref_slice %arg2[%squeeze3A_360, %dma_start3A_365] : memref<1000001x32xf32, #tpu.memory_space<hbm>> -> memref<1x32xf32, #tpu.memory_space<hbm>>
        %dma_start3A_367 = arith.constant 0 : i32
        %dma_start3A_368 = tpu.memref_slice %arg6[%add3A_362, %dma_start3A_367] : memref<640x32xf32, #tpu.memory_space<vmem>> -> memref<1x32xf32, #tpu.memory_space<vmem>>
        %dma_start3A_369 = arith.constant 0 : i32
        %dma_start3A_370 = tpu.memref_slice %arg2[%squeeze3A_360, %dma_start3A_369] : memref<1000001x32xf32, #tpu.memory_space<hbm>> -> memref<1x32xf32, #tpu.memory_space<hbm>>
        tpu.enqueue_dma source(%dma_start3A_370 : memref<1x32xf32, #tpu.memory_space<hbm>>) target(%dma_start3A_368 : memref<1x32xf32, #tpu.memory_space<vmem>>) target_semaphore(%arg7 : memref<!tpu.dma_semaphore, #tpu.memory_space<semaphore_mem>>)
        %slice3A_371 = vector.extract_strided_slice %get3A_61 {offsets = [10], sizes = [1], strides = [1]} : vector<16xi32> to vector<1xi32>
        %squeeze3A_372 = vector.extract %slice3A_371[0] : i32 from vector<1xi32>
        %add3A_373 = arith.constant 26 : i32
        %add3A_374 = arith.addi %mul3A_48, %add3A_373 : i32
        %dma_start3A_375 = arith.constant 0 : i32
        %dma_start3A_376 = tpu.memref_slice %arg6[%add3A_374, %dma_start3A_375] : memref<640x32xf32, #tpu.memory_space<vmem>> -> memref<1x32xf32, #tpu.memory_space<vmem>>
        %dma_start3A_377 = arith.constant 0 : i32
        %dma_start3A_378 = tpu.memref_slice %arg2[%squeeze3A_372, %dma_start3A_377] : memref<1000001x32xf32, #tpu.memory_space<hbm>> -> memref<1x32xf32, #tpu.memory_space<hbm>>
        %dma_start3A_379 = arith.constant 0 : i32
        %dma_start3A_380 = tpu.memref_slice %arg6[%add3A_374, %dma_start3A_379] : memref<640x32xf32, #tpu.memory_space<vmem>> -> memref<1x32xf32, #tpu.memory_space<vmem>>
        %dma_start3A_381 = arith.constant 0 : i32
        %dma_start3A_382 = tpu.memref_slice %arg2[%squeeze3A_372, %dma_start3A_381] : memref<1000001x32xf32, #tpu.memory_space<hbm>> -> memref<1x32xf32, #tpu.memory_space<hbm>>
        tpu.enqueue_dma source(%dma_start3A_382 : memref<1x32xf32, #tpu.memory_space<hbm>>) target(%dma_start3A_380 : memref<1x32xf32, #tpu.memory_space<vmem>>) target_semaphore(%arg7 : memref<!tpu.dma_semaphore, #tpu.memory_space<semaphore_mem>>)
        %slice3A_383 = vector.extract_strided_slice %get3A_61 {offsets = [11], sizes = [1], strides = [1]} : vector<16xi32> to vector<1xi32>
        %squeeze3A_384 = vector.extract %slice3A_383[0] : i32 from vector<1xi32>
        %add3A_385 = arith.constant 27 : i32
        %add3A_386 = arith.addi %mul3A_48, %add3A_385 : i32
        %dma_start3A_387 = arith.constant 0 : i32
        %dma_start3A_388 = tpu.memref_slice %arg6[%add3A_386, %dma_start3A_387] : memref<640x32xf32, #tpu.memory_space<vmem>> -> memref<1x32xf32, #tpu.memory_space<vmem>>
        %dma_start3A_389 = arith.constant 0 : i32
        %dma_start3A_390 = tpu.memref_slice %arg2[%squeeze3A_384, %dma_start3A_389] : memref<1000001x32xf32, #tpu.memory_space<hbm>> -> memref<1x32xf32, #tpu.memory_space<hbm>>
        %dma_start3A_391 = arith.constant 0 : i32
        %dma_start3A_392 = tpu.memref_slice %arg6[%add3A_386, %dma_start3A_391] : memref<640x32xf32, #tpu.memory_space<vmem>> -> memref<1x32xf32, #tpu.memory_space<vmem>>
        %dma_start3A_393 = arith.constant 0 : i32
        %dma_start3A_394 = tpu.memref_slice %arg2[%squeeze3A_384, %dma_start3A_393] : memref<1000001x32xf32, #tpu.memory_space<hbm>> -> memref<1x32xf32, #tpu.memory_space<hbm>>
        tpu.enqueue_dma source(%dma_start3A_394 : memref<1x32xf32, #tpu.memory_space<hbm>>) target(%dma_start3A_392 : memref<1x32xf32, #tpu.memory_space<vmem>>) target_semaphore(%arg7 : memref<!tpu.dma_semaphore, #tpu.memory_space<semaphore_mem>>)
        %slice3A_395 = vector.extract_strided_slice %get3A_61 {offsets = [12], sizes = [1], strides = [1]} : vector<16xi32> to vector<1xi32>
        %squeeze3A_396 = vector.extract %slice3A_395[0] : i32 from vector<1xi32>
        %add3A_397 = arith.constant 28 : i32
        %add3A_398 = arith.addi %mul3A_48, %add3A_397 : i32
        %dma_start3A_399 = arith.constant 0 : i32
        %dma_start3A_400 = tpu.memref_slice %arg6[%add3A_398, %dma_start3A_399] : memref<640x32xf32, #tpu.memory_space<vmem>> -> memref<1x32xf32, #tpu.memory_space<vmem>>
        %dma_start3A_401 = arith.constant 0 : i32
        %dma_start3A_402 = tpu.memref_slice %arg2[%squeeze3A_396, %dma_start3A_401] : memref<1000001x32xf32, #tpu.memory_space<hbm>> -> memref<1x32xf32, #tpu.memory_space<hbm>>
        %dma_start3A_403 = arith.constant 0 : i32
        %dma_start3A_404 = tpu.memref_slice %arg6[%add3A_398, %dma_start3A_403] : memref<640x32xf32, #tpu.memory_space<vmem>> -> memref<1x32xf32, #tpu.memory_space<vmem>>
        %dma_start3A_405 = arith.constant 0 : i32
        %dma_start3A_406 = tpu.memref_slice %arg2[%squeeze3A_396, %dma_start3A_405] : memref<1000001x32xf32, #tpu.memory_space<hbm>> -> memref<1x32xf32, #tpu.memory_space<hbm>>
        tpu.enqueue_dma source(%dma_start3A_406 : memref<1x32xf32, #tpu.memory_space<hbm>>) target(%dma_start3A_404 : memref<1x32xf32, #tpu.memory_space<vmem>>) target_semaphore(%arg7 : memref<!tpu.dma_semaphore, #tpu.memory_space<semaphore_mem>>)
        %slice3A_407 = vector.extract_strided_slice %get3A_61 {offsets = [13], sizes = [1], strides = [1]} : vector<16xi32> to vector<1xi32>
        %squeeze3A_408 = vector.extract %slice3A_407[0] : i32 from vector<1xi32>
        %add3A_409 = arith.constant 29 : i32
        %add3A_410 = arith.addi %mul3A_48, %add3A_409 : i32
        %dma_start3A_411 = arith.constant 0 : i32
        %dma_start3A_412 = tpu.memref_slice %arg6[%add3A_410, %dma_start3A_411] : memref<640x32xf32, #tpu.memory_space<vmem>> -> memref<1x32xf32, #tpu.memory_space<vmem>>
        %dma_start3A_413 = arith.constant 0 : i32
        %dma_start3A_414 = tpu.memref_slice %arg2[%squeeze3A_408, %dma_start3A_413] : memref<1000001x32xf32, #tpu.memory_space<hbm>> -> memref<1x32xf32, #tpu.memory_space<hbm>>
        %dma_start3A_415 = arith.constant 0 : i32
        %dma_start3A_416 = tpu.memref_slice %arg6[%add3A_410, %dma_start3A_415] : memref<640x32xf32, #tpu.memory_space<vmem>> -> memref<1x32xf32, #tpu.memory_space<vmem>>
        %dma_start3A_417 = arith.constant 0 : i32
        %dma_start3A_418 = tpu.memref_slice %arg2[%squeeze3A_408, %dma_start3A_417] : memref<1000001x32xf32, #tpu.memory_space<hbm>> -> memref<1x32xf32, #tpu.memory_space<hbm>>
        tpu.enqueue_dma source(%dma_start3A_418 : memref<1x32xf32, #tpu.memory_space<hbm>>) target(%dma_start3A_416 : memref<1x32xf32, #tpu.memory_space<vmem>>) target_semaphore(%arg7 : memref<!tpu.dma_semaphore, #tpu.memory_space<semaphore_mem>>)
        %slice3A_419 = vector.extract_strided_slice %get3A_61 {offsets = [14], sizes = [1], strides = [1]} : vector<16xi32> to vector<1xi32>
        %squeeze3A_420 = vector.extract %slice3A_419[0] : i32 from vector<1xi32>
        %add3A_421 = arith.constant 30 : i32
        %add3A_422 = arith.addi %mul3A_48, %add3A_421 : i32
        %dma_start3A_423 = arith.constant 0 : i32
        %dma_start3A_424 = tpu.memref_slice %arg6[%add3A_422, %dma_start3A_423] : memref<640x32xf32, #tpu.memory_space<vmem>> -> memref<1x32xf32, #tpu.memory_space<vmem>>
        %dma_start3A_425 = arith.constant 0 : i32
        %dma_start3A_426 = tpu.memref_slice %arg2[%squeeze3A_420, %dma_start3A_425] : memref<1000001x32xf32, #tpu.memory_space<hbm>> -> memref<1x32xf32, #tpu.memory_space<hbm>>
        %dma_start3A_427 = arith.constant 0 : i32
        %dma_start3A_428 = tpu.memref_slice %arg6[%add3A_422, %dma_start3A_427] : memref<640x32xf32, #tpu.memory_space<vmem>> -> memref<1x32xf32, #tpu.memory_space<vmem>>
        %dma_start3A_429 = arith.constant 0 : i32
        %dma_start3A_430 = tpu.memref_slice %arg2[%squeeze3A_420, %dma_start3A_429] : memref<1000001x32xf32, #tpu.memory_space<hbm>> -> memref<1x32xf32, #tpu.memory_space<hbm>>
        tpu.enqueue_dma source(%dma_start3A_430 : memref<1x32xf32, #tpu.memory_space<hbm>>) target(%dma_start3A_428 : memref<1x32xf32, #tpu.memory_space<vmem>>) target_semaphore(%arg7 : memref<!tpu.dma_semaphore, #tpu.memory_space<semaphore_mem>>)
        %slice3A_431 = vector.extract_strided_slice %get3A_61 {offsets = [15], sizes = [1], strides = [1]} : vector<16xi32> to vector<1xi32>
        %squeeze3A_432 = vector.extract %slice3A_431[0] : i32 from vector<1xi32>
        %add3A_433 = arith.constant 31 : i32
        %add3A_434 = arith.addi %mul3A_48, %add3A_433 : i32
        %dma_start3A_435 = arith.constant 0 : i32
        %dma_start3A_436 = tpu.memref_slice %arg6[%add3A_434, %dma_start3A_435] : memref<640x32xf32, #tpu.memory_space<vmem>> -> memref<1x32xf32, #tpu.memory_space<vmem>>
        %dma_start3A_437 = arith.constant 0 : i32
        %dma_start3A_438 = tpu.memref_slice %arg2[%squeeze3A_432, %dma_start3A_437] : memref<1000001x32xf32, #tpu.memory_space<hbm>> -> memref<1x32xf32, #tpu.memory_space<hbm>>
        %dma_start3A_439 = arith.constant 0 : i32
        %dma_start3A_440 = tpu.memref_slice %arg6[%add3A_434, %dma_start3A_439] : memref<640x32xf32, #tpu.memory_space<vmem>> -> memref<1x32xf32, #tpu.memory_space<vmem>>
        %dma_start3A_441 = arith.constant 0 : i32
        %dma_start3A_442 = tpu.memref_slice %arg2[%squeeze3A_432, %dma_start3A_441] : memref<1000001x32xf32, #tpu.memory_space<hbm>> -> memref<1x32xf32, #tpu.memory_space<hbm>>
        tpu.enqueue_dma source(%dma_start3A_442 : memref<1x32xf32, #tpu.memory_space<hbm>>) target(%dma_start3A_440 : memref<1x32xf32, #tpu.memory_space<vmem>>) target_semaphore(%arg7 : memref<!tpu.dma_semaphore, #tpu.memory_space<semaphore_mem>>)
      } else {
      }
      %gt3A = arith.constant 0 : i32
      %gt3A_42 = arith.cmpi sgt, %scan3A_38, %gt3A : i32
      %convert_element_type3A_43 = arith.extui %gt3A_42 : i1 to i32
      %cond3A_44 = arith.constant 0 : i32
      %cond3A_45 = arith.cmpi ne, %convert_element_type3A_43, %cond3A_44 : i32
      scf.if %cond3A_45 {
        %dma_wait3A = arith.constant 0 : i32
        %dma_wait3A_47 = arith.constant 0 : i32
        %dma_wait3A_48 = tpu.memref_slice %arg6[%dma_wait3A, %dma_wait3A_47] : memref<640x32xf32, #tpu.memory_space<vmem>> -> memref<1x32xf32, #tpu.memory_space<vmem>>
        %dma_wait3A_49 = arith.constant 0 : i32
        %dma_wait3A_50 = arith.constant 0 : i32
        %dma_wait3A_51 = tpu.memref_slice %arg2[%dma_wait3A_49, %dma_wait3A_50] : memref<1000001x32xf32, #tpu.memory_space<hbm>> -> memref<1x32xf32, #tpu.memory_space<hbm>>
        %dma_wait3A_52 = arith.constant 0 : i32
        %dma_wait3A_53 = arith.constant 0 : i32
        %dma_wait3A_54 = tpu.memref_slice %arg6[%dma_wait3A_52, %dma_wait3A_53] : memref<640x32xf32, #tpu.memory_space<vmem>> -> memref<1x32xf32, #tpu.memory_space<vmem>>
        %dma_wait3A_55 = arith.constant 0 : i32
        %dma_wait3A_56 = arith.constant 0 : i32
        %dma_wait3A_57 = tpu.memref_slice %arg2[%dma_wait3A_55, %dma_wait3A_56] : memref<1000001x32xf32, #tpu.memory_space<hbm>> -> memref<1x32xf32, #tpu.memory_space<hbm>>
        tpu.wait_dma2 semaphore(%arg7 : memref<!tpu.dma_semaphore, #tpu.memory_space<semaphore_mem>>) src(%dma_wait3A_57 : memref<1x32xf32, #tpu.memory_space<hbm>>) dst(%dma_wait3A_54 : memref<1x32xf32, #tpu.memory_space<vmem>>)
        %dma_wait3A_58 = arith.constant 0 : i32
        %dma_wait3A_59 = arith.constant 0 : i32
        %dma_wait3A_60 = tpu.memref_slice %arg6[%dma_wait3A_58, %dma_wait3A_59] : memref<640x32xf32, #tpu.memory_space<vmem>> -> memref<1x32xf32, #tpu.memory_space<vmem>>
        %dma_wait3A_61 = arith.constant 0 : i32
        %dma_wait3A_62 = arith.constant 0 : i32
        %dma_wait3A_63 = tpu.memref_slice %arg2[%dma_wait3A_61, %dma_wait3A_62] : memref<1000001x32xf32, #tpu.memory_space<hbm>> -> memref<1x32xf32, #tpu.memory_space<hbm>>
        %dma_wait3A_64 = arith.constant 0 : i32
        %dma_wait3A_65 = arith.constant 0 : i32
        %dma_wait3A_66 = tpu.memref_slice %arg6[%dma_wait3A_64, %dma_wait3A_65] : memref<640x32xf32, #tpu.memory_space<vmem>> -> memref<1x32xf32, #tpu.memory_space<vmem>>
        %dma_wait3A_67 = arith.constant 0 : i32
        %dma_wait3A_68 = arith.constant 0 : i32
        %dma_wait3A_69 = tpu.memref_slice %arg2[%dma_wait3A_67, %dma_wait3A_68] : memref<1000001x32xf32, #tpu.memory_space<hbm>> -> memref<1x32xf32, #tpu.memory_space<hbm>>
        tpu.wait_dma2 semaphore(%arg7 : memref<!tpu.dma_semaphore, #tpu.memory_space<semaphore_mem>>) src(%dma_wait3A_69 : memref<1x32xf32, #tpu.memory_space<hbm>>) dst(%dma_wait3A_66 : memref<1x32xf32, #tpu.memory_space<vmem>>)
        %dma_wait3A_70 = arith.constant 0 : i32
        %dma_wait3A_71 = arith.constant 0 : i32
        %dma_wait3A_72 = tpu.memref_slice %arg6[%dma_wait3A_70, %dma_wait3A_71] : memref<640x32xf32, #tpu.memory_space<vmem>> -> memref<1x32xf32, #tpu.memory_space<vmem>>
        %dma_wait3A_73 = arith.constant 0 : i32
        %dma_wait3A_74 = arith.constant 0 : i32
        %dma_wait3A_75 = tpu.memref_slice %arg2[%dma_wait3A_73, %dma_wait3A_74] : memref<1000001x32xf32, #tpu.memory_space<hbm>> -> memref<1x32xf32, #tpu.memory_space<hbm>>
        %dma_wait3A_76 = arith.constant 0 : i32
        %dma_wait3A_77 = arith.constant 0 : i32
        %dma_wait3A_78 = tpu.memref_slice %arg6[%dma_wait3A_76, %dma_wait3A_77] : memref<640x32xf32, #tpu.memory_space<vmem>> -> memref<1x32xf32, #tpu.memory_space<vmem>>
        %dma_wait3A_79 = arith.constant 0 : i32
        %dma_wait3A_80 = arith.constant 0 : i32
        %dma_wait3A_81 = tpu.memref_slice %arg2[%dma_wait3A_79, %dma_wait3A_80] : memref<1000001x32xf32, #tpu.memory_space<hbm>> -> memref<1x32xf32, #tpu.memory_space<hbm>>
        tpu.wait_dma2 semaphore(%arg7 : memref<!tpu.dma_semaphore, #tpu.memory_space<semaphore_mem>>) src(%dma_wait3A_81 : memref<1x32xf32, #tpu.memory_space<hbm>>) dst(%dma_wait3A_78 : memref<1x32xf32, #tpu.memory_space<vmem>>)
        %dma_wait3A_82 = arith.constant 0 : i32
        %dma_wait3A_83 = arith.constant 0 : i32
        %dma_wait3A_84 = tpu.memref_slice %arg6[%dma_wait3A_82, %dma_wait3A_83] : memref<640x32xf32, #tpu.memory_space<vmem>> -> memref<1x32xf32, #tpu.memory_space<vmem>>
        %dma_wait3A_85 = arith.constant 0 : i32
        %dma_wait3A_86 = arith.constant 0 : i32
        %dma_wait3A_87 = tpu.memref_slice %arg2[%dma_wait3A_85, %dma_wait3A_86] : memref<1000001x32xf32, #tpu.memory_space<hbm>> -> memref<1x32xf32, #tpu.memory_space<hbm>>
        %dma_wait3A_88 = arith.constant 0 : i32
        %dma_wait3A_89 = arith.constant 0 : i32
        %dma_wait3A_90 = tpu.memref_slice %arg6[%dma_wait3A_88, %dma_wait3A_89] : memref<640x32xf32, #tpu.memory_space<vmem>> -> memref<1x32xf32, #tpu.memory_space<vmem>>
        %dma_wait3A_91 = arith.constant 0 : i32
        %dma_wait3A_92 = arith.constant 0 : i32
        %dma_wait3A_93 = tpu.memref_slice %arg2[%dma_wait3A_91, %dma_wait3A_92] : memref<1000001x32xf32, #tpu.memory_space<hbm>> -> memref<1x32xf32, #tpu.memory_space<hbm>>
        tpu.wait_dma2 semaphore(%arg7 : memref<!tpu.dma_semaphore, #tpu.memory_space<semaphore_mem>>) src(%dma_wait3A_93 : memref<1x32xf32, #tpu.memory_space<hbm>>) dst(%dma_wait3A_90 : memref<1x32xf32, #tpu.memory_space<vmem>>)
        %dma_wait3A_94 = arith.constant 0 : i32
        %dma_wait3A_95 = arith.constant 0 : i32
        %dma_wait3A_96 = tpu.memref_slice %arg6[%dma_wait3A_94, %dma_wait3A_95] : memref<640x32xf32, #tpu.memory_space<vmem>> -> memref<1x32xf32, #tpu.memory_space<vmem>>
        %dma_wait3A_97 = arith.constant 0 : i32
        %dma_wait3A_98 = arith.constant 0 : i32
        %dma_wait3A_99 = tpu.memref_slice %arg2[%dma_wait3A_97, %dma_wait3A_98] : memref<1000001x32xf32, #tpu.memory_space<hbm>> -> memref<1x32xf32, #tpu.memory_space<hbm>>
        %dma_wait3A_100 = arith.constant 0 : i32
        %dma_wait3A_101 = arith.constant 0 : i32
        %dma_wait3A_102 = tpu.memref_slice %arg6[%dma_wait3A_100, %dma_wait3A_101] : memref<640x32xf32, #tpu.memory_space<vmem>> -> memref<1x32xf32, #tpu.memory_space<vmem>>
        %dma_wait3A_103 = arith.constant 0 : i32
        %dma_wait3A_104 = arith.constant 0 : i32
        %dma_wait3A_105 = tpu.memref_slice %arg2[%dma_wait3A_103, %dma_wait3A_104] : memref<1000001x32xf32, #tpu.memory_space<hbm>> -> memref<1x32xf32, #tpu.memory_space<hbm>>
        tpu.wait_dma2 semaphore(%arg7 : memref<!tpu.dma_semaphore, #tpu.memory_space<semaphore_mem>>) src(%dma_wait3A_105 : memref<1x32xf32, #tpu.memory_space<hbm>>) dst(%dma_wait3A_102 : memref<1x32xf32, #tpu.memory_space<vmem>>)
        %dma_wait3A_106 = arith.constant 0 : i32
        %dma_wait3A_107 = arith.constant 0 : i32
        %dma_wait3A_108 = tpu.memref_slice %arg6[%dma_wait3A_106, %dma_wait3A_107] : memref<640x32xf32, #tpu.memory_space<vmem>> -> memref<1x32xf32, #tpu.memory_space<vmem>>
        %dma_wait3A_109 = arith.constant 0 : i32
        %dma_wait3A_110 = arith.constant 0 : i32
        %dma_wait3A_111 = tpu.memref_slice %arg2[%dma_wait3A_109, %dma_wait3A_110] : memref<1000001x32xf32, #tpu.memory_space<hbm>> -> memref<1x32xf32, #tpu.memory_space<hbm>>
        %dma_wait3A_112 = arith.constant 0 : i32
        %dma_wait3A_113 = arith.constant 0 : i32
        %dma_wait3A_114 = tpu.memref_slice %arg6[%dma_wait3A_112, %dma_wait3A_113] : memref<640x32xf32, #tpu.memory_space<vmem>> -> memref<1x32xf32, #tpu.memory_space<vmem>>
        %dma_wait3A_115 = arith.constant 0 : i32
        %dma_wait3A_116 = arith.constant 0 : i32
        %dma_wait3A_117 = tpu.memref_slice %arg2[%dma_wait3A_115, %dma_wait3A_116] : memref<1000001x32xf32, #tpu.memory_space<hbm>> -> memref<1x32xf32, #tpu.memory_space<hbm>>
        tpu.wait_dma2 semaphore(%arg7 : memref<!tpu.dma_semaphore, #tpu.memory_space<semaphore_mem>>) src(%dma_wait3A_117 : memref<1x32xf32, #tpu.memory_space<hbm>>) dst(%dma_wait3A_114 : memref<1x32xf32, #tpu.memory_space<vmem>>)
        %dma_wait3A_118 = arith.constant 0 : i32
        %dma_wait3A_119 = arith.constant 0 : i32
        %dma_wait3A_120 = tpu.memref_slice %arg6[%dma_wait3A_118, %dma_wait3A_119] : memref<640x32xf32, #tpu.memory_space<vmem>> -> memref<1x32xf32, #tpu.memory_space<vmem>>
        %dma_wait3A_121 = arith.constant 0 : i32
        %dma_wait3A_122 = arith.constant 0 : i32
        %dma_wait3A_123 = tpu.memref_slice %arg2[%dma_wait3A_121, %dma_wait3A_122] : memref<1000001x32xf32, #tpu.memory_space<hbm>> -> memref<1x32xf32, #tpu.memory_space<hbm>>
        %dma_wait3A_124 = arith.constant 0 : i32
        %dma_wait3A_125 = arith.constant 0 : i32
        %dma_wait3A_126 = tpu.memref_slice %arg6[%dma_wait3A_124, %dma_wait3A_125] : memref<640x32xf32, #tpu.memory_space<vmem>> -> memref<1x32xf32, #tpu.memory_space<vmem>>
        %dma_wait3A_127 = arith.constant 0 : i32
        %dma_wait3A_128 = arith.constant 0 : i32
        %dma_wait3A_129 = tpu.memref_slice %arg2[%dma_wait3A_127, %dma_wait3A_128] : memref<1000001x32xf32, #tpu.memory_space<hbm>> -> memref<1x32xf32, #tpu.memory_space<hbm>>
        tpu.wait_dma2 semaphore(%arg7 : memref<!tpu.dma_semaphore, #tpu.memory_space<semaphore_mem>>) src(%dma_wait3A_129 : memref<1x32xf32, #tpu.memory_space<hbm>>) dst(%dma_wait3A_126 : memref<1x32xf32, #tpu.memory_space<vmem>>)
        %dma_wait3A_130 = arith.constant 0 : i32
        %dma_wait3A_131 = arith.constant 0 : i32
        %dma_wait3A_132 = tpu.memref_slice %arg6[%dma_wait3A_130, %dma_wait3A_131] : memref<640x32xf32, #tpu.memory_space<vmem>> -> memref<1x32xf32, #tpu.memory_space<vmem>>
        %dma_wait3A_133 = arith.constant 0 : i32
        %dma_wait3A_134 = arith.constant 0 : i32
        %dma_wait3A_135 = tpu.memref_slice %arg2[%dma_wait3A_133, %dma_wait3A_134] : memref<1000001x32xf32, #tpu.memory_space<hbm>> -> memref<1x32xf32, #tpu.memory_space<hbm>>
        %dma_wait3A_136 = arith.constant 0 : i32
        %dma_wait3A_137 = arith.constant 0 : i32
        %dma_wait3A_138 = tpu.memref_slice %arg6[%dma_wait3A_136, %dma_wait3A_137] : memref<640x32xf32, #tpu.memory_space<vmem>> -> memref<1x32xf32, #tpu.memory_space<vmem>>
        %dma_wait3A_139 = arith.constant 0 : i32
        %dma_wait3A_140 = arith.constant 0 : i32
        %dma_wait3A_141 = tpu.memref_slice %arg2[%dma_wait3A_139, %dma_wait3A_140] : memref<1000001x32xf32, #tpu.memory_space<hbm>> -> memref<1x32xf32, #tpu.memory_space<hbm>>
        tpu.wait_dma2 semaphore(%arg7 : memref<!tpu.dma_semaphore, #tpu.memory_space<semaphore_mem>>) src(%dma_wait3A_141 : memref<1x32xf32, #tpu.memory_space<hbm>>) dst(%dma_wait3A_138 : memref<1x32xf32, #tpu.memory_space<vmem>>)
        %dma_wait3A_142 = arith.constant 0 : i32
        %dma_wait3A_143 = arith.constant 0 : i32
        %dma_wait3A_144 = tpu.memref_slice %arg6[%dma_wait3A_142, %dma_wait3A_143] : memref<640x32xf32, #tpu.memory_space<vmem>> -> memref<1x32xf32, #tpu.memory_space<vmem>>
        %dma_wait3A_145 = arith.constant 0 : i32
        %dma_wait3A_146 = arith.constant 0 : i32
        %dma_wait3A_147 = tpu.memref_slice %arg2[%dma_wait3A_145, %dma_wait3A_146] : memref<1000001x32xf32, #tpu.memory_space<hbm>> -> memref<1x32xf32, #tpu.memory_space<hbm>>
        %dma_wait3A_148 = arith.constant 0 : i32
        %dma_wait3A_149 = arith.constant 0 : i32
        %dma_wait3A_150 = tpu.memref_slice %arg6[%dma_wait3A_148, %dma_wait3A_149] : memref<640x32xf32, #tpu.memory_space<vmem>> -> memref<1x32xf32, #tpu.memory_space<vmem>>
        %dma_wait3A_151 = arith.constant 0 : i32
        %dma_wait3A_152 = arith.constant 0 : i32
        %dma_wait3A_153 = tpu.memref_slice %arg2[%dma_wait3A_151, %dma_wait3A_152] : memref<1000001x32xf32, #tpu.memory_space<hbm>> -> memref<1x32xf32, #tpu.memory_space<hbm>>
        tpu.wait_dma2 semaphore(%arg7 : memref<!tpu.dma_semaphore, #tpu.memory_space<semaphore_mem>>) src(%dma_wait3A_153 : memref<1x32xf32, #tpu.memory_space<hbm>>) dst(%dma_wait3A_150 : memref<1x32xf32, #tpu.memory_space<vmem>>)
        %dma_wait3A_154 = arith.constant 0 : i32
        %dma_wait3A_155 = arith.constant 0 : i32
        %dma_wait3A_156 = tpu.memref_slice %arg6[%dma_wait3A_154, %dma_wait3A_155] : memref<640x32xf32, #tpu.memory_space<vmem>> -> memref<1x32xf32, #tpu.memory_space<vmem>>
        %dma_wait3A_157 = arith.constant 0 : i32
        %dma_wait3A_158 = arith.constant 0 : i32
        %dma_wait3A_159 = tpu.memref_slice %arg2[%dma_wait3A_157, %dma_wait3A_158] : memref<1000001x32xf32, #tpu.memory_space<hbm>> -> memref<1x32xf32, #tpu.memory_space<hbm>>
        %dma_wait3A_160 = arith.constant 0 : i32
        %dma_wait3A_161 = arith.constant 0 : i32
        %dma_wait3A_162 = tpu.memref_slice %arg6[%dma_wait3A_160, %dma_wait3A_161] : memref<640x32xf32, #tpu.memory_space<vmem>> -> memref<1x32xf32, #tpu.memory_space<vmem>>
        %dma_wait3A_163 = arith.constant 0 : i32
        %dma_wait3A_164 = arith.constant 0 : i32
        %dma_wait3A_165 = tpu.memref_slice %arg2[%dma_wait3A_163, %dma_wait3A_164] : memref<1000001x32xf32, #tpu.memory_space<hbm>> -> memref<1x32xf32, #tpu.memory_space<hbm>>
        tpu.wait_dma2 semaphore(%arg7 : memref<!tpu.dma_semaphore, #tpu.memory_space<semaphore_mem>>) src(%dma_wait3A_165 : memref<1x32xf32, #tpu.memory_space<hbm>>) dst(%dma_wait3A_162 : memref<1x32xf32, #tpu.memory_space<vmem>>)
        %dma_wait3A_166 = arith.constant 0 : i32
        %dma_wait3A_167 = arith.constant 0 : i32
        %dma_wait3A_168 = tpu.memref_slice %arg6[%dma_wait3A_166, %dma_wait3A_167] : memref<640x32xf32, #tpu.memory_space<vmem>> -> memref<1x32xf32, #tpu.memory_space<vmem>>
        %dma_wait3A_169 = arith.constant 0 : i32
        %dma_wait3A_170 = arith.constant 0 : i32
        %dma_wait3A_171 = tpu.memref_slice %arg2[%dma_wait3A_169, %dma_wait3A_170] : memref<1000001x32xf32, #tpu.memory_space<hbm>> -> memref<1x32xf32, #tpu.memory_space<hbm>>
        %dma_wait3A_172 = arith.constant 0 : i32
        %dma_wait3A_173 = arith.constant 0 : i32
        %dma_wait3A_174 = tpu.memref_slice %arg6[%dma_wait3A_172, %dma_wait3A_173] : memref<640x32xf32, #tpu.memory_space<vmem>> -> memref<1x32xf32, #tpu.memory_space<vmem>>
        %dma_wait3A_175 = arith.constant 0 : i32
        %dma_wait3A_176 = arith.constant 0 : i32
        %dma_wait3A_177 = tpu.memref_slice %arg2[%dma_wait3A_175, %dma_wait3A_176] : memref<1000001x32xf32, #tpu.memory_space<hbm>> -> memref<1x32xf32, #tpu.memory_space<hbm>>
        tpu.wait_dma2 semaphore(%arg7 : memref<!tpu.dma_semaphore, #tpu.memory_space<semaphore_mem>>) src(%dma_wait3A_177 : memref<1x32xf32, #tpu.memory_space<hbm>>) dst(%dma_wait3A_174 : memref<1x32xf32, #tpu.memory_space<vmem>>)
        %dma_wait3A_178 = arith.constant 0 : i32
        %dma_wait3A_179 = arith.constant 0 : i32
        %dma_wait3A_180 = tpu.memref_slice %arg6[%dma_wait3A_178, %dma_wait3A_179] : memref<640x32xf32, #tpu.memory_space<vmem>> -> memref<1x32xf32, #tpu.memory_space<vmem>>
        %dma_wait3A_181 = arith.constant 0 : i32
        %dma_wait3A_182 = arith.constant 0 : i32
        %dma_wait3A_183 = tpu.memref_slice %arg2[%dma_wait3A_181, %dma_wait3A_182] : memref<1000001x32xf32, #tpu.memory_space<hbm>> -> memref<1x32xf32, #tpu.memory_space<hbm>>
        %dma_wait3A_184 = arith.constant 0 : i32
        %dma_wait3A_185 = arith.constant 0 : i32
        %dma_wait3A_186 = tpu.memref_slice %arg6[%dma_wait3A_184, %dma_wait3A_185] : memref<640x32xf32, #tpu.memory_space<vmem>> -> memref<1x32xf32, #tpu.memory_space<vmem>>
        %dma_wait3A_187 = arith.constant 0 : i32
        %dma_wait3A_188 = arith.constant 0 : i32
        %dma_wait3A_189 = tpu.memref_slice %arg2[%dma_wait3A_187, %dma_wait3A_188] : memref<1000001x32xf32, #tpu.memory_space<hbm>> -> memref<1x32xf32, #tpu.memory_space<hbm>>
        tpu.wait_dma2 semaphore(%arg7 : memref<!tpu.dma_semaphore, #tpu.memory_space<semaphore_mem>>) src(%dma_wait3A_189 : memref<1x32xf32, #tpu.memory_space<hbm>>) dst(%dma_wait3A_186 : memref<1x32xf32, #tpu.memory_space<vmem>>)
        %dma_wait3A_190 = arith.constant 0 : i32
        %dma_wait3A_191 = arith.constant 0 : i32
        %dma_wait3A_192 = tpu.memref_slice %arg6[%dma_wait3A_190, %dma_wait3A_191] : memref<640x32xf32, #tpu.memory_space<vmem>> -> memref<1x32xf32, #tpu.memory_space<vmem>>
        %dma_wait3A_193 = arith.constant 0 : i32
        %dma_wait3A_194 = arith.constant 0 : i32
        %dma_wait3A_195 = tpu.memref_slice %arg2[%dma_wait3A_193, %dma_wait3A_194] : memref<1000001x32xf32, #tpu.memory_space<hbm>> -> memref<1x32xf32, #tpu.memory_space<hbm>>
        %dma_wait3A_196 = arith.constant 0 : i32
        %dma_wait3A_197 = arith.constant 0 : i32
        %dma_wait3A_198 = tpu.memref_slice %arg6[%dma_wait3A_196, %dma_wait3A_197] : memref<640x32xf32, #tpu.memory_space<vmem>> -> memref<1x32xf32, #tpu.memory_space<vmem>>
        %dma_wait3A_199 = arith.constant 0 : i32
        %dma_wait3A_200 = arith.constant 0 : i32
        %dma_wait3A_201 = tpu.memref_slice %arg2[%dma_wait3A_199, %dma_wait3A_200] : memref<1000001x32xf32, #tpu.memory_space<hbm>> -> memref<1x32xf32, #tpu.memory_space<hbm>>
        tpu.wait_dma2 semaphore(%arg7 : memref<!tpu.dma_semaphore, #tpu.memory_space<semaphore_mem>>) src(%dma_wait3A_201 : memref<1x32xf32, #tpu.memory_space<hbm>>) dst(%dma_wait3A_198 : memref<1x32xf32, #tpu.memory_space<vmem>>)
        %dma_wait3A_202 = arith.constant 0 : i32
        %dma_wait3A_203 = arith.constant 0 : i32
        %dma_wait3A_204 = tpu.memref_slice %arg6[%dma_wait3A_202, %dma_wait3A_203] : memref<640x32xf32, #tpu.memory_space<vmem>> -> memref<1x32xf32, #tpu.memory_space<vmem>>
        %dma_wait3A_205 = arith.constant 0 : i32
        %dma_wait3A_206 = arith.constant 0 : i32
        %dma_wait3A_207 = tpu.memref_slice %arg2[%dma_wait3A_205, %dma_wait3A_206] : memref<1000001x32xf32, #tpu.memory_space<hbm>> -> memref<1x32xf32, #tpu.memory_space<hbm>>
        %dma_wait3A_208 = arith.constant 0 : i32
        %dma_wait3A_209 = arith.constant 0 : i32
        %dma_wait3A_210 = tpu.memref_slice %arg6[%dma_wait3A_208, %dma_wait3A_209] : memref<640x32xf32, #tpu.memory_space<vmem>> -> memref<1x32xf32, #tpu.memory_space<vmem>>
        %dma_wait3A_211 = arith.constant 0 : i32
        %dma_wait3A_212 = arith.constant 0 : i32
        %dma_wait3A_213 = tpu.memref_slice %arg2[%dma_wait3A_211, %dma_wait3A_212] : memref<1000001x32xf32, #tpu.memory_space<hbm>> -> memref<1x32xf32, #tpu.memory_space<hbm>>
        tpu.wait_dma2 semaphore(%arg7 : memref<!tpu.dma_semaphore, #tpu.memory_space<semaphore_mem>>) src(%dma_wait3A_213 : memref<1x32xf32, #tpu.memory_space<hbm>>) dst(%dma_wait3A_210 : memref<1x32xf32, #tpu.memory_space<vmem>>)
        %dma_wait3A_214 = arith.constant 0 : i32
        %dma_wait3A_215 = arith.constant 0 : i32
        %dma_wait3A_216 = tpu.memref_slice %arg6[%dma_wait3A_214, %dma_wait3A_215] : memref<640x32xf32, #tpu.memory_space<vmem>> -> memref<1x32xf32, #tpu.memory_space<vmem>>
        %dma_wait3A_217 = arith.constant 0 : i32
        %dma_wait3A_218 = arith.constant 0 : i32
        %dma_wait3A_219 = tpu.memref_slice %arg2[%dma_wait3A_217, %dma_wait3A_218] : memref<1000001x32xf32, #tpu.memory_space<hbm>> -> memref<1x32xf32, #tpu.memory_space<hbm>>
        %dma_wait3A_220 = arith.constant 0 : i32
        %dma_wait3A_221 = arith.constant 0 : i32
        %dma_wait3A_222 = tpu.memref_slice %arg6[%dma_wait3A_220, %dma_wait3A_221] : memref<640x32xf32, #tpu.memory_space<vmem>> -> memref<1x32xf32, #tpu.memory_space<vmem>>
        %dma_wait3A_223 = arith.constant 0 : i32
        %dma_wait3A_224 = arith.constant 0 : i32
        %dma_wait3A_225 = tpu.memref_slice %arg2[%dma_wait3A_223, %dma_wait3A_224] : memref<1000001x32xf32, #tpu.memory_space<hbm>> -> memref<1x32xf32, #tpu.memory_space<hbm>>
        tpu.wait_dma2 semaphore(%arg7 : memref<!tpu.dma_semaphore, #tpu.memory_space<semaphore_mem>>) src(%dma_wait3A_225 : memref<1x32xf32, #tpu.memory_space<hbm>>) dst(%dma_wait3A_222 : memref<1x32xf32, #tpu.memory_space<vmem>>)
        %dma_wait3A_226 = arith.constant 0 : i32
        %dma_wait3A_227 = arith.constant 0 : i32
        %dma_wait3A_228 = tpu.memref_slice %arg6[%dma_wait3A_226, %dma_wait3A_227] : memref<640x32xf32, #tpu.memory_space<vmem>> -> memref<1x32xf32, #tpu.memory_space<vmem>>
        %dma_wait3A_229 = arith.constant 0 : i32
        %dma_wait3A_230 = arith.constant 0 : i32
        %dma_wait3A_231 = tpu.memref_slice %arg2[%dma_wait3A_229, %dma_wait3A_230] : memref<1000001x32xf32, #tpu.memory_space<hbm>> -> memref<1x32xf32, #tpu.memory_space<hbm>>
        %dma_wait3A_232 = arith.constant 0 : i32
        %dma_wait3A_233 = arith.constant 0 : i32
        %dma_wait3A_234 = tpu.memref_slice %arg6[%dma_wait3A_232, %dma_wait3A_233] : memref<640x32xf32, #tpu.memory_space<vmem>> -> memref<1x32xf32, #tpu.memory_space<vmem>>
        %dma_wait3A_235 = arith.constant 0 : i32
        %dma_wait3A_236 = arith.constant 0 : i32
        %dma_wait3A_237 = tpu.memref_slice %arg2[%dma_wait3A_235, %dma_wait3A_236] : memref<1000001x32xf32, #tpu.memory_space<hbm>> -> memref<1x32xf32, #tpu.memory_space<hbm>>
        tpu.wait_dma2 semaphore(%arg7 : memref<!tpu.dma_semaphore, #tpu.memory_space<semaphore_mem>>) src(%dma_wait3A_237 : memref<1x32xf32, #tpu.memory_space<hbm>>) dst(%dma_wait3A_234 : memref<1x32xf32, #tpu.memory_space<vmem>>)
        %dma_wait3A_238 = arith.constant 0 : i32
        %dma_wait3A_239 = arith.constant 0 : i32
        %dma_wait3A_240 = tpu.memref_slice %arg6[%dma_wait3A_238, %dma_wait3A_239] : memref<640x32xf32, #tpu.memory_space<vmem>> -> memref<1x32xf32, #tpu.memory_space<vmem>>
        %dma_wait3A_241 = arith.constant 0 : i32
        %dma_wait3A_242 = arith.constant 0 : i32
        %dma_wait3A_243 = tpu.memref_slice %arg2[%dma_wait3A_241, %dma_wait3A_242] : memref<1000001x32xf32, #tpu.memory_space<hbm>> -> memref<1x32xf32, #tpu.memory_space<hbm>>
        %dma_wait3A_244 = arith.constant 0 : i32
        %dma_wait3A_245 = arith.constant 0 : i32
        %dma_wait3A_246 = tpu.memref_slice %arg6[%dma_wait3A_244, %dma_wait3A_245] : memref<640x32xf32, #tpu.memory_space<vmem>> -> memref<1x32xf32, #tpu.memory_space<vmem>>
        %dma_wait3A_247 = arith.constant 0 : i32
        %dma_wait3A_248 = arith.constant 0 : i32
        %dma_wait3A_249 = tpu.memref_slice %arg2[%dma_wait3A_247, %dma_wait3A_248] : memref<1000001x32xf32, #tpu.memory_space<hbm>> -> memref<1x32xf32, #tpu.memory_space<hbm>>
        tpu.wait_dma2 semaphore(%arg7 : memref<!tpu.dma_semaphore, #tpu.memory_space<semaphore_mem>>) src(%dma_wait3A_249 : memref<1x32xf32, #tpu.memory_space<hbm>>) dst(%dma_wait3A_246 : memref<1x32xf32, #tpu.memory_space<vmem>>)
        %dma_wait3A_250 = arith.constant 0 : i32
        %dma_wait3A_251 = arith.constant 0 : i32
        %dma_wait3A_252 = tpu.memref_slice %arg6[%dma_wait3A_250, %dma_wait3A_251] : memref<640x32xf32, #tpu.memory_space<vmem>> -> memref<1x32xf32, #tpu.memory_space<vmem>>
        %dma_wait3A_253 = arith.constant 0 : i32
        %dma_wait3A_254 = arith.constant 0 : i32
        %dma_wait3A_255 = tpu.memref_slice %arg2[%dma_wait3A_253, %dma_wait3A_254] : memref<1000001x32xf32, #tpu.memory_space<hbm>> -> memref<1x32xf32, #tpu.memory_space<hbm>>
        %dma_wait3A_256 = arith.constant 0 : i32
        %dma_wait3A_257 = arith.constant 0 : i32
        %dma_wait3A_258 = tpu.memref_slice %arg6[%dma_wait3A_256, %dma_wait3A_257] : memref<640x32xf32, #tpu.memory_space<vmem>> -> memref<1x32xf32, #tpu.memory_space<vmem>>
        %dma_wait3A_259 = arith.constant 0 : i32
        %dma_wait3A_260 = arith.constant 0 : i32
        %dma_wait3A_261 = tpu.memref_slice %arg2[%dma_wait3A_259, %dma_wait3A_260] : memref<1000001x32xf32, #tpu.memory_space<hbm>> -> memref<1x32xf32, #tpu.memory_space<hbm>>
        tpu.wait_dma2 semaphore(%arg7 : memref<!tpu.dma_semaphore, #tpu.memory_space<semaphore_mem>>) src(%dma_wait3A_261 : memref<1x32xf32, #tpu.memory_space<hbm>>) dst(%dma_wait3A_258 : memref<1x32xf32, #tpu.memory_space<vmem>>)
        %dma_wait3A_262 = arith.constant 0 : i32
        %dma_wait3A_263 = arith.constant 0 : i32
        %dma_wait3A_264 = tpu.memref_slice %arg6[%dma_wait3A_262, %dma_wait3A_263] : memref<640x32xf32, #tpu.memory_space<vmem>> -> memref<1x32xf32, #tpu.memory_space<vmem>>
        %dma_wait3A_265 = arith.constant 0 : i32
        %dma_wait3A_266 = arith.constant 0 : i32
        %dma_wait3A_267 = tpu.memref_slice %arg2[%dma_wait3A_265, %dma_wait3A_266] : memref<1000001x32xf32, #tpu.memory_space<hbm>> -> memref<1x32xf32, #tpu.memory_space<hbm>>
        %dma_wait3A_268 = arith.constant 0 : i32
        %dma_wait3A_269 = arith.constant 0 : i32
        %dma_wait3A_270 = tpu.memref_slice %arg6[%dma_wait3A_268, %dma_wait3A_269] : memref<640x32xf32, #tpu.memory_space<vmem>> -> memref<1x32xf32, #tpu.memory_space<vmem>>
        %dma_wait3A_271 = arith.constant 0 : i32
        %dma_wait3A_272 = arith.constant 0 : i32
        %dma_wait3A_273 = tpu.memref_slice %arg2[%dma_wait3A_271, %dma_wait3A_272] : memref<1000001x32xf32, #tpu.memory_space<hbm>> -> memref<1x32xf32, #tpu.memory_space<hbm>>
        tpu.wait_dma2 semaphore(%arg7 : memref<!tpu.dma_semaphore, #tpu.memory_space<semaphore_mem>>) src(%dma_wait3A_273 : memref<1x32xf32, #tpu.memory_space<hbm>>) dst(%dma_wait3A_270 : memref<1x32xf32, #tpu.memory_space<vmem>>)
        %dma_wait3A_274 = arith.constant 0 : i32
        %dma_wait3A_275 = arith.constant 0 : i32
        %dma_wait3A_276 = tpu.memref_slice %arg6[%dma_wait3A_274, %dma_wait3A_275] : memref<640x32xf32, #tpu.memory_space<vmem>> -> memref<1x32xf32, #tpu.memory_space<vmem>>
        %dma_wait3A_277 = arith.constant 0 : i32
        %dma_wait3A_278 = arith.constant 0 : i32
        %dma_wait3A_279 = tpu.memref_slice %arg2[%dma_wait3A_277, %dma_wait3A_278] : memref<1000001x32xf32, #tpu.memory_space<hbm>> -> memref<1x32xf32, #tpu.memory_space<hbm>>
        %dma_wait3A_280 = arith.constant 0 : i32
        %dma_wait3A_281 = arith.constant 0 : i32
        %dma_wait3A_282 = tpu.memref_slice %arg6[%dma_wait3A_280, %dma_wait3A_281] : memref<640x32xf32, #tpu.memory_space<vmem>> -> memref<1x32xf32, #tpu.memory_space<vmem>>
        %dma_wait3A_283 = arith.constant 0 : i32
        %dma_wait3A_284 = arith.constant 0 : i32
        %dma_wait3A_285 = tpu.memref_slice %arg2[%dma_wait3A_283, %dma_wait3A_284] : memref<1000001x32xf32, #tpu.memory_space<hbm>> -> memref<1x32xf32, #tpu.memory_space<hbm>>
        tpu.wait_dma2 semaphore(%arg7 : memref<!tpu.dma_semaphore, #tpu.memory_space<semaphore_mem>>) src(%dma_wait3A_285 : memref<1x32xf32, #tpu.memory_space<hbm>>) dst(%dma_wait3A_282 : memref<1x32xf32, #tpu.memory_space<vmem>>)
        %dma_wait3A_286 = arith.constant 0 : i32
        %dma_wait3A_287 = arith.constant 0 : i32
        %dma_wait3A_288 = tpu.memref_slice %arg6[%dma_wait3A_286, %dma_wait3A_287] : memref<640x32xf32, #tpu.memory_space<vmem>> -> memref<1x32xf32, #tpu.memory_space<vmem>>
        %dma_wait3A_289 = arith.constant 0 : i32
        %dma_wait3A_290 = arith.constant 0 : i32
        %dma_wait3A_291 = tpu.memref_slice %arg2[%dma_wait3A_289, %dma_wait3A_290] : memref<1000001x32xf32, #tpu.memory_space<hbm>> -> memref<1x32xf32, #tpu.memory_space<hbm>>
        %dma_wait3A_292 = arith.constant 0 : i32
        %dma_wait3A_293 = arith.constant 0 : i32
        %dma_wait3A_294 = tpu.memref_slice %arg6[%dma_wait3A_292, %dma_wait3A_293] : memref<640x32xf32, #tpu.memory_space<vmem>> -> memref<1x32xf32, #tpu.memory_space<vmem>>
        %dma_wait3A_295 = arith.constant 0 : i32
        %dma_wait3A_296 = arith.constant 0 : i32
        %dma_wait3A_297 = tpu.memref_slice %arg2[%dma_wait3A_295, %dma_wait3A_296] : memref<1000001x32xf32, #tpu.memory_space<hbm>> -> memref<1x32xf32, #tpu.memory_space<hbm>>
        tpu.wait_dma2 semaphore(%arg7 : memref<!tpu.dma_semaphore, #tpu.memory_space<semaphore_mem>>) src(%dma_wait3A_297 : memref<1x32xf32, #tpu.memory_space<hbm>>) dst(%dma_wait3A_294 : memref<1x32xf32, #tpu.memory_space<vmem>>)
        %dma_wait3A_298 = arith.constant 0 : i32
        %dma_wait3A_299 = arith.constant 0 : i32
        %dma_wait3A_300 = tpu.memref_slice %arg6[%dma_wait3A_298, %dma_wait3A_299] : memref<640x32xf32, #tpu.memory_space<vmem>> -> memref<1x32xf32, #tpu.memory_space<vmem>>
        %dma_wait3A_301 = arith.constant 0 : i32
        %dma_wait3A_302 = arith.constant 0 : i32
        %dma_wait3A_303 = tpu.memref_slice %arg2[%dma_wait3A_301, %dma_wait3A_302] : memref<1000001x32xf32, #tpu.memory_space<hbm>> -> memref<1x32xf32, #tpu.memory_space<hbm>>
        %dma_wait3A_304 = arith.constant 0 : i32
        %dma_wait3A_305 = arith.constant 0 : i32
        %dma_wait3A_306 = tpu.memref_slice %arg6[%dma_wait3A_304, %dma_wait3A_305] : memref<640x32xf32, #tpu.memory_space<vmem>> -> memref<1x32xf32, #tpu.memory_space<vmem>>
        %dma_wait3A_307 = arith.constant 0 : i32
        %dma_wait3A_308 = arith.constant 0 : i32
        %dma_wait3A_309 = tpu.memref_slice %arg2[%dma_wait3A_307, %dma_wait3A_308] : memref<1000001x32xf32, #tpu.memory_space<hbm>> -> memref<1x32xf32, #tpu.memory_space<hbm>>
        tpu.wait_dma2 semaphore(%arg7 : memref<!tpu.dma_semaphore, #tpu.memory_space<semaphore_mem>>) src(%dma_wait3A_309 : memref<1x32xf32, #tpu.memory_space<hbm>>) dst(%dma_wait3A_306 : memref<1x32xf32, #tpu.memory_space<vmem>>)
        %dma_wait3A_310 = arith.constant 0 : i32
        %dma_wait3A_311 = arith.constant 0 : i32
        %dma_wait3A_312 = tpu.memref_slice %arg6[%dma_wait3A_310, %dma_wait3A_311] : memref<640x32xf32, #tpu.memory_space<vmem>> -> memref<1x32xf32, #tpu.memory_space<vmem>>
        %dma_wait3A_313 = arith.constant 0 : i32
        %dma_wait3A_314 = arith.constant 0 : i32
        %dma_wait3A_315 = tpu.memref_slice %arg2[%dma_wait3A_313, %dma_wait3A_314] : memref<1000001x32xf32, #tpu.memory_space<hbm>> -> memref<1x32xf32, #tpu.memory_space<hbm>>
        %dma_wait3A_316 = arith.constant 0 : i32
        %dma_wait3A_317 = arith.constant 0 : i32
        %dma_wait3A_318 = tpu.memref_slice %arg6[%dma_wait3A_316, %dma_wait3A_317] : memref<640x32xf32, #tpu.memory_space<vmem>> -> memref<1x32xf32, #tpu.memory_space<vmem>>
        %dma_wait3A_319 = arith.constant 0 : i32
        %dma_wait3A_320 = arith.constant 0 : i32
        %dma_wait3A_321 = tpu.memref_slice %arg2[%dma_wait3A_319, %dma_wait3A_320] : memref<1000001x32xf32, #tpu.memory_space<hbm>> -> memref<1x32xf32, #tpu.memory_space<hbm>>
        tpu.wait_dma2 semaphore(%arg7 : memref<!tpu.dma_semaphore, #tpu.memory_space<semaphore_mem>>) src(%dma_wait3A_321 : memref<1x32xf32, #tpu.memory_space<hbm>>) dst(%dma_wait3A_318 : memref<1x32xf32, #tpu.memory_space<vmem>>)
        %dma_wait3A_322 = arith.constant 0 : i32
        %dma_wait3A_323 = arith.constant 0 : i32
        %dma_wait3A_324 = tpu.memref_slice %arg6[%dma_wait3A_322, %dma_wait3A_323] : memref<640x32xf32, #tpu.memory_space<vmem>> -> memref<1x32xf32, #tpu.memory_space<vmem>>
        %dma_wait3A_325 = arith.constant 0 : i32
        %dma_wait3A_326 = arith.constant 0 : i32
        %dma_wait3A_327 = tpu.memref_slice %arg2[%dma_wait3A_325, %dma_wait3A_326] : memref<1000001x32xf32, #tpu.memory_space<hbm>> -> memref<1x32xf32, #tpu.memory_space<hbm>>
        %dma_wait3A_328 = arith.constant 0 : i32
        %dma_wait3A_329 = arith.constant 0 : i32
        %dma_wait3A_330 = tpu.memref_slice %arg6[%dma_wait3A_328, %dma_wait3A_329] : memref<640x32xf32, #tpu.memory_space<vmem>> -> memref<1x32xf32, #tpu.memory_space<vmem>>
        %dma_wait3A_331 = arith.constant 0 : i32
        %dma_wait3A_332 = arith.constant 0 : i32
        %dma_wait3A_333 = tpu.memref_slice %arg2[%dma_wait3A_331, %dma_wait3A_332] : memref<1000001x32xf32, #tpu.memory_space<hbm>> -> memref<1x32xf32, #tpu.memory_space<hbm>>
        tpu.wait_dma2 semaphore(%arg7 : memref<!tpu.dma_semaphore, #tpu.memory_space<semaphore_mem>>) src(%dma_wait3A_333 : memref<1x32xf32, #tpu.memory_space<hbm>>) dst(%dma_wait3A_330 : memref<1x32xf32, #tpu.memory_space<vmem>>)
        %dma_wait3A_334 = arith.constant 0 : i32
        %dma_wait3A_335 = arith.constant 0 : i32
        %dma_wait3A_336 = tpu.memref_slice %arg6[%dma_wait3A_334, %dma_wait3A_335] : memref<640x32xf32, #tpu.memory_space<vmem>> -> memref<1x32xf32, #tpu.memory_space<vmem>>
        %dma_wait3A_337 = arith.constant 0 : i32
        %dma_wait3A_338 = arith.constant 0 : i32
        %dma_wait3A_339 = tpu.memref_slice %arg2[%dma_wait3A_337, %dma_wait3A_338] : memref<1000001x32xf32, #tpu.memory_space<hbm>> -> memref<1x32xf32, #tpu.memory_space<hbm>>
        %dma_wait3A_340 = arith.constant 0 : i32
        %dma_wait3A_341 = arith.constant 0 : i32
        %dma_wait3A_342 = tpu.memref_slice %arg6[%dma_wait3A_340, %dma_wait3A_341] : memref<640x32xf32, #tpu.memory_space<vmem>> -> memref<1x32xf32, #tpu.memory_space<vmem>>
        %dma_wait3A_343 = arith.constant 0 : i32
        %dma_wait3A_344 = arith.constant 0 : i32
        %dma_wait3A_345 = tpu.memref_slice %arg2[%dma_wait3A_343, %dma_wait3A_344] : memref<1000001x32xf32, #tpu.memory_space<hbm>> -> memref<1x32xf32, #tpu.memory_space<hbm>>
        tpu.wait_dma2 semaphore(%arg7 : memref<!tpu.dma_semaphore, #tpu.memory_space<semaphore_mem>>) src(%dma_wait3A_345 : memref<1x32xf32, #tpu.memory_space<hbm>>) dst(%dma_wait3A_342 : memref<1x32xf32, #tpu.memory_space<vmem>>)
        %dma_wait3A_346 = arith.constant 0 : i32
        %dma_wait3A_347 = arith.constant 0 : i32
        %dma_wait3A_348 = tpu.memref_slice %arg6[%dma_wait3A_346, %dma_wait3A_347] : memref<640x32xf32, #tpu.memory_space<vmem>> -> memref<1x32xf32, #tpu.memory_space<vmem>>
        %dma_wait3A_349 = arith.constant 0 : i32
        %dma_wait3A_350 = arith.constant 0 : i32
        %dma_wait3A_351 = tpu.memref_slice %arg2[%dma_wait3A_349, %dma_wait3A_350] : memref<1000001x32xf32, #tpu.memory_space<hbm>> -> memref<1x32xf32, #tpu.memory_space<hbm>>
        %dma_wait3A_352 = arith.constant 0 : i32
        %dma_wait3A_353 = arith.constant 0 : i32
        %dma_wait3A_354 = tpu.memref_slice %arg6[%dma_wait3A_352, %dma_wait3A_353] : memref<640x32xf32, #tpu.memory_space<vmem>> -> memref<1x32xf32, #tpu.memory_space<vmem>>
        %dma_wait3A_355 = arith.constant 0 : i32
        %dma_wait3A_356 = arith.constant 0 : i32
        %dma_wait3A_357 = tpu.memref_slice %arg2[%dma_wait3A_355, %dma_wait3A_356] : memref<1000001x32xf32, #tpu.memory_space<hbm>> -> memref<1x32xf32, #tpu.memory_space<hbm>>
        tpu.wait_dma2 semaphore(%arg7 : memref<!tpu.dma_semaphore, #tpu.memory_space<semaphore_mem>>) src(%dma_wait3A_357 : memref<1x32xf32, #tpu.memory_space<hbm>>) dst(%dma_wait3A_354 : memref<1x32xf32, #tpu.memory_space<vmem>>)
        %dma_wait3A_358 = arith.constant 0 : i32
        %dma_wait3A_359 = arith.constant 0 : i32
        %dma_wait3A_360 = tpu.memref_slice %arg6[%dma_wait3A_358, %dma_wait3A_359] : memref<640x32xf32, #tpu.memory_space<vmem>> -> memref<1x32xf32, #tpu.memory_space<vmem>>
        %dma_wait3A_361 = arith.constant 0 : i32
        %dma_wait3A_362 = arith.constant 0 : i32
        %dma_wait3A_363 = tpu.memref_slice %arg2[%dma_wait3A_361, %dma_wait3A_362] : memref<1000001x32xf32, #tpu.memory_space<hbm>> -> memref<1x32xf32, #tpu.memory_space<hbm>>
        %dma_wait3A_364 = arith.constant 0 : i32
        %dma_wait3A_365 = arith.constant 0 : i32
        %dma_wait3A_366 = tpu.memref_slice %arg6[%dma_wait3A_364, %dma_wait3A_365] : memref<640x32xf32, #tpu.memory_space<vmem>> -> memref<1x32xf32, #tpu.memory_space<vmem>>
        %dma_wait3A_367 = arith.constant 0 : i32
        %dma_wait3A_368 = arith.constant 0 : i32
        %dma_wait3A_369 = tpu.memref_slice %arg2[%dma_wait3A_367, %dma_wait3A_368] : memref<1000001x32xf32, #tpu.memory_space<hbm>> -> memref<1x32xf32, #tpu.memory_space<hbm>>
        tpu.wait_dma2 semaphore(%arg7 : memref<!tpu.dma_semaphore, #tpu.memory_space<semaphore_mem>>) src(%dma_wait3A_369 : memref<1x32xf32, #tpu.memory_space<hbm>>) dst(%dma_wait3A_366 : memref<1x32xf32, #tpu.memory_space<vmem>>)
        %dma_wait3A_370 = arith.constant 0 : i32
        %dma_wait3A_371 = arith.constant 0 : i32
        %dma_wait3A_372 = tpu.memref_slice %arg6[%dma_wait3A_370, %dma_wait3A_371] : memref<640x32xf32, #tpu.memory_space<vmem>> -> memref<1x32xf32, #tpu.memory_space<vmem>>
        %dma_wait3A_373 = arith.constant 0 : i32
        %dma_wait3A_374 = arith.constant 0 : i32
        %dma_wait3A_375 = tpu.memref_slice %arg2[%dma_wait3A_373, %dma_wait3A_374] : memref<1000001x32xf32, #tpu.memory_space<hbm>> -> memref<1x32xf32, #tpu.memory_space<hbm>>
        %dma_wait3A_376 = arith.constant 0 : i32
        %dma_wait3A_377 = arith.constant 0 : i32
        %dma_wait3A_378 = tpu.memref_slice %arg6[%dma_wait3A_376, %dma_wait3A_377] : memref<640x32xf32, #tpu.memory_space<vmem>> -> memref<1x32xf32, #tpu.memory_space<vmem>>
        %dma_wait3A_379 = arith.constant 0 : i32
        %dma_wait3A_380 = arith.constant 0 : i32
        %dma_wait3A_381 = tpu.memref_slice %arg2[%dma_wait3A_379, %dma_wait3A_380] : memref<1000001x32xf32, #tpu.memory_space<hbm>> -> memref<1x32xf32, #tpu.memory_space<hbm>>
        tpu.wait_dma2 semaphore(%arg7 : memref<!tpu.dma_semaphore, #tpu.memory_space<semaphore_mem>>) src(%dma_wait3A_381 : memref<1x32xf32, #tpu.memory_space<hbm>>) dst(%dma_wait3A_378 : memref<1x32xf32, #tpu.memory_space<vmem>>)
        %dma_wait3A_382 = arith.constant 0 : i32
        %dma_wait3A_383 = arith.constant 0 : i32
        %dma_wait3A_384 = tpu.memref_slice %arg6[%dma_wait3A_382, %dma_wait3A_383] : memref<640x32xf32, #tpu.memory_space<vmem>> -> memref<1x32xf32, #tpu.memory_space<vmem>>
        %dma_wait3A_385 = arith.constant 0 : i32
        %dma_wait3A_386 = arith.constant 0 : i32
        %dma_wait3A_387 = tpu.memref_slice %arg2[%dma_wait3A_385, %dma_wait3A_386] : memref<1000001x32xf32, #tpu.memory_space<hbm>> -> memref<1x32xf32, #tpu.memory_space<hbm>>
        %dma_wait3A_388 = arith.constant 0 : i32
        %dma_wait3A_389 = arith.constant 0 : i32
        %dma_wait3A_390 = tpu.memref_slice %arg6[%dma_wait3A_388, %dma_wait3A_389] : memref<640x32xf32, #tpu.memory_space<vmem>> -> memref<1x32xf32, #tpu.memory_space<vmem>>
        %dma_wait3A_391 = arith.constant 0 : i32
        %dma_wait3A_392 = arith.constant 0 : i32
        %dma_wait3A_393 = tpu.memref_slice %arg2[%dma_wait3A_391, %dma_wait3A_392] : memref<1000001x32xf32, #tpu.memory_space<hbm>> -> memref<1x32xf32, #tpu.memory_space<hbm>>
        tpu.wait_dma2 semaphore(%arg7 : memref<!tpu.dma_semaphore, #tpu.memory_space<semaphore_mem>>) src(%dma_wait3A_393 : memref<1x32xf32, #tpu.memory_space<hbm>>) dst(%dma_wait3A_390 : memref<1x32xf32, #tpu.memory_space<vmem>>)
        %dma_wait3A_394 = arith.constant 0 : i32
        %dma_wait3A_395 = arith.constant 0 : i32
        %dma_wait3A_396 = tpu.memref_slice %arg6[%dma_wait3A_394, %dma_wait3A_395] : memref<640x32xf32, #tpu.memory_space<vmem>> -> memref<1x32xf32, #tpu.memory_space<vmem>>
        %dma_wait3A_397 = arith.constant 0 : i32
        %dma_wait3A_398 = arith.constant 0 : i32
        %dma_wait3A_399 = tpu.memref_slice %arg2[%dma_wait3A_397, %dma_wait3A_398] : memref<1000001x32xf32, #tpu.memory_space<hbm>> -> memref<1x32xf32, #tpu.memory_space<hbm>>
        %dma_wait3A_400 = arith.constant 0 : i32
        %dma_wait3A_401 = arith.constant 0 : i32
        %dma_wait3A_402 = tpu.memref_slice %arg6[%dma_wait3A_400, %dma_wait3A_401] : memref<640x32xf32, #tpu.memory_space<vmem>> -> memref<1x32xf32, #tpu.memory_space<vmem>>
        %dma_wait3A_403 = arith.constant 0 : i32
        %dma_wait3A_404 = arith.constant 0 : i32
        %dma_wait3A_405 = tpu.memref_slice %arg2[%dma_wait3A_403, %dma_wait3A_404] : memref<1000001x32xf32, #tpu.memory_space<hbm>> -> memref<1x32xf32, #tpu.memory_space<hbm>>
        tpu.wait_dma2 semaphore(%arg7 : memref<!tpu.dma_semaphore, #tpu.memory_space<semaphore_mem>>) src(%dma_wait3A_405 : memref<1x32xf32, #tpu.memory_space<hbm>>) dst(%dma_wait3A_402 : memref<1x32xf32, #tpu.memory_space<vmem>>)
        %dma_wait3A_406 = arith.constant 0 : i32
        %dma_wait3A_407 = arith.constant 0 : i32
        %dma_wait3A_408 = tpu.memref_slice %arg6[%dma_wait3A_406, %dma_wait3A_407] : memref<640x32xf32, #tpu.memory_space<vmem>> -> memref<1x32xf32, #tpu.memory_space<vmem>>
        %dma_wait3A_409 = arith.constant 0 : i32
        %dma_wait3A_410 = arith.constant 0 : i32
        %dma_wait3A_411 = tpu.memref_slice %arg2[%dma_wait3A_409, %dma_wait3A_410] : memref<1000001x32xf32, #tpu.memory_space<hbm>> -> memref<1x32xf32, #tpu.memory_space<hbm>>
        %dma_wait3A_412 = arith.constant 0 : i32
        %dma_wait3A_413 = arith.constant 0 : i32
        %dma_wait3A_414 = tpu.memref_slice %arg6[%dma_wait3A_412, %dma_wait3A_413] : memref<640x32xf32, #tpu.memory_space<vmem>> -> memref<1x32xf32, #tpu.memory_space<vmem>>
        %dma_wait3A_415 = arith.constant 0 : i32
        %dma_wait3A_416 = arith.constant 0 : i32
        %dma_wait3A_417 = tpu.memref_slice %arg2[%dma_wait3A_415, %dma_wait3A_416] : memref<1000001x32xf32, #tpu.memory_space<hbm>> -> memref<1x32xf32, #tpu.memory_space<hbm>>
        tpu.wait_dma2 semaphore(%arg7 : memref<!tpu.dma_semaphore, #tpu.memory_space<semaphore_mem>>) src(%dma_wait3A_417 : memref<1x32xf32, #tpu.memory_space<hbm>>) dst(%dma_wait3A_414 : memref<1x32xf32, #tpu.memory_space<vmem>>)
        %dma_wait3A_418 = arith.constant 0 : i32
        %dma_wait3A_419 = arith.constant 0 : i32
        %dma_wait3A_420 = tpu.memref_slice %arg6[%dma_wait3A_418, %dma_wait3A_419] : memref<640x32xf32, #tpu.memory_space<vmem>> -> memref<1x32xf32, #tpu.memory_space<vmem>>
        %dma_wait3A_421 = arith.constant 0 : i32
        %dma_wait3A_422 = arith.constant 0 : i32
        %dma_wait3A_423 = tpu.memref_slice %arg2[%dma_wait3A_421, %dma_wait3A_422] : memref<1000001x32xf32, #tpu.memory_space<hbm>> -> memref<1x32xf32, #tpu.memory_space<hbm>>
        %dma_wait3A_424 = arith.constant 0 : i32
        %dma_wait3A_425 = arith.constant 0 : i32
        %dma_wait3A_426 = tpu.memref_slice %arg6[%dma_wait3A_424, %dma_wait3A_425] : memref<640x32xf32, #tpu.memory_space<vmem>> -> memref<1x32xf32, #tpu.memory_space<vmem>>
        %dma_wait3A_427 = arith.constant 0 : i32
        %dma_wait3A_428 = arith.constant 0 : i32
        %dma_wait3A_429 = tpu.memref_slice %arg2[%dma_wait3A_427, %dma_wait3A_428] : memref<1000001x32xf32, #tpu.memory_space<hbm>> -> memref<1x32xf32, #tpu.memory_space<hbm>>
        tpu.wait_dma2 semaphore(%arg7 : memref<!tpu.dma_semaphore, #tpu.memory_space<semaphore_mem>>) src(%dma_wait3A_429 : memref<1x32xf32, #tpu.memory_space<hbm>>) dst(%dma_wait3A_426 : memref<1x32xf32, #tpu.memory_space<vmem>>)
      } else {
      }
      %scan3A_46 = arith.constant 0 : i32
      scf.yield %scan3A_46 : i32
    }
    %scan3A_8 = arith.constant 21 : i32
    %add3A_9 = arith.constant 0 : i32
    %add3A_10 = arith.addi %mul3A_2, %add3A_9 : i32
    "tpu.region"() ({
      %run_scoped3A = tpu.sem_alloc : memref<!tpu.dma_semaphore, #tpu.memory_space<semaphore_mem>>
      %dma_start3A = arith.constant 0 : i32
      %dma_start3A_38 = tpu.memref_slice %arg4[%add3A_10, %dma_start3A] : memref<81920x32xf32, #tpu.memory_space<hbm>> -> memref<640x32xf32, #tpu.memory_space<hbm>>
      %dma_start3A_39 = arith.constant 0 : i32
      %dma_start3A_40 = tpu.memref_slice %arg4[%add3A_10, %dma_start3A_39] : memref<81920x32xf32, #tpu.memory_space<hbm>> -> memref<640x32xf32, #tpu.memory_space<hbm>>
      tpu.enqueue_dma source(%arg6 : memref<640x32xf32, #tpu.memory_space<vmem>>) target(%dma_start3A_40 : memref<640x32xf32, #tpu.memory_space<hbm>>) target_semaphore(%run_scoped3A : memref<!tpu.dma_semaphore, #tpu.memory_space<semaphore_mem>>)
      %dma_wait3A = arith.constant 0 : i32
      %dma_wait3A_41 = tpu.memref_slice %arg4[%add3A_10, %dma_wait3A] : memref<81920x32xf32, #tpu.memory_space<hbm>> -> memref<640x32xf32, #tpu.memory_space<hbm>>
      %dma_wait3A_42 = arith.constant 0 : i32
      %dma_wait3A_43 = tpu.memref_slice %arg4[%add3A_10, %dma_wait3A_42] : memref<81920x32xf32, #tpu.memory_space<hbm>> -> memref<640x32xf32, #tpu.memory_space<hbm>>
      tpu.wait_dma2 semaphore(%run_scoped3A : memref<!tpu.dma_semaphore, #tpu.memory_space<semaphore_mem>>) src(%arg6 : memref<640x32xf32, #tpu.memory_space<vmem>>) dst(%dma_wait3A_43 : memref<640x32xf32, #tpu.memory_space<hbm>>)
      tpu.yield
    }) : () -> ()
    %scan3A_11 = arith.constant 0 : i32
    %scan3A_12 = arith.constant 0 : i32
    %scan3A_13 = arith.constant 21 : i32
    %scan3A_14 = arith.addi %scan3A_12, %scan3A_13 : i32
    %scan3A_15 = arith.constant 1 : i32
    %scan3A_16 = scf.for %scan3A_38 = %scan3A_12 to %scan3A_14 step %scan3A_15 iter_args(%scan3A_39 = %scan3A_11) -> (i32)  : i32 {
      %lt3A = arith.constant 20 : i32
      %lt3A_40 = arith.cmpi slt, %scan3A_38, %lt3A : i32
      %convert_element_type3A = arith.extui %lt3A_40 : i1 to i32
      %cond3A = arith.constant 0 : i32
      %cond3A_41 = arith.cmpi ne, %convert_element_type3A, %cond3A : i32
      scf.if %cond3A_41 {
        %mul3A_47 = arith.constant 32 : i32
        %mul3A_48 = arith.muli %scan3A_38, %mul3A_47 : i32
        %add3A_49 = arith.constant 640 : i32
        %add3A_50 = arith.addi %add3A_49, %mul3A_48 : i32
        %add3A_51 = arith.constant 0 : i32
        %add3A_52 = arith.addi %add3A_50, %add3A_51 : i32
        %get3A = arith.index_cast %add3A_52 : i32 to index
        %get3A_53 = tpu.vector_load %arg5[%get3A] {strides = array<i32>} : memref<2560xi32, #tpu.memory_space<vmem>>, vector<16xi32>,
        %get3A_54 = vector.shape_cast %get3A_53 : vector<16xi32> to vector<16xi32>
        %add3A_55 = arith.constant 640 : i32
        %add3A_56 = arith.addi %add3A_55, %mul3A_48 : i32
        %add3A_57 = arith.constant 16 : i32
        %add3A_58 = arith.addi %add3A_56, %add3A_57 : i32
        %get3A_59 = arith.index_cast %add3A_58 : i32 to index
        %get3A_60 = tpu.vector_load %arg5[%get3A_59] {strides = array<i32>} : memref<2560xi32, #tpu.memory_space<vmem>>, vector<16xi32>,
        %get3A_61 = vector.shape_cast %get3A_60 : vector<16xi32> to vector<16xi32>
        %slice3A = vector.extract_strided_slice %get3A_54 {offsets = [0], sizes = [1], strides = [1]} : vector<16xi32> to vector<1xi32>
        %squeeze3A = vector.extract %slice3A[0] : i32 from vector<1xi32>
        %add3A_62 = arith.constant 0 : i32
        %add3A_63 = arith.addi %mul3A_48, %add3A_62 : i32
        %dma_start3A = arith.constant 0 : i32
        %dma_start3A_64 = tpu.memref_slice %arg6[%add3A_63, %dma_start3A] : memref<640x32xf32, #tpu.memory_space<vmem>> -> memref<1x32xf32, #tpu.memory_space<vmem>>
        %dma_start3A_65 = arith.constant 0 : i32
        %dma_start3A_66 = tpu.memref_slice %arg2[%squeeze3A, %dma_start3A_65] : memref<1000001x32xf32, #tpu.memory_space<hbm>> -> memref<1x32xf32, #tpu.memory_space<hbm>>
        %dma_start3A_67 = arith.constant 0 : i32
        %dma_start3A_68 = tpu.memref_slice %arg6[%add3A_63, %dma_start3A_67] : memref<640x32xf32, #tpu.memory_space<vmem>> -> memref<1x32xf32, #tpu.memory_space<vmem>>
        %dma_start3A_69 = arith.constant 0 : i32
        %dma_start3A_70 = tpu.memref_slice %arg2[%squeeze3A, %dma_start3A_69] : memref<1000001x32xf32, #tpu.memory_space<hbm>> -> memref<1x32xf32, #tpu.memory_space<hbm>>
        tpu.enqueue_dma source(%dma_start3A_70 : memref<1x32xf32, #tpu.memory_space<hbm>>) target(%dma_start3A_68 : memref<1x32xf32, #tpu.memory_space<vmem>>) target_semaphore(%arg7 : memref<!tpu.dma_semaphore, #tpu.memory_space<semaphore_mem>>)
        %slice3A_71 = vector.extract_strided_slice %get3A_54 {offsets = [1], sizes = [1], strides = [1]} : vector<16xi32> to vector<1xi32>
        %squeeze3A_72 = vector.extract %slice3A_71[0] : i32 from vector<1xi32>
        %add3A_73 = arith.constant 1 : i32
        %add3A_74 = arith.addi %mul3A_48, %add3A_73 : i32
        %dma_start3A_75 = arith.constant 0 : i32
        %dma_start3A_76 = tpu.memref_slice %arg6[%add3A_74, %dma_start3A_75] : memref<640x32xf32, #tpu.memory_space<vmem>> -> memref<1x32xf32, #tpu.memory_space<vmem>>
        %dma_start3A_77 = arith.constant 0 : i32
        %dma_start3A_78 = tpu.memref_slice %arg2[%squeeze3A_72, %dma_start3A_77] : memref<1000001x32xf32, #tpu.memory_space<hbm>> -> memref<1x32xf32, #tpu.memory_space<hbm>>
        %dma_start3A_79 = arith.constant 0 : i32
        %dma_start3A_80 = tpu.memref_slice %arg6[%add3A_74, %dma_start3A_79] : memref<640x32xf32, #tpu.memory_space<vmem>> -> memref<1x32xf32, #tpu.memory_space<vmem>>
        %dma_start3A_81 = arith.constant 0 : i32
        %dma_start3A_82 = tpu.memref_slice %arg2[%squeeze3A_72, %dma_start3A_81] : memref<1000001x32xf32, #tpu.memory_space<hbm>> -> memref<1x32xf32, #tpu.memory_space<hbm>>
        tpu.enqueue_dma source(%dma_start3A_82 : memref<1x32xf32, #tpu.memory_space<hbm>>) target(%dma_start3A_80 : memref<1x32xf32, #tpu.memory_space<vmem>>) target_semaphore(%arg7 : memref<!tpu.dma_semaphore, #tpu.memory_space<semaphore_mem>>)
        %slice3A_83 = vector.extract_strided_slice %get3A_54 {offsets = [2], sizes = [1], strides = [1]} : vector<16xi32> to vector<1xi32>
        %squeeze3A_84 = vector.extract %slice3A_83[0] : i32 from vector<1xi32>
        %add3A_85 = arith.constant 2 : i32
        %add3A_86 = arith.addi %mul3A_48, %add3A_85 : i32
        %dma_start3A_87 = arith.constant 0 : i32
        %dma_start3A_88 = tpu.memref_slice %arg6[%add3A_86, %dma_start3A_87] : memref<640x32xf32, #tpu.memory_space<vmem>> -> memref<1x32xf32, #tpu.memory_space<vmem>>
        %dma_start3A_89 = arith.constant 0 : i32
        %dma_start3A_90 = tpu.memref_slice %arg2[%squeeze3A_84, %dma_start3A_89] : memref<1000001x32xf32, #tpu.memory_space<hbm>> -> memref<1x32xf32, #tpu.memory_space<hbm>>
        %dma_start3A_91 = arith.constant 0 : i32
        %dma_start3A_92 = tpu.memref_slice %arg6[%add3A_86, %dma_start3A_91] : memref<640x32xf32, #tpu.memory_space<vmem>> -> memref<1x32xf32, #tpu.memory_space<vmem>>
        %dma_start3A_93 = arith.constant 0 : i32
        %dma_start3A_94 = tpu.memref_slice %arg2[%squeeze3A_84, %dma_start3A_93] : memref<1000001x32xf32, #tpu.memory_space<hbm>> -> memref<1x32xf32, #tpu.memory_space<hbm>>
        tpu.enqueue_dma source(%dma_start3A_94 : memref<1x32xf32, #tpu.memory_space<hbm>>) target(%dma_start3A_92 : memref<1x32xf32, #tpu.memory_space<vmem>>) target_semaphore(%arg7 : memref<!tpu.dma_semaphore, #tpu.memory_space<semaphore_mem>>)
        %slice3A_95 = vector.extract_strided_slice %get3A_54 {offsets = [3], sizes = [1], strides = [1]} : vector<16xi32> to vector<1xi32>
        %squeeze3A_96 = vector.extract %slice3A_95[0] : i32 from vector<1xi32>
        %add3A_97 = arith.constant 3 : i32
        %add3A_98 = arith.addi %mul3A_48, %add3A_97 : i32
        %dma_start3A_99 = arith.constant 0 : i32
        %dma_start3A_100 = tpu.memref_slice %arg6[%add3A_98, %dma_start3A_99] : memref<640x32xf32, #tpu.memory_space<vmem>> -> memref<1x32xf32, #tpu.memory_space<vmem>>
        %dma_start3A_101 = arith.constant 0 : i32
        %dma_start3A_102 = tpu.memref_slice %arg2[%squeeze3A_96, %dma_start3A_101] : memref<1000001x32xf32, #tpu.memory_space<hbm>> -> memref<1x32xf32, #tpu.memory_space<hbm>>
        %dma_start3A_103 = arith.constant 0 : i32
        %dma_start3A_104 = tpu.memref_slice %arg6[%add3A_98, %dma_start3A_103] : memref<640x32xf32, #tpu.memory_space<vmem>> -> memref<1x32xf32, #tpu.memory_space<vmem>>
        %dma_start3A_105 = arith.constant 0 : i32
        %dma_start3A_106 = tpu.memref_slice %arg2[%squeeze3A_96, %dma_start3A_105] : memref<1000001x32xf32, #tpu.memory_space<hbm>> -> memref<1x32xf32, #tpu.memory_space<hbm>>
        tpu.enqueue_dma source(%dma_start3A_106 : memref<1x32xf32, #tpu.memory_space<hbm>>) target(%dma_start3A_104 : memref<1x32xf32, #tpu.memory_space<vmem>>) target_semaphore(%arg7 : memref<!tpu.dma_semaphore, #tpu.memory_space<semaphore_mem>>)
        %slice3A_107 = vector.extract_strided_slice %get3A_54 {offsets = [4], sizes = [1], strides = [1]} : vector<16xi32> to vector<1xi32>
        %squeeze3A_108 = vector.extract %slice3A_107[0] : i32 from vector<1xi32>
        %add3A_109 = arith.constant 4 : i32
        %add3A_110 = arith.addi %mul3A_48, %add3A_109 : i32
        %dma_start3A_111 = arith.constant 0 : i32
        %dma_start3A_112 = tpu.memref_slice %arg6[%add3A_110, %dma_start3A_111] : memref<640x32xf32, #tpu.memory_space<vmem>> -> memref<1x32xf32, #tpu.memory_space<vmem>>
        %dma_start3A_113 = arith.constant 0 : i32
        %dma_start3A_114 = tpu.memref_slice %arg2[%squeeze3A_108, %dma_start3A_113] : memref<1000001x32xf32, #tpu.memory_space<hbm>> -> memref<1x32xf32, #tpu.memory_space<hbm>>
        %dma_start3A_115 = arith.constant 0 : i32
        %dma_start3A_116 = tpu.memref_slice %arg6[%add3A_110, %dma_start3A_115] : memref<640x32xf32, #tpu.memory_space<vmem>> -> memref<1x32xf32, #tpu.memory_space<vmem>>
        %dma_start3A_117 = arith.constant 0 : i32
        %dma_start3A_118 = tpu.memref_slice %arg2[%squeeze3A_108, %dma_start3A_117] : memref<1000001x32xf32, #tpu.memory_space<hbm>> -> memref<1x32xf32, #tpu.memory_space<hbm>>
        tpu.enqueue_dma source(%dma_start3A_118 : memref<1x32xf32, #tpu.memory_space<hbm>>) target(%dma_start3A_116 : memref<1x32xf32, #tpu.memory_space<vmem>>) target_semaphore(%arg7 : memref<!tpu.dma_semaphore, #tpu.memory_space<semaphore_mem>>)
        %slice3A_119 = vector.extract_strided_slice %get3A_54 {offsets = [5], sizes = [1], strides = [1]} : vector<16xi32> to vector<1xi32>
        %squeeze3A_120 = vector.extract %slice3A_119[0] : i32 from vector<1xi32>
        %add3A_121 = arith.constant 5 : i32
        %add3A_122 = arith.addi %mul3A_48, %add3A_121 : i32
        %dma_start3A_123 = arith.constant 0 : i32
        %dma_start3A_124 = tpu.memref_slice %arg6[%add3A_122, %dma_start3A_123] : memref<640x32xf32, #tpu.memory_space<vmem>> -> memref<1x32xf32, #tpu.memory_space<vmem>>
        %dma_start3A_125 = arith.constant 0 : i32
        %dma_start3A_126 = tpu.memref_slice %arg2[%squeeze3A_120, %dma_start3A_125] : memref<1000001x32xf32, #tpu.memory_space<hbm>> -> memref<1x32xf32, #tpu.memory_space<hbm>>
        %dma_start3A_127 = arith.constant 0 : i32
        %dma_start3A_128 = tpu.memref_slice %arg6[%add3A_122, %dma_start3A_127] : memref<640x32xf32, #tpu.memory_space<vmem>> -> memref<1x32xf32, #tpu.memory_space<vmem>>
        %dma_start3A_129 = arith.constant 0 : i32
        %dma_start3A_130 = tpu.memref_slice %arg2[%squeeze3A_120, %dma_start3A_129] : memref<1000001x32xf32, #tpu.memory_space<hbm>> -> memref<1x32xf32, #tpu.memory_space<hbm>>
        tpu.enqueue_dma source(%dma_start3A_130 : memref<1x32xf32, #tpu.memory_space<hbm>>) target(%dma_start3A_128 : memref<1x32xf32, #tpu.memory_space<vmem>>) target_semaphore(%arg7 : memref<!tpu.dma_semaphore, #tpu.memory_space<semaphore_mem>>)
        %slice3A_131 = vector.extract_strided_slice %get3A_54 {offsets = [6], sizes = [1], strides = [1]} : vector<16xi32> to vector<1xi32>
        %squeeze3A_132 = vector.extract %slice3A_131[0] : i32 from vector<1xi32>
        %add3A_133 = arith.constant 6 : i32
        %add3A_134 = arith.addi %mul3A_48, %add3A_133 : i32
        %dma_start3A_135 = arith.constant 0 : i32
        %dma_start3A_136 = tpu.memref_slice %arg6[%add3A_134, %dma_start3A_135] : memref<640x32xf32, #tpu.memory_space<vmem>> -> memref<1x32xf32, #tpu.memory_space<vmem>>
        %dma_start3A_137 = arith.constant 0 : i32
        %dma_start3A_138 = tpu.memref_slice %arg2[%squeeze3A_132, %dma_start3A_137] : memref<1000001x32xf32, #tpu.memory_space<hbm>> -> memref<1x32xf32, #tpu.memory_space<hbm>>
        %dma_start3A_139 = arith.constant 0 : i32
        %dma_start3A_140 = tpu.memref_slice %arg6[%add3A_134, %dma_start3A_139] : memref<640x32xf32, #tpu.memory_space<vmem>> -> memref<1x32xf32, #tpu.memory_space<vmem>>
        %dma_start3A_141 = arith.constant 0 : i32
        %dma_start3A_142 = tpu.memref_slice %arg2[%squeeze3A_132, %dma_start3A_141] : memref<1000001x32xf32, #tpu.memory_space<hbm>> -> memref<1x32xf32, #tpu.memory_space<hbm>>
        tpu.enqueue_dma source(%dma_start3A_142 : memref<1x32xf32, #tpu.memory_space<hbm>>) target(%dma_start3A_140 : memref<1x32xf32, #tpu.memory_space<vmem>>) target_semaphore(%arg7 : memref<!tpu.dma_semaphore, #tpu.memory_space<semaphore_mem>>)
        %slice3A_143 = vector.extract_strided_slice %get3A_54 {offsets = [7], sizes = [1], strides = [1]} : vector<16xi32> to vector<1xi32>
        %squeeze3A_144 = vector.extract %slice3A_143[0] : i32 from vector<1xi32>
        %add3A_145 = arith.constant 7 : i32
        %add3A_146 = arith.addi %mul3A_48, %add3A_145 : i32
        %dma_start3A_147 = arith.constant 0 : i32
        %dma_start3A_148 = tpu.memref_slice %arg6[%add3A_146, %dma_start3A_147] : memref<640x32xf32, #tpu.memory_space<vmem>> -> memref<1x32xf32, #tpu.memory_space<vmem>>
        %dma_start3A_149 = arith.constant 0 : i32
        %dma_start3A_150 = tpu.memref_slice %arg2[%squeeze3A_144, %dma_start3A_149] : memref<1000001x32xf32, #tpu.memory_space<hbm>> -> memref<1x32xf32, #tpu.memory_space<hbm>>
        %dma_start3A_151 = arith.constant 0 : i32
        %dma_start3A_152 = tpu.memref_slice %arg6[%add3A_146, %dma_start3A_151] : memref<640x32xf32, #tpu.memory_space<vmem>> -> memref<1x32xf32, #tpu.memory_space<vmem>>
        %dma_start3A_153 = arith.constant 0 : i32
        %dma_start3A_154 = tpu.memref_slice %arg2[%squeeze3A_144, %dma_start3A_153] : memref<1000001x32xf32, #tpu.memory_space<hbm>> -> memref<1x32xf32, #tpu.memory_space<hbm>>
        tpu.enqueue_dma source(%dma_start3A_154 : memref<1x32xf32, #tpu.memory_space<hbm>>) target(%dma_start3A_152 : memref<1x32xf32, #tpu.memory_space<vmem>>) target_semaphore(%arg7 : memref<!tpu.dma_semaphore, #tpu.memory_space<semaphore_mem>>)
        %slice3A_155 = vector.extract_strided_slice %get3A_54 {offsets = [8], sizes = [1], strides = [1]} : vector<16xi32> to vector<1xi32>
        %squeeze3A_156 = vector.extract %slice3A_155[0] : i32 from vector<1xi32>
        %add3A_157 = arith.constant 8 : i32
        %add3A_158 = arith.addi %mul3A_48, %add3A_157 : i32
        %dma_start3A_159 = arith.constant 0 : i32
        %dma_start3A_160 = tpu.memref_slice %arg6[%add3A_158, %dma_start3A_159] : memref<640x32xf32, #tpu.memory_space<vmem>> -> memref<1x32xf32, #tpu.memory_space<vmem>>
        %dma_start3A_161 = arith.constant 0 : i32
        %dma_start3A_162 = tpu.memref_slice %arg2[%squeeze3A_156, %dma_start3A_161] : memref<1000001x32xf32, #tpu.memory_space<hbm>> -> memref<1x32xf32, #tpu.memory_space<hbm>>
        %dma_start3A_163 = arith.constant 0 : i32
        %dma_start3A_164 = tpu.memref_slice %arg6[%add3A_158, %dma_start3A_163] : memref<640x32xf32, #tpu.memory_space<vmem>> -> memref<1x32xf32, #tpu.memory_space<vmem>>
        %dma_start3A_165 = arith.constant 0 : i32
        %dma_start3A_166 = tpu.memref_slice %arg2[%squeeze3A_156, %dma_start3A_165] : memref<1000001x32xf32, #tpu.memory_space<hbm>> -> memref<1x32xf32, #tpu.memory_space<hbm>>
        tpu.enqueue_dma source(%dma_start3A_166 : memref<1x32xf32, #tpu.memory_space<hbm>>) target(%dma_start3A_164 : memref<1x32xf32, #tpu.memory_space<vmem>>) target_semaphore(%arg7 : memref<!tpu.dma_semaphore, #tpu.memory_space<semaphore_mem>>)
        %slice3A_167 = vector.extract_strided_slice %get3A_54 {offsets = [9], sizes = [1], strides = [1]} : vector<16xi32> to vector<1xi32>
        %squeeze3A_168 = vector.extract %slice3A_167[0] : i32 from vector<1xi32>
        %add3A_169 = arith.constant 9 : i32
        %add3A_170 = arith.addi %mul3A_48, %add3A_169 : i32
        %dma_start3A_171 = arith.constant 0 : i32
        %dma_start3A_172 = tpu.memref_slice %arg6[%add3A_170, %dma_start3A_171] : memref<640x32xf32, #tpu.memory_space<vmem>> -> memref<1x32xf32, #tpu.memory_space<vmem>>
        %dma_start3A_173 = arith.constant 0 : i32
        %dma_start3A_174 = tpu.memref_slice %arg2[%squeeze3A_168, %dma_start3A_173] : memref<1000001x32xf32, #tpu.memory_space<hbm>> -> memref<1x32xf32, #tpu.memory_space<hbm>>
        %dma_start3A_175 = arith.constant 0 : i32
        %dma_start3A_176 = tpu.memref_slice %arg6[%add3A_170, %dma_start3A_175] : memref<640x32xf32, #tpu.memory_space<vmem>> -> memref<1x32xf32, #tpu.memory_space<vmem>>
        %dma_start3A_177 = arith.constant 0 : i32
        %dma_start3A_178 = tpu.memref_slice %arg2[%squeeze3A_168, %dma_start3A_177] : memref<1000001x32xf32, #tpu.memory_space<hbm>> -> memref<1x32xf32, #tpu.memory_space<hbm>>
        tpu.enqueue_dma source(%dma_start3A_178 : memref<1x32xf32, #tpu.memory_space<hbm>>) target(%dma_start3A_176 : memref<1x32xf32, #tpu.memory_space<vmem>>) target_semaphore(%arg7 : memref<!tpu.dma_semaphore, #tpu.memory_space<semaphore_mem>>)
        %slice3A_179 = vector.extract_strided_slice %get3A_54 {offsets = [10], sizes = [1], strides = [1]} : vector<16xi32> to vector<1xi32>
        %squeeze3A_180 = vector.extract %slice3A_179[0] : i32 from vector<1xi32>
        %add3A_181 = arith.constant 10 : i32
        %add3A_182 = arith.addi %mul3A_48, %add3A_181 : i32
        %dma_start3A_183 = arith.constant 0 : i32
        %dma_start3A_184 = tpu.memref_slice %arg6[%add3A_182, %dma_start3A_183] : memref<640x32xf32, #tpu.memory_space<vmem>> -> memref<1x32xf32, #tpu.memory_space<vmem>>
        %dma_start3A_185 = arith.constant 0 : i32
        %dma_start3A_186 = tpu.memref_slice %arg2[%squeeze3A_180, %dma_start3A_185] : memref<1000001x32xf32, #tpu.memory_space<hbm>> -> memref<1x32xf32, #tpu.memory_space<hbm>>
        %dma_start3A_187 = arith.constant 0 : i32
        %dma_start3A_188 = tpu.memref_slice %arg6[%add3A_182, %dma_start3A_187] : memref<640x32xf32, #tpu.memory_space<vmem>> -> memref<1x32xf32, #tpu.memory_space<vmem>>
        %dma_start3A_189 = arith.constant 0 : i32
        %dma_start3A_190 = tpu.memref_slice %arg2[%squeeze3A_180, %dma_start3A_189] : memref<1000001x32xf32, #tpu.memory_space<hbm>> -> memref<1x32xf32, #tpu.memory_space<hbm>>
        tpu.enqueue_dma source(%dma_start3A_190 : memref<1x32xf32, #tpu.memory_space<hbm>>) target(%dma_start3A_188 : memref<1x32xf32, #tpu.memory_space<vmem>>) target_semaphore(%arg7 : memref<!tpu.dma_semaphore, #tpu.memory_space<semaphore_mem>>)
        %slice3A_191 = vector.extract_strided_slice %get3A_54 {offsets = [11], sizes = [1], strides = [1]} : vector<16xi32> to vector<1xi32>
        %squeeze3A_192 = vector.extract %slice3A_191[0] : i32 from vector<1xi32>
        %add3A_193 = arith.constant 11 : i32
        %add3A_194 = arith.addi %mul3A_48, %add3A_193 : i32
        %dma_start3A_195 = arith.constant 0 : i32
        %dma_start3A_196 = tpu.memref_slice %arg6[%add3A_194, %dma_start3A_195] : memref<640x32xf32, #tpu.memory_space<vmem>> -> memref<1x32xf32, #tpu.memory_space<vmem>>
        %dma_start3A_197 = arith.constant 0 : i32
        %dma_start3A_198 = tpu.memref_slice %arg2[%squeeze3A_192, %dma_start3A_197] : memref<1000001x32xf32, #tpu.memory_space<hbm>> -> memref<1x32xf32, #tpu.memory_space<hbm>>
        %dma_start3A_199 = arith.constant 0 : i32
        %dma_start3A_200 = tpu.memref_slice %arg6[%add3A_194, %dma_start3A_199] : memref<640x32xf32, #tpu.memory_space<vmem>> -> memref<1x32xf32, #tpu.memory_space<vmem>>
        %dma_start3A_201 = arith.constant 0 : i32
        %dma_start3A_202 = tpu.memref_slice %arg2[%squeeze3A_192, %dma_start3A_201] : memref<1000001x32xf32, #tpu.memory_space<hbm>> -> memref<1x32xf32, #tpu.memory_space<hbm>>
        tpu.enqueue_dma source(%dma_start3A_202 : memref<1x32xf32, #tpu.memory_space<hbm>>) target(%dma_start3A_200 : memref<1x32xf32, #tpu.memory_space<vmem>>) target_semaphore(%arg7 : memref<!tpu.dma_semaphore, #tpu.memory_space<semaphore_mem>>)
        %slice3A_203 = vector.extract_strided_slice %get3A_54 {offsets = [12], sizes = [1], strides = [1]} : vector<16xi32> to vector<1xi32>
        %squeeze3A_204 = vector.extract %slice3A_203[0] : i32 from vector<1xi32>
        %add3A_205 = arith.constant 12 : i32
        %add3A_206 = arith.addi %mul3A_48, %add3A_205 : i32
        %dma_start3A_207 = arith.constant 0 : i32
        %dma_start3A_208 = tpu.memref_slice %arg6[%add3A_206, %dma_start3A_207] : memref<640x32xf32, #tpu.memory_space<vmem>> -> memref<1x32xf32, #tpu.memory_space<vmem>>
        %dma_start3A_209 = arith.constant 0 : i32
        %dma_start3A_210 = tpu.memref_slice %arg2[%squeeze3A_204, %dma_start3A_209] : memref<1000001x32xf32, #tpu.memory_space<hbm>> -> memref<1x32xf32, #tpu.memory_space<hbm>>
        %dma_start3A_211 = arith.constant 0 : i32
        %dma_start3A_212 = tpu.memref_slice %arg6[%add3A_206, %dma_start3A_211] : memref<640x32xf32, #tpu.memory_space<vmem>> -> memref<1x32xf32, #tpu.memory_space<vmem>>
        %dma_start3A_213 = arith.constant 0 : i32
        %dma_start3A_214 = tpu.memref_slice %arg2[%squeeze3A_204, %dma_start3A_213] : memref<1000001x32xf32, #tpu.memory_space<hbm>> -> memref<1x32xf32, #tpu.memory_space<hbm>>
        tpu.enqueue_dma source(%dma_start3A_214 : memref<1x32xf32, #tpu.memory_space<hbm>>) target(%dma_start3A_212 : memref<1x32xf32, #tpu.memory_space<vmem>>) target_semaphore(%arg7 : memref<!tpu.dma_semaphore, #tpu.memory_space<semaphore_mem>>)
        %slice3A_215 = vector.extract_strided_slice %get3A_54 {offsets = [13], sizes = [1], strides = [1]} : vector<16xi32> to vector<1xi32>
        %squeeze3A_216 = vector.extract %slice3A_215[0] : i32 from vector<1xi32>
        %add3A_217 = arith.constant 13 : i32
        %add3A_218 = arith.addi %mul3A_48, %add3A_217 : i32
        %dma_start3A_219 = arith.constant 0 : i32
        %dma_start3A_220 = tpu.memref_slice %arg6[%add3A_218, %dma_start3A_219] : memref<640x32xf32, #tpu.memory_space<vmem>> -> memref<1x32xf32, #tpu.memory_space<vmem>>
        %dma_start3A_221 = arith.constant 0 : i32
        %dma_start3A_222 = tpu.memref_slice %arg2[%squeeze3A_216, %dma_start3A_221] : memref<1000001x32xf32, #tpu.memory_space<hbm>> -> memref<1x32xf32, #tpu.memory_space<hbm>>
        %dma_start3A_223 = arith.constant 0 : i32
        %dma_start3A_224 = tpu.memref_slice %arg6[%add3A_218, %dma_start3A_223] : memref<640x32xf32, #tpu.memory_space<vmem>> -> memref<1x32xf32, #tpu.memory_space<vmem>>
        %dma_start3A_225 = arith.constant 0 : i32
        %dma_start3A_226 = tpu.memref_slice %arg2[%squeeze3A_216, %dma_start3A_225] : memref<1000001x32xf32, #tpu.memory_space<hbm>> -> memref<1x32xf32, #tpu.memory_space<hbm>>
        tpu.enqueue_dma source(%dma_start3A_226 : memref<1x32xf32, #tpu.memory_space<hbm>>) target(%dma_start3A_224 : memref<1x32xf32, #tpu.memory_space<vmem>>) target_semaphore(%arg7 : memref<!tpu.dma_semaphore, #tpu.memory_space<semaphore_mem>>)
        %slice3A_227 = vector.extract_strided_slice %get3A_54 {offsets = [14], sizes = [1], strides = [1]} : vector<16xi32> to vector<1xi32>
        %squeeze3A_228 = vector.extract %slice3A_227[0] : i32 from vector<1xi32>
        %add3A_229 = arith.constant 14 : i32
        %add3A_230 = arith.addi %mul3A_48, %add3A_229 : i32
        %dma_start3A_231 = arith.constant 0 : i32
        %dma_start3A_232 = tpu.memref_slice %arg6[%add3A_230, %dma_start3A_231] : memref<640x32xf32, #tpu.memory_space<vmem>> -> memref<1x32xf32, #tpu.memory_space<vmem>>
        %dma_start3A_233 = arith.constant 0 : i32
        %dma_start3A_234 = tpu.memref_slice %arg2[%squeeze3A_228, %dma_start3A_233] : memref<1000001x32xf32, #tpu.memory_space<hbm>> -> memref<1x32xf32, #tpu.memory_space<hbm>>
        %dma_start3A_235 = arith.constant 0 : i32
        %dma_start3A_236 = tpu.memref_slice %arg6[%add3A_230, %dma_start3A_235] : memref<640x32xf32, #tpu.memory_space<vmem>> -> memref<1x32xf32, #tpu.memory_space<vmem>>
        %dma_start3A_237 = arith.constant 0 : i32
        %dma_start3A_238 = tpu.memref_slice %arg2[%squeeze3A_228, %dma_start3A_237] : memref<1000001x32xf32, #tpu.memory_space<hbm>> -> memref<1x32xf32, #tpu.memory_space<hbm>>
        tpu.enqueue_dma source(%dma_start3A_238 : memref<1x32xf32, #tpu.memory_space<hbm>>) target(%dma_start3A_236 : memref<1x32xf32, #tpu.memory_space<vmem>>) target_semaphore(%arg7 : memref<!tpu.dma_semaphore, #tpu.memory_space<semaphore_mem>>)
        %slice3A_239 = vector.extract_strided_slice %get3A_54 {offsets = [15], sizes = [1], strides = [1]} : vector<16xi32> to vector<1xi32>
        %squeeze3A_240 = vector.extract %slice3A_239[0] : i32 from vector<1xi32>
        %add3A_241 = arith.constant 15 : i32
        %add3A_242 = arith.addi %mul3A_48, %add3A_241 : i32
        %dma_start3A_243 = arith.constant 0 : i32
        %dma_start3A_244 = tpu.memref_slice %arg6[%add3A_242, %dma_start3A_243] : memref<640x32xf32, #tpu.memory_space<vmem>> -> memref<1x32xf32, #tpu.memory_space<vmem>>
        %dma_start3A_245 = arith.constant 0 : i32
        %dma_start3A_246 = tpu.memref_slice %arg2[%squeeze3A_240, %dma_start3A_245] : memref<1000001x32xf32, #tpu.memory_space<hbm>> -> memref<1x32xf32, #tpu.memory_space<hbm>>
        %dma_start3A_247 = arith.constant 0 : i32
        %dma_start3A_248 = tpu.memref_slice %arg6[%add3A_242, %dma_start3A_247] : memref<640x32xf32, #tpu.memory_space<vmem>> -> memref<1x32xf32, #tpu.memory_space<vmem>>
        %dma_start3A_249 = arith.constant 0 : i32
        %dma_start3A_250 = tpu.memref_slice %arg2[%squeeze3A_240, %dma_start3A_249] : memref<1000001x32xf32, #tpu.memory_space<hbm>> -> memref<1x32xf32, #tpu.memory_space<hbm>>
        tpu.enqueue_dma source(%dma_start3A_250 : memref<1x32xf32, #tpu.memory_space<hbm>>) target(%dma_start3A_248 : memref<1x32xf32, #tpu.memory_space<vmem>>) target_semaphore(%arg7 : memref<!tpu.dma_semaphore, #tpu.memory_space<semaphore_mem>>)
        %slice3A_251 = vector.extract_strided_slice %get3A_61 {offsets = [0], sizes = [1], strides = [1]} : vector<16xi32> to vector<1xi32>
        %squeeze3A_252 = vector.extract %slice3A_251[0] : i32 from vector<1xi32>
        %add3A_253 = arith.constant 16 : i32
        %add3A_254 = arith.addi %mul3A_48, %add3A_253 : i32
        %dma_start3A_255 = arith.constant 0 : i32
        %dma_start3A_256 = tpu.memref_slice %arg6[%add3A_254, %dma_start3A_255] : memref<640x32xf32, #tpu.memory_space<vmem>> -> memref<1x32xf32, #tpu.memory_space<vmem>>
        %dma_start3A_257 = arith.constant 0 : i32
        %dma_start3A_258 = tpu.memref_slice %arg2[%squeeze3A_252, %dma_start3A_257] : memref<1000001x32xf32, #tpu.memory_space<hbm>> -> memref<1x32xf32, #tpu.memory_space<hbm>>
        %dma_start3A_259 = arith.constant 0 : i32
        %dma_start3A_260 = tpu.memref_slice %arg6[%add3A_254, %dma_start3A_259] : memref<640x32xf32, #tpu.memory_space<vmem>> -> memref<1x32xf32, #tpu.memory_space<vmem>>
        %dma_start3A_261 = arith.constant 0 : i32
        %dma_start3A_262 = tpu.memref_slice %arg2[%squeeze3A_252, %dma_start3A_261] : memref<1000001x32xf32, #tpu.memory_space<hbm>> -> memref<1x32xf32, #tpu.memory_space<hbm>>
        tpu.enqueue_dma source(%dma_start3A_262 : memref<1x32xf32, #tpu.memory_space<hbm>>) target(%dma_start3A_260 : memref<1x32xf32, #tpu.memory_space<vmem>>) target_semaphore(%arg7 : memref<!tpu.dma_semaphore, #tpu.memory_space<semaphore_mem>>)
        %slice3A_263 = vector.extract_strided_slice %get3A_61 {offsets = [1], sizes = [1], strides = [1]} : vector<16xi32> to vector<1xi32>
        %squeeze3A_264 = vector.extract %slice3A_263[0] : i32 from vector<1xi32>
        %add3A_265 = arith.constant 17 : i32
        %add3A_266 = arith.addi %mul3A_48, %add3A_265 : i32
        %dma_start3A_267 = arith.constant 0 : i32
        %dma_start3A_268 = tpu.memref_slice %arg6[%add3A_266, %dma_start3A_267] : memref<640x32xf32, #tpu.memory_space<vmem>> -> memref<1x32xf32, #tpu.memory_space<vmem>>
        %dma_start3A_269 = arith.constant 0 : i32
        %dma_start3A_270 = tpu.memref_slice %arg2[%squeeze3A_264, %dma_start3A_269] : memref<1000001x32xf32, #tpu.memory_space<hbm>> -> memref<1x32xf32, #tpu.memory_space<hbm>>
        %dma_start3A_271 = arith.constant 0 : i32
        %dma_start3A_272 = tpu.memref_slice %arg6[%add3A_266, %dma_start3A_271] : memref<640x32xf32, #tpu.memory_space<vmem>> -> memref<1x32xf32, #tpu.memory_space<vmem>>
        %dma_start3A_273 = arith.constant 0 : i32
        %dma_start3A_274 = tpu.memref_slice %arg2[%squeeze3A_264, %dma_start3A_273] : memref<1000001x32xf32, #tpu.memory_space<hbm>> -> memref<1x32xf32, #tpu.memory_space<hbm>>
        tpu.enqueue_dma source(%dma_start3A_274 : memref<1x32xf32, #tpu.memory_space<hbm>>) target(%dma_start3A_272 : memref<1x32xf32, #tpu.memory_space<vmem>>) target_semaphore(%arg7 : memref<!tpu.dma_semaphore, #tpu.memory_space<semaphore_mem>>)
        %slice3A_275 = vector.extract_strided_slice %get3A_61 {offsets = [2], sizes = [1], strides = [1]} : vector<16xi32> to vector<1xi32>
        %squeeze3A_276 = vector.extract %slice3A_275[0] : i32 from vector<1xi32>
        %add3A_277 = arith.constant 18 : i32
        %add3A_278 = arith.addi %mul3A_48, %add3A_277 : i32
        %dma_start3A_279 = arith.constant 0 : i32
        %dma_start3A_280 = tpu.memref_slice %arg6[%add3A_278, %dma_start3A_279] : memref<640x32xf32, #tpu.memory_space<vmem>> -> memref<1x32xf32, #tpu.memory_space<vmem>>
        %dma_start3A_281 = arith.constant 0 : i32
        %dma_start3A_282 = tpu.memref_slice %arg2[%squeeze3A_276, %dma_start3A_281] : memref<1000001x32xf32, #tpu.memory_space<hbm>> -> memref<1x32xf32, #tpu.memory_space<hbm>>
        %dma_start3A_283 = arith.constant 0 : i32
        %dma_start3A_284 = tpu.memref_slice %arg6[%add3A_278, %dma_start3A_283] : memref<640x32xf32, #tpu.memory_space<vmem>> -> memref<1x32xf32, #tpu.memory_space<vmem>>
        %dma_start3A_285 = arith.constant 0 : i32
        %dma_start3A_286 = tpu.memref_slice %arg2[%squeeze3A_276, %dma_start3A_285] : memref<1000001x32xf32, #tpu.memory_space<hbm>> -> memref<1x32xf32, #tpu.memory_space<hbm>>
        tpu.enqueue_dma source(%dma_start3A_286 : memref<1x32xf32, #tpu.memory_space<hbm>>) target(%dma_start3A_284 : memref<1x32xf32, #tpu.memory_space<vmem>>) target_semaphore(%arg7 : memref<!tpu.dma_semaphore, #tpu.memory_space<semaphore_mem>>)
        %slice3A_287 = vector.extract_strided_slice %get3A_61 {offsets = [3], sizes = [1], strides = [1]} : vector<16xi32> to vector<1xi32>
        %squeeze3A_288 = vector.extract %slice3A_287[0] : i32 from vector<1xi32>
        %add3A_289 = arith.constant 19 : i32
        %add3A_290 = arith.addi %mul3A_48, %add3A_289 : i32
        %dma_start3A_291 = arith.constant 0 : i32
        %dma_start3A_292 = tpu.memref_slice %arg6[%add3A_290, %dma_start3A_291] : memref<640x32xf32, #tpu.memory_space<vmem>> -> memref<1x32xf32, #tpu.memory_space<vmem>>
        %dma_start3A_293 = arith.constant 0 : i32
        %dma_start3A_294 = tpu.memref_slice %arg2[%squeeze3A_288, %dma_start3A_293] : memref<1000001x32xf32, #tpu.memory_space<hbm>> -> memref<1x32xf32, #tpu.memory_space<hbm>>
        %dma_start3A_295 = arith.constant 0 : i32
        %dma_start3A_296 = tpu.memref_slice %arg6[%add3A_290, %dma_start3A_295] : memref<640x32xf32, #tpu.memory_space<vmem>> -> memref<1x32xf32, #tpu.memory_space<vmem>>
        %dma_start3A_297 = arith.constant 0 : i32
        %dma_start3A_298 = tpu.memref_slice %arg2[%squeeze3A_288, %dma_start3A_297] : memref<1000001x32xf32, #tpu.memory_space<hbm>> -> memref<1x32xf32, #tpu.memory_space<hbm>>
        tpu.enqueue_dma source(%dma_start3A_298 : memref<1x32xf32, #tpu.memory_space<hbm>>) target(%dma_start3A_296 : memref<1x32xf32, #tpu.memory_space<vmem>>) target_semaphore(%arg7 : memref<!tpu.dma_semaphore, #tpu.memory_space<semaphore_mem>>)
        %slice3A_299 = vector.extract_strided_slice %get3A_61 {offsets = [4], sizes = [1], strides = [1]} : vector<16xi32> to vector<1xi32>
        %squeeze3A_300 = vector.extract %slice3A_299[0] : i32 from vector<1xi32>
        %add3A_301 = arith.constant 20 : i32
        %add3A_302 = arith.addi %mul3A_48, %add3A_301 : i32
        %dma_start3A_303 = arith.constant 0 : i32
        %dma_start3A_304 = tpu.memref_slice %arg6[%add3A_302, %dma_start3A_303] : memref<640x32xf32, #tpu.memory_space<vmem>> -> memref<1x32xf32, #tpu.memory_space<vmem>>
        %dma_start3A_305 = arith.constant 0 : i32
        %dma_start3A_306 = tpu.memref_slice %arg2[%squeeze3A_300, %dma_start3A_305] : memref<1000001x32xf32, #tpu.memory_space<hbm>> -> memref<1x32xf32, #tpu.memory_space<hbm>>
        %dma_start3A_307 = arith.constant 0 : i32
        %dma_start3A_308 = tpu.memref_slice %arg6[%add3A_302, %dma_start3A_307] : memref<640x32xf32, #tpu.memory_space<vmem>> -> memref<1x32xf32, #tpu.memory_space<vmem>>
        %dma_start3A_309 = arith.constant 0 : i32
        %dma_start3A_310 = tpu.memref_slice %arg2[%squeeze3A_300, %dma_start3A_309] : memref<1000001x32xf32, #tpu.memory_space<hbm>> -> memref<1x32xf32, #tpu.memory_space<hbm>>
        tpu.enqueue_dma source(%dma_start3A_310 : memref<1x32xf32, #tpu.memory_space<hbm>>) target(%dma_start3A_308 : memref<1x32xf32, #tpu.memory_space<vmem>>) target_semaphore(%arg7 : memref<!tpu.dma_semaphore, #tpu.memory_space<semaphore_mem>>)
        %slice3A_311 = vector.extract_strided_slice %get3A_61 {offsets = [5], sizes = [1], strides = [1]} : vector<16xi32> to vector<1xi32>
        %squeeze3A_312 = vector.extract %slice3A_311[0] : i32 from vector<1xi32>
        %add3A_313 = arith.constant 21 : i32
        %add3A_314 = arith.addi %mul3A_48, %add3A_313 : i32
        %dma_start3A_315 = arith.constant 0 : i32
        %dma_start3A_316 = tpu.memref_slice %arg6[%add3A_314, %dma_start3A_315] : memref<640x32xf32, #tpu.memory_space<vmem>> -> memref<1x32xf32, #tpu.memory_space<vmem>>
        %dma_start3A_317 = arith.constant 0 : i32
        %dma_start3A_318 = tpu.memref_slice %arg2[%squeeze3A_312, %dma_start3A_317] : memref<1000001x32xf32, #tpu.memory_space<hbm>> -> memref<1x32xf32, #tpu.memory_space<hbm>>
        %dma_start3A_319 = arith.constant 0 : i32
        %dma_start3A_320 = tpu.memref_slice %arg6[%add3A_314, %dma_start3A_319] : memref<640x32xf32, #tpu.memory_space<vmem>> -> memref<1x32xf32, #tpu.memory_space<vmem>>
        %dma_start3A_321 = arith.constant 0 : i32
        %dma_start3A_322 = tpu.memref_slice %arg2[%squeeze3A_312, %dma_start3A_321] : memref<1000001x32xf32, #tpu.memory_space<hbm>> -> memref<1x32xf32, #tpu.memory_space<hbm>>
        tpu.enqueue_dma source(%dma_start3A_322 : memref<1x32xf32, #tpu.memory_space<hbm>>) target(%dma_start3A_320 : memref<1x32xf32, #tpu.memory_space<vmem>>) target_semaphore(%arg7 : memref<!tpu.dma_semaphore, #tpu.memory_space<semaphore_mem>>)
        %slice3A_323 = vector.extract_strided_slice %get3A_61 {offsets = [6], sizes = [1], strides = [1]} : vector<16xi32> to vector<1xi32>
        %squeeze3A_324 = vector.extract %slice3A_323[0] : i32 from vector<1xi32>
        %add3A_325 = arith.constant 22 : i32
        %add3A_326 = arith.addi %mul3A_48, %add3A_325 : i32
        %dma_start3A_327 = arith.constant 0 : i32
        %dma_start3A_328 = tpu.memref_slice %arg6[%add3A_326, %dma_start3A_327] : memref<640x32xf32, #tpu.memory_space<vmem>> -> memref<1x32xf32, #tpu.memory_space<vmem>>
        %dma_start3A_329 = arith.constant 0 : i32
        %dma_start3A_330 = tpu.memref_slice %arg2[%squeeze3A_324, %dma_start3A_329] : memref<1000001x32xf32, #tpu.memory_space<hbm>> -> memref<1x32xf32, #tpu.memory_space<hbm>>
        %dma_start3A_331 = arith.constant 0 : i32
        %dma_start3A_332 = tpu.memref_slice %arg6[%add3A_326, %dma_start3A_331] : memref<640x32xf32, #tpu.memory_space<vmem>> -> memref<1x32xf32, #tpu.memory_space<vmem>>
        %dma_start3A_333 = arith.constant 0 : i32
        %dma_start3A_334 = tpu.memref_slice %arg2[%squeeze3A_324, %dma_start3A_333] : memref<1000001x32xf32, #tpu.memory_space<hbm>> -> memref<1x32xf32, #tpu.memory_space<hbm>>
        tpu.enqueue_dma source(%dma_start3A_334 : memref<1x32xf32, #tpu.memory_space<hbm>>) target(%dma_start3A_332 : memref<1x32xf32, #tpu.memory_space<vmem>>) target_semaphore(%arg7 : memref<!tpu.dma_semaphore, #tpu.memory_space<semaphore_mem>>)
        %slice3A_335 = vector.extract_strided_slice %get3A_61 {offsets = [7], sizes = [1], strides = [1]} : vector<16xi32> to vector<1xi32>
        %squeeze3A_336 = vector.extract %slice3A_335[0] : i32 from vector<1xi32>
        %add3A_337 = arith.constant 23 : i32
        %add3A_338 = arith.addi %mul3A_48, %add3A_337 : i32
        %dma_start3A_339 = arith.constant 0 : i32
        %dma_start3A_340 = tpu.memref_slice %arg6[%add3A_338, %dma_start3A_339] : memref<640x32xf32, #tpu.memory_space<vmem>> -> memref<1x32xf32, #tpu.memory_space<vmem>>
        %dma_start3A_341 = arith.constant 0 : i32
        %dma_start3A_342 = tpu.memref_slice %arg2[%squeeze3A_336, %dma_start3A_341] : memref<1000001x32xf32, #tpu.memory_space<hbm>> -> memref<1x32xf32, #tpu.memory_space<hbm>>
        %dma_start3A_343 = arith.constant 0 : i32
        %dma_start3A_344 = tpu.memref_slice %arg6[%add3A_338, %dma_start3A_343] : memref<640x32xf32, #tpu.memory_space<vmem>> -> memref<1x32xf32, #tpu.memory_space<vmem>>
        %dma_start3A_345 = arith.constant 0 : i32
        %dma_start3A_346 = tpu.memref_slice %arg2[%squeeze3A_336, %dma_start3A_345] : memref<1000001x32xf32, #tpu.memory_space<hbm>> -> memref<1x32xf32, #tpu.memory_space<hbm>>
        tpu.enqueue_dma source(%dma_start3A_346 : memref<1x32xf32, #tpu.memory_space<hbm>>) target(%dma_start3A_344 : memref<1x32xf32, #tpu.memory_space<vmem>>) target_semaphore(%arg7 : memref<!tpu.dma_semaphore, #tpu.memory_space<semaphore_mem>>)
        %slice3A_347 = vector.extract_strided_slice %get3A_61 {offsets = [8], sizes = [1], strides = [1]} : vector<16xi32> to vector<1xi32>
        %squeeze3A_348 = vector.extract %slice3A_347[0] : i32 from vector<1xi32>
        %add3A_349 = arith.constant 24 : i32
        %add3A_350 = arith.addi %mul3A_48, %add3A_349 : i32
        %dma_start3A_351 = arith.constant 0 : i32
        %dma_start3A_352 = tpu.memref_slice %arg6[%add3A_350, %dma_start3A_351] : memref<640x32xf32, #tpu.memory_space<vmem>> -> memref<1x32xf32, #tpu.memory_space<vmem>>
        %dma_start3A_353 = arith.constant 0 : i32
        %dma_start3A_354 = tpu.memref_slice %arg2[%squeeze3A_348, %dma_start3A_353] : memref<1000001x32xf32, #tpu.memory_space<hbm>> -> memref<1x32xf32, #tpu.memory_space<hbm>>
        %dma_start3A_355 = arith.constant 0 : i32
        %dma_start3A_356 = tpu.memref_slice %arg6[%add3A_350, %dma_start3A_355] : memref<640x32xf32, #tpu.memory_space<vmem>> -> memref<1x32xf32, #tpu.memory_space<vmem>>
        %dma_start3A_357 = arith.constant 0 : i32
        %dma_start3A_358 = tpu.memref_slice %arg2[%squeeze3A_348, %dma_start3A_357] : memref<1000001x32xf32, #tpu.memory_space<hbm>> -> memref<1x32xf32, #tpu.memory_space<hbm>>
        tpu.enqueue_dma source(%dma_start3A_358 : memref<1x32xf32, #tpu.memory_space<hbm>>) target(%dma_start3A_356 : memref<1x32xf32, #tpu.memory_space<vmem>>) target_semaphore(%arg7 : memref<!tpu.dma_semaphore, #tpu.memory_space<semaphore_mem>>)
        %slice3A_359 = vector.extract_strided_slice %get3A_61 {offsets = [9], sizes = [1], strides = [1]} : vector<16xi32> to vector<1xi32>
        %squeeze3A_360 = vector.extract %slice3A_359[0] : i32 from vector<1xi32>
        %add3A_361 = arith.constant 25 : i32
        %add3A_362 = arith.addi %mul3A_48, %add3A_361 : i32
        %dma_start3A_363 = arith.constant 0 : i32
        %dma_start3A_364 = tpu.memref_slice %arg6[%add3A_362, %dma_start3A_363] : memref<640x32xf32, #tpu.memory_space<vmem>> -> memref<1x32xf32, #tpu.memory_space<vmem>>
        %dma_start3A_365 = arith.constant 0 : i32
        %dma_start3A_366 = tpu.memref_slice %arg2[%squeeze3A_360, %dma_start3A_365] : memref<1000001x32xf32, #tpu.memory_space<hbm>> -> memref<1x32xf32, #tpu.memory_space<hbm>>
        %dma_start3A_367 = arith.constant 0 : i32
        %dma_start3A_368 = tpu.memref_slice %arg6[%add3A_362, %dma_start3A_367] : memref<640x32xf32, #tpu.memory_space<vmem>> -> memref<1x32xf32, #tpu.memory_space<vmem>>
        %dma_start3A_369 = arith.constant 0 : i32
        %dma_start3A_370 = tpu.memref_slice %arg2[%squeeze3A_360, %dma_start3A_369] : memref<1000001x32xf32, #tpu.memory_space<hbm>> -> memref<1x32xf32, #tpu.memory_space<hbm>>
        tpu.enqueue_dma source(%dma_start3A_370 : memref<1x32xf32, #tpu.memory_space<hbm>>) target(%dma_start3A_368 : memref<1x32xf32, #tpu.memory_space<vmem>>) target_semaphore(%arg7 : memref<!tpu.dma_semaphore, #tpu.memory_space<semaphore_mem>>)
        %slice3A_371 = vector.extract_strided_slice %get3A_61 {offsets = [10], sizes = [1], strides = [1]} : vector<16xi32> to vector<1xi32>
        %squeeze3A_372 = vector.extract %slice3A_371[0] : i32 from vector<1xi32>
        %add3A_373 = arith.constant 26 : i32
        %add3A_374 = arith.addi %mul3A_48, %add3A_373 : i32
        %dma_start3A_375 = arith.constant 0 : i32
        %dma_start3A_376 = tpu.memref_slice %arg6[%add3A_374, %dma_start3A_375] : memref<640x32xf32, #tpu.memory_space<vmem>> -> memref<1x32xf32, #tpu.memory_space<vmem>>
        %dma_start3A_377 = arith.constant 0 : i32
        %dma_start3A_378 = tpu.memref_slice %arg2[%squeeze3A_372, %dma_start3A_377] : memref<1000001x32xf32, #tpu.memory_space<hbm>> -> memref<1x32xf32, #tpu.memory_space<hbm>>
        %dma_start3A_379 = arith.constant 0 : i32
        %dma_start3A_380 = tpu.memref_slice %arg6[%add3A_374, %dma_start3A_379] : memref<640x32xf32, #tpu.memory_space<vmem>> -> memref<1x32xf32, #tpu.memory_space<vmem>>
        %dma_start3A_381 = arith.constant 0 : i32
        %dma_start3A_382 = tpu.memref_slice %arg2[%squeeze3A_372, %dma_start3A_381] : memref<1000001x32xf32, #tpu.memory_space<hbm>> -> memref<1x32xf32, #tpu.memory_space<hbm>>
        tpu.enqueue_dma source(%dma_start3A_382 : memref<1x32xf32, #tpu.memory_space<hbm>>) target(%dma_start3A_380 : memref<1x32xf32, #tpu.memory_space<vmem>>) target_semaphore(%arg7 : memref<!tpu.dma_semaphore, #tpu.memory_space<semaphore_mem>>)
        %slice3A_383 = vector.extract_strided_slice %get3A_61 {offsets = [11], sizes = [1], strides = [1]} : vector<16xi32> to vector<1xi32>
        %squeeze3A_384 = vector.extract %slice3A_383[0] : i32 from vector<1xi32>
        %add3A_385 = arith.constant 27 : i32
        %add3A_386 = arith.addi %mul3A_48, %add3A_385 : i32
        %dma_start3A_387 = arith.constant 0 : i32
        %dma_start3A_388 = tpu.memref_slice %arg6[%add3A_386, %dma_start3A_387] : memref<640x32xf32, #tpu.memory_space<vmem>> -> memref<1x32xf32, #tpu.memory_space<vmem>>
        %dma_start3A_389 = arith.constant 0 : i32
        %dma_start3A_390 = tpu.memref_slice %arg2[%squeeze3A_384, %dma_start3A_389] : memref<1000001x32xf32, #tpu.memory_space<hbm>> -> memref<1x32xf32, #tpu.memory_space<hbm>>
        %dma_start3A_391 = arith.constant 0 : i32
        %dma_start3A_392 = tpu.memref_slice %arg6[%add3A_386, %dma_start3A_391] : memref<640x32xf32, #tpu.memory_space<vmem>> -> memref<1x32xf32, #tpu.memory_space<vmem>>
        %dma_start3A_393 = arith.constant 0 : i32
        %dma_start3A_394 = tpu.memref_slice %arg2[%squeeze3A_384, %dma_start3A_393] : memref<1000001x32xf32, #tpu.memory_space<hbm>> -> memref<1x32xf32, #tpu.memory_space<hbm>>
        tpu.enqueue_dma source(%dma_start3A_394 : memref<1x32xf32, #tpu.memory_space<hbm>>) target(%dma_start3A_392 : memref<1x32xf32, #tpu.memory_space<vmem>>) target_semaphore(%arg7 : memref<!tpu.dma_semaphore, #tpu.memory_space<semaphore_mem>>)
        %slice3A_395 = vector.extract_strided_slice %get3A_61 {offsets = [12], sizes = [1], strides = [1]} : vector<16xi32> to vector<1xi32>
        %squeeze3A_396 = vector.extract %slice3A_395[0] : i32 from vector<1xi32>
        %add3A_397 = arith.constant 28 : i32
        %add3A_398 = arith.addi %mul3A_48, %add3A_397 : i32
        %dma_start3A_399 = arith.constant 0 : i32
        %dma_start3A_400 = tpu.memref_slice %arg6[%add3A_398, %dma_start3A_399] : memref<640x32xf32, #tpu.memory_space<vmem>> -> memref<1x32xf32, #tpu.memory_space<vmem>>
        %dma_start3A_401 = arith.constant 0 : i32
        %dma_start3A_402 = tpu.memref_slice %arg2[%squeeze3A_396, %dma_start3A_401] : memref<1000001x32xf32, #tpu.memory_space<hbm>> -> memref<1x32xf32, #tpu.memory_space<hbm>>
        %dma_start3A_403 = arith.constant 0 : i32
        %dma_start3A_404 = tpu.memref_slice %arg6[%add3A_398, %dma_start3A_403] : memref<640x32xf32, #tpu.memory_space<vmem>> -> memref<1x32xf32, #tpu.memory_space<vmem>>
        %dma_start3A_405 = arith.constant 0 : i32
        %dma_start3A_406 = tpu.memref_slice %arg2[%squeeze3A_396, %dma_start3A_405] : memref<1000001x32xf32, #tpu.memory_space<hbm>> -> memref<1x32xf32, #tpu.memory_space<hbm>>
        tpu.enqueue_dma source(%dma_start3A_406 : memref<1x32xf32, #tpu.memory_space<hbm>>) target(%dma_start3A_404 : memref<1x32xf32, #tpu.memory_space<vmem>>) target_semaphore(%arg7 : memref<!tpu.dma_semaphore, #tpu.memory_space<semaphore_mem>>)
        %slice3A_407 = vector.extract_strided_slice %get3A_61 {offsets = [13], sizes = [1], strides = [1]} : vector<16xi32> to vector<1xi32>
        %squeeze3A_408 = vector.extract %slice3A_407[0] : i32 from vector<1xi32>
        %add3A_409 = arith.constant 29 : i32
        %add3A_410 = arith.addi %mul3A_48, %add3A_409 : i32
        %dma_start3A_411 = arith.constant 0 : i32
        %dma_start3A_412 = tpu.memref_slice %arg6[%add3A_410, %dma_start3A_411] : memref<640x32xf32, #tpu.memory_space<vmem>> -> memref<1x32xf32, #tpu.memory_space<vmem>>
        %dma_start3A_413 = arith.constant 0 : i32
        %dma_start3A_414 = tpu.memref_slice %arg2[%squeeze3A_408, %dma_start3A_413] : memref<1000001x32xf32, #tpu.memory_space<hbm>> -> memref<1x32xf32, #tpu.memory_space<hbm>>
        %dma_start3A_415 = arith.constant 0 : i32
        %dma_start3A_416 = tpu.memref_slice %arg6[%add3A_410, %dma_start3A_415] : memref<640x32xf32, #tpu.memory_space<vmem>> -> memref<1x32xf32, #tpu.memory_space<vmem>>
        %dma_start3A_417 = arith.constant 0 : i32
        %dma_start3A_418 = tpu.memref_slice %arg2[%squeeze3A_408, %dma_start3A_417] : memref<1000001x32xf32, #tpu.memory_space<hbm>> -> memref<1x32xf32, #tpu.memory_space<hbm>>
        tpu.enqueue_dma source(%dma_start3A_418 : memref<1x32xf32, #tpu.memory_space<hbm>>) target(%dma_start3A_416 : memref<1x32xf32, #tpu.memory_space<vmem>>) target_semaphore(%arg7 : memref<!tpu.dma_semaphore, #tpu.memory_space<semaphore_mem>>)
        %slice3A_419 = vector.extract_strided_slice %get3A_61 {offsets = [14], sizes = [1], strides = [1]} : vector<16xi32> to vector<1xi32>
        %squeeze3A_420 = vector.extract %slice3A_419[0] : i32 from vector<1xi32>
        %add3A_421 = arith.constant 30 : i32
        %add3A_422 = arith.addi %mul3A_48, %add3A_421 : i32
        %dma_start3A_423 = arith.constant 0 : i32
        %dma_start3A_424 = tpu.memref_slice %arg6[%add3A_422, %dma_start3A_423] : memref<640x32xf32, #tpu.memory_space<vmem>> -> memref<1x32xf32, #tpu.memory_space<vmem>>
        %dma_start3A_425 = arith.constant 0 : i32
        %dma_start3A_426 = tpu.memref_slice %arg2[%squeeze3A_420, %dma_start3A_425] : memref<1000001x32xf32, #tpu.memory_space<hbm>> -> memref<1x32xf32, #tpu.memory_space<hbm>>
        %dma_start3A_427 = arith.constant 0 : i32
        %dma_start3A_428 = tpu.memref_slice %arg6[%add3A_422, %dma_start3A_427] : memref<640x32xf32, #tpu.memory_space<vmem>> -> memref<1x32xf32, #tpu.memory_space<vmem>>
        %dma_start3A_429 = arith.constant 0 : i32
        %dma_start3A_430 = tpu.memref_slice %arg2[%squeeze3A_420, %dma_start3A_429] : memref<1000001x32xf32, #tpu.memory_space<hbm>> -> memref<1x32xf32, #tpu.memory_space<hbm>>
        tpu.enqueue_dma source(%dma_start3A_430 : memref<1x32xf32, #tpu.memory_space<hbm>>) target(%dma_start3A_428 : memref<1x32xf32, #tpu.memory_space<vmem>>) target_semaphore(%arg7 : memref<!tpu.dma_semaphore, #tpu.memory_space<semaphore_mem>>)
        %slice3A_431 = vector.extract_strided_slice %get3A_61 {offsets = [15], sizes = [1], strides = [1]} : vector<16xi32> to vector<1xi32>
        %squeeze3A_432 = vector.extract %slice3A_431[0] : i32 from vector<1xi32>
        %add3A_433 = arith.constant 31 : i32
        %add3A_434 = arith.addi %mul3A_48, %add3A_433 : i32
        %dma_start3A_435 = arith.constant 0 : i32
        %dma_start3A_436 = tpu.memref_slice %arg6[%add3A_434, %dma_start3A_435] : memref<640x32xf32, #tpu.memory_space<vmem>> -> memref<1x32xf32, #tpu.memory_space<vmem>>
        %dma_start3A_437 = arith.constant 0 : i32
        %dma_start3A_438 = tpu.memref_slice %arg2[%squeeze3A_432, %dma_start3A_437] : memref<1000001x32xf32, #tpu.memory_space<hbm>> -> memref<1x32xf32, #tpu.memory_space<hbm>>
        %dma_start3A_439 = arith.constant 0 : i32
        %dma_start3A_440 = tpu.memref_slice %arg6[%add3A_434, %dma_start3A_439] : memref<640x32xf32, #tpu.memory_space<vmem>> -> memref<1x32xf32, #tpu.memory_space<vmem>>
        %dma_start3A_441 = arith.constant 0 : i32
        %dma_start3A_442 = tpu.memref_slice %arg2[%squeeze3A_432, %dma_start3A_441] : memref<1000001x32xf32, #tpu.memory_space<hbm>> -> memref<1x32xf32, #tpu.memory_space<hbm>>
        tpu.enqueue_dma source(%dma_start3A_442 : memref<1x32xf32, #tpu.memory_space<hbm>>) target(%dma_start3A_440 : memref<1x32xf32, #tpu.memory_space<vmem>>) target_semaphore(%arg7 : memref<!tpu.dma_semaphore, #tpu.memory_space<semaphore_mem>>)
      } else {
      }
      %gt3A = arith.constant 0 : i32
      %gt3A_42 = arith.cmpi sgt, %scan3A_38, %gt3A : i32
      %convert_element_type3A_43 = arith.extui %gt3A_42 : i1 to i32
      %cond3A_44 = arith.constant 0 : i32
      %cond3A_45 = arith.cmpi ne, %convert_element_type3A_43, %cond3A_44 : i32
      scf.if %cond3A_45 {
        %dma_wait3A = arith.constant 0 : i32
        %dma_wait3A_47 = arith.constant 0 : i32
        %dma_wait3A_48 = tpu.memref_slice %arg6[%dma_wait3A, %dma_wait3A_47] : memref<640x32xf32, #tpu.memory_space<vmem>> -> memref<1x32xf32, #tpu.memory_space<vmem>>
        %dma_wait3A_49 = arith.constant 0 : i32
        %dma_wait3A_50 = arith.constant 0 : i32
        %dma_wait3A_51 = tpu.memref_slice %arg2[%dma_wait3A_49, %dma_wait3A_50] : memref<1000001x32xf32, #tpu.memory_space<hbm>> -> memref<1x32xf32, #tpu.memory_space<hbm>>
        %dma_wait3A_52 = arith.constant 0 : i32
        %dma_wait3A_53 = arith.constant 0 : i32
        %dma_wait3A_54 = tpu.memref_slice %arg6[%dma_wait3A_52, %dma_wait3A_53] : memref<640x32xf32, #tpu.memory_space<vmem>> -> memref<1x32xf32, #tpu.memory_space<vmem>>
        %dma_wait3A_55 = arith.constant 0 : i32
        %dma_wait3A_56 = arith.constant 0 : i32
        %dma_wait3A_57 = tpu.memref_slice %arg2[%dma_wait3A_55, %dma_wait3A_56] : memref<1000001x32xf32, #tpu.memory_space<hbm>> -> memref<1x32xf32, #tpu.memory_space<hbm>>
        tpu.wait_dma2 semaphore(%arg7 : memref<!tpu.dma_semaphore, #tpu.memory_space<semaphore_mem>>) src(%dma_wait3A_57 : memref<1x32xf32, #tpu.memory_space<hbm>>) dst(%dma_wait3A_54 : memref<1x32xf32, #tpu.memory_space<vmem>>)
        %dma_wait3A_58 = arith.constant 0 : i32
        %dma_wait3A_59 = arith.constant 0 : i32
        %dma_wait3A_60 = tpu.memref_slice %arg6[%dma_wait3A_58, %dma_wait3A_59] : memref<640x32xf32, #tpu.memory_space<vmem>> -> memref<1x32xf32, #tpu.memory_space<vmem>>
        %dma_wait3A_61 = arith.constant 0 : i32
        %dma_wait3A_62 = arith.constant 0 : i32
        %dma_wait3A_63 = tpu.memref_slice %arg2[%dma_wait3A_61, %dma_wait3A_62] : memref<1000001x32xf32, #tpu.memory_space<hbm>> -> memref<1x32xf32, #tpu.memory_space<hbm>>
        %dma_wait3A_64 = arith.constant 0 : i32
        %dma_wait3A_65 = arith.constant 0 : i32
        %dma_wait3A_66 = tpu.memref_slice %arg6[%dma_wait3A_64, %dma_wait3A_65] : memref<640x32xf32, #tpu.memory_space<vmem>> -> memref<1x32xf32, #tpu.memory_space<vmem>>
        %dma_wait3A_67 = arith.constant 0 : i32
        %dma_wait3A_68 = arith.constant 0 : i32
        %dma_wait3A_69 = tpu.memref_slice %arg2[%dma_wait3A_67, %dma_wait3A_68] : memref<1000001x32xf32, #tpu.memory_space<hbm>> -> memref<1x32xf32, #tpu.memory_space<hbm>>
        tpu.wait_dma2 semaphore(%arg7 : memref<!tpu.dma_semaphore, #tpu.memory_space<semaphore_mem>>) src(%dma_wait3A_69 : memref<1x32xf32, #tpu.memory_space<hbm>>) dst(%dma_wait3A_66 : memref<1x32xf32, #tpu.memory_space<vmem>>)
        %dma_wait3A_70 = arith.constant 0 : i32
        %dma_wait3A_71 = arith.constant 0 : i32
        %dma_wait3A_72 = tpu.memref_slice %arg6[%dma_wait3A_70, %dma_wait3A_71] : memref<640x32xf32, #tpu.memory_space<vmem>> -> memref<1x32xf32, #tpu.memory_space<vmem>>
        %dma_wait3A_73 = arith.constant 0 : i32
        %dma_wait3A_74 = arith.constant 0 : i32
        %dma_wait3A_75 = tpu.memref_slice %arg2[%dma_wait3A_73, %dma_wait3A_74] : memref<1000001x32xf32, #tpu.memory_space<hbm>> -> memref<1x32xf32, #tpu.memory_space<hbm>>
        %dma_wait3A_76 = arith.constant 0 : i32
        %dma_wait3A_77 = arith.constant 0 : i32
        %dma_wait3A_78 = tpu.memref_slice %arg6[%dma_wait3A_76, %dma_wait3A_77] : memref<640x32xf32, #tpu.memory_space<vmem>> -> memref<1x32xf32, #tpu.memory_space<vmem>>
        %dma_wait3A_79 = arith.constant 0 : i32
        %dma_wait3A_80 = arith.constant 0 : i32
        %dma_wait3A_81 = tpu.memref_slice %arg2[%dma_wait3A_79, %dma_wait3A_80] : memref<1000001x32xf32, #tpu.memory_space<hbm>> -> memref<1x32xf32, #tpu.memory_space<hbm>>
        tpu.wait_dma2 semaphore(%arg7 : memref<!tpu.dma_semaphore, #tpu.memory_space<semaphore_mem>>) src(%dma_wait3A_81 : memref<1x32xf32, #tpu.memory_space<hbm>>) dst(%dma_wait3A_78 : memref<1x32xf32, #tpu.memory_space<vmem>>)
        %dma_wait3A_82 = arith.constant 0 : i32
        %dma_wait3A_83 = arith.constant 0 : i32
        %dma_wait3A_84 = tpu.memref_slice %arg6[%dma_wait3A_82, %dma_wait3A_83] : memref<640x32xf32, #tpu.memory_space<vmem>> -> memref<1x32xf32, #tpu.memory_space<vmem>>
        %dma_wait3A_85 = arith.constant 0 : i32
        %dma_wait3A_86 = arith.constant 0 : i32
        %dma_wait3A_87 = tpu.memref_slice %arg2[%dma_wait3A_85, %dma_wait3A_86] : memref<1000001x32xf32, #tpu.memory_space<hbm>> -> memref<1x32xf32, #tpu.memory_space<hbm>>
        %dma_wait3A_88 = arith.constant 0 : i32
        %dma_wait3A_89 = arith.constant 0 : i32
        %dma_wait3A_90 = tpu.memref_slice %arg6[%dma_wait3A_88, %dma_wait3A_89] : memref<640x32xf32, #tpu.memory_space<vmem>> -> memref<1x32xf32, #tpu.memory_space<vmem>>
        %dma_wait3A_91 = arith.constant 0 : i32
        %dma_wait3A_92 = arith.constant 0 : i32
        %dma_wait3A_93 = tpu.memref_slice %arg2[%dma_wait3A_91, %dma_wait3A_92] : memref<1000001x32xf32, #tpu.memory_space<hbm>> -> memref<1x32xf32, #tpu.memory_space<hbm>>
        tpu.wait_dma2 semaphore(%arg7 : memref<!tpu.dma_semaphore, #tpu.memory_space<semaphore_mem>>) src(%dma_wait3A_93 : memref<1x32xf32, #tpu.memory_space<hbm>>) dst(%dma_wait3A_90 : memref<1x32xf32, #tpu.memory_space<vmem>>)
        %dma_wait3A_94 = arith.constant 0 : i32
        %dma_wait3A_95 = arith.constant 0 : i32
        %dma_wait3A_96 = tpu.memref_slice %arg6[%dma_wait3A_94, %dma_wait3A_95] : memref<640x32xf32, #tpu.memory_space<vmem>> -> memref<1x32xf32, #tpu.memory_space<vmem>>
        %dma_wait3A_97 = arith.constant 0 : i32
        %dma_wait3A_98 = arith.constant 0 : i32
        %dma_wait3A_99 = tpu.memref_slice %arg2[%dma_wait3A_97, %dma_wait3A_98] : memref<1000001x32xf32, #tpu.memory_space<hbm>> -> memref<1x32xf32, #tpu.memory_space<hbm>>
        %dma_wait3A_100 = arith.constant 0 : i32
        %dma_wait3A_101 = arith.constant 0 : i32
        %dma_wait3A_102 = tpu.memref_slice %arg6[%dma_wait3A_100, %dma_wait3A_101] : memref<640x32xf32, #tpu.memory_space<vmem>> -> memref<1x32xf32, #tpu.memory_space<vmem>>
        %dma_wait3A_103 = arith.constant 0 : i32
        %dma_wait3A_104 = arith.constant 0 : i32
        %dma_wait3A_105 = tpu.memref_slice %arg2[%dma_wait3A_103, %dma_wait3A_104] : memref<1000001x32xf32, #tpu.memory_space<hbm>> -> memref<1x32xf32, #tpu.memory_space<hbm>>
        tpu.wait_dma2 semaphore(%arg7 : memref<!tpu.dma_semaphore, #tpu.memory_space<semaphore_mem>>) src(%dma_wait3A_105 : memref<1x32xf32, #tpu.memory_space<hbm>>) dst(%dma_wait3A_102 : memref<1x32xf32, #tpu.memory_space<vmem>>)
        %dma_wait3A_106 = arith.constant 0 : i32
        %dma_wait3A_107 = arith.constant 0 : i32
        %dma_wait3A_108 = tpu.memref_slice %arg6[%dma_wait3A_106, %dma_wait3A_107] : memref<640x32xf32, #tpu.memory_space<vmem>> -> memref<1x32xf32, #tpu.memory_space<vmem>>
        %dma_wait3A_109 = arith.constant 0 : i32
        %dma_wait3A_110 = arith.constant 0 : i32
        %dma_wait3A_111 = tpu.memref_slice %arg2[%dma_wait3A_109, %dma_wait3A_110] : memref<1000001x32xf32, #tpu.memory_space<hbm>> -> memref<1x32xf32, #tpu.memory_space<hbm>>
        %dma_wait3A_112 = arith.constant 0 : i32
        %dma_wait3A_113 = arith.constant 0 : i32
        %dma_wait3A_114 = tpu.memref_slice %arg6[%dma_wait3A_112, %dma_wait3A_113] : memref<640x32xf32, #tpu.memory_space<vmem>> -> memref<1x32xf32, #tpu.memory_space<vmem>>
        %dma_wait3A_115 = arith.constant 0 : i32
        %dma_wait3A_116 = arith.constant 0 : i32
        %dma_wait3A_117 = tpu.memref_slice %arg2[%dma_wait3A_115, %dma_wait3A_116] : memref<1000001x32xf32, #tpu.memory_space<hbm>> -> memref<1x32xf32, #tpu.memory_space<hbm>>
        tpu.wait_dma2 semaphore(%arg7 : memref<!tpu.dma_semaphore, #tpu.memory_space<semaphore_mem>>) src(%dma_wait3A_117 : memref<1x32xf32, #tpu.memory_space<hbm>>) dst(%dma_wait3A_114 : memref<1x32xf32, #tpu.memory_space<vmem>>)
        %dma_wait3A_118 = arith.constant 0 : i32
        %dma_wait3A_119 = arith.constant 0 : i32
        %dma_wait3A_120 = tpu.memref_slice %arg6[%dma_wait3A_118, %dma_wait3A_119] : memref<640x32xf32, #tpu.memory_space<vmem>> -> memref<1x32xf32, #tpu.memory_space<vmem>>
        %dma_wait3A_121 = arith.constant 0 : i32
        %dma_wait3A_122 = arith.constant 0 : i32
        %dma_wait3A_123 = tpu.memref_slice %arg2[%dma_wait3A_121, %dma_wait3A_122] : memref<1000001x32xf32, #tpu.memory_space<hbm>> -> memref<1x32xf32, #tpu.memory_space<hbm>>
        %dma_wait3A_124 = arith.constant 0 : i32
        %dma_wait3A_125 = arith.constant 0 : i32
        %dma_wait3A_126 = tpu.memref_slice %arg6[%dma_wait3A_124, %dma_wait3A_125] : memref<640x32xf32, #tpu.memory_space<vmem>> -> memref<1x32xf32, #tpu.memory_space<vmem>>
        %dma_wait3A_127 = arith.constant 0 : i32
        %dma_wait3A_128 = arith.constant 0 : i32
        %dma_wait3A_129 = tpu.memref_slice %arg2[%dma_wait3A_127, %dma_wait3A_128] : memref<1000001x32xf32, #tpu.memory_space<hbm>> -> memref<1x32xf32, #tpu.memory_space<hbm>>
        tpu.wait_dma2 semaphore(%arg7 : memref<!tpu.dma_semaphore, #tpu.memory_space<semaphore_mem>>) src(%dma_wait3A_129 : memref<1x32xf32, #tpu.memory_space<hbm>>) dst(%dma_wait3A_126 : memref<1x32xf32, #tpu.memory_space<vmem>>)
        %dma_wait3A_130 = arith.constant 0 : i32
        %dma_wait3A_131 = arith.constant 0 : i32
        %dma_wait3A_132 = tpu.memref_slice %arg6[%dma_wait3A_130, %dma_wait3A_131] : memref<640x32xf32, #tpu.memory_space<vmem>> -> memref<1x32xf32, #tpu.memory_space<vmem>>
        %dma_wait3A_133 = arith.constant 0 : i32
        %dma_wait3A_134 = arith.constant 0 : i32
        %dma_wait3A_135 = tpu.memref_slice %arg2[%dma_wait3A_133, %dma_wait3A_134] : memref<1000001x32xf32, #tpu.memory_space<hbm>> -> memref<1x32xf32, #tpu.memory_space<hbm>>
        %dma_wait3A_136 = arith.constant 0 : i32
        %dma_wait3A_137 = arith.constant 0 : i32
        %dma_wait3A_138 = tpu.memref_slice %arg6[%dma_wait3A_136, %dma_wait3A_137] : memref<640x32xf32, #tpu.memory_space<vmem>> -> memref<1x32xf32, #tpu.memory_space<vmem>>
        %dma_wait3A_139 = arith.constant 0 : i32
        %dma_wait3A_140 = arith.constant 0 : i32
        %dma_wait3A_141 = tpu.memref_slice %arg2[%dma_wait3A_139, %dma_wait3A_140] : memref<1000001x32xf32, #tpu.memory_space<hbm>> -> memref<1x32xf32, #tpu.memory_space<hbm>>
        tpu.wait_dma2 semaphore(%arg7 : memref<!tpu.dma_semaphore, #tpu.memory_space<semaphore_mem>>) src(%dma_wait3A_141 : memref<1x32xf32, #tpu.memory_space<hbm>>) dst(%dma_wait3A_138 : memref<1x32xf32, #tpu.memory_space<vmem>>)
        %dma_wait3A_142 = arith.constant 0 : i32
        %dma_wait3A_143 = arith.constant 0 : i32
        %dma_wait3A_144 = tpu.memref_slice %arg6[%dma_wait3A_142, %dma_wait3A_143] : memref<640x32xf32, #tpu.memory_space<vmem>> -> memref<1x32xf32, #tpu.memory_space<vmem>>
        %dma_wait3A_145 = arith.constant 0 : i32
        %dma_wait3A_146 = arith.constant 0 : i32
        %dma_wait3A_147 = tpu.memref_slice %arg2[%dma_wait3A_145, %dma_wait3A_146] : memref<1000001x32xf32, #tpu.memory_space<hbm>> -> memref<1x32xf32, #tpu.memory_space<hbm>>
        %dma_wait3A_148 = arith.constant 0 : i32
        %dma_wait3A_149 = arith.constant 0 : i32
        %dma_wait3A_150 = tpu.memref_slice %arg6[%dma_wait3A_148, %dma_wait3A_149] : memref<640x32xf32, #tpu.memory_space<vmem>> -> memref<1x32xf32, #tpu.memory_space<vmem>>
        %dma_wait3A_151 = arith.constant 0 : i32
        %dma_wait3A_152 = arith.constant 0 : i32
        %dma_wait3A_153 = tpu.memref_slice %arg2[%dma_wait3A_151, %dma_wait3A_152] : memref<1000001x32xf32, #tpu.memory_space<hbm>> -> memref<1x32xf32, #tpu.memory_space<hbm>>
        tpu.wait_dma2 semaphore(%arg7 : memref<!tpu.dma_semaphore, #tpu.memory_space<semaphore_mem>>) src(%dma_wait3A_153 : memref<1x32xf32, #tpu.memory_space<hbm>>) dst(%dma_wait3A_150 : memref<1x32xf32, #tpu.memory_space<vmem>>)
        %dma_wait3A_154 = arith.constant 0 : i32
        %dma_wait3A_155 = arith.constant 0 : i32
        %dma_wait3A_156 = tpu.memref_slice %arg6[%dma_wait3A_154, %dma_wait3A_155] : memref<640x32xf32, #tpu.memory_space<vmem>> -> memref<1x32xf32, #tpu.memory_space<vmem>>
        %dma_wait3A_157 = arith.constant 0 : i32
        %dma_wait3A_158 = arith.constant 0 : i32
        %dma_wait3A_159 = tpu.memref_slice %arg2[%dma_wait3A_157, %dma_wait3A_158] : memref<1000001x32xf32, #tpu.memory_space<hbm>> -> memref<1x32xf32, #tpu.memory_space<hbm>>
        %dma_wait3A_160 = arith.constant 0 : i32
        %dma_wait3A_161 = arith.constant 0 : i32
        %dma_wait3A_162 = tpu.memref_slice %arg6[%dma_wait3A_160, %dma_wait3A_161] : memref<640x32xf32, #tpu.memory_space<vmem>> -> memref<1x32xf32, #tpu.memory_space<vmem>>
        %dma_wait3A_163 = arith.constant 0 : i32
        %dma_wait3A_164 = arith.constant 0 : i32
        %dma_wait3A_165 = tpu.memref_slice %arg2[%dma_wait3A_163, %dma_wait3A_164] : memref<1000001x32xf32, #tpu.memory_space<hbm>> -> memref<1x32xf32, #tpu.memory_space<hbm>>
        tpu.wait_dma2 semaphore(%arg7 : memref<!tpu.dma_semaphore, #tpu.memory_space<semaphore_mem>>) src(%dma_wait3A_165 : memref<1x32xf32, #tpu.memory_space<hbm>>) dst(%dma_wait3A_162 : memref<1x32xf32, #tpu.memory_space<vmem>>)
        %dma_wait3A_166 = arith.constant 0 : i32
        %dma_wait3A_167 = arith.constant 0 : i32
        %dma_wait3A_168 = tpu.memref_slice %arg6[%dma_wait3A_166, %dma_wait3A_167] : memref<640x32xf32, #tpu.memory_space<vmem>> -> memref<1x32xf32, #tpu.memory_space<vmem>>
        %dma_wait3A_169 = arith.constant 0 : i32
        %dma_wait3A_170 = arith.constant 0 : i32
        %dma_wait3A_171 = tpu.memref_slice %arg2[%dma_wait3A_169, %dma_wait3A_170] : memref<1000001x32xf32, #tpu.memory_space<hbm>> -> memref<1x32xf32, #tpu.memory_space<hbm>>
        %dma_wait3A_172 = arith.constant 0 : i32
        %dma_wait3A_173 = arith.constant 0 : i32
        %dma_wait3A_174 = tpu.memref_slice %arg6[%dma_wait3A_172, %dma_wait3A_173] : memref<640x32xf32, #tpu.memory_space<vmem>> -> memref<1x32xf32, #tpu.memory_space<vmem>>
        %dma_wait3A_175 = arith.constant 0 : i32
        %dma_wait3A_176 = arith.constant 0 : i32
        %dma_wait3A_177 = tpu.memref_slice %arg2[%dma_wait3A_175, %dma_wait3A_176] : memref<1000001x32xf32, #tpu.memory_space<hbm>> -> memref<1x32xf32, #tpu.memory_space<hbm>>
        tpu.wait_dma2 semaphore(%arg7 : memref<!tpu.dma_semaphore, #tpu.memory_space<semaphore_mem>>) src(%dma_wait3A_177 : memref<1x32xf32, #tpu.memory_space<hbm>>) dst(%dma_wait3A_174 : memref<1x32xf32, #tpu.memory_space<vmem>>)
        %dma_wait3A_178 = arith.constant 0 : i32
        %dma_wait3A_179 = arith.constant 0 : i32
        %dma_wait3A_180 = tpu.memref_slice %arg6[%dma_wait3A_178, %dma_wait3A_179] : memref<640x32xf32, #tpu.memory_space<vmem>> -> memref<1x32xf32, #tpu.memory_space<vmem>>
        %dma_wait3A_181 = arith.constant 0 : i32
        %dma_wait3A_182 = arith.constant 0 : i32
        %dma_wait3A_183 = tpu.memref_slice %arg2[%dma_wait3A_181, %dma_wait3A_182] : memref<1000001x32xf32, #tpu.memory_space<hbm>> -> memref<1x32xf32, #tpu.memory_space<hbm>>
        %dma_wait3A_184 = arith.constant 0 : i32
        %dma_wait3A_185 = arith.constant 0 : i32
        %dma_wait3A_186 = tpu.memref_slice %arg6[%dma_wait3A_184, %dma_wait3A_185] : memref<640x32xf32, #tpu.memory_space<vmem>> -> memref<1x32xf32, #tpu.memory_space<vmem>>
        %dma_wait3A_187 = arith.constant 0 : i32
        %dma_wait3A_188 = arith.constant 0 : i32
        %dma_wait3A_189 = tpu.memref_slice %arg2[%dma_wait3A_187, %dma_wait3A_188] : memref<1000001x32xf32, #tpu.memory_space<hbm>> -> memref<1x32xf32, #tpu.memory_space<hbm>>
        tpu.wait_dma2 semaphore(%arg7 : memref<!tpu.dma_semaphore, #tpu.memory_space<semaphore_mem>>) src(%dma_wait3A_189 : memref<1x32xf32, #tpu.memory_space<hbm>>) dst(%dma_wait3A_186 : memref<1x32xf32, #tpu.memory_space<vmem>>)
        %dma_wait3A_190 = arith.constant 0 : i32
        %dma_wait3A_191 = arith.constant 0 : i32
        %dma_wait3A_192 = tpu.memref_slice %arg6[%dma_wait3A_190, %dma_wait3A_191] : memref<640x32xf32, #tpu.memory_space<vmem>> -> memref<1x32xf32, #tpu.memory_space<vmem>>
        %dma_wait3A_193 = arith.constant 0 : i32
        %dma_wait3A_194 = arith.constant 0 : i32
        %dma_wait3A_195 = tpu.memref_slice %arg2[%dma_wait3A_193, %dma_wait3A_194] : memref<1000001x32xf32, #tpu.memory_space<hbm>> -> memref<1x32xf32, #tpu.memory_space<hbm>>
        %dma_wait3A_196 = arith.constant 0 : i32
        %dma_wait3A_197 = arith.constant 0 : i32
        %dma_wait3A_198 = tpu.memref_slice %arg6[%dma_wait3A_196, %dma_wait3A_197] : memref<640x32xf32, #tpu.memory_space<vmem>> -> memref<1x32xf32, #tpu.memory_space<vmem>>
        %dma_wait3A_199 = arith.constant 0 : i32
        %dma_wait3A_200 = arith.constant 0 : i32
        %dma_wait3A_201 = tpu.memref_slice %arg2[%dma_wait3A_199, %dma_wait3A_200] : memref<1000001x32xf32, #tpu.memory_space<hbm>> -> memref<1x32xf32, #tpu.memory_space<hbm>>
        tpu.wait_dma2 semaphore(%arg7 : memref<!tpu.dma_semaphore, #tpu.memory_space<semaphore_mem>>) src(%dma_wait3A_201 : memref<1x32xf32, #tpu.memory_space<hbm>>) dst(%dma_wait3A_198 : memref<1x32xf32, #tpu.memory_space<vmem>>)
        %dma_wait3A_202 = arith.constant 0 : i32
        %dma_wait3A_203 = arith.constant 0 : i32
        %dma_wait3A_204 = tpu.memref_slice %arg6[%dma_wait3A_202, %dma_wait3A_203] : memref<640x32xf32, #tpu.memory_space<vmem>> -> memref<1x32xf32, #tpu.memory_space<vmem>>
        %dma_wait3A_205 = arith.constant 0 : i32
        %dma_wait3A_206 = arith.constant 0 : i32
        %dma_wait3A_207 = tpu.memref_slice %arg2[%dma_wait3A_205, %dma_wait3A_206] : memref<1000001x32xf32, #tpu.memory_space<hbm>> -> memref<1x32xf32, #tpu.memory_space<hbm>>
        %dma_wait3A_208 = arith.constant 0 : i32
        %dma_wait3A_209 = arith.constant 0 : i32
        %dma_wait3A_210 = tpu.memref_slice %arg6[%dma_wait3A_208, %dma_wait3A_209] : memref<640x32xf32, #tpu.memory_space<vmem>> -> memref<1x32xf32, #tpu.memory_space<vmem>>
        %dma_wait3A_211 = arith.constant 0 : i32
        %dma_wait3A_212 = arith.constant 0 : i32
        %dma_wait3A_213 = tpu.memref_slice %arg2[%dma_wait3A_211, %dma_wait3A_212] : memref<1000001x32xf32, #tpu.memory_space<hbm>> -> memref<1x32xf32, #tpu.memory_space<hbm>>
        tpu.wait_dma2 semaphore(%arg7 : memref<!tpu.dma_semaphore, #tpu.memory_space<semaphore_mem>>) src(%dma_wait3A_213 : memref<1x32xf32, #tpu.memory_space<hbm>>) dst(%dma_wait3A_210 : memref<1x32xf32, #tpu.memory_space<vmem>>)
        %dma_wait3A_214 = arith.constant 0 : i32
        %dma_wait3A_215 = arith.constant 0 : i32
        %dma_wait3A_216 = tpu.memref_slice %arg6[%dma_wait3A_214, %dma_wait3A_215] : memref<640x32xf32, #tpu.memory_space<vmem>> -> memref<1x32xf32, #tpu.memory_space<vmem>>
        %dma_wait3A_217 = arith.constant 0 : i32
        %dma_wait3A_218 = arith.constant 0 : i32
        %dma_wait3A_219 = tpu.memref_slice %arg2[%dma_wait3A_217, %dma_wait3A_218] : memref<1000001x32xf32, #tpu.memory_space<hbm>> -> memref<1x32xf32, #tpu.memory_space<hbm>>
        %dma_wait3A_220 = arith.constant 0 : i32
        %dma_wait3A_221 = arith.constant 0 : i32
        %dma_wait3A_222 = tpu.memref_slice %arg6[%dma_wait3A_220, %dma_wait3A_221] : memref<640x32xf32, #tpu.memory_space<vmem>> -> memref<1x32xf32, #tpu.memory_space<vmem>>
        %dma_wait3A_223 = arith.constant 0 : i32
        %dma_wait3A_224 = arith.constant 0 : i32
        %dma_wait3A_225 = tpu.memref_slice %arg2[%dma_wait3A_223, %dma_wait3A_224] : memref<1000001x32xf32, #tpu.memory_space<hbm>> -> memref<1x32xf32, #tpu.memory_space<hbm>>
        tpu.wait_dma2 semaphore(%arg7 : memref<!tpu.dma_semaphore, #tpu.memory_space<semaphore_mem>>) src(%dma_wait3A_225 : memref<1x32xf32, #tpu.memory_space<hbm>>) dst(%dma_wait3A_222 : memref<1x32xf32, #tpu.memory_space<vmem>>)
        %dma_wait3A_226 = arith.constant 0 : i32
        %dma_wait3A_227 = arith.constant 0 : i32
        %dma_wait3A_228 = tpu.memref_slice %arg6[%dma_wait3A_226, %dma_wait3A_227] : memref<640x32xf32, #tpu.memory_space<vmem>> -> memref<1x32xf32, #tpu.memory_space<vmem>>
        %dma_wait3A_229 = arith.constant 0 : i32
        %dma_wait3A_230 = arith.constant 0 : i32
        %dma_wait3A_231 = tpu.memref_slice %arg2[%dma_wait3A_229, %dma_wait3A_230] : memref<1000001x32xf32, #tpu.memory_space<hbm>> -> memref<1x32xf32, #tpu.memory_space<hbm>>
        %dma_wait3A_232 = arith.constant 0 : i32
        %dma_wait3A_233 = arith.constant 0 : i32
        %dma_wait3A_234 = tpu.memref_slice %arg6[%dma_wait3A_232, %dma_wait3A_233] : memref<640x32xf32, #tpu.memory_space<vmem>> -> memref<1x32xf32, #tpu.memory_space<vmem>>
        %dma_wait3A_235 = arith.constant 0 : i32
        %dma_wait3A_236 = arith.constant 0 : i32
        %dma_wait3A_237 = tpu.memref_slice %arg2[%dma_wait3A_235, %dma_wait3A_236] : memref<1000001x32xf32, #tpu.memory_space<hbm>> -> memref<1x32xf32, #tpu.memory_space<hbm>>
        tpu.wait_dma2 semaphore(%arg7 : memref<!tpu.dma_semaphore, #tpu.memory_space<semaphore_mem>>) src(%dma_wait3A_237 : memref<1x32xf32, #tpu.memory_space<hbm>>) dst(%dma_wait3A_234 : memref<1x32xf32, #tpu.memory_space<vmem>>)
        %dma_wait3A_238 = arith.constant 0 : i32
        %dma_wait3A_239 = arith.constant 0 : i32
        %dma_wait3A_240 = tpu.memref_slice %arg6[%dma_wait3A_238, %dma_wait3A_239] : memref<640x32xf32, #tpu.memory_space<vmem>> -> memref<1x32xf32, #tpu.memory_space<vmem>>
        %dma_wait3A_241 = arith.constant 0 : i32
        %dma_wait3A_242 = arith.constant 0 : i32
        %dma_wait3A_243 = tpu.memref_slice %arg2[%dma_wait3A_241, %dma_wait3A_242] : memref<1000001x32xf32, #tpu.memory_space<hbm>> -> memref<1x32xf32, #tpu.memory_space<hbm>>
        %dma_wait3A_244 = arith.constant 0 : i32
        %dma_wait3A_245 = arith.constant 0 : i32
        %dma_wait3A_246 = tpu.memref_slice %arg6[%dma_wait3A_244, %dma_wait3A_245] : memref<640x32xf32, #tpu.memory_space<vmem>> -> memref<1x32xf32, #tpu.memory_space<vmem>>
        %dma_wait3A_247 = arith.constant 0 : i32
        %dma_wait3A_248 = arith.constant 0 : i32
        %dma_wait3A_249 = tpu.memref_slice %arg2[%dma_wait3A_247, %dma_wait3A_248] : memref<1000001x32xf32, #tpu.memory_space<hbm>> -> memref<1x32xf32, #tpu.memory_space<hbm>>
        tpu.wait_dma2 semaphore(%arg7 : memref<!tpu.dma_semaphore, #tpu.memory_space<semaphore_mem>>) src(%dma_wait3A_249 : memref<1x32xf32, #tpu.memory_space<hbm>>) dst(%dma_wait3A_246 : memref<1x32xf32, #tpu.memory_space<vmem>>)
        %dma_wait3A_250 = arith.constant 0 : i32
        %dma_wait3A_251 = arith.constant 0 : i32
        %dma_wait3A_252 = tpu.memref_slice %arg6[%dma_wait3A_250, %dma_wait3A_251] : memref<640x32xf32, #tpu.memory_space<vmem>> -> memref<1x32xf32, #tpu.memory_space<vmem>>
        %dma_wait3A_253 = arith.constant 0 : i32
        %dma_wait3A_254 = arith.constant 0 : i32
        %dma_wait3A_255 = tpu.memref_slice %arg2[%dma_wait3A_253, %dma_wait3A_254] : memref<1000001x32xf32, #tpu.memory_space<hbm>> -> memref<1x32xf32, #tpu.memory_space<hbm>>
        %dma_wait3A_256 = arith.constant 0 : i32
        %dma_wait3A_257 = arith.constant 0 : i32
        %dma_wait3A_258 = tpu.memref_slice %arg6[%dma_wait3A_256, %dma_wait3A_257] : memref<640x32xf32, #tpu.memory_space<vmem>> -> memref<1x32xf32, #tpu.memory_space<vmem>>
        %dma_wait3A_259 = arith.constant 0 : i32
        %dma_wait3A_260 = arith.constant 0 : i32
        %dma_wait3A_261 = tpu.memref_slice %arg2[%dma_wait3A_259, %dma_wait3A_260] : memref<1000001x32xf32, #tpu.memory_space<hbm>> -> memref<1x32xf32, #tpu.memory_space<hbm>>
        tpu.wait_dma2 semaphore(%arg7 : memref<!tpu.dma_semaphore, #tpu.memory_space<semaphore_mem>>) src(%dma_wait3A_261 : memref<1x32xf32, #tpu.memory_space<hbm>>) dst(%dma_wait3A_258 : memref<1x32xf32, #tpu.memory_space<vmem>>)
        %dma_wait3A_262 = arith.constant 0 : i32
        %dma_wait3A_263 = arith.constant 0 : i32
        %dma_wait3A_264 = tpu.memref_slice %arg6[%dma_wait3A_262, %dma_wait3A_263] : memref<640x32xf32, #tpu.memory_space<vmem>> -> memref<1x32xf32, #tpu.memory_space<vmem>>
        %dma_wait3A_265 = arith.constant 0 : i32
        %dma_wait3A_266 = arith.constant 0 : i32
        %dma_wait3A_267 = tpu.memref_slice %arg2[%dma_wait3A_265, %dma_wait3A_266] : memref<1000001x32xf32, #tpu.memory_space<hbm>> -> memref<1x32xf32, #tpu.memory_space<hbm>>
        %dma_wait3A_268 = arith.constant 0 : i32
        %dma_wait3A_269 = arith.constant 0 : i32
        %dma_wait3A_270 = tpu.memref_slice %arg6[%dma_wait3A_268, %dma_wait3A_269] : memref<640x32xf32, #tpu.memory_space<vmem>> -> memref<1x32xf32, #tpu.memory_space<vmem>>
        %dma_wait3A_271 = arith.constant 0 : i32
        %dma_wait3A_272 = arith.constant 0 : i32
        %dma_wait3A_273 = tpu.memref_slice %arg2[%dma_wait3A_271, %dma_wait3A_272] : memref<1000001x32xf32, #tpu.memory_space<hbm>> -> memref<1x32xf32, #tpu.memory_space<hbm>>
        tpu.wait_dma2 semaphore(%arg7 : memref<!tpu.dma_semaphore, #tpu.memory_space<semaphore_mem>>) src(%dma_wait3A_273 : memref<1x32xf32, #tpu.memory_space<hbm>>) dst(%dma_wait3A_270 : memref<1x32xf32, #tpu.memory_space<vmem>>)
        %dma_wait3A_274 = arith.constant 0 : i32
        %dma_wait3A_275 = arith.constant 0 : i32
        %dma_wait3A_276 = tpu.memref_slice %arg6[%dma_wait3A_274, %dma_wait3A_275] : memref<640x32xf32, #tpu.memory_space<vmem>> -> memref<1x32xf32, #tpu.memory_space<vmem>>
        %dma_wait3A_277 = arith.constant 0 : i32
        %dma_wait3A_278 = arith.constant 0 : i32
        %dma_wait3A_279 = tpu.memref_slice %arg2[%dma_wait3A_277, %dma_wait3A_278] : memref<1000001x32xf32, #tpu.memory_space<hbm>> -> memref<1x32xf32, #tpu.memory_space<hbm>>
        %dma_wait3A_280 = arith.constant 0 : i32
        %dma_wait3A_281 = arith.constant 0 : i32
        %dma_wait3A_282 = tpu.memref_slice %arg6[%dma_wait3A_280, %dma_wait3A_281] : memref<640x32xf32, #tpu.memory_space<vmem>> -> memref<1x32xf32, #tpu.memory_space<vmem>>
        %dma_wait3A_283 = arith.constant 0 : i32
        %dma_wait3A_284 = arith.constant 0 : i32
        %dma_wait3A_285 = tpu.memref_slice %arg2[%dma_wait3A_283, %dma_wait3A_284] : memref<1000001x32xf32, #tpu.memory_space<hbm>> -> memref<1x32xf32, #tpu.memory_space<hbm>>
        tpu.wait_dma2 semaphore(%arg7 : memref<!tpu.dma_semaphore, #tpu.memory_space<semaphore_mem>>) src(%dma_wait3A_285 : memref<1x32xf32, #tpu.memory_space<hbm>>) dst(%dma_wait3A_282 : memref<1x32xf32, #tpu.memory_space<vmem>>)
        %dma_wait3A_286 = arith.constant 0 : i32
        %dma_wait3A_287 = arith.constant 0 : i32
        %dma_wait3A_288 = tpu.memref_slice %arg6[%dma_wait3A_286, %dma_wait3A_287] : memref<640x32xf32, #tpu.memory_space<vmem>> -> memref<1x32xf32, #tpu.memory_space<vmem>>
        %dma_wait3A_289 = arith.constant 0 : i32
        %dma_wait3A_290 = arith.constant 0 : i32
        %dma_wait3A_291 = tpu.memref_slice %arg2[%dma_wait3A_289, %dma_wait3A_290] : memref<1000001x32xf32, #tpu.memory_space<hbm>> -> memref<1x32xf32, #tpu.memory_space<hbm>>
        %dma_wait3A_292 = arith.constant 0 : i32
        %dma_wait3A_293 = arith.constant 0 : i32
        %dma_wait3A_294 = tpu.memref_slice %arg6[%dma_wait3A_292, %dma_wait3A_293] : memref<640x32xf32, #tpu.memory_space<vmem>> -> memref<1x32xf32, #tpu.memory_space<vmem>>
        %dma_wait3A_295 = arith.constant 0 : i32
        %dma_wait3A_296 = arith.constant 0 : i32
        %dma_wait3A_297 = tpu.memref_slice %arg2[%dma_wait3A_295, %dma_wait3A_296] : memref<1000001x32xf32, #tpu.memory_space<hbm>> -> memref<1x32xf32, #tpu.memory_space<hbm>>
        tpu.wait_dma2 semaphore(%arg7 : memref<!tpu.dma_semaphore, #tpu.memory_space<semaphore_mem>>) src(%dma_wait3A_297 : memref<1x32xf32, #tpu.memory_space<hbm>>) dst(%dma_wait3A_294 : memref<1x32xf32, #tpu.memory_space<vmem>>)
        %dma_wait3A_298 = arith.constant 0 : i32
        %dma_wait3A_299 = arith.constant 0 : i32
        %dma_wait3A_300 = tpu.memref_slice %arg6[%dma_wait3A_298, %dma_wait3A_299] : memref<640x32xf32, #tpu.memory_space<vmem>> -> memref<1x32xf32, #tpu.memory_space<vmem>>
        %dma_wait3A_301 = arith.constant 0 : i32
        %dma_wait3A_302 = arith.constant 0 : i32
        %dma_wait3A_303 = tpu.memref_slice %arg2[%dma_wait3A_301, %dma_wait3A_302] : memref<1000001x32xf32, #tpu.memory_space<hbm>> -> memref<1x32xf32, #tpu.memory_space<hbm>>
        %dma_wait3A_304 = arith.constant 0 : i32
        %dma_wait3A_305 = arith.constant 0 : i32
        %dma_wait3A_306 = tpu.memref_slice %arg6[%dma_wait3A_304, %dma_wait3A_305] : memref<640x32xf32, #tpu.memory_space<vmem>> -> memref<1x32xf32, #tpu.memory_space<vmem>>
        %dma_wait3A_307 = arith.constant 0 : i32
        %dma_wait3A_308 = arith.constant 0 : i32
        %dma_wait3A_309 = tpu.memref_slice %arg2[%dma_wait3A_307, %dma_wait3A_308] : memref<1000001x32xf32, #tpu.memory_space<hbm>> -> memref<1x32xf32, #tpu.memory_space<hbm>>
        tpu.wait_dma2 semaphore(%arg7 : memref<!tpu.dma_semaphore, #tpu.memory_space<semaphore_mem>>) src(%dma_wait3A_309 : memref<1x32xf32, #tpu.memory_space<hbm>>) dst(%dma_wait3A_306 : memref<1x32xf32, #tpu.memory_space<vmem>>)
        %dma_wait3A_310 = arith.constant 0 : i32
        %dma_wait3A_311 = arith.constant 0 : i32
        %dma_wait3A_312 = tpu.memref_slice %arg6[%dma_wait3A_310, %dma_wait3A_311] : memref<640x32xf32, #tpu.memory_space<vmem>> -> memref<1x32xf32, #tpu.memory_space<vmem>>
        %dma_wait3A_313 = arith.constant 0 : i32
        %dma_wait3A_314 = arith.constant 0 : i32
        %dma_wait3A_315 = tpu.memref_slice %arg2[%dma_wait3A_313, %dma_wait3A_314] : memref<1000001x32xf32, #tpu.memory_space<hbm>> -> memref<1x32xf32, #tpu.memory_space<hbm>>
        %dma_wait3A_316 = arith.constant 0 : i32
        %dma_wait3A_317 = arith.constant 0 : i32
        %dma_wait3A_318 = tpu.memref_slice %arg6[%dma_wait3A_316, %dma_wait3A_317] : memref<640x32xf32, #tpu.memory_space<vmem>> -> memref<1x32xf32, #tpu.memory_space<vmem>>
        %dma_wait3A_319 = arith.constant 0 : i32
        %dma_wait3A_320 = arith.constant 0 : i32
        %dma_wait3A_321 = tpu.memref_slice %arg2[%dma_wait3A_319, %dma_wait3A_320] : memref<1000001x32xf32, #tpu.memory_space<hbm>> -> memref<1x32xf32, #tpu.memory_space<hbm>>
        tpu.wait_dma2 semaphore(%arg7 : memref<!tpu.dma_semaphore, #tpu.memory_space<semaphore_mem>>) src(%dma_wait3A_321 : memref<1x32xf32, #tpu.memory_space<hbm>>) dst(%dma_wait3A_318 : memref<1x32xf32, #tpu.memory_space<vmem>>)
        %dma_wait3A_322 = arith.constant 0 : i32
        %dma_wait3A_323 = arith.constant 0 : i32
        %dma_wait3A_324 = tpu.memref_slice %arg6[%dma_wait3A_322, %dma_wait3A_323] : memref<640x32xf32, #tpu.memory_space<vmem>> -> memref<1x32xf32, #tpu.memory_space<vmem>>
        %dma_wait3A_325 = arith.constant 0 : i32
        %dma_wait3A_326 = arith.constant 0 : i32
        %dma_wait3A_327 = tpu.memref_slice %arg2[%dma_wait3A_325, %dma_wait3A_326] : memref<1000001x32xf32, #tpu.memory_space<hbm>> -> memref<1x32xf32, #tpu.memory_space<hbm>>
        %dma_wait3A_328 = arith.constant 0 : i32
        %dma_wait3A_329 = arith.constant 0 : i32
        %dma_wait3A_330 = tpu.memref_slice %arg6[%dma_wait3A_328, %dma_wait3A_329] : memref<640x32xf32, #tpu.memory_space<vmem>> -> memref<1x32xf32, #tpu.memory_space<vmem>>
        %dma_wait3A_331 = arith.constant 0 : i32
        %dma_wait3A_332 = arith.constant 0 : i32
        %dma_wait3A_333 = tpu.memref_slice %arg2[%dma_wait3A_331, %dma_wait3A_332] : memref<1000001x32xf32, #tpu.memory_space<hbm>> -> memref<1x32xf32, #tpu.memory_space<hbm>>
        tpu.wait_dma2 semaphore(%arg7 : memref<!tpu.dma_semaphore, #tpu.memory_space<semaphore_mem>>) src(%dma_wait3A_333 : memref<1x32xf32, #tpu.memory_space<hbm>>) dst(%dma_wait3A_330 : memref<1x32xf32, #tpu.memory_space<vmem>>)
        %dma_wait3A_334 = arith.constant 0 : i32
        %dma_wait3A_335 = arith.constant 0 : i32
        %dma_wait3A_336 = tpu.memref_slice %arg6[%dma_wait3A_334, %dma_wait3A_335] : memref<640x32xf32, #tpu.memory_space<vmem>> -> memref<1x32xf32, #tpu.memory_space<vmem>>
        %dma_wait3A_337 = arith.constant 0 : i32
        %dma_wait3A_338 = arith.constant 0 : i32
        %dma_wait3A_339 = tpu.memref_slice %arg2[%dma_wait3A_337, %dma_wait3A_338] : memref<1000001x32xf32, #tpu.memory_space<hbm>> -> memref<1x32xf32, #tpu.memory_space<hbm>>
        %dma_wait3A_340 = arith.constant 0 : i32
        %dma_wait3A_341 = arith.constant 0 : i32
        %dma_wait3A_342 = tpu.memref_slice %arg6[%dma_wait3A_340, %dma_wait3A_341] : memref<640x32xf32, #tpu.memory_space<vmem>> -> memref<1x32xf32, #tpu.memory_space<vmem>>
        %dma_wait3A_343 = arith.constant 0 : i32
        %dma_wait3A_344 = arith.constant 0 : i32
        %dma_wait3A_345 = tpu.memref_slice %arg2[%dma_wait3A_343, %dma_wait3A_344] : memref<1000001x32xf32, #tpu.memory_space<hbm>> -> memref<1x32xf32, #tpu.memory_space<hbm>>
        tpu.wait_dma2 semaphore(%arg7 : memref<!tpu.dma_semaphore, #tpu.memory_space<semaphore_mem>>) src(%dma_wait3A_345 : memref<1x32xf32, #tpu.memory_space<hbm>>) dst(%dma_wait3A_342 : memref<1x32xf32, #tpu.memory_space<vmem>>)
        %dma_wait3A_346 = arith.constant 0 : i32
        %dma_wait3A_347 = arith.constant 0 : i32
        %dma_wait3A_348 = tpu.memref_slice %arg6[%dma_wait3A_346, %dma_wait3A_347] : memref<640x32xf32, #tpu.memory_space<vmem>> -> memref<1x32xf32, #tpu.memory_space<vmem>>
        %dma_wait3A_349 = arith.constant 0 : i32
        %dma_wait3A_350 = arith.constant 0 : i32
        %dma_wait3A_351 = tpu.memref_slice %arg2[%dma_wait3A_349, %dma_wait3A_350] : memref<1000001x32xf32, #tpu.memory_space<hbm>> -> memref<1x32xf32, #tpu.memory_space<hbm>>
        %dma_wait3A_352 = arith.constant 0 : i32
        %dma_wait3A_353 = arith.constant 0 : i32
        %dma_wait3A_354 = tpu.memref_slice %arg6[%dma_wait3A_352, %dma_wait3A_353] : memref<640x32xf32, #tpu.memory_space<vmem>> -> memref<1x32xf32, #tpu.memory_space<vmem>>
        %dma_wait3A_355 = arith.constant 0 : i32
        %dma_wait3A_356 = arith.constant 0 : i32
        %dma_wait3A_357 = tpu.memref_slice %arg2[%dma_wait3A_355, %dma_wait3A_356] : memref<1000001x32xf32, #tpu.memory_space<hbm>> -> memref<1x32xf32, #tpu.memory_space<hbm>>
        tpu.wait_dma2 semaphore(%arg7 : memref<!tpu.dma_semaphore, #tpu.memory_space<semaphore_mem>>) src(%dma_wait3A_357 : memref<1x32xf32, #tpu.memory_space<hbm>>) dst(%dma_wait3A_354 : memref<1x32xf32, #tpu.memory_space<vmem>>)
        %dma_wait3A_358 = arith.constant 0 : i32
        %dma_wait3A_359 = arith.constant 0 : i32
        %dma_wait3A_360 = tpu.memref_slice %arg6[%dma_wait3A_358, %dma_wait3A_359] : memref<640x32xf32, #tpu.memory_space<vmem>> -> memref<1x32xf32, #tpu.memory_space<vmem>>
        %dma_wait3A_361 = arith.constant 0 : i32
        %dma_wait3A_362 = arith.constant 0 : i32
        %dma_wait3A_363 = tpu.memref_slice %arg2[%dma_wait3A_361, %dma_wait3A_362] : memref<1000001x32xf32, #tpu.memory_space<hbm>> -> memref<1x32xf32, #tpu.memory_space<hbm>>
        %dma_wait3A_364 = arith.constant 0 : i32
        %dma_wait3A_365 = arith.constant 0 : i32
        %dma_wait3A_366 = tpu.memref_slice %arg6[%dma_wait3A_364, %dma_wait3A_365] : memref<640x32xf32, #tpu.memory_space<vmem>> -> memref<1x32xf32, #tpu.memory_space<vmem>>
        %dma_wait3A_367 = arith.constant 0 : i32
        %dma_wait3A_368 = arith.constant 0 : i32
        %dma_wait3A_369 = tpu.memref_slice %arg2[%dma_wait3A_367, %dma_wait3A_368] : memref<1000001x32xf32, #tpu.memory_space<hbm>> -> memref<1x32xf32, #tpu.memory_space<hbm>>
        tpu.wait_dma2 semaphore(%arg7 : memref<!tpu.dma_semaphore, #tpu.memory_space<semaphore_mem>>) src(%dma_wait3A_369 : memref<1x32xf32, #tpu.memory_space<hbm>>) dst(%dma_wait3A_366 : memref<1x32xf32, #tpu.memory_space<vmem>>)
        %dma_wait3A_370 = arith.constant 0 : i32
        %dma_wait3A_371 = arith.constant 0 : i32
        %dma_wait3A_372 = tpu.memref_slice %arg6[%dma_wait3A_370, %dma_wait3A_371] : memref<640x32xf32, #tpu.memory_space<vmem>> -> memref<1x32xf32, #tpu.memory_space<vmem>>
        %dma_wait3A_373 = arith.constant 0 : i32
        %dma_wait3A_374 = arith.constant 0 : i32
        %dma_wait3A_375 = tpu.memref_slice %arg2[%dma_wait3A_373, %dma_wait3A_374] : memref<1000001x32xf32, #tpu.memory_space<hbm>> -> memref<1x32xf32, #tpu.memory_space<hbm>>
        %dma_wait3A_376 = arith.constant 0 : i32
        %dma_wait3A_377 = arith.constant 0 : i32
        %dma_wait3A_378 = tpu.memref_slice %arg6[%dma_wait3A_376, %dma_wait3A_377] : memref<640x32xf32, #tpu.memory_space<vmem>> -> memref<1x32xf32, #tpu.memory_space<vmem>>
        %dma_wait3A_379 = arith.constant 0 : i32
        %dma_wait3A_380 = arith.constant 0 : i32
        %dma_wait3A_381 = tpu.memref_slice %arg2[%dma_wait3A_379, %dma_wait3A_380] : memref<1000001x32xf32, #tpu.memory_space<hbm>> -> memref<1x32xf32, #tpu.memory_space<hbm>>
        tpu.wait_dma2 semaphore(%arg7 : memref<!tpu.dma_semaphore, #tpu.memory_space<semaphore_mem>>) src(%dma_wait3A_381 : memref<1x32xf32, #tpu.memory_space<hbm>>) dst(%dma_wait3A_378 : memref<1x32xf32, #tpu.memory_space<vmem>>)
        %dma_wait3A_382 = arith.constant 0 : i32
        %dma_wait3A_383 = arith.constant 0 : i32
        %dma_wait3A_384 = tpu.memref_slice %arg6[%dma_wait3A_382, %dma_wait3A_383] : memref<640x32xf32, #tpu.memory_space<vmem>> -> memref<1x32xf32, #tpu.memory_space<vmem>>
        %dma_wait3A_385 = arith.constant 0 : i32
        %dma_wait3A_386 = arith.constant 0 : i32
        %dma_wait3A_387 = tpu.memref_slice %arg2[%dma_wait3A_385, %dma_wait3A_386] : memref<1000001x32xf32, #tpu.memory_space<hbm>> -> memref<1x32xf32, #tpu.memory_space<hbm>>
        %dma_wait3A_388 = arith.constant 0 : i32
        %dma_wait3A_389 = arith.constant 0 : i32
        %dma_wait3A_390 = tpu.memref_slice %arg6[%dma_wait3A_388, %dma_wait3A_389] : memref<640x32xf32, #tpu.memory_space<vmem>> -> memref<1x32xf32, #tpu.memory_space<vmem>>
        %dma_wait3A_391 = arith.constant 0 : i32
        %dma_wait3A_392 = arith.constant 0 : i32
        %dma_wait3A_393 = tpu.memref_slice %arg2[%dma_wait3A_391, %dma_wait3A_392] : memref<1000001x32xf32, #tpu.memory_space<hbm>> -> memref<1x32xf32, #tpu.memory_space<hbm>>
        tpu.wait_dma2 semaphore(%arg7 : memref<!tpu.dma_semaphore, #tpu.memory_space<semaphore_mem>>) src(%dma_wait3A_393 : memref<1x32xf32, #tpu.memory_space<hbm>>) dst(%dma_wait3A_390 : memref<1x32xf32, #tpu.memory_space<vmem>>)
        %dma_wait3A_394 = arith.constant 0 : i32
        %dma_wait3A_395 = arith.constant 0 : i32
        %dma_wait3A_396 = tpu.memref_slice %arg6[%dma_wait3A_394, %dma_wait3A_395] : memref<640x32xf32, #tpu.memory_space<vmem>> -> memref<1x32xf32, #tpu.memory_space<vmem>>
        %dma_wait3A_397 = arith.constant 0 : i32
        %dma_wait3A_398 = arith.constant 0 : i32
        %dma_wait3A_399 = tpu.memref_slice %arg2[%dma_wait3A_397, %dma_wait3A_398] : memref<1000001x32xf32, #tpu.memory_space<hbm>> -> memref<1x32xf32, #tpu.memory_space<hbm>>
        %dma_wait3A_400 = arith.constant 0 : i32
        %dma_wait3A_401 = arith.constant 0 : i32
        %dma_wait3A_402 = tpu.memref_slice %arg6[%dma_wait3A_400, %dma_wait3A_401] : memref<640x32xf32, #tpu.memory_space<vmem>> -> memref<1x32xf32, #tpu.memory_space<vmem>>
        %dma_wait3A_403 = arith.constant 0 : i32
        %dma_wait3A_404 = arith.constant 0 : i32
        %dma_wait3A_405 = tpu.memref_slice %arg2[%dma_wait3A_403, %dma_wait3A_404] : memref<1000001x32xf32, #tpu.memory_space<hbm>> -> memref<1x32xf32, #tpu.memory_space<hbm>>
        tpu.wait_dma2 semaphore(%arg7 : memref<!tpu.dma_semaphore, #tpu.memory_space<semaphore_mem>>) src(%dma_wait3A_405 : memref<1x32xf32, #tpu.memory_space<hbm>>) dst(%dma_wait3A_402 : memref<1x32xf32, #tpu.memory_space<vmem>>)
        %dma_wait3A_406 = arith.constant 0 : i32
        %dma_wait3A_407 = arith.constant 0 : i32
        %dma_wait3A_408 = tpu.memref_slice %arg6[%dma_wait3A_406, %dma_wait3A_407] : memref<640x32xf32, #tpu.memory_space<vmem>> -> memref<1x32xf32, #tpu.memory_space<vmem>>
        %dma_wait3A_409 = arith.constant 0 : i32
        %dma_wait3A_410 = arith.constant 0 : i32
        %dma_wait3A_411 = tpu.memref_slice %arg2[%dma_wait3A_409, %dma_wait3A_410] : memref<1000001x32xf32, #tpu.memory_space<hbm>> -> memref<1x32xf32, #tpu.memory_space<hbm>>
        %dma_wait3A_412 = arith.constant 0 : i32
        %dma_wait3A_413 = arith.constant 0 : i32
        %dma_wait3A_414 = tpu.memref_slice %arg6[%dma_wait3A_412, %dma_wait3A_413] : memref<640x32xf32, #tpu.memory_space<vmem>> -> memref<1x32xf32, #tpu.memory_space<vmem>>
        %dma_wait3A_415 = arith.constant 0 : i32
        %dma_wait3A_416 = arith.constant 0 : i32
        %dma_wait3A_417 = tpu.memref_slice %arg2[%dma_wait3A_415, %dma_wait3A_416] : memref<1000001x32xf32, #tpu.memory_space<hbm>> -> memref<1x32xf32, #tpu.memory_space<hbm>>
        tpu.wait_dma2 semaphore(%arg7 : memref<!tpu.dma_semaphore, #tpu.memory_space<semaphore_mem>>) src(%dma_wait3A_417 : memref<1x32xf32, #tpu.memory_space<hbm>>) dst(%dma_wait3A_414 : memref<1x32xf32, #tpu.memory_space<vmem>>)
        %dma_wait3A_418 = arith.constant 0 : i32
        %dma_wait3A_419 = arith.constant 0 : i32
        %dma_wait3A_420 = tpu.memref_slice %arg6[%dma_wait3A_418, %dma_wait3A_419] : memref<640x32xf32, #tpu.memory_space<vmem>> -> memref<1x32xf32, #tpu.memory_space<vmem>>
        %dma_wait3A_421 = arith.constant 0 : i32
        %dma_wait3A_422 = arith.constant 0 : i32
        %dma_wait3A_423 = tpu.memref_slice %arg2[%dma_wait3A_421, %dma_wait3A_422] : memref<1000001x32xf32, #tpu.memory_space<hbm>> -> memref<1x32xf32, #tpu.memory_space<hbm>>
        %dma_wait3A_424 = arith.constant 0 : i32
        %dma_wait3A_425 = arith.constant 0 : i32
        %dma_wait3A_426 = tpu.memref_slice %arg6[%dma_wait3A_424, %dma_wait3A_425] : memref<640x32xf32, #tpu.memory_space<vmem>> -> memref<1x32xf32, #tpu.memory_space<vmem>>
        %dma_wait3A_427 = arith.constant 0 : i32
        %dma_wait3A_428 = arith.constant 0 : i32
        %dma_wait3A_429 = tpu.memref_slice %arg2[%dma_wait3A_427, %dma_wait3A_428] : memref<1000001x32xf32, #tpu.memory_space<hbm>> -> memref<1x32xf32, #tpu.memory_space<hbm>>
        tpu.wait_dma2 semaphore(%arg7 : memref<!tpu.dma_semaphore, #tpu.memory_space<semaphore_mem>>) src(%dma_wait3A_429 : memref<1x32xf32, #tpu.memory_space<hbm>>) dst(%dma_wait3A_426 : memref<1x32xf32, #tpu.memory_space<vmem>>)
      } else {
      }
      %scan3A_46 = arith.constant 0 : i32
      scf.yield %scan3A_46 : i32
    }
    %scan3A_17 = arith.constant 21 : i32
    %add3A_18 = arith.constant 640 : i32
    %add3A_19 = arith.addi %mul3A_2, %add3A_18 : i32
    "tpu.region"() ({
      %run_scoped3A = tpu.sem_alloc : memref<!tpu.dma_semaphore, #tpu.memory_space<semaphore_mem>>
      %dma_start3A = arith.constant 0 : i32
      %dma_start3A_38 = tpu.memref_slice %arg4[%add3A_19, %dma_start3A] : memref<81920x32xf32, #tpu.memory_space<hbm>> -> memref<640x32xf32, #tpu.memory_space<hbm>>
      %dma_start3A_39 = arith.constant 0 : i32
      %dma_start3A_40 = tpu.memref_slice %arg4[%add3A_19, %dma_start3A_39] : memref<81920x32xf32, #tpu.memory_space<hbm>> -> memref<640x32xf32, #tpu.memory_space<hbm>>
      tpu.enqueue_dma source(%arg6 : memref<640x32xf32, #tpu.memory_space<vmem>>) target(%dma_start3A_40 : memref<640x32xf32, #tpu.memory_space<hbm>>) target_semaphore(%run_scoped3A : memref<!tpu.dma_semaphore, #tpu.memory_space<semaphore_mem>>)
      %dma_wait3A = arith.constant 0 : i32
      %dma_wait3A_41 = tpu.memref_slice %arg4[%add3A_19, %dma_wait3A] : memref<81920x32xf32, #tpu.memory_space<hbm>> -> memref<640x32xf32, #tpu.memory_space<hbm>>
      %dma_wait3A_42 = arith.constant 0 : i32
      %dma_wait3A_43 = tpu.memref_slice %arg4[%add3A_19, %dma_wait3A_42] : memref<81920x32xf32, #tpu.memory_space<hbm>> -> memref<640x32xf32, #tpu.memory_space<hbm>>
      tpu.wait_dma2 semaphore(%run_scoped3A : memref<!tpu.dma_semaphore, #tpu.memory_space<semaphore_mem>>) src(%arg6 : memref<640x32xf32, #tpu.memory_space<vmem>>) dst(%dma_wait3A_43 : memref<640x32xf32, #tpu.memory_space<hbm>>)
      tpu.yield
    }) : () -> ()
    %scan3A_20 = arith.constant 0 : i32
    %scan3A_21 = arith.constant 0 : i32
    %scan3A_22 = arith.constant 21 : i32
    %scan3A_23 = arith.addi %scan3A_21, %scan3A_22 : i32
    %scan3A_24 = arith.constant 1 : i32
    %scan3A_25 = scf.for %scan3A_38 = %scan3A_21 to %scan3A_23 step %scan3A_24 iter_args(%scan3A_39 = %scan3A_20) -> (i32)  : i32 {
      %lt3A = arith.constant 20 : i32
      %lt3A_40 = arith.cmpi slt, %scan3A_38, %lt3A : i32
      %convert_element_type3A = arith.extui %lt3A_40 : i1 to i32
      %cond3A = arith.constant 0 : i32
      %cond3A_41 = arith.cmpi ne, %convert_element_type3A, %cond3A : i32
      scf.if %cond3A_41 {
        %mul3A_47 = arith.constant 32 : i32
        %mul3A_48 = arith.muli %scan3A_38, %mul3A_47 : i32
        %add3A_49 = arith.constant 1280 : i32
        %add3A_50 = arith.addi %add3A_49, %mul3A_48 : i32
        %add3A_51 = arith.constant 0 : i32
        %add3A_52 = arith.addi %add3A_50, %add3A_51 : i32
        %get3A = arith.index_cast %add3A_52 : i32 to index
        %get3A_53 = tpu.vector_load %arg5[%get3A] {strides = array<i32>} : memref<2560xi32, #tpu.memory_space<vmem>>, vector<16xi32>,
        %get3A_54 = vector.shape_cast %get3A_53 : vector<16xi32> to vector<16xi32>
        %add3A_55 = arith.constant 1280 : i32
        %add3A_56 = arith.addi %add3A_55, %mul3A_48 : i32
        %add3A_57 = arith.constant 16 : i32
        %add3A_58 = arith.addi %add3A_56, %add3A_57 : i32
        %get3A_59 = arith.index_cast %add3A_58 : i32 to index
        %get3A_60 = tpu.vector_load %arg5[%get3A_59] {strides = array<i32>} : memref<2560xi32, #tpu.memory_space<vmem>>, vector<16xi32>,
        %get3A_61 = vector.shape_cast %get3A_60 : vector<16xi32> to vector<16xi32>
        %slice3A = vector.extract_strided_slice %get3A_54 {offsets = [0], sizes = [1], strides = [1]} : vector<16xi32> to vector<1xi32>
        %squeeze3A = vector.extract %slice3A[0] : i32 from vector<1xi32>
        %add3A_62 = arith.constant 0 : i32
        %add3A_63 = arith.addi %mul3A_48, %add3A_62 : i32
        %dma_start3A = arith.constant 0 : i32
        %dma_start3A_64 = tpu.memref_slice %arg6[%add3A_63, %dma_start3A] : memref<640x32xf32, #tpu.memory_space<vmem>> -> memref<1x32xf32, #tpu.memory_space<vmem>>
        %dma_start3A_65 = arith.constant 0 : i32
        %dma_start3A_66 = tpu.memref_slice %arg2[%squeeze3A, %dma_start3A_65] : memref<1000001x32xf32, #tpu.memory_space<hbm>> -> memref<1x32xf32, #tpu.memory_space<hbm>>
        %dma_start3A_67 = arith.constant 0 : i32
        %dma_start3A_68 = tpu.memref_slice %arg6[%add3A_63, %dma_start3A_67] : memref<640x32xf32, #tpu.memory_space<vmem>> -> memref<1x32xf32, #tpu.memory_space<vmem>>
        %dma_start3A_69 = arith.constant 0 : i32
        %dma_start3A_70 = tpu.memref_slice %arg2[%squeeze3A, %dma_start3A_69] : memref<1000001x32xf32, #tpu.memory_space<hbm>> -> memref<1x32xf32, #tpu.memory_space<hbm>>
        tpu.enqueue_dma source(%dma_start3A_70 : memref<1x32xf32, #tpu.memory_space<hbm>>) target(%dma_start3A_68 : memref<1x32xf32, #tpu.memory_space<vmem>>) target_semaphore(%arg7 : memref<!tpu.dma_semaphore, #tpu.memory_space<semaphore_mem>>)
        %slice3A_71 = vector.extract_strided_slice %get3A_54 {offsets = [1], sizes = [1], strides = [1]} : vector<16xi32> to vector<1xi32>
        %squeeze3A_72 = vector.extract %slice3A_71[0] : i32 from vector<1xi32>
        %add3A_73 = arith.constant 1 : i32
        %add3A_74 = arith.addi %mul3A_48, %add3A_73 : i32
        %dma_start3A_75 = arith.constant 0 : i32
        %dma_start3A_76 = tpu.memref_slice %arg6[%add3A_74, %dma_start3A_75] : memref<640x32xf32, #tpu.memory_space<vmem>> -> memref<1x32xf32, #tpu.memory_space<vmem>>
        %dma_start3A_77 = arith.constant 0 : i32
        %dma_start3A_78 = tpu.memref_slice %arg2[%squeeze3A_72, %dma_start3A_77] : memref<1000001x32xf32, #tpu.memory_space<hbm>> -> memref<1x32xf32, #tpu.memory_space<hbm>>
        %dma_start3A_79 = arith.constant 0 : i32
        %dma_start3A_80 = tpu.memref_slice %arg6[%add3A_74, %dma_start3A_79] : memref<640x32xf32, #tpu.memory_space<vmem>> -> memref<1x32xf32, #tpu.memory_space<vmem>>
        %dma_start3A_81 = arith.constant 0 : i32
        %dma_start3A_82 = tpu.memref_slice %arg2[%squeeze3A_72, %dma_start3A_81] : memref<1000001x32xf32, #tpu.memory_space<hbm>> -> memref<1x32xf32, #tpu.memory_space<hbm>>
        tpu.enqueue_dma source(%dma_start3A_82 : memref<1x32xf32, #tpu.memory_space<hbm>>) target(%dma_start3A_80 : memref<1x32xf32, #tpu.memory_space<vmem>>) target_semaphore(%arg7 : memref<!tpu.dma_semaphore, #tpu.memory_space<semaphore_mem>>)
        %slice3A_83 = vector.extract_strided_slice %get3A_54 {offsets = [2], sizes = [1], strides = [1]} : vector<16xi32> to vector<1xi32>
        %squeeze3A_84 = vector.extract %slice3A_83[0] : i32 from vector<1xi32>
        %add3A_85 = arith.constant 2 : i32
        %add3A_86 = arith.addi %mul3A_48, %add3A_85 : i32
        %dma_start3A_87 = arith.constant 0 : i32
        %dma_start3A_88 = tpu.memref_slice %arg6[%add3A_86, %dma_start3A_87] : memref<640x32xf32, #tpu.memory_space<vmem>> -> memref<1x32xf32, #tpu.memory_space<vmem>>
        %dma_start3A_89 = arith.constant 0 : i32
        %dma_start3A_90 = tpu.memref_slice %arg2[%squeeze3A_84, %dma_start3A_89] : memref<1000001x32xf32, #tpu.memory_space<hbm>> -> memref<1x32xf32, #tpu.memory_space<hbm>>
        %dma_start3A_91 = arith.constant 0 : i32
        %dma_start3A_92 = tpu.memref_slice %arg6[%add3A_86, %dma_start3A_91] : memref<640x32xf32, #tpu.memory_space<vmem>> -> memref<1x32xf32, #tpu.memory_space<vmem>>
        %dma_start3A_93 = arith.constant 0 : i32
        %dma_start3A_94 = tpu.memref_slice %arg2[%squeeze3A_84, %dma_start3A_93] : memref<1000001x32xf32, #tpu.memory_space<hbm>> -> memref<1x32xf32, #tpu.memory_space<hbm>>
        tpu.enqueue_dma source(%dma_start3A_94 : memref<1x32xf32, #tpu.memory_space<hbm>>) target(%dma_start3A_92 : memref<1x32xf32, #tpu.memory_space<vmem>>) target_semaphore(%arg7 : memref<!tpu.dma_semaphore, #tpu.memory_space<semaphore_mem>>)
        %slice3A_95 = vector.extract_strided_slice %get3A_54 {offsets = [3], sizes = [1], strides = [1]} : vector<16xi32> to vector<1xi32>
        %squeeze3A_96 = vector.extract %slice3A_95[0] : i32 from vector<1xi32>
        %add3A_97 = arith.constant 3 : i32
        %add3A_98 = arith.addi %mul3A_48, %add3A_97 : i32
        %dma_start3A_99 = arith.constant 0 : i32
        %dma_start3A_100 = tpu.memref_slice %arg6[%add3A_98, %dma_start3A_99] : memref<640x32xf32, #tpu.memory_space<vmem>> -> memref<1x32xf32, #tpu.memory_space<vmem>>
        %dma_start3A_101 = arith.constant 0 : i32
        %dma_start3A_102 = tpu.memref_slice %arg2[%squeeze3A_96, %dma_start3A_101] : memref<1000001x32xf32, #tpu.memory_space<hbm>> -> memref<1x32xf32, #tpu.memory_space<hbm>>
        %dma_start3A_103 = arith.constant 0 : i32
        %dma_start3A_104 = tpu.memref_slice %arg6[%add3A_98, %dma_start3A_103] : memref<640x32xf32, #tpu.memory_space<vmem>> -> memref<1x32xf32, #tpu.memory_space<vmem>>
        %dma_start3A_105 = arith.constant 0 : i32
        %dma_start3A_106 = tpu.memref_slice %arg2[%squeeze3A_96, %dma_start3A_105] : memref<1000001x32xf32, #tpu.memory_space<hbm>> -> memref<1x32xf32, #tpu.memory_space<hbm>>
        tpu.enqueue_dma source(%dma_start3A_106 : memref<1x32xf32, #tpu.memory_space<hbm>>) target(%dma_start3A_104 : memref<1x32xf32, #tpu.memory_space<vmem>>) target_semaphore(%arg7 : memref<!tpu.dma_semaphore, #tpu.memory_space<semaphore_mem>>)
        %slice3A_107 = vector.extract_strided_slice %get3A_54 {offsets = [4], sizes = [1], strides = [1]} : vector<16xi32> to vector<1xi32>
        %squeeze3A_108 = vector.extract %slice3A_107[0] : i32 from vector<1xi32>
        %add3A_109 = arith.constant 4 : i32
        %add3A_110 = arith.addi %mul3A_48, %add3A_109 : i32
        %dma_start3A_111 = arith.constant 0 : i32
        %dma_start3A_112 = tpu.memref_slice %arg6[%add3A_110, %dma_start3A_111] : memref<640x32xf32, #tpu.memory_space<vmem>> -> memref<1x32xf32, #tpu.memory_space<vmem>>
        %dma_start3A_113 = arith.constant 0 : i32
        %dma_start3A_114 = tpu.memref_slice %arg2[%squeeze3A_108, %dma_start3A_113] : memref<1000001x32xf32, #tpu.memory_space<hbm>> -> memref<1x32xf32, #tpu.memory_space<hbm>>
        %dma_start3A_115 = arith.constant 0 : i32
        %dma_start3A_116 = tpu.memref_slice %arg6[%add3A_110, %dma_start3A_115] : memref<640x32xf32, #tpu.memory_space<vmem>> -> memref<1x32xf32, #tpu.memory_space<vmem>>
        %dma_start3A_117 = arith.constant 0 : i32
        %dma_start3A_118 = tpu.memref_slice %arg2[%squeeze3A_108, %dma_start3A_117] : memref<1000001x32xf32, #tpu.memory_space<hbm>> -> memref<1x32xf32, #tpu.memory_space<hbm>>
        tpu.enqueue_dma source(%dma_start3A_118 : memref<1x32xf32, #tpu.memory_space<hbm>>) target(%dma_start3A_116 : memref<1x32xf32, #tpu.memory_space<vmem>>) target_semaphore(%arg7 : memref<!tpu.dma_semaphore, #tpu.memory_space<semaphore_mem>>)
        %slice3A_119 = vector.extract_strided_slice %get3A_54 {offsets = [5], sizes = [1], strides = [1]} : vector<16xi32> to vector<1xi32>
        %squeeze3A_120 = vector.extract %slice3A_119[0] : i32 from vector<1xi32>
        %add3A_121 = arith.constant 5 : i32
        %add3A_122 = arith.addi %mul3A_48, %add3A_121 : i32
        %dma_start3A_123 = arith.constant 0 : i32
        %dma_start3A_124 = tpu.memref_slice %arg6[%add3A_122, %dma_start3A_123] : memref<640x32xf32, #tpu.memory_space<vmem>> -> memref<1x32xf32, #tpu.memory_space<vmem>>
        %dma_start3A_125 = arith.constant 0 : i32
        %dma_start3A_126 = tpu.memref_slice %arg2[%squeeze3A_120, %dma_start3A_125] : memref<1000001x32xf32, #tpu.memory_space<hbm>> -> memref<1x32xf32, #tpu.memory_space<hbm>>
        %dma_start3A_127 = arith.constant 0 : i32
        %dma_start3A_128 = tpu.memref_slice %arg6[%add3A_122, %dma_start3A_127] : memref<640x32xf32, #tpu.memory_space<vmem>> -> memref<1x32xf32, #tpu.memory_space<vmem>>
        %dma_start3A_129 = arith.constant 0 : i32
        %dma_start3A_130 = tpu.memref_slice %arg2[%squeeze3A_120, %dma_start3A_129] : memref<1000001x32xf32, #tpu.memory_space<hbm>> -> memref<1x32xf32, #tpu.memory_space<hbm>>
        tpu.enqueue_dma source(%dma_start3A_130 : memref<1x32xf32, #tpu.memory_space<hbm>>) target(%dma_start3A_128 : memref<1x32xf32, #tpu.memory_space<vmem>>) target_semaphore(%arg7 : memref<!tpu.dma_semaphore, #tpu.memory_space<semaphore_mem>>)
        %slice3A_131 = vector.extract_strided_slice %get3A_54 {offsets = [6], sizes = [1], strides = [1]} : vector<16xi32> to vector<1xi32>
        %squeeze3A_132 = vector.extract %slice3A_131[0] : i32 from vector<1xi32>
        %add3A_133 = arith.constant 6 : i32
        %add3A_134 = arith.addi %mul3A_48, %add3A_133 : i32
        %dma_start3A_135 = arith.constant 0 : i32
        %dma_start3A_136 = tpu.memref_slice %arg6[%add3A_134, %dma_start3A_135] : memref<640x32xf32, #tpu.memory_space<vmem>> -> memref<1x32xf32, #tpu.memory_space<vmem>>
        %dma_start3A_137 = arith.constant 0 : i32
        %dma_start3A_138 = tpu.memref_slice %arg2[%squeeze3A_132, %dma_start3A_137] : memref<1000001x32xf32, #tpu.memory_space<hbm>> -> memref<1x32xf32, #tpu.memory_space<hbm>>
        %dma_start3A_139 = arith.constant 0 : i32
        %dma_start3A_140 = tpu.memref_slice %arg6[%add3A_134, %dma_start3A_139] : memref<640x32xf32, #tpu.memory_space<vmem>> -> memref<1x32xf32, #tpu.memory_space<vmem>>
        %dma_start3A_141 = arith.constant 0 : i32
        %dma_start3A_142 = tpu.memref_slice %arg2[%squeeze3A_132, %dma_start3A_141] : memref<1000001x32xf32, #tpu.memory_space<hbm>> -> memref<1x32xf32, #tpu.memory_space<hbm>>
        tpu.enqueue_dma source(%dma_start3A_142 : memref<1x32xf32, #tpu.memory_space<hbm>>) target(%dma_start3A_140 : memref<1x32xf32, #tpu.memory_space<vmem>>) target_semaphore(%arg7 : memref<!tpu.dma_semaphore, #tpu.memory_space<semaphore_mem>>)
        %slice3A_143 = vector.extract_strided_slice %get3A_54 {offsets = [7], sizes = [1], strides = [1]} : vector<16xi32> to vector<1xi32>
        %squeeze3A_144 = vector.extract %slice3A_143[0] : i32 from vector<1xi32>
        %add3A_145 = arith.constant 7 : i32
        %add3A_146 = arith.addi %mul3A_48, %add3A_145 : i32
        %dma_start3A_147 = arith.constant 0 : i32
        %dma_start3A_148 = tpu.memref_slice %arg6[%add3A_146, %dma_start3A_147] : memref<640x32xf32, #tpu.memory_space<vmem>> -> memref<1x32xf32, #tpu.memory_space<vmem>>
        %dma_start3A_149 = arith.constant 0 : i32
        %dma_start3A_150 = tpu.memref_slice %arg2[%squeeze3A_144, %dma_start3A_149] : memref<1000001x32xf32, #tpu.memory_space<hbm>> -> memref<1x32xf32, #tpu.memory_space<hbm>>
        %dma_start3A_151 = arith.constant 0 : i32
        %dma_start3A_152 = tpu.memref_slice %arg6[%add3A_146, %dma_start3A_151] : memref<640x32xf32, #tpu.memory_space<vmem>> -> memref<1x32xf32, #tpu.memory_space<vmem>>
        %dma_start3A_153 = arith.constant 0 : i32
        %dma_start3A_154 = tpu.memref_slice %arg2[%squeeze3A_144, %dma_start3A_153] : memref<1000001x32xf32, #tpu.memory_space<hbm>> -> memref<1x32xf32, #tpu.memory_space<hbm>>
        tpu.enqueue_dma source(%dma_start3A_154 : memref<1x32xf32, #tpu.memory_space<hbm>>) target(%dma_start3A_152 : memref<1x32xf32, #tpu.memory_space<vmem>>) target_semaphore(%arg7 : memref<!tpu.dma_semaphore, #tpu.memory_space<semaphore_mem>>)
        %slice3A_155 = vector.extract_strided_slice %get3A_54 {offsets = [8], sizes = [1], strides = [1]} : vector<16xi32> to vector<1xi32>
        %squeeze3A_156 = vector.extract %slice3A_155[0] : i32 from vector<1xi32>
        %add3A_157 = arith.constant 8 : i32
        %add3A_158 = arith.addi %mul3A_48, %add3A_157 : i32
        %dma_start3A_159 = arith.constant 0 : i32
        %dma_start3A_160 = tpu.memref_slice %arg6[%add3A_158, %dma_start3A_159] : memref<640x32xf32, #tpu.memory_space<vmem>> -> memref<1x32xf32, #tpu.memory_space<vmem>>
        %dma_start3A_161 = arith.constant 0 : i32
        %dma_start3A_162 = tpu.memref_slice %arg2[%squeeze3A_156, %dma_start3A_161] : memref<1000001x32xf32, #tpu.memory_space<hbm>> -> memref<1x32xf32, #tpu.memory_space<hbm>>
        %dma_start3A_163 = arith.constant 0 : i32
        %dma_start3A_164 = tpu.memref_slice %arg6[%add3A_158, %dma_start3A_163] : memref<640x32xf32, #tpu.memory_space<vmem>> -> memref<1x32xf32, #tpu.memory_space<vmem>>
        %dma_start3A_165 = arith.constant 0 : i32
        %dma_start3A_166 = tpu.memref_slice %arg2[%squeeze3A_156, %dma_start3A_165] : memref<1000001x32xf32, #tpu.memory_space<hbm>> -> memref<1x32xf32, #tpu.memory_space<hbm>>
        tpu.enqueue_dma source(%dma_start3A_166 : memref<1x32xf32, #tpu.memory_space<hbm>>) target(%dma_start3A_164 : memref<1x32xf32, #tpu.memory_space<vmem>>) target_semaphore(%arg7 : memref<!tpu.dma_semaphore, #tpu.memory_space<semaphore_mem>>)
        %slice3A_167 = vector.extract_strided_slice %get3A_54 {offsets = [9], sizes = [1], strides = [1]} : vector<16xi32> to vector<1xi32>
        %squeeze3A_168 = vector.extract %slice3A_167[0] : i32 from vector<1xi32>
        %add3A_169 = arith.constant 9 : i32
        %add3A_170 = arith.addi %mul3A_48, %add3A_169 : i32
        %dma_start3A_171 = arith.constant 0 : i32
        %dma_start3A_172 = tpu.memref_slice %arg6[%add3A_170, %dma_start3A_171] : memref<640x32xf32, #tpu.memory_space<vmem>> -> memref<1x32xf32, #tpu.memory_space<vmem>>
        %dma_start3A_173 = arith.constant 0 : i32
        %dma_start3A_174 = tpu.memref_slice %arg2[%squeeze3A_168, %dma_start3A_173] : memref<1000001x32xf32, #tpu.memory_space<hbm>> -> memref<1x32xf32, #tpu.memory_space<hbm>>
        %dma_start3A_175 = arith.constant 0 : i32
        %dma_start3A_176 = tpu.memref_slice %arg6[%add3A_170, %dma_start3A_175] : memref<640x32xf32, #tpu.memory_space<vmem>> -> memref<1x32xf32, #tpu.memory_space<vmem>>
        %dma_start3A_177 = arith.constant 0 : i32
        %dma_start3A_178 = tpu.memref_slice %arg2[%squeeze3A_168, %dma_start3A_177] : memref<1000001x32xf32, #tpu.memory_space<hbm>> -> memref<1x32xf32, #tpu.memory_space<hbm>>
        tpu.enqueue_dma source(%dma_start3A_178 : memref<1x32xf32, #tpu.memory_space<hbm>>) target(%dma_start3A_176 : memref<1x32xf32, #tpu.memory_space<vmem>>) target_semaphore(%arg7 : memref<!tpu.dma_semaphore, #tpu.memory_space<semaphore_mem>>)
        %slice3A_179 = vector.extract_strided_slice %get3A_54 {offsets = [10], sizes = [1], strides = [1]} : vector<16xi32> to vector<1xi32>
        %squeeze3A_180 = vector.extract %slice3A_179[0] : i32 from vector<1xi32>
        %add3A_181 = arith.constant 10 : i32
        %add3A_182 = arith.addi %mul3A_48, %add3A_181 : i32
        %dma_start3A_183 = arith.constant 0 : i32
        %dma_start3A_184 = tpu.memref_slice %arg6[%add3A_182, %dma_start3A_183] : memref<640x32xf32, #tpu.memory_space<vmem>> -> memref<1x32xf32, #tpu.memory_space<vmem>>
        %dma_start3A_185 = arith.constant 0 : i32
        %dma_start3A_186 = tpu.memref_slice %arg2[%squeeze3A_180, %dma_start3A_185] : memref<1000001x32xf32, #tpu.memory_space<hbm>> -> memref<1x32xf32, #tpu.memory_space<hbm>>
        %dma_start3A_187 = arith.constant 0 : i32
        %dma_start3A_188 = tpu.memref_slice %arg6[%add3A_182, %dma_start3A_187] : memref<640x32xf32, #tpu.memory_space<vmem>> -> memref<1x32xf32, #tpu.memory_space<vmem>>
        %dma_start3A_189 = arith.constant 0 : i32
        %dma_start3A_190 = tpu.memref_slice %arg2[%squeeze3A_180, %dma_start3A_189] : memref<1000001x32xf32, #tpu.memory_space<hbm>> -> memref<1x32xf32, #tpu.memory_space<hbm>>
        tpu.enqueue_dma source(%dma_start3A_190 : memref<1x32xf32, #tpu.memory_space<hbm>>) target(%dma_start3A_188 : memref<1x32xf32, #tpu.memory_space<vmem>>) target_semaphore(%arg7 : memref<!tpu.dma_semaphore, #tpu.memory_space<semaphore_mem>>)
        %slice3A_191 = vector.extract_strided_slice %get3A_54 {offsets = [11], sizes = [1], strides = [1]} : vector<16xi32> to vector<1xi32>
        %squeeze3A_192 = vector.extract %slice3A_191[0] : i32 from vector<1xi32>
        %add3A_193 = arith.constant 11 : i32
        %add3A_194 = arith.addi %mul3A_48, %add3A_193 : i32
        %dma_start3A_195 = arith.constant 0 : i32
        %dma_start3A_196 = tpu.memref_slice %arg6[%add3A_194, %dma_start3A_195] : memref<640x32xf32, #tpu.memory_space<vmem>> -> memref<1x32xf32, #tpu.memory_space<vmem>>
        %dma_start3A_197 = arith.constant 0 : i32
        %dma_start3A_198 = tpu.memref_slice %arg2[%squeeze3A_192, %dma_start3A_197] : memref<1000001x32xf32, #tpu.memory_space<hbm>> -> memref<1x32xf32, #tpu.memory_space<hbm>>
        %dma_start3A_199 = arith.constant 0 : i32
        %dma_start3A_200 = tpu.memref_slice %arg6[%add3A_194, %dma_start3A_199] : memref<640x32xf32, #tpu.memory_space<vmem>> -> memref<1x32xf32, #tpu.memory_space<vmem>>
        %dma_start3A_201 = arith.constant 0 : i32
        %dma_start3A_202 = tpu.memref_slice %arg2[%squeeze3A_192, %dma_start3A_201] : memref<1000001x32xf32, #tpu.memory_space<hbm>> -> memref<1x32xf32, #tpu.memory_space<hbm>>
        tpu.enqueue_dma source(%dma_start3A_202 : memref<1x32xf32, #tpu.memory_space<hbm>>) target(%dma_start3A_200 : memref<1x32xf32, #tpu.memory_space<vmem>>) target_semaphore(%arg7 : memref<!tpu.dma_semaphore, #tpu.memory_space<semaphore_mem>>)
        %slice3A_203 = vector.extract_strided_slice %get3A_54 {offsets = [12], sizes = [1], strides = [1]} : vector<16xi32> to vector<1xi32>
        %squeeze3A_204 = vector.extract %slice3A_203[0] : i32 from vector<1xi32>
        %add3A_205 = arith.constant 12 : i32
        %add3A_206 = arith.addi %mul3A_48, %add3A_205 : i32
        %dma_start3A_207 = arith.constant 0 : i32
        %dma_start3A_208 = tpu.memref_slice %arg6[%add3A_206, %dma_start3A_207] : memref<640x32xf32, #tpu.memory_space<vmem>> -> memref<1x32xf32, #tpu.memory_space<vmem>>
        %dma_start3A_209 = arith.constant 0 : i32
        %dma_start3A_210 = tpu.memref_slice %arg2[%squeeze3A_204, %dma_start3A_209] : memref<1000001x32xf32, #tpu.memory_space<hbm>> -> memref<1x32xf32, #tpu.memory_space<hbm>>
        %dma_start3A_211 = arith.constant 0 : i32
        %dma_start3A_212 = tpu.memref_slice %arg6[%add3A_206, %dma_start3A_211] : memref<640x32xf32, #tpu.memory_space<vmem>> -> memref<1x32xf32, #tpu.memory_space<vmem>>
        %dma_start3A_213 = arith.constant 0 : i32
        %dma_start3A_214 = tpu.memref_slice %arg2[%squeeze3A_204, %dma_start3A_213] : memref<1000001x32xf32, #tpu.memory_space<hbm>> -> memref<1x32xf32, #tpu.memory_space<hbm>>
        tpu.enqueue_dma source(%dma_start3A_214 : memref<1x32xf32, #tpu.memory_space<hbm>>) target(%dma_start3A_212 : memref<1x32xf32, #tpu.memory_space<vmem>>) target_semaphore(%arg7 : memref<!tpu.dma_semaphore, #tpu.memory_space<semaphore_mem>>)
        %slice3A_215 = vector.extract_strided_slice %get3A_54 {offsets = [13], sizes = [1], strides = [1]} : vector<16xi32> to vector<1xi32>
        %squeeze3A_216 = vector.extract %slice3A_215[0] : i32 from vector<1xi32>
        %add3A_217 = arith.constant 13 : i32
        %add3A_218 = arith.addi %mul3A_48, %add3A_217 : i32
        %dma_start3A_219 = arith.constant 0 : i32
        %dma_start3A_220 = tpu.memref_slice %arg6[%add3A_218, %dma_start3A_219] : memref<640x32xf32, #tpu.memory_space<vmem>> -> memref<1x32xf32, #tpu.memory_space<vmem>>
        %dma_start3A_221 = arith.constant 0 : i32
        %dma_start3A_222 = tpu.memref_slice %arg2[%squeeze3A_216, %dma_start3A_221] : memref<1000001x32xf32, #tpu.memory_space<hbm>> -> memref<1x32xf32, #tpu.memory_space<hbm>>
        %dma_start3A_223 = arith.constant 0 : i32
        %dma_start3A_224 = tpu.memref_slice %arg6[%add3A_218, %dma_start3A_223] : memref<640x32xf32, #tpu.memory_space<vmem>> -> memref<1x32xf32, #tpu.memory_space<vmem>>
        %dma_start3A_225 = arith.constant 0 : i32
        %dma_start3A_226 = tpu.memref_slice %arg2[%squeeze3A_216, %dma_start3A_225] : memref<1000001x32xf32, #tpu.memory_space<hbm>> -> memref<1x32xf32, #tpu.memory_space<hbm>>
        tpu.enqueue_dma source(%dma_start3A_226 : memref<1x32xf32, #tpu.memory_space<hbm>>) target(%dma_start3A_224 : memref<1x32xf32, #tpu.memory_space<vmem>>) target_semaphore(%arg7 : memref<!tpu.dma_semaphore, #tpu.memory_space<semaphore_mem>>)
        %slice3A_227 = vector.extract_strided_slice %get3A_54 {offsets = [14], sizes = [1], strides = [1]} : vector<16xi32> to vector<1xi32>
        %squeeze3A_228 = vector.extract %slice3A_227[0] : i32 from vector<1xi32>
        %add3A_229 = arith.constant 14 : i32
        %add3A_230 = arith.addi %mul3A_48, %add3A_229 : i32
        %dma_start3A_231 = arith.constant 0 : i32
        %dma_start3A_232 = tpu.memref_slice %arg6[%add3A_230, %dma_start3A_231] : memref<640x32xf32, #tpu.memory_space<vmem>> -> memref<1x32xf32, #tpu.memory_space<vmem>>
        %dma_start3A_233 = arith.constant 0 : i32
        %dma_start3A_234 = tpu.memref_slice %arg2[%squeeze3A_228, %dma_start3A_233] : memref<1000001x32xf32, #tpu.memory_space<hbm>> -> memref<1x32xf32, #tpu.memory_space<hbm>>
        %dma_start3A_235 = arith.constant 0 : i32
        %dma_start3A_236 = tpu.memref_slice %arg6[%add3A_230, %dma_start3A_235] : memref<640x32xf32, #tpu.memory_space<vmem>> -> memref<1x32xf32, #tpu.memory_space<vmem>>
        %dma_start3A_237 = arith.constant 0 : i32
        %dma_start3A_238 = tpu.memref_slice %arg2[%squeeze3A_228, %dma_start3A_237] : memref<1000001x32xf32, #tpu.memory_space<hbm>> -> memref<1x32xf32, #tpu.memory_space<hbm>>
        tpu.enqueue_dma source(%dma_start3A_238 : memref<1x32xf32, #tpu.memory_space<hbm>>) target(%dma_start3A_236 : memref<1x32xf32, #tpu.memory_space<vmem>>) target_semaphore(%arg7 : memref<!tpu.dma_semaphore, #tpu.memory_space<semaphore_mem>>)
        %slice3A_239 = vector.extract_strided_slice %get3A_54 {offsets = [15], sizes = [1], strides = [1]} : vector<16xi32> to vector<1xi32>
        %squeeze3A_240 = vector.extract %slice3A_239[0] : i32 from vector<1xi32>
        %add3A_241 = arith.constant 15 : i32
        %add3A_242 = arith.addi %mul3A_48, %add3A_241 : i32
        %dma_start3A_243 = arith.constant 0 : i32
        %dma_start3A_244 = tpu.memref_slice %arg6[%add3A_242, %dma_start3A_243] : memref<640x32xf32, #tpu.memory_space<vmem>> -> memref<1x32xf32, #tpu.memory_space<vmem>>
        %dma_start3A_245 = arith.constant 0 : i32
        %dma_start3A_246 = tpu.memref_slice %arg2[%squeeze3A_240, %dma_start3A_245] : memref<1000001x32xf32, #tpu.memory_space<hbm>> -> memref<1x32xf32, #tpu.memory_space<hbm>>
        %dma_start3A_247 = arith.constant 0 : i32
        %dma_start3A_248 = tpu.memref_slice %arg6[%add3A_242, %dma_start3A_247] : memref<640x32xf32, #tpu.memory_space<vmem>> -> memref<1x32xf32, #tpu.memory_space<vmem>>
        %dma_start3A_249 = arith.constant 0 : i32
        %dma_start3A_250 = tpu.memref_slice %arg2[%squeeze3A_240, %dma_start3A_249] : memref<1000001x32xf32, #tpu.memory_space<hbm>> -> memref<1x32xf32, #tpu.memory_space<hbm>>
        tpu.enqueue_dma source(%dma_start3A_250 : memref<1x32xf32, #tpu.memory_space<hbm>>) target(%dma_start3A_248 : memref<1x32xf32, #tpu.memory_space<vmem>>) target_semaphore(%arg7 : memref<!tpu.dma_semaphore, #tpu.memory_space<semaphore_mem>>)
        %slice3A_251 = vector.extract_strided_slice %get3A_61 {offsets = [0], sizes = [1], strides = [1]} : vector<16xi32> to vector<1xi32>
        %squeeze3A_252 = vector.extract %slice3A_251[0] : i32 from vector<1xi32>
        %add3A_253 = arith.constant 16 : i32
        %add3A_254 = arith.addi %mul3A_48, %add3A_253 : i32
        %dma_start3A_255 = arith.constant 0 : i32
        %dma_start3A_256 = tpu.memref_slice %arg6[%add3A_254, %dma_start3A_255] : memref<640x32xf32, #tpu.memory_space<vmem>> -> memref<1x32xf32, #tpu.memory_space<vmem>>
        %dma_start3A_257 = arith.constant 0 : i32
        %dma_start3A_258 = tpu.memref_slice %arg2[%squeeze3A_252, %dma_start3A_257] : memref<1000001x32xf32, #tpu.memory_space<hbm>> -> memref<1x32xf32, #tpu.memory_space<hbm>>
        %dma_start3A_259 = arith.constant 0 : i32
        %dma_start3A_260 = tpu.memref_slice %arg6[%add3A_254, %dma_start3A_259] : memref<640x32xf32, #tpu.memory_space<vmem>> -> memref<1x32xf32, #tpu.memory_space<vmem>>
        %dma_start3A_261 = arith.constant 0 : i32
        %dma_start3A_262 = tpu.memref_slice %arg2[%squeeze3A_252, %dma_start3A_261] : memref<1000001x32xf32, #tpu.memory_space<hbm>> -> memref<1x32xf32, #tpu.memory_space<hbm>>
        tpu.enqueue_dma source(%dma_start3A_262 : memref<1x32xf32, #tpu.memory_space<hbm>>) target(%dma_start3A_260 : memref<1x32xf32, #tpu.memory_space<vmem>>) target_semaphore(%arg7 : memref<!tpu.dma_semaphore, #tpu.memory_space<semaphore_mem>>)
        %slice3A_263 = vector.extract_strided_slice %get3A_61 {offsets = [1], sizes = [1], strides = [1]} : vector<16xi32> to vector<1xi32>
        %squeeze3A_264 = vector.extract %slice3A_263[0] : i32 from vector<1xi32>
        %add3A_265 = arith.constant 17 : i32
        %add3A_266 = arith.addi %mul3A_48, %add3A_265 : i32
        %dma_start3A_267 = arith.constant 0 : i32
        %dma_start3A_268 = tpu.memref_slice %arg6[%add3A_266, %dma_start3A_267] : memref<640x32xf32, #tpu.memory_space<vmem>> -> memref<1x32xf32, #tpu.memory_space<vmem>>
        %dma_start3A_269 = arith.constant 0 : i32
        %dma_start3A_270 = tpu.memref_slice %arg2[%squeeze3A_264, %dma_start3A_269] : memref<1000001x32xf32, #tpu.memory_space<hbm>> -> memref<1x32xf32, #tpu.memory_space<hbm>>
        %dma_start3A_271 = arith.constant 0 : i32
        %dma_start3A_272 = tpu.memref_slice %arg6[%add3A_266, %dma_start3A_271] : memref<640x32xf32, #tpu.memory_space<vmem>> -> memref<1x32xf32, #tpu.memory_space<vmem>>
        %dma_start3A_273 = arith.constant 0 : i32
        %dma_start3A_274 = tpu.memref_slice %arg2[%squeeze3A_264, %dma_start3A_273] : memref<1000001x32xf32, #tpu.memory_space<hbm>> -> memref<1x32xf32, #tpu.memory_space<hbm>>
        tpu.enqueue_dma source(%dma_start3A_274 : memref<1x32xf32, #tpu.memory_space<hbm>>) target(%dma_start3A_272 : memref<1x32xf32, #tpu.memory_space<vmem>>) target_semaphore(%arg7 : memref<!tpu.dma_semaphore, #tpu.memory_space<semaphore_mem>>)
        %slice3A_275 = vector.extract_strided_slice %get3A_61 {offsets = [2], sizes = [1], strides = [1]} : vector<16xi32> to vector<1xi32>
        %squeeze3A_276 = vector.extract %slice3A_275[0] : i32 from vector<1xi32>
        %add3A_277 = arith.constant 18 : i32
        %add3A_278 = arith.addi %mul3A_48, %add3A_277 : i32
        %dma_start3A_279 = arith.constant 0 : i32
        %dma_start3A_280 = tpu.memref_slice %arg6[%add3A_278, %dma_start3A_279] : memref<640x32xf32, #tpu.memory_space<vmem>> -> memref<1x32xf32, #tpu.memory_space<vmem>>
        %dma_start3A_281 = arith.constant 0 : i32
        %dma_start3A_282 = tpu.memref_slice %arg2[%squeeze3A_276, %dma_start3A_281] : memref<1000001x32xf32, #tpu.memory_space<hbm>> -> memref<1x32xf32, #tpu.memory_space<hbm>>
        %dma_start3A_283 = arith.constant 0 : i32
        %dma_start3A_284 = tpu.memref_slice %arg6[%add3A_278, %dma_start3A_283] : memref<640x32xf32, #tpu.memory_space<vmem>> -> memref<1x32xf32, #tpu.memory_space<vmem>>
        %dma_start3A_285 = arith.constant 0 : i32
        %dma_start3A_286 = tpu.memref_slice %arg2[%squeeze3A_276, %dma_start3A_285] : memref<1000001x32xf32, #tpu.memory_space<hbm>> -> memref<1x32xf32, #tpu.memory_space<hbm>>
        tpu.enqueue_dma source(%dma_start3A_286 : memref<1x32xf32, #tpu.memory_space<hbm>>) target(%dma_start3A_284 : memref<1x32xf32, #tpu.memory_space<vmem>>) target_semaphore(%arg7 : memref<!tpu.dma_semaphore, #tpu.memory_space<semaphore_mem>>)
        %slice3A_287 = vector.extract_strided_slice %get3A_61 {offsets = [3], sizes = [1], strides = [1]} : vector<16xi32> to vector<1xi32>
        %squeeze3A_288 = vector.extract %slice3A_287[0] : i32 from vector<1xi32>
        %add3A_289 = arith.constant 19 : i32
        %add3A_290 = arith.addi %mul3A_48, %add3A_289 : i32
        %dma_start3A_291 = arith.constant 0 : i32
        %dma_start3A_292 = tpu.memref_slice %arg6[%add3A_290, %dma_start3A_291] : memref<640x32xf32, #tpu.memory_space<vmem>> -> memref<1x32xf32, #tpu.memory_space<vmem>>
        %dma_start3A_293 = arith.constant 0 : i32
        %dma_start3A_294 = tpu.memref_slice %arg2[%squeeze3A_288, %dma_start3A_293] : memref<1000001x32xf32, #tpu.memory_space<hbm>> -> memref<1x32xf32, #tpu.memory_space<hbm>>
        %dma_start3A_295 = arith.constant 0 : i32
        %dma_start3A_296 = tpu.memref_slice %arg6[%add3A_290, %dma_start3A_295] : memref<640x32xf32, #tpu.memory_space<vmem>> -> memref<1x32xf32, #tpu.memory_space<vmem>>
        %dma_start3A_297 = arith.constant 0 : i32
        %dma_start3A_298 = tpu.memref_slice %arg2[%squeeze3A_288, %dma_start3A_297] : memref<1000001x32xf32, #tpu.memory_space<hbm>> -> memref<1x32xf32, #tpu.memory_space<hbm>>
        tpu.enqueue_dma source(%dma_start3A_298 : memref<1x32xf32, #tpu.memory_space<hbm>>) target(%dma_start3A_296 : memref<1x32xf32, #tpu.memory_space<vmem>>) target_semaphore(%arg7 : memref<!tpu.dma_semaphore, #tpu.memory_space<semaphore_mem>>)
        %slice3A_299 = vector.extract_strided_slice %get3A_61 {offsets = [4], sizes = [1], strides = [1]} : vector<16xi32> to vector<1xi32>
        %squeeze3A_300 = vector.extract %slice3A_299[0] : i32 from vector<1xi32>
        %add3A_301 = arith.constant 20 : i32
        %add3A_302 = arith.addi %mul3A_48, %add3A_301 : i32
        %dma_start3A_303 = arith.constant 0 : i32
        %dma_start3A_304 = tpu.memref_slice %arg6[%add3A_302, %dma_start3A_303] : memref<640x32xf32, #tpu.memory_space<vmem>> -> memref<1x32xf32, #tpu.memory_space<vmem>>
        %dma_start3A_305 = arith.constant 0 : i32
        %dma_start3A_306 = tpu.memref_slice %arg2[%squeeze3A_300, %dma_start3A_305] : memref<1000001x32xf32, #tpu.memory_space<hbm>> -> memref<1x32xf32, #tpu.memory_space<hbm>>
        %dma_start3A_307 = arith.constant 0 : i32
        %dma_start3A_308 = tpu.memref_slice %arg6[%add3A_302, %dma_start3A_307] : memref<640x32xf32, #tpu.memory_space<vmem>> -> memref<1x32xf32, #tpu.memory_space<vmem>>
        %dma_start3A_309 = arith.constant 0 : i32
        %dma_start3A_310 = tpu.memref_slice %arg2[%squeeze3A_300, %dma_start3A_309] : memref<1000001x32xf32, #tpu.memory_space<hbm>> -> memref<1x32xf32, #tpu.memory_space<hbm>>
        tpu.enqueue_dma source(%dma_start3A_310 : memref<1x32xf32, #tpu.memory_space<hbm>>) target(%dma_start3A_308 : memref<1x32xf32, #tpu.memory_space<vmem>>) target_semaphore(%arg7 : memref<!tpu.dma_semaphore, #tpu.memory_space<semaphore_mem>>)
        %slice3A_311 = vector.extract_strided_slice %get3A_61 {offsets = [5], sizes = [1], strides = [1]} : vector<16xi32> to vector<1xi32>
        %squeeze3A_312 = vector.extract %slice3A_311[0] : i32 from vector<1xi32>
        %add3A_313 = arith.constant 21 : i32
        %add3A_314 = arith.addi %mul3A_48, %add3A_313 : i32
        %dma_start3A_315 = arith.constant 0 : i32
        %dma_start3A_316 = tpu.memref_slice %arg6[%add3A_314, %dma_start3A_315] : memref<640x32xf32, #tpu.memory_space<vmem>> -> memref<1x32xf32, #tpu.memory_space<vmem>>
        %dma_start3A_317 = arith.constant 0 : i32
        %dma_start3A_318 = tpu.memref_slice %arg2[%squeeze3A_312, %dma_start3A_317] : memref<1000001x32xf32, #tpu.memory_space<hbm>> -> memref<1x32xf32, #tpu.memory_space<hbm>>
        %dma_start3A_319 = arith.constant 0 : i32
        %dma_start3A_320 = tpu.memref_slice %arg6[%add3A_314, %dma_start3A_319] : memref<640x32xf32, #tpu.memory_space<vmem>> -> memref<1x32xf32, #tpu.memory_space<vmem>>
        %dma_start3A_321 = arith.constant 0 : i32
        %dma_start3A_322 = tpu.memref_slice %arg2[%squeeze3A_312, %dma_start3A_321] : memref<1000001x32xf32, #tpu.memory_space<hbm>> -> memref<1x32xf32, #tpu.memory_space<hbm>>
        tpu.enqueue_dma source(%dma_start3A_322 : memref<1x32xf32, #tpu.memory_space<hbm>>) target(%dma_start3A_320 : memref<1x32xf32, #tpu.memory_space<vmem>>) target_semaphore(%arg7 : memref<!tpu.dma_semaphore, #tpu.memory_space<semaphore_mem>>)
        %slice3A_323 = vector.extract_strided_slice %get3A_61 {offsets = [6], sizes = [1], strides = [1]} : vector<16xi32> to vector<1xi32>
        %squeeze3A_324 = vector.extract %slice3A_323[0] : i32 from vector<1xi32>
        %add3A_325 = arith.constant 22 : i32
        %add3A_326 = arith.addi %mul3A_48, %add3A_325 : i32
        %dma_start3A_327 = arith.constant 0 : i32
        %dma_start3A_328 = tpu.memref_slice %arg6[%add3A_326, %dma_start3A_327] : memref<640x32xf32, #tpu.memory_space<vmem>> -> memref<1x32xf32, #tpu.memory_space<vmem>>
        %dma_start3A_329 = arith.constant 0 : i32
        %dma_start3A_330 = tpu.memref_slice %arg2[%squeeze3A_324, %dma_start3A_329] : memref<1000001x32xf32, #tpu.memory_space<hbm>> -> memref<1x32xf32, #tpu.memory_space<hbm>>
        %dma_start3A_331 = arith.constant 0 : i32
        %dma_start3A_332 = tpu.memref_slice %arg6[%add3A_326, %dma_start3A_331] : memref<640x32xf32, #tpu.memory_space<vmem>> -> memref<1x32xf32, #tpu.memory_space<vmem>>
        %dma_start3A_333 = arith.constant 0 : i32
        %dma_start3A_334 = tpu.memref_slice %arg2[%squeeze3A_324, %dma_start3A_333] : memref<1000001x32xf32, #tpu.memory_space<hbm>> -> memref<1x32xf32, #tpu.memory_space<hbm>>
        tpu.enqueue_dma source(%dma_start3A_334 : memref<1x32xf32, #tpu.memory_space<hbm>>) target(%dma_start3A_332 : memref<1x32xf32, #tpu.memory_space<vmem>>) target_semaphore(%arg7 : memref<!tpu.dma_semaphore, #tpu.memory_space<semaphore_mem>>)
        %slice3A_335 = vector.extract_strided_slice %get3A_61 {offsets = [7], sizes = [1], strides = [1]} : vector<16xi32> to vector<1xi32>
        %squeeze3A_336 = vector.extract %slice3A_335[0] : i32 from vector<1xi32>
        %add3A_337 = arith.constant 23 : i32
        %add3A_338 = arith.addi %mul3A_48, %add3A_337 : i32
        %dma_start3A_339 = arith.constant 0 : i32
        %dma_start3A_340 = tpu.memref_slice %arg6[%add3A_338, %dma_start3A_339] : memref<640x32xf32, #tpu.memory_space<vmem>> -> memref<1x32xf32, #tpu.memory_space<vmem>>
        %dma_start3A_341 = arith.constant 0 : i32
        %dma_start3A_342 = tpu.memref_slice %arg2[%squeeze3A_336, %dma_start3A_341] : memref<1000001x32xf32, #tpu.memory_space<hbm>> -> memref<1x32xf32, #tpu.memory_space<hbm>>
        %dma_start3A_343 = arith.constant 0 : i32
        %dma_start3A_344 = tpu.memref_slice %arg6[%add3A_338, %dma_start3A_343] : memref<640x32xf32, #tpu.memory_space<vmem>> -> memref<1x32xf32, #tpu.memory_space<vmem>>
        %dma_start3A_345 = arith.constant 0 : i32
        %dma_start3A_346 = tpu.memref_slice %arg2[%squeeze3A_336, %dma_start3A_345] : memref<1000001x32xf32, #tpu.memory_space<hbm>> -> memref<1x32xf32, #tpu.memory_space<hbm>>
        tpu.enqueue_dma source(%dma_start3A_346 : memref<1x32xf32, #tpu.memory_space<hbm>>) target(%dma_start3A_344 : memref<1x32xf32, #tpu.memory_space<vmem>>) target_semaphore(%arg7 : memref<!tpu.dma_semaphore, #tpu.memory_space<semaphore_mem>>)
        %slice3A_347 = vector.extract_strided_slice %get3A_61 {offsets = [8], sizes = [1], strides = [1]} : vector<16xi32> to vector<1xi32>
        %squeeze3A_348 = vector.extract %slice3A_347[0] : i32 from vector<1xi32>
        %add3A_349 = arith.constant 24 : i32
        %add3A_350 = arith.addi %mul3A_48, %add3A_349 : i32
        %dma_start3A_351 = arith.constant 0 : i32
        %dma_start3A_352 = tpu.memref_slice %arg6[%add3A_350, %dma_start3A_351] : memref<640x32xf32, #tpu.memory_space<vmem>> -> memref<1x32xf32, #tpu.memory_space<vmem>>
        %dma_start3A_353 = arith.constant 0 : i32
        %dma_start3A_354 = tpu.memref_slice %arg2[%squeeze3A_348, %dma_start3A_353] : memref<1000001x32xf32, #tpu.memory_space<hbm>> -> memref<1x32xf32, #tpu.memory_space<hbm>>
        %dma_start3A_355 = arith.constant 0 : i32
        %dma_start3A_356 = tpu.memref_slice %arg6[%add3A_350, %dma_start3A_355] : memref<640x32xf32, #tpu.memory_space<vmem>> -> memref<1x32xf32, #tpu.memory_space<vmem>>
        %dma_start3A_357 = arith.constant 0 : i32
        %dma_start3A_358 = tpu.memref_slice %arg2[%squeeze3A_348, %dma_start3A_357] : memref<1000001x32xf32, #tpu.memory_space<hbm>> -> memref<1x32xf32, #tpu.memory_space<hbm>>
        tpu.enqueue_dma source(%dma_start3A_358 : memref<1x32xf32, #tpu.memory_space<hbm>>) target(%dma_start3A_356 : memref<1x32xf32, #tpu.memory_space<vmem>>) target_semaphore(%arg7 : memref<!tpu.dma_semaphore, #tpu.memory_space<semaphore_mem>>)
        %slice3A_359 = vector.extract_strided_slice %get3A_61 {offsets = [9], sizes = [1], strides = [1]} : vector<16xi32> to vector<1xi32>
        %squeeze3A_360 = vector.extract %slice3A_359[0] : i32 from vector<1xi32>
        %add3A_361 = arith.constant 25 : i32
        %add3A_362 = arith.addi %mul3A_48, %add3A_361 : i32
        %dma_start3A_363 = arith.constant 0 : i32
        %dma_start3A_364 = tpu.memref_slice %arg6[%add3A_362, %dma_start3A_363] : memref<640x32xf32, #tpu.memory_space<vmem>> -> memref<1x32xf32, #tpu.memory_space<vmem>>
        %dma_start3A_365 = arith.constant 0 : i32
        %dma_start3A_366 = tpu.memref_slice %arg2[%squeeze3A_360, %dma_start3A_365] : memref<1000001x32xf32, #tpu.memory_space<hbm>> -> memref<1x32xf32, #tpu.memory_space<hbm>>
        %dma_start3A_367 = arith.constant 0 : i32
        %dma_start3A_368 = tpu.memref_slice %arg6[%add3A_362, %dma_start3A_367] : memref<640x32xf32, #tpu.memory_space<vmem>> -> memref<1x32xf32, #tpu.memory_space<vmem>>
        %dma_start3A_369 = arith.constant 0 : i32
        %dma_start3A_370 = tpu.memref_slice %arg2[%squeeze3A_360, %dma_start3A_369] : memref<1000001x32xf32, #tpu.memory_space<hbm>> -> memref<1x32xf32, #tpu.memory_space<hbm>>
        tpu.enqueue_dma source(%dma_start3A_370 : memref<1x32xf32, #tpu.memory_space<hbm>>) target(%dma_start3A_368 : memref<1x32xf32, #tpu.memory_space<vmem>>) target_semaphore(%arg7 : memref<!tpu.dma_semaphore, #tpu.memory_space<semaphore_mem>>)
        %slice3A_371 = vector.extract_strided_slice %get3A_61 {offsets = [10], sizes = [1], strides = [1]} : vector<16xi32> to vector<1xi32>
        %squeeze3A_372 = vector.extract %slice3A_371[0] : i32 from vector<1xi32>
        %add3A_373 = arith.constant 26 : i32
        %add3A_374 = arith.addi %mul3A_48, %add3A_373 : i32
        %dma_start3A_375 = arith.constant 0 : i32
        %dma_start3A_376 = tpu.memref_slice %arg6[%add3A_374, %dma_start3A_375] : memref<640x32xf32, #tpu.memory_space<vmem>> -> memref<1x32xf32, #tpu.memory_space<vmem>>
        %dma_start3A_377 = arith.constant 0 : i32
        %dma_start3A_378 = tpu.memref_slice %arg2[%squeeze3A_372, %dma_start3A_377] : memref<1000001x32xf32, #tpu.memory_space<hbm>> -> memref<1x32xf32, #tpu.memory_space<hbm>>
        %dma_start3A_379 = arith.constant 0 : i32
        %dma_start3A_380 = tpu.memref_slice %arg6[%add3A_374, %dma_start3A_379] : memref<640x32xf32, #tpu.memory_space<vmem>> -> memref<1x32xf32, #tpu.memory_space<vmem>>
        %dma_start3A_381 = arith.constant 0 : i32
        %dma_start3A_382 = tpu.memref_slice %arg2[%squeeze3A_372, %dma_start3A_381] : memref<1000001x32xf32, #tpu.memory_space<hbm>> -> memref<1x32xf32, #tpu.memory_space<hbm>>
        tpu.enqueue_dma source(%dma_start3A_382 : memref<1x32xf32, #tpu.memory_space<hbm>>) target(%dma_start3A_380 : memref<1x32xf32, #tpu.memory_space<vmem>>) target_semaphore(%arg7 : memref<!tpu.dma_semaphore, #tpu.memory_space<semaphore_mem>>)
        %slice3A_383 = vector.extract_strided_slice %get3A_61 {offsets = [11], sizes = [1], strides = [1]} : vector<16xi32> to vector<1xi32>
        %squeeze3A_384 = vector.extract %slice3A_383[0] : i32 from vector<1xi32>
        %add3A_385 = arith.constant 27 : i32
        %add3A_386 = arith.addi %mul3A_48, %add3A_385 : i32
        %dma_start3A_387 = arith.constant 0 : i32
        %dma_start3A_388 = tpu.memref_slice %arg6[%add3A_386, %dma_start3A_387] : memref<640x32xf32, #tpu.memory_space<vmem>> -> memref<1x32xf32, #tpu.memory_space<vmem>>
        %dma_start3A_389 = arith.constant 0 : i32
        %dma_start3A_390 = tpu.memref_slice %arg2[%squeeze3A_384, %dma_start3A_389] : memref<1000001x32xf32, #tpu.memory_space<hbm>> -> memref<1x32xf32, #tpu.memory_space<hbm>>
        %dma_start3A_391 = arith.constant 0 : i32
        %dma_start3A_392 = tpu.memref_slice %arg6[%add3A_386, %dma_start3A_391] : memref<640x32xf32, #tpu.memory_space<vmem>> -> memref<1x32xf32, #tpu.memory_space<vmem>>
        %dma_start3A_393 = arith.constant 0 : i32
        %dma_start3A_394 = tpu.memref_slice %arg2[%squeeze3A_384, %dma_start3A_393] : memref<1000001x32xf32, #tpu.memory_space<hbm>> -> memref<1x32xf32, #tpu.memory_space<hbm>>
        tpu.enqueue_dma source(%dma_start3A_394 : memref<1x32xf32, #tpu.memory_space<hbm>>) target(%dma_start3A_392 : memref<1x32xf32, #tpu.memory_space<vmem>>) target_semaphore(%arg7 : memref<!tpu.dma_semaphore, #tpu.memory_space<semaphore_mem>>)
        %slice3A_395 = vector.extract_strided_slice %get3A_61 {offsets = [12], sizes = [1], strides = [1]} : vector<16xi32> to vector<1xi32>
        %squeeze3A_396 = vector.extract %slice3A_395[0] : i32 from vector<1xi32>
        %add3A_397 = arith.constant 28 : i32
        %add3A_398 = arith.addi %mul3A_48, %add3A_397 : i32
        %dma_start3A_399 = arith.constant 0 : i32
        %dma_start3A_400 = tpu.memref_slice %arg6[%add3A_398, %dma_start3A_399] : memref<640x32xf32, #tpu.memory_space<vmem>> -> memref<1x32xf32, #tpu.memory_space<vmem>>
        %dma_start3A_401 = arith.constant 0 : i32
        %dma_start3A_402 = tpu.memref_slice %arg2[%squeeze3A_396, %dma_start3A_401] : memref<1000001x32xf32, #tpu.memory_space<hbm>> -> memref<1x32xf32, #tpu.memory_space<hbm>>
        %dma_start3A_403 = arith.constant 0 : i32
        %dma_start3A_404 = tpu.memref_slice %arg6[%add3A_398, %dma_start3A_403] : memref<640x32xf32, #tpu.memory_space<vmem>> -> memref<1x32xf32, #tpu.memory_space<vmem>>
        %dma_start3A_405 = arith.constant 0 : i32
        %dma_start3A_406 = tpu.memref_slice %arg2[%squeeze3A_396, %dma_start3A_405] : memref<1000001x32xf32, #tpu.memory_space<hbm>> -> memref<1x32xf32, #tpu.memory_space<hbm>>
        tpu.enqueue_dma source(%dma_start3A_406 : memref<1x32xf32, #tpu.memory_space<hbm>>) target(%dma_start3A_404 : memref<1x32xf32, #tpu.memory_space<vmem>>) target_semaphore(%arg7 : memref<!tpu.dma_semaphore, #tpu.memory_space<semaphore_mem>>)
        %slice3A_407 = vector.extract_strided_slice %get3A_61 {offsets = [13], sizes = [1], strides = [1]} : vector<16xi32> to vector<1xi32>
        %squeeze3A_408 = vector.extract %slice3A_407[0] : i32 from vector<1xi32>
        %add3A_409 = arith.constant 29 : i32
        %add3A_410 = arith.addi %mul3A_48, %add3A_409 : i32
        %dma_start3A_411 = arith.constant 0 : i32
        %dma_start3A_412 = tpu.memref_slice %arg6[%add3A_410, %dma_start3A_411] : memref<640x32xf32, #tpu.memory_space<vmem>> -> memref<1x32xf32, #tpu.memory_space<vmem>>
        %dma_start3A_413 = arith.constant 0 : i32
        %dma_start3A_414 = tpu.memref_slice %arg2[%squeeze3A_408, %dma_start3A_413] : memref<1000001x32xf32, #tpu.memory_space<hbm>> -> memref<1x32xf32, #tpu.memory_space<hbm>>
        %dma_start3A_415 = arith.constant 0 : i32
        %dma_start3A_416 = tpu.memref_slice %arg6[%add3A_410, %dma_start3A_415] : memref<640x32xf32, #tpu.memory_space<vmem>> -> memref<1x32xf32, #tpu.memory_space<vmem>>
        %dma_start3A_417 = arith.constant 0 : i32
        %dma_start3A_418 = tpu.memref_slice %arg2[%squeeze3A_408, %dma_start3A_417] : memref<1000001x32xf32, #tpu.memory_space<hbm>> -> memref<1x32xf32, #tpu.memory_space<hbm>>
        tpu.enqueue_dma source(%dma_start3A_418 : memref<1x32xf32, #tpu.memory_space<hbm>>) target(%dma_start3A_416 : memref<1x32xf32, #tpu.memory_space<vmem>>) target_semaphore(%arg7 : memref<!tpu.dma_semaphore, #tpu.memory_space<semaphore_mem>>)
        %slice3A_419 = vector.extract_strided_slice %get3A_61 {offsets = [14], sizes = [1], strides = [1]} : vector<16xi32> to vector<1xi32>
        %squeeze3A_420 = vector.extract %slice3A_419[0] : i32 from vector<1xi32>
        %add3A_421 = arith.constant 30 : i32
        %add3A_422 = arith.addi %mul3A_48, %add3A_421 : i32
        %dma_start3A_423 = arith.constant 0 : i32
        %dma_start3A_424 = tpu.memref_slice %arg6[%add3A_422, %dma_start3A_423] : memref<640x32xf32, #tpu.memory_space<vmem>> -> memref<1x32xf32, #tpu.memory_space<vmem>>
        %dma_start3A_425 = arith.constant 0 : i32
        %dma_start3A_426 = tpu.memref_slice %arg2[%squeeze3A_420, %dma_start3A_425] : memref<1000001x32xf32, #tpu.memory_space<hbm>> -> memref<1x32xf32, #tpu.memory_space<hbm>>
        %dma_start3A_427 = arith.constant 0 : i32
        %dma_start3A_428 = tpu.memref_slice %arg6[%add3A_422, %dma_start3A_427] : memref<640x32xf32, #tpu.memory_space<vmem>> -> memref<1x32xf32, #tpu.memory_space<vmem>>
        %dma_start3A_429 = arith.constant 0 : i32
        %dma_start3A_430 = tpu.memref_slice %arg2[%squeeze3A_420, %dma_start3A_429] : memref<1000001x32xf32, #tpu.memory_space<hbm>> -> memref<1x32xf32, #tpu.memory_space<hbm>>
        tpu.enqueue_dma source(%dma_start3A_430 : memref<1x32xf32, #tpu.memory_space<hbm>>) target(%dma_start3A_428 : memref<1x32xf32, #tpu.memory_space<vmem>>) target_semaphore(%arg7 : memref<!tpu.dma_semaphore, #tpu.memory_space<semaphore_mem>>)
        %slice3A_431 = vector.extract_strided_slice %get3A_61 {offsets = [15], sizes = [1], strides = [1]} : vector<16xi32> to vector<1xi32>
        %squeeze3A_432 = vector.extract %slice3A_431[0] : i32 from vector<1xi32>
        %add3A_433 = arith.constant 31 : i32
        %add3A_434 = arith.addi %mul3A_48, %add3A_433 : i32
        %dma_start3A_435 = arith.constant 0 : i32
        %dma_start3A_436 = tpu.memref_slice %arg6[%add3A_434, %dma_start3A_435] : memref<640x32xf32, #tpu.memory_space<vmem>> -> memref<1x32xf32, #tpu.memory_space<vmem>>
        %dma_start3A_437 = arith.constant 0 : i32
        %dma_start3A_438 = tpu.memref_slice %arg2[%squeeze3A_432, %dma_start3A_437] : memref<1000001x32xf32, #tpu.memory_space<hbm>> -> memref<1x32xf32, #tpu.memory_space<hbm>>
        %dma_start3A_439 = arith.constant 0 : i32
        %dma_start3A_440 = tpu.memref_slice %arg6[%add3A_434, %dma_start3A_439] : memref<640x32xf32, #tpu.memory_space<vmem>> -> memref<1x32xf32, #tpu.memory_space<vmem>>
        %dma_start3A_441 = arith.constant 0 : i32
        %dma_start3A_442 = tpu.memref_slice %arg2[%squeeze3A_432, %dma_start3A_441] : memref<1000001x32xf32, #tpu.memory_space<hbm>> -> memref<1x32xf32, #tpu.memory_space<hbm>>
        tpu.enqueue_dma source(%dma_start3A_442 : memref<1x32xf32, #tpu.memory_space<hbm>>) target(%dma_start3A_440 : memref<1x32xf32, #tpu.memory_space<vmem>>) target_semaphore(%arg7 : memref<!tpu.dma_semaphore, #tpu.memory_space<semaphore_mem>>)
      } else {
      }
      %gt3A = arith.constant 0 : i32
      %gt3A_42 = arith.cmpi sgt, %scan3A_38, %gt3A : i32
      %convert_element_type3A_43 = arith.extui %gt3A_42 : i1 to i32
      %cond3A_44 = arith.constant 0 : i32
      %cond3A_45 = arith.cmpi ne, %convert_element_type3A_43, %cond3A_44 : i32
      scf.if %cond3A_45 {
        %dma_wait3A = arith.constant 0 : i32
        %dma_wait3A_47 = arith.constant 0 : i32
        %dma_wait3A_48 = tpu.memref_slice %arg6[%dma_wait3A, %dma_wait3A_47] : memref<640x32xf32, #tpu.memory_space<vmem>> -> memref<1x32xf32, #tpu.memory_space<vmem>>
        %dma_wait3A_49 = arith.constant 0 : i32
        %dma_wait3A_50 = arith.constant 0 : i32
        %dma_wait3A_51 = tpu.memref_slice %arg2[%dma_wait3A_49, %dma_wait3A_50] : memref<1000001x32xf32, #tpu.memory_space<hbm>> -> memref<1x32xf32, #tpu.memory_space<hbm>>
        %dma_wait3A_52 = arith.constant 0 : i32
        %dma_wait3A_53 = arith.constant 0 : i32
        %dma_wait3A_54 = tpu.memref_slice %arg6[%dma_wait3A_52, %dma_wait3A_53] : memref<640x32xf32, #tpu.memory_space<vmem>> -> memref<1x32xf32, #tpu.memory_space<vmem>>
        %dma_wait3A_55 = arith.constant 0 : i32
        %dma_wait3A_56 = arith.constant 0 : i32
        %dma_wait3A_57 = tpu.memref_slice %arg2[%dma_wait3A_55, %dma_wait3A_56] : memref<1000001x32xf32, #tpu.memory_space<hbm>> -> memref<1x32xf32, #tpu.memory_space<hbm>>
        tpu.wait_dma2 semaphore(%arg7 : memref<!tpu.dma_semaphore, #tpu.memory_space<semaphore_mem>>) src(%dma_wait3A_57 : memref<1x32xf32, #tpu.memory_space<hbm>>) dst(%dma_wait3A_54 : memref<1x32xf32, #tpu.memory_space<vmem>>)
        %dma_wait3A_58 = arith.constant 0 : i32
        %dma_wait3A_59 = arith.constant 0 : i32
        %dma_wait3A_60 = tpu.memref_slice %arg6[%dma_wait3A_58, %dma_wait3A_59] : memref<640x32xf32, #tpu.memory_space<vmem>> -> memref<1x32xf32, #tpu.memory_space<vmem>>
        %dma_wait3A_61 = arith.constant 0 : i32
        %dma_wait3A_62 = arith.constant 0 : i32
        %dma_wait3A_63 = tpu.memref_slice %arg2[%dma_wait3A_61, %dma_wait3A_62] : memref<1000001x32xf32, #tpu.memory_space<hbm>> -> memref<1x32xf32, #tpu.memory_space<hbm>>
        %dma_wait3A_64 = arith.constant 0 : i32
        %dma_wait3A_65 = arith.constant 0 : i32
        %dma_wait3A_66 = tpu.memref_slice %arg6[%dma_wait3A_64, %dma_wait3A_65] : memref<640x32xf32, #tpu.memory_space<vmem>> -> memref<1x32xf32, #tpu.memory_space<vmem>>
        %dma_wait3A_67 = arith.constant 0 : i32
        %dma_wait3A_68 = arith.constant 0 : i32
        %dma_wait3A_69 = tpu.memref_slice %arg2[%dma_wait3A_67, %dma_wait3A_68] : memref<1000001x32xf32, #tpu.memory_space<hbm>> -> memref<1x32xf32, #tpu.memory_space<hbm>>
        tpu.wait_dma2 semaphore(%arg7 : memref<!tpu.dma_semaphore, #tpu.memory_space<semaphore_mem>>) src(%dma_wait3A_69 : memref<1x32xf32, #tpu.memory_space<hbm>>) dst(%dma_wait3A_66 : memref<1x32xf32, #tpu.memory_space<vmem>>)
        %dma_wait3A_70 = arith.constant 0 : i32
        %dma_wait3A_71 = arith.constant 0 : i32
        %dma_wait3A_72 = tpu.memref_slice %arg6[%dma_wait3A_70, %dma_wait3A_71] : memref<640x32xf32, #tpu.memory_space<vmem>> -> memref<1x32xf32, #tpu.memory_space<vmem>>
        %dma_wait3A_73 = arith.constant 0 : i32
        %dma_wait3A_74 = arith.constant 0 : i32
        %dma_wait3A_75 = tpu.memref_slice %arg2[%dma_wait3A_73, %dma_wait3A_74] : memref<1000001x32xf32, #tpu.memory_space<hbm>> -> memref<1x32xf32, #tpu.memory_space<hbm>>
        %dma_wait3A_76 = arith.constant 0 : i32
        %dma_wait3A_77 = arith.constant 0 : i32
        %dma_wait3A_78 = tpu.memref_slice %arg6[%dma_wait3A_76, %dma_wait3A_77] : memref<640x32xf32, #tpu.memory_space<vmem>> -> memref<1x32xf32, #tpu.memory_space<vmem>>
        %dma_wait3A_79 = arith.constant 0 : i32
        %dma_wait3A_80 = arith.constant 0 : i32
        %dma_wait3A_81 = tpu.memref_slice %arg2[%dma_wait3A_79, %dma_wait3A_80] : memref<1000001x32xf32, #tpu.memory_space<hbm>> -> memref<1x32xf32, #tpu.memory_space<hbm>>
        tpu.wait_dma2 semaphore(%arg7 : memref<!tpu.dma_semaphore, #tpu.memory_space<semaphore_mem>>) src(%dma_wait3A_81 : memref<1x32xf32, #tpu.memory_space<hbm>>) dst(%dma_wait3A_78 : memref<1x32xf32, #tpu.memory_space<vmem>>)
        %dma_wait3A_82 = arith.constant 0 : i32
        %dma_wait3A_83 = arith.constant 0 : i32
        %dma_wait3A_84 = tpu.memref_slice %arg6[%dma_wait3A_82, %dma_wait3A_83] : memref<640x32xf32, #tpu.memory_space<vmem>> -> memref<1x32xf32, #tpu.memory_space<vmem>>
        %dma_wait3A_85 = arith.constant 0 : i32
        %dma_wait3A_86 = arith.constant 0 : i32
        %dma_wait3A_87 = tpu.memref_slice %arg2[%dma_wait3A_85, %dma_wait3A_86] : memref<1000001x32xf32, #tpu.memory_space<hbm>> -> memref<1x32xf32, #tpu.memory_space<hbm>>
        %dma_wait3A_88 = arith.constant 0 : i32
        %dma_wait3A_89 = arith.constant 0 : i32
        %dma_wait3A_90 = tpu.memref_slice %arg6[%dma_wait3A_88, %dma_wait3A_89] : memref<640x32xf32, #tpu.memory_space<vmem>> -> memref<1x32xf32, #tpu.memory_space<vmem>>
        %dma_wait3A_91 = arith.constant 0 : i32
        %dma_wait3A_92 = arith.constant 0 : i32
        %dma_wait3A_93 = tpu.memref_slice %arg2[%dma_wait3A_91, %dma_wait3A_92] : memref<1000001x32xf32, #tpu.memory_space<hbm>> -> memref<1x32xf32, #tpu.memory_space<hbm>>
        tpu.wait_dma2 semaphore(%arg7 : memref<!tpu.dma_semaphore, #tpu.memory_space<semaphore_mem>>) src(%dma_wait3A_93 : memref<1x32xf32, #tpu.memory_space<hbm>>) dst(%dma_wait3A_90 : memref<1x32xf32, #tpu.memory_space<vmem>>)
        %dma_wait3A_94 = arith.constant 0 : i32
        %dma_wait3A_95 = arith.constant 0 : i32
        %dma_wait3A_96 = tpu.memref_slice %arg6[%dma_wait3A_94, %dma_wait3A_95] : memref<640x32xf32, #tpu.memory_space<vmem>> -> memref<1x32xf32, #tpu.memory_space<vmem>>
        %dma_wait3A_97 = arith.constant 0 : i32
        %dma_wait3A_98 = arith.constant 0 : i32
        %dma_wait3A_99 = tpu.memref_slice %arg2[%dma_wait3A_97, %dma_wait3A_98] : memref<1000001x32xf32, #tpu.memory_space<hbm>> -> memref<1x32xf32, #tpu.memory_space<hbm>>
        %dma_wait3A_100 = arith.constant 0 : i32
        %dma_wait3A_101 = arith.constant 0 : i32
        %dma_wait3A_102 = tpu.memref_slice %arg6[%dma_wait3A_100, %dma_wait3A_101] : memref<640x32xf32, #tpu.memory_space<vmem>> -> memref<1x32xf32, #tpu.memory_space<vmem>>
        %dma_wait3A_103 = arith.constant 0 : i32
        %dma_wait3A_104 = arith.constant 0 : i32
        %dma_wait3A_105 = tpu.memref_slice %arg2[%dma_wait3A_103, %dma_wait3A_104] : memref<1000001x32xf32, #tpu.memory_space<hbm>> -> memref<1x32xf32, #tpu.memory_space<hbm>>
        tpu.wait_dma2 semaphore(%arg7 : memref<!tpu.dma_semaphore, #tpu.memory_space<semaphore_mem>>) src(%dma_wait3A_105 : memref<1x32xf32, #tpu.memory_space<hbm>>) dst(%dma_wait3A_102 : memref<1x32xf32, #tpu.memory_space<vmem>>)
        %dma_wait3A_106 = arith.constant 0 : i32
        %dma_wait3A_107 = arith.constant 0 : i32
        %dma_wait3A_108 = tpu.memref_slice %arg6[%dma_wait3A_106, %dma_wait3A_107] : memref<640x32xf32, #tpu.memory_space<vmem>> -> memref<1x32xf32, #tpu.memory_space<vmem>>
        %dma_wait3A_109 = arith.constant 0 : i32
        %dma_wait3A_110 = arith.constant 0 : i32
        %dma_wait3A_111 = tpu.memref_slice %arg2[%dma_wait3A_109, %dma_wait3A_110] : memref<1000001x32xf32, #tpu.memory_space<hbm>> -> memref<1x32xf32, #tpu.memory_space<hbm>>
        %dma_wait3A_112 = arith.constant 0 : i32
        %dma_wait3A_113 = arith.constant 0 : i32
        %dma_wait3A_114 = tpu.memref_slice %arg6[%dma_wait3A_112, %dma_wait3A_113] : memref<640x32xf32, #tpu.memory_space<vmem>> -> memref<1x32xf32, #tpu.memory_space<vmem>>
        %dma_wait3A_115 = arith.constant 0 : i32
        %dma_wait3A_116 = arith.constant 0 : i32
        %dma_wait3A_117 = tpu.memref_slice %arg2[%dma_wait3A_115, %dma_wait3A_116] : memref<1000001x32xf32, #tpu.memory_space<hbm>> -> memref<1x32xf32, #tpu.memory_space<hbm>>
        tpu.wait_dma2 semaphore(%arg7 : memref<!tpu.dma_semaphore, #tpu.memory_space<semaphore_mem>>) src(%dma_wait3A_117 : memref<1x32xf32, #tpu.memory_space<hbm>>) dst(%dma_wait3A_114 : memref<1x32xf32, #tpu.memory_space<vmem>>)
        %dma_wait3A_118 = arith.constant 0 : i32
        %dma_wait3A_119 = arith.constant 0 : i32
        %dma_wait3A_120 = tpu.memref_slice %arg6[%dma_wait3A_118, %dma_wait3A_119] : memref<640x32xf32, #tpu.memory_space<vmem>> -> memref<1x32xf32, #tpu.memory_space<vmem>>
        %dma_wait3A_121 = arith.constant 0 : i32
        %dma_wait3A_122 = arith.constant 0 : i32
        %dma_wait3A_123 = tpu.memref_slice %arg2[%dma_wait3A_121, %dma_wait3A_122] : memref<1000001x32xf32, #tpu.memory_space<hbm>> -> memref<1x32xf32, #tpu.memory_space<hbm>>
        %dma_wait3A_124 = arith.constant 0 : i32
        %dma_wait3A_125 = arith.constant 0 : i32
        %dma_wait3A_126 = tpu.memref_slice %arg6[%dma_wait3A_124, %dma_wait3A_125] : memref<640x32xf32, #tpu.memory_space<vmem>> -> memref<1x32xf32, #tpu.memory_space<vmem>>
        %dma_wait3A_127 = arith.constant 0 : i32
        %dma_wait3A_128 = arith.constant 0 : i32
        %dma_wait3A_129 = tpu.memref_slice %arg2[%dma_wait3A_127, %dma_wait3A_128] : memref<1000001x32xf32, #tpu.memory_space<hbm>> -> memref<1x32xf32, #tpu.memory_space<hbm>>
        tpu.wait_dma2 semaphore(%arg7 : memref<!tpu.dma_semaphore, #tpu.memory_space<semaphore_mem>>) src(%dma_wait3A_129 : memref<1x32xf32, #tpu.memory_space<hbm>>) dst(%dma_wait3A_126 : memref<1x32xf32, #tpu.memory_space<vmem>>)
        %dma_wait3A_130 = arith.constant 0 : i32
        %dma_wait3A_131 = arith.constant 0 : i32
        %dma_wait3A_132 = tpu.memref_slice %arg6[%dma_wait3A_130, %dma_wait3A_131] : memref<640x32xf32, #tpu.memory_space<vmem>> -> memref<1x32xf32, #tpu.memory_space<vmem>>
        %dma_wait3A_133 = arith.constant 0 : i32
        %dma_wait3A_134 = arith.constant 0 : i32
        %dma_wait3A_135 = tpu.memref_slice %arg2[%dma_wait3A_133, %dma_wait3A_134] : memref<1000001x32xf32, #tpu.memory_space<hbm>> -> memref<1x32xf32, #tpu.memory_space<hbm>>
        %dma_wait3A_136 = arith.constant 0 : i32
        %dma_wait3A_137 = arith.constant 0 : i32
        %dma_wait3A_138 = tpu.memref_slice %arg6[%dma_wait3A_136, %dma_wait3A_137] : memref<640x32xf32, #tpu.memory_space<vmem>> -> memref<1x32xf32, #tpu.memory_space<vmem>>
        %dma_wait3A_139 = arith.constant 0 : i32
        %dma_wait3A_140 = arith.constant 0 : i32
        %dma_wait3A_141 = tpu.memref_slice %arg2[%dma_wait3A_139, %dma_wait3A_140] : memref<1000001x32xf32, #tpu.memory_space<hbm>> -> memref<1x32xf32, #tpu.memory_space<hbm>>
        tpu.wait_dma2 semaphore(%arg7 : memref<!tpu.dma_semaphore, #tpu.memory_space<semaphore_mem>>) src(%dma_wait3A_141 : memref<1x32xf32, #tpu.memory_space<hbm>>) dst(%dma_wait3A_138 : memref<1x32xf32, #tpu.memory_space<vmem>>)
        %dma_wait3A_142 = arith.constant 0 : i32
        %dma_wait3A_143 = arith.constant 0 : i32
        %dma_wait3A_144 = tpu.memref_slice %arg6[%dma_wait3A_142, %dma_wait3A_143] : memref<640x32xf32, #tpu.memory_space<vmem>> -> memref<1x32xf32, #tpu.memory_space<vmem>>
        %dma_wait3A_145 = arith.constant 0 : i32
        %dma_wait3A_146 = arith.constant 0 : i32
        %dma_wait3A_147 = tpu.memref_slice %arg2[%dma_wait3A_145, %dma_wait3A_146] : memref<1000001x32xf32, #tpu.memory_space<hbm>> -> memref<1x32xf32, #tpu.memory_space<hbm>>
        %dma_wait3A_148 = arith.constant 0 : i32
        %dma_wait3A_149 = arith.constant 0 : i32
        %dma_wait3A_150 = tpu.memref_slice %arg6[%dma_wait3A_148, %dma_wait3A_149] : memref<640x32xf32, #tpu.memory_space<vmem>> -> memref<1x32xf32, #tpu.memory_space<vmem>>
        %dma_wait3A_151 = arith.constant 0 : i32
        %dma_wait3A_152 = arith.constant 0 : i32
        %dma_wait3A_153 = tpu.memref_slice %arg2[%dma_wait3A_151, %dma_wait3A_152] : memref<1000001x32xf32, #tpu.memory_space<hbm>> -> memref<1x32xf32, #tpu.memory_space<hbm>>
        tpu.wait_dma2 semaphore(%arg7 : memref<!tpu.dma_semaphore, #tpu.memory_space<semaphore_mem>>) src(%dma_wait3A_153 : memref<1x32xf32, #tpu.memory_space<hbm>>) dst(%dma_wait3A_150 : memref<1x32xf32, #tpu.memory_space<vmem>>)
        %dma_wait3A_154 = arith.constant 0 : i32
        %dma_wait3A_155 = arith.constant 0 : i32
        %dma_wait3A_156 = tpu.memref_slice %arg6[%dma_wait3A_154, %dma_wait3A_155] : memref<640x32xf32, #tpu.memory_space<vmem>> -> memref<1x32xf32, #tpu.memory_space<vmem>>
        %dma_wait3A_157 = arith.constant 0 : i32
        %dma_wait3A_158 = arith.constant 0 : i32
        %dma_wait3A_159 = tpu.memref_slice %arg2[%dma_wait3A_157, %dma_wait3A_158] : memref<1000001x32xf32, #tpu.memory_space<hbm>> -> memref<1x32xf32, #tpu.memory_space<hbm>>
        %dma_wait3A_160 = arith.constant 0 : i32
        %dma_wait3A_161 = arith.constant 0 : i32
        %dma_wait3A_162 = tpu.memref_slice %arg6[%dma_wait3A_160, %dma_wait3A_161] : memref<640x32xf32, #tpu.memory_space<vmem>> -> memref<1x32xf32, #tpu.memory_space<vmem>>
        %dma_wait3A_163 = arith.constant 0 : i32
        %dma_wait3A_164 = arith.constant 0 : i32
        %dma_wait3A_165 = tpu.memref_slice %arg2[%dma_wait3A_163, %dma_wait3A_164] : memref<1000001x32xf32, #tpu.memory_space<hbm>> -> memref<1x32xf32, #tpu.memory_space<hbm>>
        tpu.wait_dma2 semaphore(%arg7 : memref<!tpu.dma_semaphore, #tpu.memory_space<semaphore_mem>>) src(%dma_wait3A_165 : memref<1x32xf32, #tpu.memory_space<hbm>>) dst(%dma_wait3A_162 : memref<1x32xf32, #tpu.memory_space<vmem>>)
        %dma_wait3A_166 = arith.constant 0 : i32
        %dma_wait3A_167 = arith.constant 0 : i32
        %dma_wait3A_168 = tpu.memref_slice %arg6[%dma_wait3A_166, %dma_wait3A_167] : memref<640x32xf32, #tpu.memory_space<vmem>> -> memref<1x32xf32, #tpu.memory_space<vmem>>
        %dma_wait3A_169 = arith.constant 0 : i32
        %dma_wait3A_170 = arith.constant 0 : i32
        %dma_wait3A_171 = tpu.memref_slice %arg2[%dma_wait3A_169, %dma_wait3A_170] : memref<1000001x32xf32, #tpu.memory_space<hbm>> -> memref<1x32xf32, #tpu.memory_space<hbm>>
        %dma_wait3A_172 = arith.constant 0 : i32
        %dma_wait3A_173 = arith.constant 0 : i32
        %dma_wait3A_174 = tpu.memref_slice %arg6[%dma_wait3A_172, %dma_wait3A_173] : memref<640x32xf32, #tpu.memory_space<vmem>> -> memref<1x32xf32, #tpu.memory_space<vmem>>
        %dma_wait3A_175 = arith.constant 0 : i32
        %dma_wait3A_176 = arith.constant 0 : i32
        %dma_wait3A_177 = tpu.memref_slice %arg2[%dma_wait3A_175, %dma_wait3A_176] : memref<1000001x32xf32, #tpu.memory_space<hbm>> -> memref<1x32xf32, #tpu.memory_space<hbm>>
        tpu.wait_dma2 semaphore(%arg7 : memref<!tpu.dma_semaphore, #tpu.memory_space<semaphore_mem>>) src(%dma_wait3A_177 : memref<1x32xf32, #tpu.memory_space<hbm>>) dst(%dma_wait3A_174 : memref<1x32xf32, #tpu.memory_space<vmem>>)
        %dma_wait3A_178 = arith.constant 0 : i32
        %dma_wait3A_179 = arith.constant 0 : i32
        %dma_wait3A_180 = tpu.memref_slice %arg6[%dma_wait3A_178, %dma_wait3A_179] : memref<640x32xf32, #tpu.memory_space<vmem>> -> memref<1x32xf32, #tpu.memory_space<vmem>>
        %dma_wait3A_181 = arith.constant 0 : i32
        %dma_wait3A_182 = arith.constant 0 : i32
        %dma_wait3A_183 = tpu.memref_slice %arg2[%dma_wait3A_181, %dma_wait3A_182] : memref<1000001x32xf32, #tpu.memory_space<hbm>> -> memref<1x32xf32, #tpu.memory_space<hbm>>
        %dma_wait3A_184 = arith.constant 0 : i32
        %dma_wait3A_185 = arith.constant 0 : i32
        %dma_wait3A_186 = tpu.memref_slice %arg6[%dma_wait3A_184, %dma_wait3A_185] : memref<640x32xf32, #tpu.memory_space<vmem>> -> memref<1x32xf32, #tpu.memory_space<vmem>>
        %dma_wait3A_187 = arith.constant 0 : i32
        %dma_wait3A_188 = arith.constant 0 : i32
        %dma_wait3A_189 = tpu.memref_slice %arg2[%dma_wait3A_187, %dma_wait3A_188] : memref<1000001x32xf32, #tpu.memory_space<hbm>> -> memref<1x32xf32, #tpu.memory_space<hbm>>
        tpu.wait_dma2 semaphore(%arg7 : memref<!tpu.dma_semaphore, #tpu.memory_space<semaphore_mem>>) src(%dma_wait3A_189 : memref<1x32xf32, #tpu.memory_space<hbm>>) dst(%dma_wait3A_186 : memref<1x32xf32, #tpu.memory_space<vmem>>)
        %dma_wait3A_190 = arith.constant 0 : i32
        %dma_wait3A_191 = arith.constant 0 : i32
        %dma_wait3A_192 = tpu.memref_slice %arg6[%dma_wait3A_190, %dma_wait3A_191] : memref<640x32xf32, #tpu.memory_space<vmem>> -> memref<1x32xf32, #tpu.memory_space<vmem>>
        %dma_wait3A_193 = arith.constant 0 : i32
        %dma_wait3A_194 = arith.constant 0 : i32
        %dma_wait3A_195 = tpu.memref_slice %arg2[%dma_wait3A_193, %dma_wait3A_194] : memref<1000001x32xf32, #tpu.memory_space<hbm>> -> memref<1x32xf32, #tpu.memory_space<hbm>>
        %dma_wait3A_196 = arith.constant 0 : i32
        %dma_wait3A_197 = arith.constant 0 : i32
        %dma_wait3A_198 = tpu.memref_slice %arg6[%dma_wait3A_196, %dma_wait3A_197] : memref<640x32xf32, #tpu.memory_space<vmem>> -> memref<1x32xf32, #tpu.memory_space<vmem>>
        %dma_wait3A_199 = arith.constant 0 : i32
        %dma_wait3A_200 = arith.constant 0 : i32
        %dma_wait3A_201 = tpu.memref_slice %arg2[%dma_wait3A_199, %dma_wait3A_200] : memref<1000001x32xf32, #tpu.memory_space<hbm>> -> memref<1x32xf32, #tpu.memory_space<hbm>>
        tpu.wait_dma2 semaphore(%arg7 : memref<!tpu.dma_semaphore, #tpu.memory_space<semaphore_mem>>) src(%dma_wait3A_201 : memref<1x32xf32, #tpu.memory_space<hbm>>) dst(%dma_wait3A_198 : memref<1x32xf32, #tpu.memory_space<vmem>>)
        %dma_wait3A_202 = arith.constant 0 : i32
        %dma_wait3A_203 = arith.constant 0 : i32
        %dma_wait3A_204 = tpu.memref_slice %arg6[%dma_wait3A_202, %dma_wait3A_203] : memref<640x32xf32, #tpu.memory_space<vmem>> -> memref<1x32xf32, #tpu.memory_space<vmem>>
        %dma_wait3A_205 = arith.constant 0 : i32
        %dma_wait3A_206 = arith.constant 0 : i32
        %dma_wait3A_207 = tpu.memref_slice %arg2[%dma_wait3A_205, %dma_wait3A_206] : memref<1000001x32xf32, #tpu.memory_space<hbm>> -> memref<1x32xf32, #tpu.memory_space<hbm>>
        %dma_wait3A_208 = arith.constant 0 : i32
        %dma_wait3A_209 = arith.constant 0 : i32
        %dma_wait3A_210 = tpu.memref_slice %arg6[%dma_wait3A_208, %dma_wait3A_209] : memref<640x32xf32, #tpu.memory_space<vmem>> -> memref<1x32xf32, #tpu.memory_space<vmem>>
        %dma_wait3A_211 = arith.constant 0 : i32
        %dma_wait3A_212 = arith.constant 0 : i32
        %dma_wait3A_213 = tpu.memref_slice %arg2[%dma_wait3A_211, %dma_wait3A_212] : memref<1000001x32xf32, #tpu.memory_space<hbm>> -> memref<1x32xf32, #tpu.memory_space<hbm>>
        tpu.wait_dma2 semaphore(%arg7 : memref<!tpu.dma_semaphore, #tpu.memory_space<semaphore_mem>>) src(%dma_wait3A_213 : memref<1x32xf32, #tpu.memory_space<hbm>>) dst(%dma_wait3A_210 : memref<1x32xf32, #tpu.memory_space<vmem>>)
        %dma_wait3A_214 = arith.constant 0 : i32
        %dma_wait3A_215 = arith.constant 0 : i32
        %dma_wait3A_216 = tpu.memref_slice %arg6[%dma_wait3A_214, %dma_wait3A_215] : memref<640x32xf32, #tpu.memory_space<vmem>> -> memref<1x32xf32, #tpu.memory_space<vmem>>
        %dma_wait3A_217 = arith.constant 0 : i32
        %dma_wait3A_218 = arith.constant 0 : i32
        %dma_wait3A_219 = tpu.memref_slice %arg2[%dma_wait3A_217, %dma_wait3A_218] : memref<1000001x32xf32, #tpu.memory_space<hbm>> -> memref<1x32xf32, #tpu.memory_space<hbm>>
        %dma_wait3A_220 = arith.constant 0 : i32
        %dma_wait3A_221 = arith.constant 0 : i32
        %dma_wait3A_222 = tpu.memref_slice %arg6[%dma_wait3A_220, %dma_wait3A_221] : memref<640x32xf32, #tpu.memory_space<vmem>> -> memref<1x32xf32, #tpu.memory_space<vmem>>
        %dma_wait3A_223 = arith.constant 0 : i32
        %dma_wait3A_224 = arith.constant 0 : i32
        %dma_wait3A_225 = tpu.memref_slice %arg2[%dma_wait3A_223, %dma_wait3A_224] : memref<1000001x32xf32, #tpu.memory_space<hbm>> -> memref<1x32xf32, #tpu.memory_space<hbm>>
        tpu.wait_dma2 semaphore(%arg7 : memref<!tpu.dma_semaphore, #tpu.memory_space<semaphore_mem>>) src(%dma_wait3A_225 : memref<1x32xf32, #tpu.memory_space<hbm>>) dst(%dma_wait3A_222 : memref<1x32xf32, #tpu.memory_space<vmem>>)
        %dma_wait3A_226 = arith.constant 0 : i32
        %dma_wait3A_227 = arith.constant 0 : i32
        %dma_wait3A_228 = tpu.memref_slice %arg6[%dma_wait3A_226, %dma_wait3A_227] : memref<640x32xf32, #tpu.memory_space<vmem>> -> memref<1x32xf32, #tpu.memory_space<vmem>>
        %dma_wait3A_229 = arith.constant 0 : i32
        %dma_wait3A_230 = arith.constant 0 : i32
        %dma_wait3A_231 = tpu.memref_slice %arg2[%dma_wait3A_229, %dma_wait3A_230] : memref<1000001x32xf32, #tpu.memory_space<hbm>> -> memref<1x32xf32, #tpu.memory_space<hbm>>
        %dma_wait3A_232 = arith.constant 0 : i32
        %dma_wait3A_233 = arith.constant 0 : i32
        %dma_wait3A_234 = tpu.memref_slice %arg6[%dma_wait3A_232, %dma_wait3A_233] : memref<640x32xf32, #tpu.memory_space<vmem>> -> memref<1x32xf32, #tpu.memory_space<vmem>>
        %dma_wait3A_235 = arith.constant 0 : i32
        %dma_wait3A_236 = arith.constant 0 : i32
        %dma_wait3A_237 = tpu.memref_slice %arg2[%dma_wait3A_235, %dma_wait3A_236] : memref<1000001x32xf32, #tpu.memory_space<hbm>> -> memref<1x32xf32, #tpu.memory_space<hbm>>
        tpu.wait_dma2 semaphore(%arg7 : memref<!tpu.dma_semaphore, #tpu.memory_space<semaphore_mem>>) src(%dma_wait3A_237 : memref<1x32xf32, #tpu.memory_space<hbm>>) dst(%dma_wait3A_234 : memref<1x32xf32, #tpu.memory_space<vmem>>)
        %dma_wait3A_238 = arith.constant 0 : i32
        %dma_wait3A_239 = arith.constant 0 : i32
        %dma_wait3A_240 = tpu.memref_slice %arg6[%dma_wait3A_238, %dma_wait3A_239] : memref<640x32xf32, #tpu.memory_space<vmem>> -> memref<1x32xf32, #tpu.memory_space<vmem>>
        %dma_wait3A_241 = arith.constant 0 : i32
        %dma_wait3A_242 = arith.constant 0 : i32
        %dma_wait3A_243 = tpu.memref_slice %arg2[%dma_wait3A_241, %dma_wait3A_242] : memref<1000001x32xf32, #tpu.memory_space<hbm>> -> memref<1x32xf32, #tpu.memory_space<hbm>>
        %dma_wait3A_244 = arith.constant 0 : i32
        %dma_wait3A_245 = arith.constant 0 : i32
        %dma_wait3A_246 = tpu.memref_slice %arg6[%dma_wait3A_244, %dma_wait3A_245] : memref<640x32xf32, #tpu.memory_space<vmem>> -> memref<1x32xf32, #tpu.memory_space<vmem>>
        %dma_wait3A_247 = arith.constant 0 : i32
        %dma_wait3A_248 = arith.constant 0 : i32
        %dma_wait3A_249 = tpu.memref_slice %arg2[%dma_wait3A_247, %dma_wait3A_248] : memref<1000001x32xf32, #tpu.memory_space<hbm>> -> memref<1x32xf32, #tpu.memory_space<hbm>>
        tpu.wait_dma2 semaphore(%arg7 : memref<!tpu.dma_semaphore, #tpu.memory_space<semaphore_mem>>) src(%dma_wait3A_249 : memref<1x32xf32, #tpu.memory_space<hbm>>) dst(%dma_wait3A_246 : memref<1x32xf32, #tpu.memory_space<vmem>>)
        %dma_wait3A_250 = arith.constant 0 : i32
        %dma_wait3A_251 = arith.constant 0 : i32
        %dma_wait3A_252 = tpu.memref_slice %arg6[%dma_wait3A_250, %dma_wait3A_251] : memref<640x32xf32, #tpu.memory_space<vmem>> -> memref<1x32xf32, #tpu.memory_space<vmem>>
        %dma_wait3A_253 = arith.constant 0 : i32
        %dma_wait3A_254 = arith.constant 0 : i32
        %dma_wait3A_255 = tpu.memref_slice %arg2[%dma_wait3A_253, %dma_wait3A_254] : memref<1000001x32xf32, #tpu.memory_space<hbm>> -> memref<1x32xf32, #tpu.memory_space<hbm>>
        %dma_wait3A_256 = arith.constant 0 : i32
        %dma_wait3A_257 = arith.constant 0 : i32
        %dma_wait3A_258 = tpu.memref_slice %arg6[%dma_wait3A_256, %dma_wait3A_257] : memref<640x32xf32, #tpu.memory_space<vmem>> -> memref<1x32xf32, #tpu.memory_space<vmem>>
        %dma_wait3A_259 = arith.constant 0 : i32
        %dma_wait3A_260 = arith.constant 0 : i32
        %dma_wait3A_261 = tpu.memref_slice %arg2[%dma_wait3A_259, %dma_wait3A_260] : memref<1000001x32xf32, #tpu.memory_space<hbm>> -> memref<1x32xf32, #tpu.memory_space<hbm>>
        tpu.wait_dma2 semaphore(%arg7 : memref<!tpu.dma_semaphore, #tpu.memory_space<semaphore_mem>>) src(%dma_wait3A_261 : memref<1x32xf32, #tpu.memory_space<hbm>>) dst(%dma_wait3A_258 : memref<1x32xf32, #tpu.memory_space<vmem>>)
        %dma_wait3A_262 = arith.constant 0 : i32
        %dma_wait3A_263 = arith.constant 0 : i32
        %dma_wait3A_264 = tpu.memref_slice %arg6[%dma_wait3A_262, %dma_wait3A_263] : memref<640x32xf32, #tpu.memory_space<vmem>> -> memref<1x32xf32, #tpu.memory_space<vmem>>
        %dma_wait3A_265 = arith.constant 0 : i32
        %dma_wait3A_266 = arith.constant 0 : i32
        %dma_wait3A_267 = tpu.memref_slice %arg2[%dma_wait3A_265, %dma_wait3A_266] : memref<1000001x32xf32, #tpu.memory_space<hbm>> -> memref<1x32xf32, #tpu.memory_space<hbm>>
        %dma_wait3A_268 = arith.constant 0 : i32
        %dma_wait3A_269 = arith.constant 0 : i32
        %dma_wait3A_270 = tpu.memref_slice %arg6[%dma_wait3A_268, %dma_wait3A_269] : memref<640x32xf32, #tpu.memory_space<vmem>> -> memref<1x32xf32, #tpu.memory_space<vmem>>
        %dma_wait3A_271 = arith.constant 0 : i32
        %dma_wait3A_272 = arith.constant 0 : i32
        %dma_wait3A_273 = tpu.memref_slice %arg2[%dma_wait3A_271, %dma_wait3A_272] : memref<1000001x32xf32, #tpu.memory_space<hbm>> -> memref<1x32xf32, #tpu.memory_space<hbm>>
        tpu.wait_dma2 semaphore(%arg7 : memref<!tpu.dma_semaphore, #tpu.memory_space<semaphore_mem>>) src(%dma_wait3A_273 : memref<1x32xf32, #tpu.memory_space<hbm>>) dst(%dma_wait3A_270 : memref<1x32xf32, #tpu.memory_space<vmem>>)
        %dma_wait3A_274 = arith.constant 0 : i32
        %dma_wait3A_275 = arith.constant 0 : i32
        %dma_wait3A_276 = tpu.memref_slice %arg6[%dma_wait3A_274, %dma_wait3A_275] : memref<640x32xf32, #tpu.memory_space<vmem>> -> memref<1x32xf32, #tpu.memory_space<vmem>>
        %dma_wait3A_277 = arith.constant 0 : i32
        %dma_wait3A_278 = arith.constant 0 : i32
        %dma_wait3A_279 = tpu.memref_slice %arg2[%dma_wait3A_277, %dma_wait3A_278] : memref<1000001x32xf32, #tpu.memory_space<hbm>> -> memref<1x32xf32, #tpu.memory_space<hbm>>
        %dma_wait3A_280 = arith.constant 0 : i32
        %dma_wait3A_281 = arith.constant 0 : i32
        %dma_wait3A_282 = tpu.memref_slice %arg6[%dma_wait3A_280, %dma_wait3A_281] : memref<640x32xf32, #tpu.memory_space<vmem>> -> memref<1x32xf32, #tpu.memory_space<vmem>>
        %dma_wait3A_283 = arith.constant 0 : i32
        %dma_wait3A_284 = arith.constant 0 : i32
        %dma_wait3A_285 = tpu.memref_slice %arg2[%dma_wait3A_283, %dma_wait3A_284] : memref<1000001x32xf32, #tpu.memory_space<hbm>> -> memref<1x32xf32, #tpu.memory_space<hbm>>
        tpu.wait_dma2 semaphore(%arg7 : memref<!tpu.dma_semaphore, #tpu.memory_space<semaphore_mem>>) src(%dma_wait3A_285 : memref<1x32xf32, #tpu.memory_space<hbm>>) dst(%dma_wait3A_282 : memref<1x32xf32, #tpu.memory_space<vmem>>)
        %dma_wait3A_286 = arith.constant 0 : i32
        %dma_wait3A_287 = arith.constant 0 : i32
        %dma_wait3A_288 = tpu.memref_slice %arg6[%dma_wait3A_286, %dma_wait3A_287] : memref<640x32xf32, #tpu.memory_space<vmem>> -> memref<1x32xf32, #tpu.memory_space<vmem>>
        %dma_wait3A_289 = arith.constant 0 : i32
        %dma_wait3A_290 = arith.constant 0 : i32
        %dma_wait3A_291 = tpu.memref_slice %arg2[%dma_wait3A_289, %dma_wait3A_290] : memref<1000001x32xf32, #tpu.memory_space<hbm>> -> memref<1x32xf32, #tpu.memory_space<hbm>>
        %dma_wait3A_292 = arith.constant 0 : i32
        %dma_wait3A_293 = arith.constant 0 : i32
        %dma_wait3A_294 = tpu.memref_slice %arg6[%dma_wait3A_292, %dma_wait3A_293] : memref<640x32xf32, #tpu.memory_space<vmem>> -> memref<1x32xf32, #tpu.memory_space<vmem>>
        %dma_wait3A_295 = arith.constant 0 : i32
        %dma_wait3A_296 = arith.constant 0 : i32
        %dma_wait3A_297 = tpu.memref_slice %arg2[%dma_wait3A_295, %dma_wait3A_296] : memref<1000001x32xf32, #tpu.memory_space<hbm>> -> memref<1x32xf32, #tpu.memory_space<hbm>>
        tpu.wait_dma2 semaphore(%arg7 : memref<!tpu.dma_semaphore, #tpu.memory_space<semaphore_mem>>) src(%dma_wait3A_297 : memref<1x32xf32, #tpu.memory_space<hbm>>) dst(%dma_wait3A_294 : memref<1x32xf32, #tpu.memory_space<vmem>>)
        %dma_wait3A_298 = arith.constant 0 : i32
        %dma_wait3A_299 = arith.constant 0 : i32
        %dma_wait3A_300 = tpu.memref_slice %arg6[%dma_wait3A_298, %dma_wait3A_299] : memref<640x32xf32, #tpu.memory_space<vmem>> -> memref<1x32xf32, #tpu.memory_space<vmem>>
        %dma_wait3A_301 = arith.constant 0 : i32
        %dma_wait3A_302 = arith.constant 0 : i32
        %dma_wait3A_303 = tpu.memref_slice %arg2[%dma_wait3A_301, %dma_wait3A_302] : memref<1000001x32xf32, #tpu.memory_space<hbm>> -> memref<1x32xf32, #tpu.memory_space<hbm>>
        %dma_wait3A_304 = arith.constant 0 : i32
        %dma_wait3A_305 = arith.constant 0 : i32
        %dma_wait3A_306 = tpu.memref_slice %arg6[%dma_wait3A_304, %dma_wait3A_305] : memref<640x32xf32, #tpu.memory_space<vmem>> -> memref<1x32xf32, #tpu.memory_space<vmem>>
        %dma_wait3A_307 = arith.constant 0 : i32
        %dma_wait3A_308 = arith.constant 0 : i32
        %dma_wait3A_309 = tpu.memref_slice %arg2[%dma_wait3A_307, %dma_wait3A_308] : memref<1000001x32xf32, #tpu.memory_space<hbm>> -> memref<1x32xf32, #tpu.memory_space<hbm>>
        tpu.wait_dma2 semaphore(%arg7 : memref<!tpu.dma_semaphore, #tpu.memory_space<semaphore_mem>>) src(%dma_wait3A_309 : memref<1x32xf32, #tpu.memory_space<hbm>>) dst(%dma_wait3A_306 : memref<1x32xf32, #tpu.memory_space<vmem>>)
        %dma_wait3A_310 = arith.constant 0 : i32
        %dma_wait3A_311 = arith.constant 0 : i32
        %dma_wait3A_312 = tpu.memref_slice %arg6[%dma_wait3A_310, %dma_wait3A_311] : memref<640x32xf32, #tpu.memory_space<vmem>> -> memref<1x32xf32, #tpu.memory_space<vmem>>
        %dma_wait3A_313 = arith.constant 0 : i32
        %dma_wait3A_314 = arith.constant 0 : i32
        %dma_wait3A_315 = tpu.memref_slice %arg2[%dma_wait3A_313, %dma_wait3A_314] : memref<1000001x32xf32, #tpu.memory_space<hbm>> -> memref<1x32xf32, #tpu.memory_space<hbm>>
        %dma_wait3A_316 = arith.constant 0 : i32
        %dma_wait3A_317 = arith.constant 0 : i32
        %dma_wait3A_318 = tpu.memref_slice %arg6[%dma_wait3A_316, %dma_wait3A_317] : memref<640x32xf32, #tpu.memory_space<vmem>> -> memref<1x32xf32, #tpu.memory_space<vmem>>
        %dma_wait3A_319 = arith.constant 0 : i32
        %dma_wait3A_320 = arith.constant 0 : i32
        %dma_wait3A_321 = tpu.memref_slice %arg2[%dma_wait3A_319, %dma_wait3A_320] : memref<1000001x32xf32, #tpu.memory_space<hbm>> -> memref<1x32xf32, #tpu.memory_space<hbm>>
        tpu.wait_dma2 semaphore(%arg7 : memref<!tpu.dma_semaphore, #tpu.memory_space<semaphore_mem>>) src(%dma_wait3A_321 : memref<1x32xf32, #tpu.memory_space<hbm>>) dst(%dma_wait3A_318 : memref<1x32xf32, #tpu.memory_space<vmem>>)
        %dma_wait3A_322 = arith.constant 0 : i32
        %dma_wait3A_323 = arith.constant 0 : i32
        %dma_wait3A_324 = tpu.memref_slice %arg6[%dma_wait3A_322, %dma_wait3A_323] : memref<640x32xf32, #tpu.memory_space<vmem>> -> memref<1x32xf32, #tpu.memory_space<vmem>>
        %dma_wait3A_325 = arith.constant 0 : i32
        %dma_wait3A_326 = arith.constant 0 : i32
        %dma_wait3A_327 = tpu.memref_slice %arg2[%dma_wait3A_325, %dma_wait3A_326] : memref<1000001x32xf32, #tpu.memory_space<hbm>> -> memref<1x32xf32, #tpu.memory_space<hbm>>
        %dma_wait3A_328 = arith.constant 0 : i32
        %dma_wait3A_329 = arith.constant 0 : i32
        %dma_wait3A_330 = tpu.memref_slice %arg6[%dma_wait3A_328, %dma_wait3A_329] : memref<640x32xf32, #tpu.memory_space<vmem>> -> memref<1x32xf32, #tpu.memory_space<vmem>>
        %dma_wait3A_331 = arith.constant 0 : i32
        %dma_wait3A_332 = arith.constant 0 : i32
        %dma_wait3A_333 = tpu.memref_slice %arg2[%dma_wait3A_331, %dma_wait3A_332] : memref<1000001x32xf32, #tpu.memory_space<hbm>> -> memref<1x32xf32, #tpu.memory_space<hbm>>
        tpu.wait_dma2 semaphore(%arg7 : memref<!tpu.dma_semaphore, #tpu.memory_space<semaphore_mem>>) src(%dma_wait3A_333 : memref<1x32xf32, #tpu.memory_space<hbm>>) dst(%dma_wait3A_330 : memref<1x32xf32, #tpu.memory_space<vmem>>)
        %dma_wait3A_334 = arith.constant 0 : i32
        %dma_wait3A_335 = arith.constant 0 : i32
        %dma_wait3A_336 = tpu.memref_slice %arg6[%dma_wait3A_334, %dma_wait3A_335] : memref<640x32xf32, #tpu.memory_space<vmem>> -> memref<1x32xf32, #tpu.memory_space<vmem>>
        %dma_wait3A_337 = arith.constant 0 : i32
        %dma_wait3A_338 = arith.constant 0 : i32
        %dma_wait3A_339 = tpu.memref_slice %arg2[%dma_wait3A_337, %dma_wait3A_338] : memref<1000001x32xf32, #tpu.memory_space<hbm>> -> memref<1x32xf32, #tpu.memory_space<hbm>>
        %dma_wait3A_340 = arith.constant 0 : i32
        %dma_wait3A_341 = arith.constant 0 : i32
        %dma_wait3A_342 = tpu.memref_slice %arg6[%dma_wait3A_340, %dma_wait3A_341] : memref<640x32xf32, #tpu.memory_space<vmem>> -> memref<1x32xf32, #tpu.memory_space<vmem>>
        %dma_wait3A_343 = arith.constant 0 : i32
        %dma_wait3A_344 = arith.constant 0 : i32
        %dma_wait3A_345 = tpu.memref_slice %arg2[%dma_wait3A_343, %dma_wait3A_344] : memref<1000001x32xf32, #tpu.memory_space<hbm>> -> memref<1x32xf32, #tpu.memory_space<hbm>>
        tpu.wait_dma2 semaphore(%arg7 : memref<!tpu.dma_semaphore, #tpu.memory_space<semaphore_mem>>) src(%dma_wait3A_345 : memref<1x32xf32, #tpu.memory_space<hbm>>) dst(%dma_wait3A_342 : memref<1x32xf32, #tpu.memory_space<vmem>>)
        %dma_wait3A_346 = arith.constant 0 : i32
        %dma_wait3A_347 = arith.constant 0 : i32
        %dma_wait3A_348 = tpu.memref_slice %arg6[%dma_wait3A_346, %dma_wait3A_347] : memref<640x32xf32, #tpu.memory_space<vmem>> -> memref<1x32xf32, #tpu.memory_space<vmem>>
        %dma_wait3A_349 = arith.constant 0 : i32
        %dma_wait3A_350 = arith.constant 0 : i32
        %dma_wait3A_351 = tpu.memref_slice %arg2[%dma_wait3A_349, %dma_wait3A_350] : memref<1000001x32xf32, #tpu.memory_space<hbm>> -> memref<1x32xf32, #tpu.memory_space<hbm>>
        %dma_wait3A_352 = arith.constant 0 : i32
        %dma_wait3A_353 = arith.constant 0 : i32
        %dma_wait3A_354 = tpu.memref_slice %arg6[%dma_wait3A_352, %dma_wait3A_353] : memref<640x32xf32, #tpu.memory_space<vmem>> -> memref<1x32xf32, #tpu.memory_space<vmem>>
        %dma_wait3A_355 = arith.constant 0 : i32
        %dma_wait3A_356 = arith.constant 0 : i32
        %dma_wait3A_357 = tpu.memref_slice %arg2[%dma_wait3A_355, %dma_wait3A_356] : memref<1000001x32xf32, #tpu.memory_space<hbm>> -> memref<1x32xf32, #tpu.memory_space<hbm>>
        tpu.wait_dma2 semaphore(%arg7 : memref<!tpu.dma_semaphore, #tpu.memory_space<semaphore_mem>>) src(%dma_wait3A_357 : memref<1x32xf32, #tpu.memory_space<hbm>>) dst(%dma_wait3A_354 : memref<1x32xf32, #tpu.memory_space<vmem>>)
        %dma_wait3A_358 = arith.constant 0 : i32
        %dma_wait3A_359 = arith.constant 0 : i32
        %dma_wait3A_360 = tpu.memref_slice %arg6[%dma_wait3A_358, %dma_wait3A_359] : memref<640x32xf32, #tpu.memory_space<vmem>> -> memref<1x32xf32, #tpu.memory_space<vmem>>
        %dma_wait3A_361 = arith.constant 0 : i32
        %dma_wait3A_362 = arith.constant 0 : i32
        %dma_wait3A_363 = tpu.memref_slice %arg2[%dma_wait3A_361, %dma_wait3A_362] : memref<1000001x32xf32, #tpu.memory_space<hbm>> -> memref<1x32xf32, #tpu.memory_space<hbm>>
        %dma_wait3A_364 = arith.constant 0 : i32
        %dma_wait3A_365 = arith.constant 0 : i32
        %dma_wait3A_366 = tpu.memref_slice %arg6[%dma_wait3A_364, %dma_wait3A_365] : memref<640x32xf32, #tpu.memory_space<vmem>> -> memref<1x32xf32, #tpu.memory_space<vmem>>
        %dma_wait3A_367 = arith.constant 0 : i32
        %dma_wait3A_368 = arith.constant 0 : i32
        %dma_wait3A_369 = tpu.memref_slice %arg2[%dma_wait3A_367, %dma_wait3A_368] : memref<1000001x32xf32, #tpu.memory_space<hbm>> -> memref<1x32xf32, #tpu.memory_space<hbm>>
        tpu.wait_dma2 semaphore(%arg7 : memref<!tpu.dma_semaphore, #tpu.memory_space<semaphore_mem>>) src(%dma_wait3A_369 : memref<1x32xf32, #tpu.memory_space<hbm>>) dst(%dma_wait3A_366 : memref<1x32xf32, #tpu.memory_space<vmem>>)
        %dma_wait3A_370 = arith.constant 0 : i32
        %dma_wait3A_371 = arith.constant 0 : i32
        %dma_wait3A_372 = tpu.memref_slice %arg6[%dma_wait3A_370, %dma_wait3A_371] : memref<640x32xf32, #tpu.memory_space<vmem>> -> memref<1x32xf32, #tpu.memory_space<vmem>>
        %dma_wait3A_373 = arith.constant 0 : i32
        %dma_wait3A_374 = arith.constant 0 : i32
        %dma_wait3A_375 = tpu.memref_slice %arg2[%dma_wait3A_373, %dma_wait3A_374] : memref<1000001x32xf32, #tpu.memory_space<hbm>> -> memref<1x32xf32, #tpu.memory_space<hbm>>
        %dma_wait3A_376 = arith.constant 0 : i32
        %dma_wait3A_377 = arith.constant 0 : i32
        %dma_wait3A_378 = tpu.memref_slice %arg6[%dma_wait3A_376, %dma_wait3A_377] : memref<640x32xf32, #tpu.memory_space<vmem>> -> memref<1x32xf32, #tpu.memory_space<vmem>>
        %dma_wait3A_379 = arith.constant 0 : i32
        %dma_wait3A_380 = arith.constant 0 : i32
        %dma_wait3A_381 = tpu.memref_slice %arg2[%dma_wait3A_379, %dma_wait3A_380] : memref<1000001x32xf32, #tpu.memory_space<hbm>> -> memref<1x32xf32, #tpu.memory_space<hbm>>
        tpu.wait_dma2 semaphore(%arg7 : memref<!tpu.dma_semaphore, #tpu.memory_space<semaphore_mem>>) src(%dma_wait3A_381 : memref<1x32xf32, #tpu.memory_space<hbm>>) dst(%dma_wait3A_378 : memref<1x32xf32, #tpu.memory_space<vmem>>)
        %dma_wait3A_382 = arith.constant 0 : i32
        %dma_wait3A_383 = arith.constant 0 : i32
        %dma_wait3A_384 = tpu.memref_slice %arg6[%dma_wait3A_382, %dma_wait3A_383] : memref<640x32xf32, #tpu.memory_space<vmem>> -> memref<1x32xf32, #tpu.memory_space<vmem>>
        %dma_wait3A_385 = arith.constant 0 : i32
        %dma_wait3A_386 = arith.constant 0 : i32
        %dma_wait3A_387 = tpu.memref_slice %arg2[%dma_wait3A_385, %dma_wait3A_386] : memref<1000001x32xf32, #tpu.memory_space<hbm>> -> memref<1x32xf32, #tpu.memory_space<hbm>>
        %dma_wait3A_388 = arith.constant 0 : i32
        %dma_wait3A_389 = arith.constant 0 : i32
        %dma_wait3A_390 = tpu.memref_slice %arg6[%dma_wait3A_388, %dma_wait3A_389] : memref<640x32xf32, #tpu.memory_space<vmem>> -> memref<1x32xf32, #tpu.memory_space<vmem>>
        %dma_wait3A_391 = arith.constant 0 : i32
        %dma_wait3A_392 = arith.constant 0 : i32
        %dma_wait3A_393 = tpu.memref_slice %arg2[%dma_wait3A_391, %dma_wait3A_392] : memref<1000001x32xf32, #tpu.memory_space<hbm>> -> memref<1x32xf32, #tpu.memory_space<hbm>>
        tpu.wait_dma2 semaphore(%arg7 : memref<!tpu.dma_semaphore, #tpu.memory_space<semaphore_mem>>) src(%dma_wait3A_393 : memref<1x32xf32, #tpu.memory_space<hbm>>) dst(%dma_wait3A_390 : memref<1x32xf32, #tpu.memory_space<vmem>>)
        %dma_wait3A_394 = arith.constant 0 : i32
        %dma_wait3A_395 = arith.constant 0 : i32
        %dma_wait3A_396 = tpu.memref_slice %arg6[%dma_wait3A_394, %dma_wait3A_395] : memref<640x32xf32, #tpu.memory_space<vmem>> -> memref<1x32xf32, #tpu.memory_space<vmem>>
        %dma_wait3A_397 = arith.constant 0 : i32
        %dma_wait3A_398 = arith.constant 0 : i32
        %dma_wait3A_399 = tpu.memref_slice %arg2[%dma_wait3A_397, %dma_wait3A_398] : memref<1000001x32xf32, #tpu.memory_space<hbm>> -> memref<1x32xf32, #tpu.memory_space<hbm>>
        %dma_wait3A_400 = arith.constant 0 : i32
        %dma_wait3A_401 = arith.constant 0 : i32
        %dma_wait3A_402 = tpu.memref_slice %arg6[%dma_wait3A_400, %dma_wait3A_401] : memref<640x32xf32, #tpu.memory_space<vmem>> -> memref<1x32xf32, #tpu.memory_space<vmem>>
        %dma_wait3A_403 = arith.constant 0 : i32
        %dma_wait3A_404 = arith.constant 0 : i32
        %dma_wait3A_405 = tpu.memref_slice %arg2[%dma_wait3A_403, %dma_wait3A_404] : memref<1000001x32xf32, #tpu.memory_space<hbm>> -> memref<1x32xf32, #tpu.memory_space<hbm>>
        tpu.wait_dma2 semaphore(%arg7 : memref<!tpu.dma_semaphore, #tpu.memory_space<semaphore_mem>>) src(%dma_wait3A_405 : memref<1x32xf32, #tpu.memory_space<hbm>>) dst(%dma_wait3A_402 : memref<1x32xf32, #tpu.memory_space<vmem>>)
        %dma_wait3A_406 = arith.constant 0 : i32
        %dma_wait3A_407 = arith.constant 0 : i32
        %dma_wait3A_408 = tpu.memref_slice %arg6[%dma_wait3A_406, %dma_wait3A_407] : memref<640x32xf32, #tpu.memory_space<vmem>> -> memref<1x32xf32, #tpu.memory_space<vmem>>
        %dma_wait3A_409 = arith.constant 0 : i32
        %dma_wait3A_410 = arith.constant 0 : i32
        %dma_wait3A_411 = tpu.memref_slice %arg2[%dma_wait3A_409, %dma_wait3A_410] : memref<1000001x32xf32, #tpu.memory_space<hbm>> -> memref<1x32xf32, #tpu.memory_space<hbm>>
        %dma_wait3A_412 = arith.constant 0 : i32
        %dma_wait3A_413 = arith.constant 0 : i32
        %dma_wait3A_414 = tpu.memref_slice %arg6[%dma_wait3A_412, %dma_wait3A_413] : memref<640x32xf32, #tpu.memory_space<vmem>> -> memref<1x32xf32, #tpu.memory_space<vmem>>
        %dma_wait3A_415 = arith.constant 0 : i32
        %dma_wait3A_416 = arith.constant 0 : i32
        %dma_wait3A_417 = tpu.memref_slice %arg2[%dma_wait3A_415, %dma_wait3A_416] : memref<1000001x32xf32, #tpu.memory_space<hbm>> -> memref<1x32xf32, #tpu.memory_space<hbm>>
        tpu.wait_dma2 semaphore(%arg7 : memref<!tpu.dma_semaphore, #tpu.memory_space<semaphore_mem>>) src(%dma_wait3A_417 : memref<1x32xf32, #tpu.memory_space<hbm>>) dst(%dma_wait3A_414 : memref<1x32xf32, #tpu.memory_space<vmem>>)
        %dma_wait3A_418 = arith.constant 0 : i32
        %dma_wait3A_419 = arith.constant 0 : i32
        %dma_wait3A_420 = tpu.memref_slice %arg6[%dma_wait3A_418, %dma_wait3A_419] : memref<640x32xf32, #tpu.memory_space<vmem>> -> memref<1x32xf32, #tpu.memory_space<vmem>>
        %dma_wait3A_421 = arith.constant 0 : i32
        %dma_wait3A_422 = arith.constant 0 : i32
        %dma_wait3A_423 = tpu.memref_slice %arg2[%dma_wait3A_421, %dma_wait3A_422] : memref<1000001x32xf32, #tpu.memory_space<hbm>> -> memref<1x32xf32, #tpu.memory_space<hbm>>
        %dma_wait3A_424 = arith.constant 0 : i32
        %dma_wait3A_425 = arith.constant 0 : i32
        %dma_wait3A_426 = tpu.memref_slice %arg6[%dma_wait3A_424, %dma_wait3A_425] : memref<640x32xf32, #tpu.memory_space<vmem>> -> memref<1x32xf32, #tpu.memory_space<vmem>>
        %dma_wait3A_427 = arith.constant 0 : i32
        %dma_wait3A_428 = arith.constant 0 : i32
        %dma_wait3A_429 = tpu.memref_slice %arg2[%dma_wait3A_427, %dma_wait3A_428] : memref<1000001x32xf32, #tpu.memory_space<hbm>> -> memref<1x32xf32, #tpu.memory_space<hbm>>
        tpu.wait_dma2 semaphore(%arg7 : memref<!tpu.dma_semaphore, #tpu.memory_space<semaphore_mem>>) src(%dma_wait3A_429 : memref<1x32xf32, #tpu.memory_space<hbm>>) dst(%dma_wait3A_426 : memref<1x32xf32, #tpu.memory_space<vmem>>)
      } else {
      }
      %scan3A_46 = arith.constant 0 : i32
      scf.yield %scan3A_46 : i32
    }
    %scan3A_26 = arith.constant 21 : i32
    %add3A_27 = arith.constant 1280 : i32
    %add3A_28 = arith.addi %mul3A_2, %add3A_27 : i32
    "tpu.region"() ({
      %run_scoped3A = tpu.sem_alloc : memref<!tpu.dma_semaphore, #tpu.memory_space<semaphore_mem>>
      %dma_start3A = arith.constant 0 : i32
      %dma_start3A_38 = tpu.memref_slice %arg4[%add3A_28, %dma_start3A] : memref<81920x32xf32, #tpu.memory_space<hbm>> -> memref<640x32xf32, #tpu.memory_space<hbm>>
      %dma_start3A_39 = arith.constant 0 : i32
      %dma_start3A_40 = tpu.memref_slice %arg4[%add3A_28, %dma_start3A_39] : memref<81920x32xf32, #tpu.memory_space<hbm>> -> memref<640x32xf32, #tpu.memory_space<hbm>>
      tpu.enqueue_dma source(%arg6 : memref<640x32xf32, #tpu.memory_space<vmem>>) target(%dma_start3A_40 : memref<640x32xf32, #tpu.memory_space<hbm>>) target_semaphore(%run_scoped3A : memref<!tpu.dma_semaphore, #tpu.memory_space<semaphore_mem>>)
      %dma_wait3A = arith.constant 0 : i32
      %dma_wait3A_41 = tpu.memref_slice %arg4[%add3A_28, %dma_wait3A] : memref<81920x32xf32, #tpu.memory_space<hbm>> -> memref<640x32xf32, #tpu.memory_space<hbm>>
      %dma_wait3A_42 = arith.constant 0 : i32
      %dma_wait3A_43 = tpu.memref_slice %arg4[%add3A_28, %dma_wait3A_42] : memref<81920x32xf32, #tpu.memory_space<hbm>> -> memref<640x32xf32, #tpu.memory_space<hbm>>
      tpu.wait_dma2 semaphore(%run_scoped3A : memref<!tpu.dma_semaphore, #tpu.memory_space<semaphore_mem>>) src(%arg6 : memref<640x32xf32, #tpu.memory_space<vmem>>) dst(%dma_wait3A_43 : memref<640x32xf32, #tpu.memory_space<hbm>>)
      tpu.yield
    }) : () -> ()
    %scan3A_29 = arith.constant 0 : i32
    %scan3A_30 = arith.constant 0 : i32
    %scan3A_31 = arith.constant 21 : i32
    %scan3A_32 = arith.addi %scan3A_30, %scan3A_31 : i32
    %scan3A_33 = arith.constant 1 : i32
    %scan3A_34 = scf.for %scan3A_38 = %scan3A_30 to %scan3A_32 step %scan3A_33 iter_args(%scan3A_39 = %scan3A_29) -> (i32)  : i32 {
      %lt3A = arith.constant 20 : i32
      %lt3A_40 = arith.cmpi slt, %scan3A_38, %lt3A : i32
      %convert_element_type3A = arith.extui %lt3A_40 : i1 to i32
      %cond3A = arith.constant 0 : i32
      %cond3A_41 = arith.cmpi ne, %convert_element_type3A, %cond3A : i32
      scf.if %cond3A_41 {
        %mul3A_47 = arith.constant 32 : i32
        %mul3A_48 = arith.muli %scan3A_38, %mul3A_47 : i32
        %add3A_49 = arith.constant 1920 : i32
        %add3A_50 = arith.addi %add3A_49, %mul3A_48 : i32
        %add3A_51 = arith.constant 0 : i32
        %add3A_52 = arith.addi %add3A_50, %add3A_51 : i32
        %get3A = arith.index_cast %add3A_52 : i32 to index
        %get3A_53 = tpu.vector_load %arg5[%get3A] {strides = array<i32>} : memref<2560xi32, #tpu.memory_space<vmem>>, vector<16xi32>,
        %get3A_54 = vector.shape_cast %get3A_53 : vector<16xi32> to vector<16xi32>
        %add3A_55 = arith.constant 1920 : i32
        %add3A_56 = arith.addi %add3A_55, %mul3A_48 : i32
        %add3A_57 = arith.constant 16 : i32
        %add3A_58 = arith.addi %add3A_56, %add3A_57 : i32
        %get3A_59 = arith.index_cast %add3A_58 : i32 to index
        %get3A_60 = tpu.vector_load %arg5[%get3A_59] {strides = array<i32>} : memref<2560xi32, #tpu.memory_space<vmem>>, vector<16xi32>,
        %get3A_61 = vector.shape_cast %get3A_60 : vector<16xi32> to vector<16xi32>
        %slice3A = vector.extract_strided_slice %get3A_54 {offsets = [0], sizes = [1], strides = [1]} : vector<16xi32> to vector<1xi32>
        %squeeze3A = vector.extract %slice3A[0] : i32 from vector<1xi32>
        %add3A_62 = arith.constant 0 : i32
        %add3A_63 = arith.addi %mul3A_48, %add3A_62 : i32
        %dma_start3A = arith.constant 0 : i32
        %dma_start3A_64 = tpu.memref_slice %arg6[%add3A_63, %dma_start3A] : memref<640x32xf32, #tpu.memory_space<vmem>> -> memref<1x32xf32, #tpu.memory_space<vmem>>
        %dma_start3A_65 = arith.constant 0 : i32
        %dma_start3A_66 = tpu.memref_slice %arg2[%squeeze3A, %dma_start3A_65] : memref<1000001x32xf32, #tpu.memory_space<hbm>> -> memref<1x32xf32, #tpu.memory_space<hbm>>
        %dma_start3A_67 = arith.constant 0 : i32
        %dma_start3A_68 = tpu.memref_slice %arg6[%add3A_63, %dma_start3A_67] : memref<640x32xf32, #tpu.memory_space<vmem>> -> memref<1x32xf32, #tpu.memory_space<vmem>>
        %dma_start3A_69 = arith.constant 0 : i32
        %dma_start3A_70 = tpu.memref_slice %arg2[%squeeze3A, %dma_start3A_69] : memref<1000001x32xf32, #tpu.memory_space<hbm>> -> memref<1x32xf32, #tpu.memory_space<hbm>>
        tpu.enqueue_dma source(%dma_start3A_70 : memref<1x32xf32, #tpu.memory_space<hbm>>) target(%dma_start3A_68 : memref<1x32xf32, #tpu.memory_space<vmem>>) target_semaphore(%arg7 : memref<!tpu.dma_semaphore, #tpu.memory_space<semaphore_mem>>)
        %slice3A_71 = vector.extract_strided_slice %get3A_54 {offsets = [1], sizes = [1], strides = [1]} : vector<16xi32> to vector<1xi32>
        %squeeze3A_72 = vector.extract %slice3A_71[0] : i32 from vector<1xi32>
        %add3A_73 = arith.constant 1 : i32
        %add3A_74 = arith.addi %mul3A_48, %add3A_73 : i32
        %dma_start3A_75 = arith.constant 0 : i32
        %dma_start3A_76 = tpu.memref_slice %arg6[%add3A_74, %dma_start3A_75] : memref<640x32xf32, #tpu.memory_space<vmem>> -> memref<1x32xf32, #tpu.memory_space<vmem>>
        %dma_start3A_77 = arith.constant 0 : i32
        %dma_start3A_78 = tpu.memref_slice %arg2[%squeeze3A_72, %dma_start3A_77] : memref<1000001x32xf32, #tpu.memory_space<hbm>> -> memref<1x32xf32, #tpu.memory_space<hbm>>
        %dma_start3A_79 = arith.constant 0 : i32
        %dma_start3A_80 = tpu.memref_slice %arg6[%add3A_74, %dma_start3A_79] : memref<640x32xf32, #tpu.memory_space<vmem>> -> memref<1x32xf32, #tpu.memory_space<vmem>>
        %dma_start3A_81 = arith.constant 0 : i32
        %dma_start3A_82 = tpu.memref_slice %arg2[%squeeze3A_72, %dma_start3A_81] : memref<1000001x32xf32, #tpu.memory_space<hbm>> -> memref<1x32xf32, #tpu.memory_space<hbm>>
        tpu.enqueue_dma source(%dma_start3A_82 : memref<1x32xf32, #tpu.memory_space<hbm>>) target(%dma_start3A_80 : memref<1x32xf32, #tpu.memory_space<vmem>>) target_semaphore(%arg7 : memref<!tpu.dma_semaphore, #tpu.memory_space<semaphore_mem>>)
        %slice3A_83 = vector.extract_strided_slice %get3A_54 {offsets = [2], sizes = [1], strides = [1]} : vector<16xi32> to vector<1xi32>
        %squeeze3A_84 = vector.extract %slice3A_83[0] : i32 from vector<1xi32>
        %add3A_85 = arith.constant 2 : i32
        %add3A_86 = arith.addi %mul3A_48, %add3A_85 : i32
        %dma_start3A_87 = arith.constant 0 : i32
        %dma_start3A_88 = tpu.memref_slice %arg6[%add3A_86, %dma_start3A_87] : memref<640x32xf32, #tpu.memory_space<vmem>> -> memref<1x32xf32, #tpu.memory_space<vmem>>
        %dma_start3A_89 = arith.constant 0 : i32
        %dma_start3A_90 = tpu.memref_slice %arg2[%squeeze3A_84, %dma_start3A_89] : memref<1000001x32xf32, #tpu.memory_space<hbm>> -> memref<1x32xf32, #tpu.memory_space<hbm>>
        %dma_start3A_91 = arith.constant 0 : i32
        %dma_start3A_92 = tpu.memref_slice %arg6[%add3A_86, %dma_start3A_91] : memref<640x32xf32, #tpu.memory_space<vmem>> -> memref<1x32xf32, #tpu.memory_space<vmem>>
        %dma_start3A_93 = arith.constant 0 : i32
        %dma_start3A_94 = tpu.memref_slice %arg2[%squeeze3A_84, %dma_start3A_93] : memref<1000001x32xf32, #tpu.memory_space<hbm>> -> memref<1x32xf32, #tpu.memory_space<hbm>>
        tpu.enqueue_dma source(%dma_start3A_94 : memref<1x32xf32, #tpu.memory_space<hbm>>) target(%dma_start3A_92 : memref<1x32xf32, #tpu.memory_space<vmem>>) target_semaphore(%arg7 : memref<!tpu.dma_semaphore, #tpu.memory_space<semaphore_mem>>)
        %slice3A_95 = vector.extract_strided_slice %get3A_54 {offsets = [3], sizes = [1], strides = [1]} : vector<16xi32> to vector<1xi32>
        %squeeze3A_96 = vector.extract %slice3A_95[0] : i32 from vector<1xi32>
        %add3A_97 = arith.constant 3 : i32
        %add3A_98 = arith.addi %mul3A_48, %add3A_97 : i32
        %dma_start3A_99 = arith.constant 0 : i32
        %dma_start3A_100 = tpu.memref_slice %arg6[%add3A_98, %dma_start3A_99] : memref<640x32xf32, #tpu.memory_space<vmem>> -> memref<1x32xf32, #tpu.memory_space<vmem>>
        %dma_start3A_101 = arith.constant 0 : i32
        %dma_start3A_102 = tpu.memref_slice %arg2[%squeeze3A_96, %dma_start3A_101] : memref<1000001x32xf32, #tpu.memory_space<hbm>> -> memref<1x32xf32, #tpu.memory_space<hbm>>
        %dma_start3A_103 = arith.constant 0 : i32
        %dma_start3A_104 = tpu.memref_slice %arg6[%add3A_98, %dma_start3A_103] : memref<640x32xf32, #tpu.memory_space<vmem>> -> memref<1x32xf32, #tpu.memory_space<vmem>>
        %dma_start3A_105 = arith.constant 0 : i32
        %dma_start3A_106 = tpu.memref_slice %arg2[%squeeze3A_96, %dma_start3A_105] : memref<1000001x32xf32, #tpu.memory_space<hbm>> -> memref<1x32xf32, #tpu.memory_space<hbm>>
        tpu.enqueue_dma source(%dma_start3A_106 : memref<1x32xf32, #tpu.memory_space<hbm>>) target(%dma_start3A_104 : memref<1x32xf32, #tpu.memory_space<vmem>>) target_semaphore(%arg7 : memref<!tpu.dma_semaphore, #tpu.memory_space<semaphore_mem>>)
        %slice3A_107 = vector.extract_strided_slice %get3A_54 {offsets = [4], sizes = [1], strides = [1]} : vector<16xi32> to vector<1xi32>
        %squeeze3A_108 = vector.extract %slice3A_107[0] : i32 from vector<1xi32>
        %add3A_109 = arith.constant 4 : i32
        %add3A_110 = arith.addi %mul3A_48, %add3A_109 : i32
        %dma_start3A_111 = arith.constant 0 : i32
        %dma_start3A_112 = tpu.memref_slice %arg6[%add3A_110, %dma_start3A_111] : memref<640x32xf32, #tpu.memory_space<vmem>> -> memref<1x32xf32, #tpu.memory_space<vmem>>
        %dma_start3A_113 = arith.constant 0 : i32
        %dma_start3A_114 = tpu.memref_slice %arg2[%squeeze3A_108, %dma_start3A_113] : memref<1000001x32xf32, #tpu.memory_space<hbm>> -> memref<1x32xf32, #tpu.memory_space<hbm>>
        %dma_start3A_115 = arith.constant 0 : i32
        %dma_start3A_116 = tpu.memref_slice %arg6[%add3A_110, %dma_start3A_115] : memref<640x32xf32, #tpu.memory_space<vmem>> -> memref<1x32xf32, #tpu.memory_space<vmem>>
        %dma_start3A_117 = arith.constant 0 : i32
        %dma_start3A_118 = tpu.memref_slice %arg2[%squeeze3A_108, %dma_start3A_117] : memref<1000001x32xf32, #tpu.memory_space<hbm>> -> memref<1x32xf32, #tpu.memory_space<hbm>>
        tpu.enqueue_dma source(%dma_start3A_118 : memref<1x32xf32, #tpu.memory_space<hbm>>) target(%dma_start3A_116 : memref<1x32xf32, #tpu.memory_space<vmem>>) target_semaphore(%arg7 : memref<!tpu.dma_semaphore, #tpu.memory_space<semaphore_mem>>)
        %slice3A_119 = vector.extract_strided_slice %get3A_54 {offsets = [5], sizes = [1], strides = [1]} : vector<16xi32> to vector<1xi32>
        %squeeze3A_120 = vector.extract %slice3A_119[0] : i32 from vector<1xi32>
        %add3A_121 = arith.constant 5 : i32
        %add3A_122 = arith.addi %mul3A_48, %add3A_121 : i32
        %dma_start3A_123 = arith.constant 0 : i32
        %dma_start3A_124 = tpu.memref_slice %arg6[%add3A_122, %dma_start3A_123] : memref<640x32xf32, #tpu.memory_space<vmem>> -> memref<1x32xf32, #tpu.memory_space<vmem>>
        %dma_start3A_125 = arith.constant 0 : i32
        %dma_start3A_126 = tpu.memref_slice %arg2[%squeeze3A_120, %dma_start3A_125] : memref<1000001x32xf32, #tpu.memory_space<hbm>> -> memref<1x32xf32, #tpu.memory_space<hbm>>
        %dma_start3A_127 = arith.constant 0 : i32
        %dma_start3A_128 = tpu.memref_slice %arg6[%add3A_122, %dma_start3A_127] : memref<640x32xf32, #tpu.memory_space<vmem>> -> memref<1x32xf32, #tpu.memory_space<vmem>>
        %dma_start3A_129 = arith.constant 0 : i32
        %dma_start3A_130 = tpu.memref_slice %arg2[%squeeze3A_120, %dma_start3A_129] : memref<1000001x32xf32, #tpu.memory_space<hbm>> -> memref<1x32xf32, #tpu.memory_space<hbm>>
        tpu.enqueue_dma source(%dma_start3A_130 : memref<1x32xf32, #tpu.memory_space<hbm>>) target(%dma_start3A_128 : memref<1x32xf32, #tpu.memory_space<vmem>>) target_semaphore(%arg7 : memref<!tpu.dma_semaphore, #tpu.memory_space<semaphore_mem>>)
        %slice3A_131 = vector.extract_strided_slice %get3A_54 {offsets = [6], sizes = [1], strides = [1]} : vector<16xi32> to vector<1xi32>
        %squeeze3A_132 = vector.extract %slice3A_131[0] : i32 from vector<1xi32>
        %add3A_133 = arith.constant 6 : i32
        %add3A_134 = arith.addi %mul3A_48, %add3A_133 : i32
        %dma_start3A_135 = arith.constant 0 : i32
        %dma_start3A_136 = tpu.memref_slice %arg6[%add3A_134, %dma_start3A_135] : memref<640x32xf32, #tpu.memory_space<vmem>> -> memref<1x32xf32, #tpu.memory_space<vmem>>
        %dma_start3A_137 = arith.constant 0 : i32
        %dma_start3A_138 = tpu.memref_slice %arg2[%squeeze3A_132, %dma_start3A_137] : memref<1000001x32xf32, #tpu.memory_space<hbm>> -> memref<1x32xf32, #tpu.memory_space<hbm>>
        %dma_start3A_139 = arith.constant 0 : i32
        %dma_start3A_140 = tpu.memref_slice %arg6[%add3A_134, %dma_start3A_139] : memref<640x32xf32, #tpu.memory_space<vmem>> -> memref<1x32xf32, #tpu.memory_space<vmem>>
        %dma_start3A_141 = arith.constant 0 : i32
        %dma_start3A_142 = tpu.memref_slice %arg2[%squeeze3A_132, %dma_start3A_141] : memref<1000001x32xf32, #tpu.memory_space<hbm>> -> memref<1x32xf32, #tpu.memory_space<hbm>>
        tpu.enqueue_dma source(%dma_start3A_142 : memref<1x32xf32, #tpu.memory_space<hbm>>) target(%dma_start3A_140 : memref<1x32xf32, #tpu.memory_space<vmem>>) target_semaphore(%arg7 : memref<!tpu.dma_semaphore, #tpu.memory_space<semaphore_mem>>)
        %slice3A_143 = vector.extract_strided_slice %get3A_54 {offsets = [7], sizes = [1], strides = [1]} : vector<16xi32> to vector<1xi32>
        %squeeze3A_144 = vector.extract %slice3A_143[0] : i32 from vector<1xi32>
        %add3A_145 = arith.constant 7 : i32
        %add3A_146 = arith.addi %mul3A_48, %add3A_145 : i32
        %dma_start3A_147 = arith.constant 0 : i32
        %dma_start3A_148 = tpu.memref_slice %arg6[%add3A_146, %dma_start3A_147] : memref<640x32xf32, #tpu.memory_space<vmem>> -> memref<1x32xf32, #tpu.memory_space<vmem>>
        %dma_start3A_149 = arith.constant 0 : i32
        %dma_start3A_150 = tpu.memref_slice %arg2[%squeeze3A_144, %dma_start3A_149] : memref<1000001x32xf32, #tpu.memory_space<hbm>> -> memref<1x32xf32, #tpu.memory_space<hbm>>
        %dma_start3A_151 = arith.constant 0 : i32
        %dma_start3A_152 = tpu.memref_slice %arg6[%add3A_146, %dma_start3A_151] : memref<640x32xf32, #tpu.memory_space<vmem>> -> memref<1x32xf32, #tpu.memory_space<vmem>>
        %dma_start3A_153 = arith.constant 0 : i32
        %dma_start3A_154 = tpu.memref_slice %arg2[%squeeze3A_144, %dma_start3A_153] : memref<1000001x32xf32, #tpu.memory_space<hbm>> -> memref<1x32xf32, #tpu.memory_space<hbm>>
        tpu.enqueue_dma source(%dma_start3A_154 : memref<1x32xf32, #tpu.memory_space<hbm>>) target(%dma_start3A_152 : memref<1x32xf32, #tpu.memory_space<vmem>>) target_semaphore(%arg7 : memref<!tpu.dma_semaphore, #tpu.memory_space<semaphore_mem>>)
        %slice3A_155 = vector.extract_strided_slice %get3A_54 {offsets = [8], sizes = [1], strides = [1]} : vector<16xi32> to vector<1xi32>
        %squeeze3A_156 = vector.extract %slice3A_155[0] : i32 from vector<1xi32>
        %add3A_157 = arith.constant 8 : i32
        %add3A_158 = arith.addi %mul3A_48, %add3A_157 : i32
        %dma_start3A_159 = arith.constant 0 : i32
        %dma_start3A_160 = tpu.memref_slice %arg6[%add3A_158, %dma_start3A_159] : memref<640x32xf32, #tpu.memory_space<vmem>> -> memref<1x32xf32, #tpu.memory_space<vmem>>
        %dma_start3A_161 = arith.constant 0 : i32
        %dma_start3A_162 = tpu.memref_slice %arg2[%squeeze3A_156, %dma_start3A_161] : memref<1000001x32xf32, #tpu.memory_space<hbm>> -> memref<1x32xf32, #tpu.memory_space<hbm>>
        %dma_start3A_163 = arith.constant 0 : i32
        %dma_start3A_164 = tpu.memref_slice %arg6[%add3A_158, %dma_start3A_163] : memref<640x32xf32, #tpu.memory_space<vmem>> -> memref<1x32xf32, #tpu.memory_space<vmem>>
        %dma_start3A_165 = arith.constant 0 : i32
        %dma_start3A_166 = tpu.memref_slice %arg2[%squeeze3A_156, %dma_start3A_165] : memref<1000001x32xf32, #tpu.memory_space<hbm>> -> memref<1x32xf32, #tpu.memory_space<hbm>>
        tpu.enqueue_dma source(%dma_start3A_166 : memref<1x32xf32, #tpu.memory_space<hbm>>) target(%dma_start3A_164 : memref<1x32xf32, #tpu.memory_space<vmem>>) target_semaphore(%arg7 : memref<!tpu.dma_semaphore, #tpu.memory_space<semaphore_mem>>)
        %slice3A_167 = vector.extract_strided_slice %get3A_54 {offsets = [9], sizes = [1], strides = [1]} : vector<16xi32> to vector<1xi32>
        %squeeze3A_168 = vector.extract %slice3A_167[0] : i32 from vector<1xi32>
        %add3A_169 = arith.constant 9 : i32
        %add3A_170 = arith.addi %mul3A_48, %add3A_169 : i32
        %dma_start3A_171 = arith.constant 0 : i32
        %dma_start3A_172 = tpu.memref_slice %arg6[%add3A_170, %dma_start3A_171] : memref<640x32xf32, #tpu.memory_space<vmem>> -> memref<1x32xf32, #tpu.memory_space<vmem>>
        %dma_start3A_173 = arith.constant 0 : i32
        %dma_start3A_174 = tpu.memref_slice %arg2[%squeeze3A_168, %dma_start3A_173] : memref<1000001x32xf32, #tpu.memory_space<hbm>> -> memref<1x32xf32, #tpu.memory_space<hbm>>
        %dma_start3A_175 = arith.constant 0 : i32
        %dma_start3A_176 = tpu.memref_slice %arg6[%add3A_170, %dma_start3A_175] : memref<640x32xf32, #tpu.memory_space<vmem>> -> memref<1x32xf32, #tpu.memory_space<vmem>>
        %dma_start3A_177 = arith.constant 0 : i32
        %dma_start3A_178 = tpu.memref_slice %arg2[%squeeze3A_168, %dma_start3A_177] : memref<1000001x32xf32, #tpu.memory_space<hbm>> -> memref<1x32xf32, #tpu.memory_space<hbm>>
        tpu.enqueue_dma source(%dma_start3A_178 : memref<1x32xf32, #tpu.memory_space<hbm>>) target(%dma_start3A_176 : memref<1x32xf32, #tpu.memory_space<vmem>>) target_semaphore(%arg7 : memref<!tpu.dma_semaphore, #tpu.memory_space<semaphore_mem>>)
        %slice3A_179 = vector.extract_strided_slice %get3A_54 {offsets = [10], sizes = [1], strides = [1]} : vector<16xi32> to vector<1xi32>
        %squeeze3A_180 = vector.extract %slice3A_179[0] : i32 from vector<1xi32>
        %add3A_181 = arith.constant 10 : i32
        %add3A_182 = arith.addi %mul3A_48, %add3A_181 : i32
        %dma_start3A_183 = arith.constant 0 : i32
        %dma_start3A_184 = tpu.memref_slice %arg6[%add3A_182, %dma_start3A_183] : memref<640x32xf32, #tpu.memory_space<vmem>> -> memref<1x32xf32, #tpu.memory_space<vmem>>
        %dma_start3A_185 = arith.constant 0 : i32
        %dma_start3A_186 = tpu.memref_slice %arg2[%squeeze3A_180, %dma_start3A_185] : memref<1000001x32xf32, #tpu.memory_space<hbm>> -> memref<1x32xf32, #tpu.memory_space<hbm>>
        %dma_start3A_187 = arith.constant 0 : i32
        %dma_start3A_188 = tpu.memref_slice %arg6[%add3A_182, %dma_start3A_187] : memref<640x32xf32, #tpu.memory_space<vmem>> -> memref<1x32xf32, #tpu.memory_space<vmem>>
        %dma_start3A_189 = arith.constant 0 : i32
        %dma_start3A_190 = tpu.memref_slice %arg2[%squeeze3A_180, %dma_start3A_189] : memref<1000001x32xf32, #tpu.memory_space<hbm>> -> memref<1x32xf32, #tpu.memory_space<hbm>>
        tpu.enqueue_dma source(%dma_start3A_190 : memref<1x32xf32, #tpu.memory_space<hbm>>) target(%dma_start3A_188 : memref<1x32xf32, #tpu.memory_space<vmem>>) target_semaphore(%arg7 : memref<!tpu.dma_semaphore, #tpu.memory_space<semaphore_mem>>)
        %slice3A_191 = vector.extract_strided_slice %get3A_54 {offsets = [11], sizes = [1], strides = [1]} : vector<16xi32> to vector<1xi32>
        %squeeze3A_192 = vector.extract %slice3A_191[0] : i32 from vector<1xi32>
        %add3A_193 = arith.constant 11 : i32
        %add3A_194 = arith.addi %mul3A_48, %add3A_193 : i32
        %dma_start3A_195 = arith.constant 0 : i32
        %dma_start3A_196 = tpu.memref_slice %arg6[%add3A_194, %dma_start3A_195] : memref<640x32xf32, #tpu.memory_space<vmem>> -> memref<1x32xf32, #tpu.memory_space<vmem>>
        %dma_start3A_197 = arith.constant 0 : i32
        %dma_start3A_198 = tpu.memref_slice %arg2[%squeeze3A_192, %dma_start3A_197] : memref<1000001x32xf32, #tpu.memory_space<hbm>> -> memref<1x32xf32, #tpu.memory_space<hbm>>
        %dma_start3A_199 = arith.constant 0 : i32
        %dma_start3A_200 = tpu.memref_slice %arg6[%add3A_194, %dma_start3A_199] : memref<640x32xf32, #tpu.memory_space<vmem>> -> memref<1x32xf32, #tpu.memory_space<vmem>>
        %dma_start3A_201 = arith.constant 0 : i32
        %dma_start3A_202 = tpu.memref_slice %arg2[%squeeze3A_192, %dma_start3A_201] : memref<1000001x32xf32, #tpu.memory_space<hbm>> -> memref<1x32xf32, #tpu.memory_space<hbm>>
        tpu.enqueue_dma source(%dma_start3A_202 : memref<1x32xf32, #tpu.memory_space<hbm>>) target(%dma_start3A_200 : memref<1x32xf32, #tpu.memory_space<vmem>>) target_semaphore(%arg7 : memref<!tpu.dma_semaphore, #tpu.memory_space<semaphore_mem>>)
        %slice3A_203 = vector.extract_strided_slice %get3A_54 {offsets = [12], sizes = [1], strides = [1]} : vector<16xi32> to vector<1xi32>
        %squeeze3A_204 = vector.extract %slice3A_203[0] : i32 from vector<1xi32>
        %add3A_205 = arith.constant 12 : i32
        %add3A_206 = arith.addi %mul3A_48, %add3A_205 : i32
        %dma_start3A_207 = arith.constant 0 : i32
        %dma_start3A_208 = tpu.memref_slice %arg6[%add3A_206, %dma_start3A_207] : memref<640x32xf32, #tpu.memory_space<vmem>> -> memref<1x32xf32, #tpu.memory_space<vmem>>
        %dma_start3A_209 = arith.constant 0 : i32
        %dma_start3A_210 = tpu.memref_slice %arg2[%squeeze3A_204, %dma_start3A_209] : memref<1000001x32xf32, #tpu.memory_space<hbm>> -> memref<1x32xf32, #tpu.memory_space<hbm>>
        %dma_start3A_211 = arith.constant 0 : i32
        %dma_start3A_212 = tpu.memref_slice %arg6[%add3A_206, %dma_start3A_211] : memref<640x32xf32, #tpu.memory_space<vmem>> -> memref<1x32xf32, #tpu.memory_space<vmem>>
        %dma_start3A_213 = arith.constant 0 : i32
        %dma_start3A_214 = tpu.memref_slice %arg2[%squeeze3A_204, %dma_start3A_213] : memref<1000001x32xf32, #tpu.memory_space<hbm>> -> memref<1x32xf32, #tpu.memory_space<hbm>>
        tpu.enqueue_dma source(%dma_start3A_214 : memref<1x32xf32, #tpu.memory_space<hbm>>) target(%dma_start3A_212 : memref<1x32xf32, #tpu.memory_space<vmem>>) target_semaphore(%arg7 : memref<!tpu.dma_semaphore, #tpu.memory_space<semaphore_mem>>)
        %slice3A_215 = vector.extract_strided_slice %get3A_54 {offsets = [13], sizes = [1], strides = [1]} : vector<16xi32> to vector<1xi32>
        %squeeze3A_216 = vector.extract %slice3A_215[0] : i32 from vector<1xi32>
        %add3A_217 = arith.constant 13 : i32
        %add3A_218 = arith.addi %mul3A_48, %add3A_217 : i32
        %dma_start3A_219 = arith.constant 0 : i32
        %dma_start3A_220 = tpu.memref_slice %arg6[%add3A_218, %dma_start3A_219] : memref<640x32xf32, #tpu.memory_space<vmem>> -> memref<1x32xf32, #tpu.memory_space<vmem>>
        %dma_start3A_221 = arith.constant 0 : i32
        %dma_start3A_222 = tpu.memref_slice %arg2[%squeeze3A_216, %dma_start3A_221] : memref<1000001x32xf32, #tpu.memory_space<hbm>> -> memref<1x32xf32, #tpu.memory_space<hbm>>
        %dma_start3A_223 = arith.constant 0 : i32
        %dma_start3A_224 = tpu.memref_slice %arg6[%add3A_218, %dma_start3A_223] : memref<640x32xf32, #tpu.memory_space<vmem>> -> memref<1x32xf32, #tpu.memory_space<vmem>>
        %dma_start3A_225 = arith.constant 0 : i32
        %dma_start3A_226 = tpu.memref_slice %arg2[%squeeze3A_216, %dma_start3A_225] : memref<1000001x32xf32, #tpu.memory_space<hbm>> -> memref<1x32xf32, #tpu.memory_space<hbm>>
        tpu.enqueue_dma source(%dma_start3A_226 : memref<1x32xf32, #tpu.memory_space<hbm>>) target(%dma_start3A_224 : memref<1x32xf32, #tpu.memory_space<vmem>>) target_semaphore(%arg7 : memref<!tpu.dma_semaphore, #tpu.memory_space<semaphore_mem>>)
        %slice3A_227 = vector.extract_strided_slice %get3A_54 {offsets = [14], sizes = [1], strides = [1]} : vector<16xi32> to vector<1xi32>
        %squeeze3A_228 = vector.extract %slice3A_227[0] : i32 from vector<1xi32>
        %add3A_229 = arith.constant 14 : i32
        %add3A_230 = arith.addi %mul3A_48, %add3A_229 : i32
        %dma_start3A_231 = arith.constant 0 : i32
        %dma_start3A_232 = tpu.memref_slice %arg6[%add3A_230, %dma_start3A_231] : memref<640x32xf32, #tpu.memory_space<vmem>> -> memref<1x32xf32, #tpu.memory_space<vmem>>
        %dma_start3A_233 = arith.constant 0 : i32
        %dma_start3A_234 = tpu.memref_slice %arg2[%squeeze3A_228, %dma_start3A_233] : memref<1000001x32xf32, #tpu.memory_space<hbm>> -> memref<1x32xf32, #tpu.memory_space<hbm>>
        %dma_start3A_235 = arith.constant 0 : i32
        %dma_start3A_236 = tpu.memref_slice %arg6[%add3A_230, %dma_start3A_235] : memref<640x32xf32, #tpu.memory_space<vmem>> -> memref<1x32xf32, #tpu.memory_space<vmem>>
        %dma_start3A_237 = arith.constant 0 : i32
        %dma_start3A_238 = tpu.memref_slice %arg2[%squeeze3A_228, %dma_start3A_237] : memref<1000001x32xf32, #tpu.memory_space<hbm>> -> memref<1x32xf32, #tpu.memory_space<hbm>>
        tpu.enqueue_dma source(%dma_start3A_238 : memref<1x32xf32, #tpu.memory_space<hbm>>) target(%dma_start3A_236 : memref<1x32xf32, #tpu.memory_space<vmem>>) target_semaphore(%arg7 : memref<!tpu.dma_semaphore, #tpu.memory_space<semaphore_mem>>)
        %slice3A_239 = vector.extract_strided_slice %get3A_54 {offsets = [15], sizes = [1], strides = [1]} : vector<16xi32> to vector<1xi32>
        %squeeze3A_240 = vector.extract %slice3A_239[0] : i32 from vector<1xi32>
        %add3A_241 = arith.constant 15 : i32
        %add3A_242 = arith.addi %mul3A_48, %add3A_241 : i32
        %dma_start3A_243 = arith.constant 0 : i32
        %dma_start3A_244 = tpu.memref_slice %arg6[%add3A_242, %dma_start3A_243] : memref<640x32xf32, #tpu.memory_space<vmem>> -> memref<1x32xf32, #tpu.memory_space<vmem>>
        %dma_start3A_245 = arith.constant 0 : i32
        %dma_start3A_246 = tpu.memref_slice %arg2[%squeeze3A_240, %dma_start3A_245] : memref<1000001x32xf32, #tpu.memory_space<hbm>> -> memref<1x32xf32, #tpu.memory_space<hbm>>
        %dma_start3A_247 = arith.constant 0 : i32
        %dma_start3A_248 = tpu.memref_slice %arg6[%add3A_242, %dma_start3A_247] : memref<640x32xf32, #tpu.memory_space<vmem>> -> memref<1x32xf32, #tpu.memory_space<vmem>>
        %dma_start3A_249 = arith.constant 0 : i32
        %dma_start3A_250 = tpu.memref_slice %arg2[%squeeze3A_240, %dma_start3A_249] : memref<1000001x32xf32, #tpu.memory_space<hbm>> -> memref<1x32xf32, #tpu.memory_space<hbm>>
        tpu.enqueue_dma source(%dma_start3A_250 : memref<1x32xf32, #tpu.memory_space<hbm>>) target(%dma_start3A_248 : memref<1x32xf32, #tpu.memory_space<vmem>>) target_semaphore(%arg7 : memref<!tpu.dma_semaphore, #tpu.memory_space<semaphore_mem>>)
        %slice3A_251 = vector.extract_strided_slice %get3A_61 {offsets = [0], sizes = [1], strides = [1]} : vector<16xi32> to vector<1xi32>
        %squeeze3A_252 = vector.extract %slice3A_251[0] : i32 from vector<1xi32>
        %add3A_253 = arith.constant 16 : i32
        %add3A_254 = arith.addi %mul3A_48, %add3A_253 : i32
        %dma_start3A_255 = arith.constant 0 : i32
        %dma_start3A_256 = tpu.memref_slice %arg6[%add3A_254, %dma_start3A_255] : memref<640x32xf32, #tpu.memory_space<vmem>> -> memref<1x32xf32, #tpu.memory_space<vmem>>
        %dma_start3A_257 = arith.constant 0 : i32
        %dma_start3A_258 = tpu.memref_slice %arg2[%squeeze3A_252, %dma_start3A_257] : memref<1000001x32xf32, #tpu.memory_space<hbm>> -> memref<1x32xf32, #tpu.memory_space<hbm>>
        %dma_start3A_259 = arith.constant 0 : i32
        %dma_start3A_260 = tpu.memref_slice %arg6[%add3A_254, %dma_start3A_259] : memref<640x32xf32, #tpu.memory_space<vmem>> -> memref<1x32xf32, #tpu.memory_space<vmem>>
        %dma_start3A_261 = arith.constant 0 : i32
        %dma_start3A_262 = tpu.memref_slice %arg2[%squeeze3A_252, %dma_start3A_261] : memref<1000001x32xf32, #tpu.memory_space<hbm>> -> memref<1x32xf32, #tpu.memory_space<hbm>>
        tpu.enqueue_dma source(%dma_start3A_262 : memref<1x32xf32, #tpu.memory_space<hbm>>) target(%dma_start3A_260 : memref<1x32xf32, #tpu.memory_space<vmem>>) target_semaphore(%arg7 : memref<!tpu.dma_semaphore, #tpu.memory_space<semaphore_mem>>)
        %slice3A_263 = vector.extract_strided_slice %get3A_61 {offsets = [1], sizes = [1], strides = [1]} : vector<16xi32> to vector<1xi32>
        %squeeze3A_264 = vector.extract %slice3A_263[0] : i32 from vector<1xi32>
        %add3A_265 = arith.constant 17 : i32
        %add3A_266 = arith.addi %mul3A_48, %add3A_265 : i32
        %dma_start3A_267 = arith.constant 0 : i32
        %dma_start3A_268 = tpu.memref_slice %arg6[%add3A_266, %dma_start3A_267] : memref<640x32xf32, #tpu.memory_space<vmem>> -> memref<1x32xf32, #tpu.memory_space<vmem>>
        %dma_start3A_269 = arith.constant 0 : i32
        %dma_start3A_270 = tpu.memref_slice %arg2[%squeeze3A_264, %dma_start3A_269] : memref<1000001x32xf32, #tpu.memory_space<hbm>> -> memref<1x32xf32, #tpu.memory_space<hbm>>
        %dma_start3A_271 = arith.constant 0 : i32
        %dma_start3A_272 = tpu.memref_slice %arg6[%add3A_266, %dma_start3A_271] : memref<640x32xf32, #tpu.memory_space<vmem>> -> memref<1x32xf32, #tpu.memory_space<vmem>>
        %dma_start3A_273 = arith.constant 0 : i32
        %dma_start3A_274 = tpu.memref_slice %arg2[%squeeze3A_264, %dma_start3A_273] : memref<1000001x32xf32, #tpu.memory_space<hbm>> -> memref<1x32xf32, #tpu.memory_space<hbm>>
        tpu.enqueue_dma source(%dma_start3A_274 : memref<1x32xf32, #tpu.memory_space<hbm>>) target(%dma_start3A_272 : memref<1x32xf32, #tpu.memory_space<vmem>>) target_semaphore(%arg7 : memref<!tpu.dma_semaphore, #tpu.memory_space<semaphore_mem>>)
        %slice3A_275 = vector.extract_strided_slice %get3A_61 {offsets = [2], sizes = [1], strides = [1]} : vector<16xi32> to vector<1xi32>
        %squeeze3A_276 = vector.extract %slice3A_275[0] : i32 from vector<1xi32>
        %add3A_277 = arith.constant 18 : i32
        %add3A_278 = arith.addi %mul3A_48, %add3A_277 : i32
        %dma_start3A_279 = arith.constant 0 : i32
        %dma_start3A_280 = tpu.memref_slice %arg6[%add3A_278, %dma_start3A_279] : memref<640x32xf32, #tpu.memory_space<vmem>> -> memref<1x32xf32, #tpu.memory_space<vmem>>
        %dma_start3A_281 = arith.constant 0 : i32
        %dma_start3A_282 = tpu.memref_slice %arg2[%squeeze3A_276, %dma_start3A_281] : memref<1000001x32xf32, #tpu.memory_space<hbm>> -> memref<1x32xf32, #tpu.memory_space<hbm>>
        %dma_start3A_283 = arith.constant 0 : i32
        %dma_start3A_284 = tpu.memref_slice %arg6[%add3A_278, %dma_start3A_283] : memref<640x32xf32, #tpu.memory_space<vmem>> -> memref<1x32xf32, #tpu.memory_space<vmem>>
        %dma_start3A_285 = arith.constant 0 : i32
        %dma_start3A_286 = tpu.memref_slice %arg2[%squeeze3A_276, %dma_start3A_285] : memref<1000001x32xf32, #tpu.memory_space<hbm>> -> memref<1x32xf32, #tpu.memory_space<hbm>>
        tpu.enqueue_dma source(%dma_start3A_286 : memref<1x32xf32, #tpu.memory_space<hbm>>) target(%dma_start3A_284 : memref<1x32xf32, #tpu.memory_space<vmem>>) target_semaphore(%arg7 : memref<!tpu.dma_semaphore, #tpu.memory_space<semaphore_mem>>)
        %slice3A_287 = vector.extract_strided_slice %get3A_61 {offsets = [3], sizes = [1], strides = [1]} : vector<16xi32> to vector<1xi32>
        %squeeze3A_288 = vector.extract %slice3A_287[0] : i32 from vector<1xi32>
        %add3A_289 = arith.constant 19 : i32
        %add3A_290 = arith.addi %mul3A_48, %add3A_289 : i32
        %dma_start3A_291 = arith.constant 0 : i32
        %dma_start3A_292 = tpu.memref_slice %arg6[%add3A_290, %dma_start3A_291] : memref<640x32xf32, #tpu.memory_space<vmem>> -> memref<1x32xf32, #tpu.memory_space<vmem>>
        %dma_start3A_293 = arith.constant 0 : i32
        %dma_start3A_294 = tpu.memref_slice %arg2[%squeeze3A_288, %dma_start3A_293] : memref<1000001x32xf32, #tpu.memory_space<hbm>> -> memref<1x32xf32, #tpu.memory_space<hbm>>
        %dma_start3A_295 = arith.constant 0 : i32
        %dma_start3A_296 = tpu.memref_slice %arg6[%add3A_290, %dma_start3A_295] : memref<640x32xf32, #tpu.memory_space<vmem>> -> memref<1x32xf32, #tpu.memory_space<vmem>>
        %dma_start3A_297 = arith.constant 0 : i32
        %dma_start3A_298 = tpu.memref_slice %arg2[%squeeze3A_288, %dma_start3A_297] : memref<1000001x32xf32, #tpu.memory_space<hbm>> -> memref<1x32xf32, #tpu.memory_space<hbm>>
        tpu.enqueue_dma source(%dma_start3A_298 : memref<1x32xf32, #tpu.memory_space<hbm>>) target(%dma_start3A_296 : memref<1x32xf32, #tpu.memory_space<vmem>>) target_semaphore(%arg7 : memref<!tpu.dma_semaphore, #tpu.memory_space<semaphore_mem>>)
        %slice3A_299 = vector.extract_strided_slice %get3A_61 {offsets = [4], sizes = [1], strides = [1]} : vector<16xi32> to vector<1xi32>
        %squeeze3A_300 = vector.extract %slice3A_299[0] : i32 from vector<1xi32>
        %add3A_301 = arith.constant 20 : i32
        %add3A_302 = arith.addi %mul3A_48, %add3A_301 : i32
        %dma_start3A_303 = arith.constant 0 : i32
        %dma_start3A_304 = tpu.memref_slice %arg6[%add3A_302, %dma_start3A_303] : memref<640x32xf32, #tpu.memory_space<vmem>> -> memref<1x32xf32, #tpu.memory_space<vmem>>
        %dma_start3A_305 = arith.constant 0 : i32
        %dma_start3A_306 = tpu.memref_slice %arg2[%squeeze3A_300, %dma_start3A_305] : memref<1000001x32xf32, #tpu.memory_space<hbm>> -> memref<1x32xf32, #tpu.memory_space<hbm>>
        %dma_start3A_307 = arith.constant 0 : i32
        %dma_start3A_308 = tpu.memref_slice %arg6[%add3A_302, %dma_start3A_307] : memref<640x32xf32, #tpu.memory_space<vmem>> -> memref<1x32xf32, #tpu.memory_space<vmem>>
        %dma_start3A_309 = arith.constant 0 : i32
        %dma_start3A_310 = tpu.memref_slice %arg2[%squeeze3A_300, %dma_start3A_309] : memref<1000001x32xf32, #tpu.memory_space<hbm>> -> memref<1x32xf32, #tpu.memory_space<hbm>>
        tpu.enqueue_dma source(%dma_start3A_310 : memref<1x32xf32, #tpu.memory_space<hbm>>) target(%dma_start3A_308 : memref<1x32xf32, #tpu.memory_space<vmem>>) target_semaphore(%arg7 : memref<!tpu.dma_semaphore, #tpu.memory_space<semaphore_mem>>)
        %slice3A_311 = vector.extract_strided_slice %get3A_61 {offsets = [5], sizes = [1], strides = [1]} : vector<16xi32> to vector<1xi32>
        %squeeze3A_312 = vector.extract %slice3A_311[0] : i32 from vector<1xi32>
        %add3A_313 = arith.constant 21 : i32
        %add3A_314 = arith.addi %mul3A_48, %add3A_313 : i32
        %dma_start3A_315 = arith.constant 0 : i32
        %dma_start3A_316 = tpu.memref_slice %arg6[%add3A_314, %dma_start3A_315] : memref<640x32xf32, #tpu.memory_space<vmem>> -> memref<1x32xf32, #tpu.memory_space<vmem>>
        %dma_start3A_317 = arith.constant 0 : i32
        %dma_start3A_318 = tpu.memref_slice %arg2[%squeeze3A_312, %dma_start3A_317] : memref<1000001x32xf32, #tpu.memory_space<hbm>> -> memref<1x32xf32, #tpu.memory_space<hbm>>
        %dma_start3A_319 = arith.constant 0 : i32
        %dma_start3A_320 = tpu.memref_slice %arg6[%add3A_314, %dma_start3A_319] : memref<640x32xf32, #tpu.memory_space<vmem>> -> memref<1x32xf32, #tpu.memory_space<vmem>>
        %dma_start3A_321 = arith.constant 0 : i32
        %dma_start3A_322 = tpu.memref_slice %arg2[%squeeze3A_312, %dma_start3A_321] : memref<1000001x32xf32, #tpu.memory_space<hbm>> -> memref<1x32xf32, #tpu.memory_space<hbm>>
        tpu.enqueue_dma source(%dma_start3A_322 : memref<1x32xf32, #tpu.memory_space<hbm>>) target(%dma_start3A_320 : memref<1x32xf32, #tpu.memory_space<vmem>>) target_semaphore(%arg7 : memref<!tpu.dma_semaphore, #tpu.memory_space<semaphore_mem>>)
        %slice3A_323 = vector.extract_strided_slice %get3A_61 {offsets = [6], sizes = [1], strides = [1]} : vector<16xi32> to vector<1xi32>
        %squeeze3A_324 = vector.extract %slice3A_323[0] : i32 from vector<1xi32>
        %add3A_325 = arith.constant 22 : i32
        %add3A_326 = arith.addi %mul3A_48, %add3A_325 : i32
        %dma_start3A_327 = arith.constant 0 : i32
        %dma_start3A_328 = tpu.memref_slice %arg6[%add3A_326, %dma_start3A_327] : memref<640x32xf32, #tpu.memory_space<vmem>> -> memref<1x32xf32, #tpu.memory_space<vmem>>
        %dma_start3A_329 = arith.constant 0 : i32
        %dma_start3A_330 = tpu.memref_slice %arg2[%squeeze3A_324, %dma_start3A_329] : memref<1000001x32xf32, #tpu.memory_space<hbm>> -> memref<1x32xf32, #tpu.memory_space<hbm>>
        %dma_start3A_331 = arith.constant 0 : i32
        %dma_start3A_332 = tpu.memref_slice %arg6[%add3A_326, %dma_start3A_331] : memref<640x32xf32, #tpu.memory_space<vmem>> -> memref<1x32xf32, #tpu.memory_space<vmem>>
        %dma_start3A_333 = arith.constant 0 : i32
        %dma_start3A_334 = tpu.memref_slice %arg2[%squeeze3A_324, %dma_start3A_333] : memref<1000001x32xf32, #tpu.memory_space<hbm>> -> memref<1x32xf32, #tpu.memory_space<hbm>>
        tpu.enqueue_dma source(%dma_start3A_334 : memref<1x32xf32, #tpu.memory_space<hbm>>) target(%dma_start3A_332 : memref<1x32xf32, #tpu.memory_space<vmem>>) target_semaphore(%arg7 : memref<!tpu.dma_semaphore, #tpu.memory_space<semaphore_mem>>)
        %slice3A_335 = vector.extract_strided_slice %get3A_61 {offsets = [7], sizes = [1], strides = [1]} : vector<16xi32> to vector<1xi32>
        %squeeze3A_336 = vector.extract %slice3A_335[0] : i32 from vector<1xi32>
        %add3A_337 = arith.constant 23 : i32
        %add3A_338 = arith.addi %mul3A_48, %add3A_337 : i32
        %dma_start3A_339 = arith.constant 0 : i32
        %dma_start3A_340 = tpu.memref_slice %arg6[%add3A_338, %dma_start3A_339] : memref<640x32xf32, #tpu.memory_space<vmem>> -> memref<1x32xf32, #tpu.memory_space<vmem>>
        %dma_start3A_341 = arith.constant 0 : i32
        %dma_start3A_342 = tpu.memref_slice %arg2[%squeeze3A_336, %dma_start3A_341] : memref<1000001x32xf32, #tpu.memory_space<hbm>> -> memref<1x32xf32, #tpu.memory_space<hbm>>
        %dma_start3A_343 = arith.constant 0 : i32
        %dma_start3A_344 = tpu.memref_slice %arg6[%add3A_338, %dma_start3A_343] : memref<640x32xf32, #tpu.memory_space<vmem>> -> memref<1x32xf32, #tpu.memory_space<vmem>>
        %dma_start3A_345 = arith.constant 0 : i32
        %dma_start3A_346 = tpu.memref_slice %arg2[%squeeze3A_336, %dma_start3A_345] : memref<1000001x32xf32, #tpu.memory_space<hbm>> -> memref<1x32xf32, #tpu.memory_space<hbm>>
        tpu.enqueue_dma source(%dma_start3A_346 : memref<1x32xf32, #tpu.memory_space<hbm>>) target(%dma_start3A_344 : memref<1x32xf32, #tpu.memory_space<vmem>>) target_semaphore(%arg7 : memref<!tpu.dma_semaphore, #tpu.memory_space<semaphore_mem>>)
        %slice3A_347 = vector.extract_strided_slice %get3A_61 {offsets = [8], sizes = [1], strides = [1]} : vector<16xi32> to vector<1xi32>
        %squeeze3A_348 = vector.extract %slice3A_347[0] : i32 from vector<1xi32>
        %add3A_349 = arith.constant 24 : i32
        %add3A_350 = arith.addi %mul3A_48, %add3A_349 : i32
        %dma_start3A_351 = arith.constant 0 : i32
        %dma_start3A_352 = tpu.memref_slice %arg6[%add3A_350, %dma_start3A_351] : memref<640x32xf32, #tpu.memory_space<vmem>> -> memref<1x32xf32, #tpu.memory_space<vmem>>
        %dma_start3A_353 = arith.constant 0 : i32
        %dma_start3A_354 = tpu.memref_slice %arg2[%squeeze3A_348, %dma_start3A_353] : memref<1000001x32xf32, #tpu.memory_space<hbm>> -> memref<1x32xf32, #tpu.memory_space<hbm>>
        %dma_start3A_355 = arith.constant 0 : i32
        %dma_start3A_356 = tpu.memref_slice %arg6[%add3A_350, %dma_start3A_355] : memref<640x32xf32, #tpu.memory_space<vmem>> -> memref<1x32xf32, #tpu.memory_space<vmem>>
        %dma_start3A_357 = arith.constant 0 : i32
        %dma_start3A_358 = tpu.memref_slice %arg2[%squeeze3A_348, %dma_start3A_357] : memref<1000001x32xf32, #tpu.memory_space<hbm>> -> memref<1x32xf32, #tpu.memory_space<hbm>>
        tpu.enqueue_dma source(%dma_start3A_358 : memref<1x32xf32, #tpu.memory_space<hbm>>) target(%dma_start3A_356 : memref<1x32xf32, #tpu.memory_space<vmem>>) target_semaphore(%arg7 : memref<!tpu.dma_semaphore, #tpu.memory_space<semaphore_mem>>)
        %slice3A_359 = vector.extract_strided_slice %get3A_61 {offsets = [9], sizes = [1], strides = [1]} : vector<16xi32> to vector<1xi32>
        %squeeze3A_360 = vector.extract %slice3A_359[0] : i32 from vector<1xi32>
        %add3A_361 = arith.constant 25 : i32
        %add3A_362 = arith.addi %mul3A_48, %add3A_361 : i32
        %dma_start3A_363 = arith.constant 0 : i32
        %dma_start3A_364 = tpu.memref_slice %arg6[%add3A_362, %dma_start3A_363] : memref<640x32xf32, #tpu.memory_space<vmem>> -> memref<1x32xf32, #tpu.memory_space<vmem>>
        %dma_start3A_365 = arith.constant 0 : i32
        %dma_start3A_366 = tpu.memref_slice %arg2[%squeeze3A_360, %dma_start3A_365] : memref<1000001x32xf32, #tpu.memory_space<hbm>> -> memref<1x32xf32, #tpu.memory_space<hbm>>
        %dma_start3A_367 = arith.constant 0 : i32
        %dma_start3A_368 = tpu.memref_slice %arg6[%add3A_362, %dma_start3A_367] : memref<640x32xf32, #tpu.memory_space<vmem>> -> memref<1x32xf32, #tpu.memory_space<vmem>>
        %dma_start3A_369 = arith.constant 0 : i32
        %dma_start3A_370 = tpu.memref_slice %arg2[%squeeze3A_360, %dma_start3A_369] : memref<1000001x32xf32, #tpu.memory_space<hbm>> -> memref<1x32xf32, #tpu.memory_space<hbm>>
        tpu.enqueue_dma source(%dma_start3A_370 : memref<1x32xf32, #tpu.memory_space<hbm>>) target(%dma_start3A_368 : memref<1x32xf32, #tpu.memory_space<vmem>>) target_semaphore(%arg7 : memref<!tpu.dma_semaphore, #tpu.memory_space<semaphore_mem>>)
        %slice3A_371 = vector.extract_strided_slice %get3A_61 {offsets = [10], sizes = [1], strides = [1]} : vector<16xi32> to vector<1xi32>
        %squeeze3A_372 = vector.extract %slice3A_371[0] : i32 from vector<1xi32>
        %add3A_373 = arith.constant 26 : i32
        %add3A_374 = arith.addi %mul3A_48, %add3A_373 : i32
        %dma_start3A_375 = arith.constant 0 : i32
        %dma_start3A_376 = tpu.memref_slice %arg6[%add3A_374, %dma_start3A_375] : memref<640x32xf32, #tpu.memory_space<vmem>> -> memref<1x32xf32, #tpu.memory_space<vmem>>
        %dma_start3A_377 = arith.constant 0 : i32
        %dma_start3A_378 = tpu.memref_slice %arg2[%squeeze3A_372, %dma_start3A_377] : memref<1000001x32xf32, #tpu.memory_space<hbm>> -> memref<1x32xf32, #tpu.memory_space<hbm>>
        %dma_start3A_379 = arith.constant 0 : i32
        %dma_start3A_380 = tpu.memref_slice %arg6[%add3A_374, %dma_start3A_379] : memref<640x32xf32, #tpu.memory_space<vmem>> -> memref<1x32xf32, #tpu.memory_space<vmem>>
        %dma_start3A_381 = arith.constant 0 : i32
        %dma_start3A_382 = tpu.memref_slice %arg2[%squeeze3A_372, %dma_start3A_381] : memref<1000001x32xf32, #tpu.memory_space<hbm>> -> memref<1x32xf32, #tpu.memory_space<hbm>>
        tpu.enqueue_dma source(%dma_start3A_382 : memref<1x32xf32, #tpu.memory_space<hbm>>) target(%dma_start3A_380 : memref<1x32xf32, #tpu.memory_space<vmem>>) target_semaphore(%arg7 : memref<!tpu.dma_semaphore, #tpu.memory_space<semaphore_mem>>)
        %slice3A_383 = vector.extract_strided_slice %get3A_61 {offsets = [11], sizes = [1], strides = [1]} : vector<16xi32> to vector<1xi32>
        %squeeze3A_384 = vector.extract %slice3A_383[0] : i32 from vector<1xi32>
        %add3A_385 = arith.constant 27 : i32
        %add3A_386 = arith.addi %mul3A_48, %add3A_385 : i32
        %dma_start3A_387 = arith.constant 0 : i32
        %dma_start3A_388 = tpu.memref_slice %arg6[%add3A_386, %dma_start3A_387] : memref<640x32xf32, #tpu.memory_space<vmem>> -> memref<1x32xf32, #tpu.memory_space<vmem>>
        %dma_start3A_389 = arith.constant 0 : i32
        %dma_start3A_390 = tpu.memref_slice %arg2[%squeeze3A_384, %dma_start3A_389] : memref<1000001x32xf32, #tpu.memory_space<hbm>> -> memref<1x32xf32, #tpu.memory_space<hbm>>
        %dma_start3A_391 = arith.constant 0 : i32
        %dma_start3A_392 = tpu.memref_slice %arg6[%add3A_386, %dma_start3A_391] : memref<640x32xf32, #tpu.memory_space<vmem>> -> memref<1x32xf32, #tpu.memory_space<vmem>>
        %dma_start3A_393 = arith.constant 0 : i32
        %dma_start3A_394 = tpu.memref_slice %arg2[%squeeze3A_384, %dma_start3A_393] : memref<1000001x32xf32, #tpu.memory_space<hbm>> -> memref<1x32xf32, #tpu.memory_space<hbm>>
        tpu.enqueue_dma source(%dma_start3A_394 : memref<1x32xf32, #tpu.memory_space<hbm>>) target(%dma_start3A_392 : memref<1x32xf32, #tpu.memory_space<vmem>>) target_semaphore(%arg7 : memref<!tpu.dma_semaphore, #tpu.memory_space<semaphore_mem>>)
        %slice3A_395 = vector.extract_strided_slice %get3A_61 {offsets = [12], sizes = [1], strides = [1]} : vector<16xi32> to vector<1xi32>
        %squeeze3A_396 = vector.extract %slice3A_395[0] : i32 from vector<1xi32>
        %add3A_397 = arith.constant 28 : i32
        %add3A_398 = arith.addi %mul3A_48, %add3A_397 : i32
        %dma_start3A_399 = arith.constant 0 : i32
        %dma_start3A_400 = tpu.memref_slice %arg6[%add3A_398, %dma_start3A_399] : memref<640x32xf32, #tpu.memory_space<vmem>> -> memref<1x32xf32, #tpu.memory_space<vmem>>
        %dma_start3A_401 = arith.constant 0 : i32
        %dma_start3A_402 = tpu.memref_slice %arg2[%squeeze3A_396, %dma_start3A_401] : memref<1000001x32xf32, #tpu.memory_space<hbm>> -> memref<1x32xf32, #tpu.memory_space<hbm>>
        %dma_start3A_403 = arith.constant 0 : i32
        %dma_start3A_404 = tpu.memref_slice %arg6[%add3A_398, %dma_start3A_403] : memref<640x32xf32, #tpu.memory_space<vmem>> -> memref<1x32xf32, #tpu.memory_space<vmem>>
        %dma_start3A_405 = arith.constant 0 : i32
        %dma_start3A_406 = tpu.memref_slice %arg2[%squeeze3A_396, %dma_start3A_405] : memref<1000001x32xf32, #tpu.memory_space<hbm>> -> memref<1x32xf32, #tpu.memory_space<hbm>>
        tpu.enqueue_dma source(%dma_start3A_406 : memref<1x32xf32, #tpu.memory_space<hbm>>) target(%dma_start3A_404 : memref<1x32xf32, #tpu.memory_space<vmem>>) target_semaphore(%arg7 : memref<!tpu.dma_semaphore, #tpu.memory_space<semaphore_mem>>)
        %slice3A_407 = vector.extract_strided_slice %get3A_61 {offsets = [13], sizes = [1], strides = [1]} : vector<16xi32> to vector<1xi32>
        %squeeze3A_408 = vector.extract %slice3A_407[0] : i32 from vector<1xi32>
        %add3A_409 = arith.constant 29 : i32
        %add3A_410 = arith.addi %mul3A_48, %add3A_409 : i32
        %dma_start3A_411 = arith.constant 0 : i32
        %dma_start3A_412 = tpu.memref_slice %arg6[%add3A_410, %dma_start3A_411] : memref<640x32xf32, #tpu.memory_space<vmem>> -> memref<1x32xf32, #tpu.memory_space<vmem>>
        %dma_start3A_413 = arith.constant 0 : i32
        %dma_start3A_414 = tpu.memref_slice %arg2[%squeeze3A_408, %dma_start3A_413] : memref<1000001x32xf32, #tpu.memory_space<hbm>> -> memref<1x32xf32, #tpu.memory_space<hbm>>
        %dma_start3A_415 = arith.constant 0 : i32
        %dma_start3A_416 = tpu.memref_slice %arg6[%add3A_410, %dma_start3A_415] : memref<640x32xf32, #tpu.memory_space<vmem>> -> memref<1x32xf32, #tpu.memory_space<vmem>>
        %dma_start3A_417 = arith.constant 0 : i32
        %dma_start3A_418 = tpu.memref_slice %arg2[%squeeze3A_408, %dma_start3A_417] : memref<1000001x32xf32, #tpu.memory_space<hbm>> -> memref<1x32xf32, #tpu.memory_space<hbm>>
        tpu.enqueue_dma source(%dma_start3A_418 : memref<1x32xf32, #tpu.memory_space<hbm>>) target(%dma_start3A_416 : memref<1x32xf32, #tpu.memory_space<vmem>>) target_semaphore(%arg7 : memref<!tpu.dma_semaphore, #tpu.memory_space<semaphore_mem>>)
        %slice3A_419 = vector.extract_strided_slice %get3A_61 {offsets = [14], sizes = [1], strides = [1]} : vector<16xi32> to vector<1xi32>
        %squeeze3A_420 = vector.extract %slice3A_419[0] : i32 from vector<1xi32>
        %add3A_421 = arith.constant 30 : i32
        %add3A_422 = arith.addi %mul3A_48, %add3A_421 : i32
        %dma_start3A_423 = arith.constant 0 : i32
        %dma_start3A_424 = tpu.memref_slice %arg6[%add3A_422, %dma_start3A_423] : memref<640x32xf32, #tpu.memory_space<vmem>> -> memref<1x32xf32, #tpu.memory_space<vmem>>
        %dma_start3A_425 = arith.constant 0 : i32
        %dma_start3A_426 = tpu.memref_slice %arg2[%squeeze3A_420, %dma_start3A_425] : memref<1000001x32xf32, #tpu.memory_space<hbm>> -> memref<1x32xf32, #tpu.memory_space<hbm>>
        %dma_start3A_427 = arith.constant 0 : i32
        %dma_start3A_428 = tpu.memref_slice %arg6[%add3A_422, %dma_start3A_427] : memref<640x32xf32, #tpu.memory_space<vmem>> -> memref<1x32xf32, #tpu.memory_space<vmem>>
        %dma_start3A_429 = arith.constant 0 : i32
        %dma_start3A_430 = tpu.memref_slice %arg2[%squeeze3A_420, %dma_start3A_429] : memref<1000001x32xf32, #tpu.memory_space<hbm>> -> memref<1x32xf32, #tpu.memory_space<hbm>>
        tpu.enqueue_dma source(%dma_start3A_430 : memref<1x32xf32, #tpu.memory_space<hbm>>) target(%dma_start3A_428 : memref<1x32xf32, #tpu.memory_space<vmem>>) target_semaphore(%arg7 : memref<!tpu.dma_semaphore, #tpu.memory_space<semaphore_mem>>)
        %slice3A_431 = vector.extract_strided_slice %get3A_61 {offsets = [15], sizes = [1], strides = [1]} : vector<16xi32> to vector<1xi32>
        %squeeze3A_432 = vector.extract %slice3A_431[0] : i32 from vector<1xi32>
        %add3A_433 = arith.constant 31 : i32
        %add3A_434 = arith.addi %mul3A_48, %add3A_433 : i32
        %dma_start3A_435 = arith.constant 0 : i32
        %dma_start3A_436 = tpu.memref_slice %arg6[%add3A_434, %dma_start3A_435] : memref<640x32xf32, #tpu.memory_space<vmem>> -> memref<1x32xf32, #tpu.memory_space<vmem>>
        %dma_start3A_437 = arith.constant 0 : i32
        %dma_start3A_438 = tpu.memref_slice %arg2[%squeeze3A_432, %dma_start3A_437] : memref<1000001x32xf32, #tpu.memory_space<hbm>> -> memref<1x32xf32, #tpu.memory_space<hbm>>
        %dma_start3A_439 = arith.constant 0 : i32
        %dma_start3A_440 = tpu.memref_slice %arg6[%add3A_434, %dma_start3A_439] : memref<640x32xf32, #tpu.memory_space<vmem>> -> memref<1x32xf32, #tpu.memory_space<vmem>>
        %dma_start3A_441 = arith.constant 0 : i32
        %dma_start3A_442 = tpu.memref_slice %arg2[%squeeze3A_432, %dma_start3A_441] : memref<1000001x32xf32, #tpu.memory_space<hbm>> -> memref<1x32xf32, #tpu.memory_space<hbm>>
        tpu.enqueue_dma source(%dma_start3A_442 : memref<1x32xf32, #tpu.memory_space<hbm>>) target(%dma_start3A_440 : memref<1x32xf32, #tpu.memory_space<vmem>>) target_semaphore(%arg7 : memref<!tpu.dma_semaphore, #tpu.memory_space<semaphore_mem>>)
      } else {
      }
      %gt3A = arith.constant 0 : i32
      %gt3A_42 = arith.cmpi sgt, %scan3A_38, %gt3A : i32
      %convert_element_type3A_43 = arith.extui %gt3A_42 : i1 to i32
      %cond3A_44 = arith.constant 0 : i32
      %cond3A_45 = arith.cmpi ne, %convert_element_type3A_43, %cond3A_44 : i32
      scf.if %cond3A_45 {
        %dma_wait3A = arith.constant 0 : i32
        %dma_wait3A_47 = arith.constant 0 : i32
        %dma_wait3A_48 = tpu.memref_slice %arg6[%dma_wait3A, %dma_wait3A_47] : memref<640x32xf32, #tpu.memory_space<vmem>> -> memref<1x32xf32, #tpu.memory_space<vmem>>
        %dma_wait3A_49 = arith.constant 0 : i32
        %dma_wait3A_50 = arith.constant 0 : i32
        %dma_wait3A_51 = tpu.memref_slice %arg2[%dma_wait3A_49, %dma_wait3A_50] : memref<1000001x32xf32, #tpu.memory_space<hbm>> -> memref<1x32xf32, #tpu.memory_space<hbm>>
        %dma_wait3A_52 = arith.constant 0 : i32
        %dma_wait3A_53 = arith.constant 0 : i32
        %dma_wait3A_54 = tpu.memref_slice %arg6[%dma_wait3A_52, %dma_wait3A_53] : memref<640x32xf32, #tpu.memory_space<vmem>> -> memref<1x32xf32, #tpu.memory_space<vmem>>
        %dma_wait3A_55 = arith.constant 0 : i32
        %dma_wait3A_56 = arith.constant 0 : i32
        %dma_wait3A_57 = tpu.memref_slice %arg2[%dma_wait3A_55, %dma_wait3A_56] : memref<1000001x32xf32, #tpu.memory_space<hbm>> -> memref<1x32xf32, #tpu.memory_space<hbm>>
        tpu.wait_dma2 semaphore(%arg7 : memref<!tpu.dma_semaphore, #tpu.memory_space<semaphore_mem>>) src(%dma_wait3A_57 : memref<1x32xf32, #tpu.memory_space<hbm>>) dst(%dma_wait3A_54 : memref<1x32xf32, #tpu.memory_space<vmem>>)
        %dma_wait3A_58 = arith.constant 0 : i32
        %dma_wait3A_59 = arith.constant 0 : i32
        %dma_wait3A_60 = tpu.memref_slice %arg6[%dma_wait3A_58, %dma_wait3A_59] : memref<640x32xf32, #tpu.memory_space<vmem>> -> memref<1x32xf32, #tpu.memory_space<vmem>>
        %dma_wait3A_61 = arith.constant 0 : i32
        %dma_wait3A_62 = arith.constant 0 : i32
        %dma_wait3A_63 = tpu.memref_slice %arg2[%dma_wait3A_61, %dma_wait3A_62] : memref<1000001x32xf32, #tpu.memory_space<hbm>> -> memref<1x32xf32, #tpu.memory_space<hbm>>
        %dma_wait3A_64 = arith.constant 0 : i32
        %dma_wait3A_65 = arith.constant 0 : i32
        %dma_wait3A_66 = tpu.memref_slice %arg6[%dma_wait3A_64, %dma_wait3A_65] : memref<640x32xf32, #tpu.memory_space<vmem>> -> memref<1x32xf32, #tpu.memory_space<vmem>>
        %dma_wait3A_67 = arith.constant 0 : i32
        %dma_wait3A_68 = arith.constant 0 : i32
        %dma_wait3A_69 = tpu.memref_slice %arg2[%dma_wait3A_67, %dma_wait3A_68] : memref<1000001x32xf32, #tpu.memory_space<hbm>> -> memref<1x32xf32, #tpu.memory_space<hbm>>
        tpu.wait_dma2 semaphore(%arg7 : memref<!tpu.dma_semaphore, #tpu.memory_space<semaphore_mem>>) src(%dma_wait3A_69 : memref<1x32xf32, #tpu.memory_space<hbm>>) dst(%dma_wait3A_66 : memref<1x32xf32, #tpu.memory_space<vmem>>)
        %dma_wait3A_70 = arith.constant 0 : i32
        %dma_wait3A_71 = arith.constant 0 : i32
        %dma_wait3A_72 = tpu.memref_slice %arg6[%dma_wait3A_70, %dma_wait3A_71] : memref<640x32xf32, #tpu.memory_space<vmem>> -> memref<1x32xf32, #tpu.memory_space<vmem>>
        %dma_wait3A_73 = arith.constant 0 : i32
        %dma_wait3A_74 = arith.constant 0 : i32
        %dma_wait3A_75 = tpu.memref_slice %arg2[%dma_wait3A_73, %dma_wait3A_74] : memref<1000001x32xf32, #tpu.memory_space<hbm>> -> memref<1x32xf32, #tpu.memory_space<hbm>>
        %dma_wait3A_76 = arith.constant 0 : i32
        %dma_wait3A_77 = arith.constant 0 : i32
        %dma_wait3A_78 = tpu.memref_slice %arg6[%dma_wait3A_76, %dma_wait3A_77] : memref<640x32xf32, #tpu.memory_space<vmem>> -> memref<1x32xf32, #tpu.memory_space<vmem>>
        %dma_wait3A_79 = arith.constant 0 : i32
        %dma_wait3A_80 = arith.constant 0 : i32
        %dma_wait3A_81 = tpu.memref_slice %arg2[%dma_wait3A_79, %dma_wait3A_80] : memref<1000001x32xf32, #tpu.memory_space<hbm>> -> memref<1x32xf32, #tpu.memory_space<hbm>>
        tpu.wait_dma2 semaphore(%arg7 : memref<!tpu.dma_semaphore, #tpu.memory_space<semaphore_mem>>) src(%dma_wait3A_81 : memref<1x32xf32, #tpu.memory_space<hbm>>) dst(%dma_wait3A_78 : memref<1x32xf32, #tpu.memory_space<vmem>>)
        %dma_wait3A_82 = arith.constant 0 : i32
        %dma_wait3A_83 = arith.constant 0 : i32
        %dma_wait3A_84 = tpu.memref_slice %arg6[%dma_wait3A_82, %dma_wait3A_83] : memref<640x32xf32, #tpu.memory_space<vmem>> -> memref<1x32xf32, #tpu.memory_space<vmem>>
        %dma_wait3A_85 = arith.constant 0 : i32
        %dma_wait3A_86 = arith.constant 0 : i32
        %dma_wait3A_87 = tpu.memref_slice %arg2[%dma_wait3A_85, %dma_wait3A_86] : memref<1000001x32xf32, #tpu.memory_space<hbm>> -> memref<1x32xf32, #tpu.memory_space<hbm>>
        %dma_wait3A_88 = arith.constant 0 : i32
        %dma_wait3A_89 = arith.constant 0 : i32
        %dma_wait3A_90 = tpu.memref_slice %arg6[%dma_wait3A_88, %dma_wait3A_89] : memref<640x32xf32, #tpu.memory_space<vmem>> -> memref<1x32xf32, #tpu.memory_space<vmem>>
        %dma_wait3A_91 = arith.constant 0 : i32
        %dma_wait3A_92 = arith.constant 0 : i32
        %dma_wait3A_93 = tpu.memref_slice %arg2[%dma_wait3A_91, %dma_wait3A_92] : memref<1000001x32xf32, #tpu.memory_space<hbm>> -> memref<1x32xf32, #tpu.memory_space<hbm>>
        tpu.wait_dma2 semaphore(%arg7 : memref<!tpu.dma_semaphore, #tpu.memory_space<semaphore_mem>>) src(%dma_wait3A_93 : memref<1x32xf32, #tpu.memory_space<hbm>>) dst(%dma_wait3A_90 : memref<1x32xf32, #tpu.memory_space<vmem>>)
        %dma_wait3A_94 = arith.constant 0 : i32
        %dma_wait3A_95 = arith.constant 0 : i32
        %dma_wait3A_96 = tpu.memref_slice %arg6[%dma_wait3A_94, %dma_wait3A_95] : memref<640x32xf32, #tpu.memory_space<vmem>> -> memref<1x32xf32, #tpu.memory_space<vmem>>
        %dma_wait3A_97 = arith.constant 0 : i32
        %dma_wait3A_98 = arith.constant 0 : i32
        %dma_wait3A_99 = tpu.memref_slice %arg2[%dma_wait3A_97, %dma_wait3A_98] : memref<1000001x32xf32, #tpu.memory_space<hbm>> -> memref<1x32xf32, #tpu.memory_space<hbm>>
        %dma_wait3A_100 = arith.constant 0 : i32
        %dma_wait3A_101 = arith.constant 0 : i32
        %dma_wait3A_102 = tpu.memref_slice %arg6[%dma_wait3A_100, %dma_wait3A_101] : memref<640x32xf32, #tpu.memory_space<vmem>> -> memref<1x32xf32, #tpu.memory_space<vmem>>
        %dma_wait3A_103 = arith.constant 0 : i32
        %dma_wait3A_104 = arith.constant 0 : i32
        %dma_wait3A_105 = tpu.memref_slice %arg2[%dma_wait3A_103, %dma_wait3A_104] : memref<1000001x32xf32, #tpu.memory_space<hbm>> -> memref<1x32xf32, #tpu.memory_space<hbm>>
        tpu.wait_dma2 semaphore(%arg7 : memref<!tpu.dma_semaphore, #tpu.memory_space<semaphore_mem>>) src(%dma_wait3A_105 : memref<1x32xf32, #tpu.memory_space<hbm>>) dst(%dma_wait3A_102 : memref<1x32xf32, #tpu.memory_space<vmem>>)
        %dma_wait3A_106 = arith.constant 0 : i32
        %dma_wait3A_107 = arith.constant 0 : i32
        %dma_wait3A_108 = tpu.memref_slice %arg6[%dma_wait3A_106, %dma_wait3A_107] : memref<640x32xf32, #tpu.memory_space<vmem>> -> memref<1x32xf32, #tpu.memory_space<vmem>>
        %dma_wait3A_109 = arith.constant 0 : i32
        %dma_wait3A_110 = arith.constant 0 : i32
        %dma_wait3A_111 = tpu.memref_slice %arg2[%dma_wait3A_109, %dma_wait3A_110] : memref<1000001x32xf32, #tpu.memory_space<hbm>> -> memref<1x32xf32, #tpu.memory_space<hbm>>
        %dma_wait3A_112 = arith.constant 0 : i32
        %dma_wait3A_113 = arith.constant 0 : i32
        %dma_wait3A_114 = tpu.memref_slice %arg6[%dma_wait3A_112, %dma_wait3A_113] : memref<640x32xf32, #tpu.memory_space<vmem>> -> memref<1x32xf32, #tpu.memory_space<vmem>>
        %dma_wait3A_115 = arith.constant 0 : i32
        %dma_wait3A_116 = arith.constant 0 : i32
        %dma_wait3A_117 = tpu.memref_slice %arg2[%dma_wait3A_115, %dma_wait3A_116] : memref<1000001x32xf32, #tpu.memory_space<hbm>> -> memref<1x32xf32, #tpu.memory_space<hbm>>
        tpu.wait_dma2 semaphore(%arg7 : memref<!tpu.dma_semaphore, #tpu.memory_space<semaphore_mem>>) src(%dma_wait3A_117 : memref<1x32xf32, #tpu.memory_space<hbm>>) dst(%dma_wait3A_114 : memref<1x32xf32, #tpu.memory_space<vmem>>)
        %dma_wait3A_118 = arith.constant 0 : i32
        %dma_wait3A_119 = arith.constant 0 : i32
        %dma_wait3A_120 = tpu.memref_slice %arg6[%dma_wait3A_118, %dma_wait3A_119] : memref<640x32xf32, #tpu.memory_space<vmem>> -> memref<1x32xf32, #tpu.memory_space<vmem>>
        %dma_wait3A_121 = arith.constant 0 : i32
        %dma_wait3A_122 = arith.constant 0 : i32
        %dma_wait3A_123 = tpu.memref_slice %arg2[%dma_wait3A_121, %dma_wait3A_122] : memref<1000001x32xf32, #tpu.memory_space<hbm>> -> memref<1x32xf32, #tpu.memory_space<hbm>>
        %dma_wait3A_124 = arith.constant 0 : i32
        %dma_wait3A_125 = arith.constant 0 : i32
        %dma_wait3A_126 = tpu.memref_slice %arg6[%dma_wait3A_124, %dma_wait3A_125] : memref<640x32xf32, #tpu.memory_space<vmem>> -> memref<1x32xf32, #tpu.memory_space<vmem>>
        %dma_wait3A_127 = arith.constant 0 : i32
        %dma_wait3A_128 = arith.constant 0 : i32
        %dma_wait3A_129 = tpu.memref_slice %arg2[%dma_wait3A_127, %dma_wait3A_128] : memref<1000001x32xf32, #tpu.memory_space<hbm>> -> memref<1x32xf32, #tpu.memory_space<hbm>>
        tpu.wait_dma2 semaphore(%arg7 : memref<!tpu.dma_semaphore, #tpu.memory_space<semaphore_mem>>) src(%dma_wait3A_129 : memref<1x32xf32, #tpu.memory_space<hbm>>) dst(%dma_wait3A_126 : memref<1x32xf32, #tpu.memory_space<vmem>>)
        %dma_wait3A_130 = arith.constant 0 : i32
        %dma_wait3A_131 = arith.constant 0 : i32
        %dma_wait3A_132 = tpu.memref_slice %arg6[%dma_wait3A_130, %dma_wait3A_131] : memref<640x32xf32, #tpu.memory_space<vmem>> -> memref<1x32xf32, #tpu.memory_space<vmem>>
        %dma_wait3A_133 = arith.constant 0 : i32
        %dma_wait3A_134 = arith.constant 0 : i32
        %dma_wait3A_135 = tpu.memref_slice %arg2[%dma_wait3A_133, %dma_wait3A_134] : memref<1000001x32xf32, #tpu.memory_space<hbm>> -> memref<1x32xf32, #tpu.memory_space<hbm>>
        %dma_wait3A_136 = arith.constant 0 : i32
        %dma_wait3A_137 = arith.constant 0 : i32
        %dma_wait3A_138 = tpu.memref_slice %arg6[%dma_wait3A_136, %dma_wait3A_137] : memref<640x32xf32, #tpu.memory_space<vmem>> -> memref<1x32xf32, #tpu.memory_space<vmem>>
        %dma_wait3A_139 = arith.constant 0 : i32
        %dma_wait3A_140 = arith.constant 0 : i32
        %dma_wait3A_141 = tpu.memref_slice %arg2[%dma_wait3A_139, %dma_wait3A_140] : memref<1000001x32xf32, #tpu.memory_space<hbm>> -> memref<1x32xf32, #tpu.memory_space<hbm>>
        tpu.wait_dma2 semaphore(%arg7 : memref<!tpu.dma_semaphore, #tpu.memory_space<semaphore_mem>>) src(%dma_wait3A_141 : memref<1x32xf32, #tpu.memory_space<hbm>>) dst(%dma_wait3A_138 : memref<1x32xf32, #tpu.memory_space<vmem>>)
        %dma_wait3A_142 = arith.constant 0 : i32
        %dma_wait3A_143 = arith.constant 0 : i32
        %dma_wait3A_144 = tpu.memref_slice %arg6[%dma_wait3A_142, %dma_wait3A_143] : memref<640x32xf32, #tpu.memory_space<vmem>> -> memref<1x32xf32, #tpu.memory_space<vmem>>
        %dma_wait3A_145 = arith.constant 0 : i32
        %dma_wait3A_146 = arith.constant 0 : i32
        %dma_wait3A_147 = tpu.memref_slice %arg2[%dma_wait3A_145, %dma_wait3A_146] : memref<1000001x32xf32, #tpu.memory_space<hbm>> -> memref<1x32xf32, #tpu.memory_space<hbm>>
        %dma_wait3A_148 = arith.constant 0 : i32
        %dma_wait3A_149 = arith.constant 0 : i32
        %dma_wait3A_150 = tpu.memref_slice %arg6[%dma_wait3A_148, %dma_wait3A_149] : memref<640x32xf32, #tpu.memory_space<vmem>> -> memref<1x32xf32, #tpu.memory_space<vmem>>
        %dma_wait3A_151 = arith.constant 0 : i32
        %dma_wait3A_152 = arith.constant 0 : i32
        %dma_wait3A_153 = tpu.memref_slice %arg2[%dma_wait3A_151, %dma_wait3A_152] : memref<1000001x32xf32, #tpu.memory_space<hbm>> -> memref<1x32xf32, #tpu.memory_space<hbm>>
        tpu.wait_dma2 semaphore(%arg7 : memref<!tpu.dma_semaphore, #tpu.memory_space<semaphore_mem>>) src(%dma_wait3A_153 : memref<1x32xf32, #tpu.memory_space<hbm>>) dst(%dma_wait3A_150 : memref<1x32xf32, #tpu.memory_space<vmem>>)
        %dma_wait3A_154 = arith.constant 0 : i32
        %dma_wait3A_155 = arith.constant 0 : i32
        %dma_wait3A_156 = tpu.memref_slice %arg6[%dma_wait3A_154, %dma_wait3A_155] : memref<640x32xf32, #tpu.memory_space<vmem>> -> memref<1x32xf32, #tpu.memory_space<vmem>>
        %dma_wait3A_157 = arith.constant 0 : i32
        %dma_wait3A_158 = arith.constant 0 : i32
        %dma_wait3A_159 = tpu.memref_slice %arg2[%dma_wait3A_157, %dma_wait3A_158] : memref<1000001x32xf32, #tpu.memory_space<hbm>> -> memref<1x32xf32, #tpu.memory_space<hbm>>
        %dma_wait3A_160 = arith.constant 0 : i32
        %dma_wait3A_161 = arith.constant 0 : i32
        %dma_wait3A_162 = tpu.memref_slice %arg6[%dma_wait3A_160, %dma_wait3A_161] : memref<640x32xf32, #tpu.memory_space<vmem>> -> memref<1x32xf32, #tpu.memory_space<vmem>>
        %dma_wait3A_163 = arith.constant 0 : i32
        %dma_wait3A_164 = arith.constant 0 : i32
        %dma_wait3A_165 = tpu.memref_slice %arg2[%dma_wait3A_163, %dma_wait3A_164] : memref<1000001x32xf32, #tpu.memory_space<hbm>> -> memref<1x32xf32, #tpu.memory_space<hbm>>
        tpu.wait_dma2 semaphore(%arg7 : memref<!tpu.dma_semaphore, #tpu.memory_space<semaphore_mem>>) src(%dma_wait3A_165 : memref<1x32xf32, #tpu.memory_space<hbm>>) dst(%dma_wait3A_162 : memref<1x32xf32, #tpu.memory_space<vmem>>)
        %dma_wait3A_166 = arith.constant 0 : i32
        %dma_wait3A_167 = arith.constant 0 : i32
        %dma_wait3A_168 = tpu.memref_slice %arg6[%dma_wait3A_166, %dma_wait3A_167] : memref<640x32xf32, #tpu.memory_space<vmem>> -> memref<1x32xf32, #tpu.memory_space<vmem>>
        %dma_wait3A_169 = arith.constant 0 : i32
        %dma_wait3A_170 = arith.constant 0 : i32
        %dma_wait3A_171 = tpu.memref_slice %arg2[%dma_wait3A_169, %dma_wait3A_170] : memref<1000001x32xf32, #tpu.memory_space<hbm>> -> memref<1x32xf32, #tpu.memory_space<hbm>>
        %dma_wait3A_172 = arith.constant 0 : i32
        %dma_wait3A_173 = arith.constant 0 : i32
        %dma_wait3A_174 = tpu.memref_slice %arg6[%dma_wait3A_172, %dma_wait3A_173] : memref<640x32xf32, #tpu.memory_space<vmem>> -> memref<1x32xf32, #tpu.memory_space<vmem>>
        %dma_wait3A_175 = arith.constant 0 : i32
        %dma_wait3A_176 = arith.constant 0 : i32
        %dma_wait3A_177 = tpu.memref_slice %arg2[%dma_wait3A_175, %dma_wait3A_176] : memref<1000001x32xf32, #tpu.memory_space<hbm>> -> memref<1x32xf32, #tpu.memory_space<hbm>>
        tpu.wait_dma2 semaphore(%arg7 : memref<!tpu.dma_semaphore, #tpu.memory_space<semaphore_mem>>) src(%dma_wait3A_177 : memref<1x32xf32, #tpu.memory_space<hbm>>) dst(%dma_wait3A_174 : memref<1x32xf32, #tpu.memory_space<vmem>>)
        %dma_wait3A_178 = arith.constant 0 : i32
        %dma_wait3A_179 = arith.constant 0 : i32
        %dma_wait3A_180 = tpu.memref_slice %arg6[%dma_wait3A_178, %dma_wait3A_179] : memref<640x32xf32, #tpu.memory_space<vmem>> -> memref<1x32xf32, #tpu.memory_space<vmem>>
        %dma_wait3A_181 = arith.constant 0 : i32
        %dma_wait3A_182 = arith.constant 0 : i32
        %dma_wait3A_183 = tpu.memref_slice %arg2[%dma_wait3A_181, %dma_wait3A_182] : memref<1000001x32xf32, #tpu.memory_space<hbm>> -> memref<1x32xf32, #tpu.memory_space<hbm>>
        %dma_wait3A_184 = arith.constant 0 : i32
        %dma_wait3A_185 = arith.constant 0 : i32
        %dma_wait3A_186 = tpu.memref_slice %arg6[%dma_wait3A_184, %dma_wait3A_185] : memref<640x32xf32, #tpu.memory_space<vmem>> -> memref<1x32xf32, #tpu.memory_space<vmem>>
        %dma_wait3A_187 = arith.constant 0 : i32
        %dma_wait3A_188 = arith.constant 0 : i32
        %dma_wait3A_189 = tpu.memref_slice %arg2[%dma_wait3A_187, %dma_wait3A_188] : memref<1000001x32xf32, #tpu.memory_space<hbm>> -> memref<1x32xf32, #tpu.memory_space<hbm>>
        tpu.wait_dma2 semaphore(%arg7 : memref<!tpu.dma_semaphore, #tpu.memory_space<semaphore_mem>>) src(%dma_wait3A_189 : memref<1x32xf32, #tpu.memory_space<hbm>>) dst(%dma_wait3A_186 : memref<1x32xf32, #tpu.memory_space<vmem>>)
        %dma_wait3A_190 = arith.constant 0 : i32
        %dma_wait3A_191 = arith.constant 0 : i32
        %dma_wait3A_192 = tpu.memref_slice %arg6[%dma_wait3A_190, %dma_wait3A_191] : memref<640x32xf32, #tpu.memory_space<vmem>> -> memref<1x32xf32, #tpu.memory_space<vmem>>
        %dma_wait3A_193 = arith.constant 0 : i32
        %dma_wait3A_194 = arith.constant 0 : i32
        %dma_wait3A_195 = tpu.memref_slice %arg2[%dma_wait3A_193, %dma_wait3A_194] : memref<1000001x32xf32, #tpu.memory_space<hbm>> -> memref<1x32xf32, #tpu.memory_space<hbm>>
        %dma_wait3A_196 = arith.constant 0 : i32
        %dma_wait3A_197 = arith.constant 0 : i32
        %dma_wait3A_198 = tpu.memref_slice %arg6[%dma_wait3A_196, %dma_wait3A_197] : memref<640x32xf32, #tpu.memory_space<vmem>> -> memref<1x32xf32, #tpu.memory_space<vmem>>
        %dma_wait3A_199 = arith.constant 0 : i32
        %dma_wait3A_200 = arith.constant 0 : i32
        %dma_wait3A_201 = tpu.memref_slice %arg2[%dma_wait3A_199, %dma_wait3A_200] : memref<1000001x32xf32, #tpu.memory_space<hbm>> -> memref<1x32xf32, #tpu.memory_space<hbm>>
        tpu.wait_dma2 semaphore(%arg7 : memref<!tpu.dma_semaphore, #tpu.memory_space<semaphore_mem>>) src(%dma_wait3A_201 : memref<1x32xf32, #tpu.memory_space<hbm>>) dst(%dma_wait3A_198 : memref<1x32xf32, #tpu.memory_space<vmem>>)
        %dma_wait3A_202 = arith.constant 0 : i32
        %dma_wait3A_203 = arith.constant 0 : i32
        %dma_wait3A_204 = tpu.memref_slice %arg6[%dma_wait3A_202, %dma_wait3A_203] : memref<640x32xf32, #tpu.memory_space<vmem>> -> memref<1x32xf32, #tpu.memory_space<vmem>>
        %dma_wait3A_205 = arith.constant 0 : i32
        %dma_wait3A_206 = arith.constant 0 : i32
        %dma_wait3A_207 = tpu.memref_slice %arg2[%dma_wait3A_205, %dma_wait3A_206] : memref<1000001x32xf32, #tpu.memory_space<hbm>> -> memref<1x32xf32, #tpu.memory_space<hbm>>
        %dma_wait3A_208 = arith.constant 0 : i32
        %dma_wait3A_209 = arith.constant 0 : i32
        %dma_wait3A_210 = tpu.memref_slice %arg6[%dma_wait3A_208, %dma_wait3A_209] : memref<640x32xf32, #tpu.memory_space<vmem>> -> memref<1x32xf32, #tpu.memory_space<vmem>>
        %dma_wait3A_211 = arith.constant 0 : i32
        %dma_wait3A_212 = arith.constant 0 : i32
        %dma_wait3A_213 = tpu.memref_slice %arg2[%dma_wait3A_211, %dma_wait3A_212] : memref<1000001x32xf32, #tpu.memory_space<hbm>> -> memref<1x32xf32, #tpu.memory_space<hbm>>
        tpu.wait_dma2 semaphore(%arg7 : memref<!tpu.dma_semaphore, #tpu.memory_space<semaphore_mem>>) src(%dma_wait3A_213 : memref<1x32xf32, #tpu.memory_space<hbm>>) dst(%dma_wait3A_210 : memref<1x32xf32, #tpu.memory_space<vmem>>)
        %dma_wait3A_214 = arith.constant 0 : i32
        %dma_wait3A_215 = arith.constant 0 : i32
        %dma_wait3A_216 = tpu.memref_slice %arg6[%dma_wait3A_214, %dma_wait3A_215] : memref<640x32xf32, #tpu.memory_space<vmem>> -> memref<1x32xf32, #tpu.memory_space<vmem>>
        %dma_wait3A_217 = arith.constant 0 : i32
        %dma_wait3A_218 = arith.constant 0 : i32
        %dma_wait3A_219 = tpu.memref_slice %arg2[%dma_wait3A_217, %dma_wait3A_218] : memref<1000001x32xf32, #tpu.memory_space<hbm>> -> memref<1x32xf32, #tpu.memory_space<hbm>>
        %dma_wait3A_220 = arith.constant 0 : i32
        %dma_wait3A_221 = arith.constant 0 : i32
        %dma_wait3A_222 = tpu.memref_slice %arg6[%dma_wait3A_220, %dma_wait3A_221] : memref<640x32xf32, #tpu.memory_space<vmem>> -> memref<1x32xf32, #tpu.memory_space<vmem>>
        %dma_wait3A_223 = arith.constant 0 : i32
        %dma_wait3A_224 = arith.constant 0 : i32
        %dma_wait3A_225 = tpu.memref_slice %arg2[%dma_wait3A_223, %dma_wait3A_224] : memref<1000001x32xf32, #tpu.memory_space<hbm>> -> memref<1x32xf32, #tpu.memory_space<hbm>>
        tpu.wait_dma2 semaphore(%arg7 : memref<!tpu.dma_semaphore, #tpu.memory_space<semaphore_mem>>) src(%dma_wait3A_225 : memref<1x32xf32, #tpu.memory_space<hbm>>) dst(%dma_wait3A_222 : memref<1x32xf32, #tpu.memory_space<vmem>>)
        %dma_wait3A_226 = arith.constant 0 : i32
        %dma_wait3A_227 = arith.constant 0 : i32
        %dma_wait3A_228 = tpu.memref_slice %arg6[%dma_wait3A_226, %dma_wait3A_227] : memref<640x32xf32, #tpu.memory_space<vmem>> -> memref<1x32xf32, #tpu.memory_space<vmem>>
        %dma_wait3A_229 = arith.constant 0 : i32
        %dma_wait3A_230 = arith.constant 0 : i32
        %dma_wait3A_231 = tpu.memref_slice %arg2[%dma_wait3A_229, %dma_wait3A_230] : memref<1000001x32xf32, #tpu.memory_space<hbm>> -> memref<1x32xf32, #tpu.memory_space<hbm>>
        %dma_wait3A_232 = arith.constant 0 : i32
        %dma_wait3A_233 = arith.constant 0 : i32
        %dma_wait3A_234 = tpu.memref_slice %arg6[%dma_wait3A_232, %dma_wait3A_233] : memref<640x32xf32, #tpu.memory_space<vmem>> -> memref<1x32xf32, #tpu.memory_space<vmem>>
        %dma_wait3A_235 = arith.constant 0 : i32
        %dma_wait3A_236 = arith.constant 0 : i32
        %dma_wait3A_237 = tpu.memref_slice %arg2[%dma_wait3A_235, %dma_wait3A_236] : memref<1000001x32xf32, #tpu.memory_space<hbm>> -> memref<1x32xf32, #tpu.memory_space<hbm>>
        tpu.wait_dma2 semaphore(%arg7 : memref<!tpu.dma_semaphore, #tpu.memory_space<semaphore_mem>>) src(%dma_wait3A_237 : memref<1x32xf32, #tpu.memory_space<hbm>>) dst(%dma_wait3A_234 : memref<1x32xf32, #tpu.memory_space<vmem>>)
        %dma_wait3A_238 = arith.constant 0 : i32
        %dma_wait3A_239 = arith.constant 0 : i32
        %dma_wait3A_240 = tpu.memref_slice %arg6[%dma_wait3A_238, %dma_wait3A_239] : memref<640x32xf32, #tpu.memory_space<vmem>> -> memref<1x32xf32, #tpu.memory_space<vmem>>
        %dma_wait3A_241 = arith.constant 0 : i32
        %dma_wait3A_242 = arith.constant 0 : i32
        %dma_wait3A_243 = tpu.memref_slice %arg2[%dma_wait3A_241, %dma_wait3A_242] : memref<1000001x32xf32, #tpu.memory_space<hbm>> -> memref<1x32xf32, #tpu.memory_space<hbm>>
        %dma_wait3A_244 = arith.constant 0 : i32
        %dma_wait3A_245 = arith.constant 0 : i32
        %dma_wait3A_246 = tpu.memref_slice %arg6[%dma_wait3A_244, %dma_wait3A_245] : memref<640x32xf32, #tpu.memory_space<vmem>> -> memref<1x32xf32, #tpu.memory_space<vmem>>
        %dma_wait3A_247 = arith.constant 0 : i32
        %dma_wait3A_248 = arith.constant 0 : i32
        %dma_wait3A_249 = tpu.memref_slice %arg2[%dma_wait3A_247, %dma_wait3A_248] : memref<1000001x32xf32, #tpu.memory_space<hbm>> -> memref<1x32xf32, #tpu.memory_space<hbm>>
        tpu.wait_dma2 semaphore(%arg7 : memref<!tpu.dma_semaphore, #tpu.memory_space<semaphore_mem>>) src(%dma_wait3A_249 : memref<1x32xf32, #tpu.memory_space<hbm>>) dst(%dma_wait3A_246 : memref<1x32xf32, #tpu.memory_space<vmem>>)
        %dma_wait3A_250 = arith.constant 0 : i32
        %dma_wait3A_251 = arith.constant 0 : i32
        %dma_wait3A_252 = tpu.memref_slice %arg6[%dma_wait3A_250, %dma_wait3A_251] : memref<640x32xf32, #tpu.memory_space<vmem>> -> memref<1x32xf32, #tpu.memory_space<vmem>>
        %dma_wait3A_253 = arith.constant 0 : i32
        %dma_wait3A_254 = arith.constant 0 : i32
        %dma_wait3A_255 = tpu.memref_slice %arg2[%dma_wait3A_253, %dma_wait3A_254] : memref<1000001x32xf32, #tpu.memory_space<hbm>> -> memref<1x32xf32, #tpu.memory_space<hbm>>
        %dma_wait3A_256 = arith.constant 0 : i32
        %dma_wait3A_257 = arith.constant 0 : i32
        %dma_wait3A_258 = tpu.memref_slice %arg6[%dma_wait3A_256, %dma_wait3A_257] : memref<640x32xf32, #tpu.memory_space<vmem>> -> memref<1x32xf32, #tpu.memory_space<vmem>>
        %dma_wait3A_259 = arith.constant 0 : i32
        %dma_wait3A_260 = arith.constant 0 : i32
        %dma_wait3A_261 = tpu.memref_slice %arg2[%dma_wait3A_259, %dma_wait3A_260] : memref<1000001x32xf32, #tpu.memory_space<hbm>> -> memref<1x32xf32, #tpu.memory_space<hbm>>
        tpu.wait_dma2 semaphore(%arg7 : memref<!tpu.dma_semaphore, #tpu.memory_space<semaphore_mem>>) src(%dma_wait3A_261 : memref<1x32xf32, #tpu.memory_space<hbm>>) dst(%dma_wait3A_258 : memref<1x32xf32, #tpu.memory_space<vmem>>)
        %dma_wait3A_262 = arith.constant 0 : i32
        %dma_wait3A_263 = arith.constant 0 : i32
        %dma_wait3A_264 = tpu.memref_slice %arg6[%dma_wait3A_262, %dma_wait3A_263] : memref<640x32xf32, #tpu.memory_space<vmem>> -> memref<1x32xf32, #tpu.memory_space<vmem>>
        %dma_wait3A_265 = arith.constant 0 : i32
        %dma_wait3A_266 = arith.constant 0 : i32
        %dma_wait3A_267 = tpu.memref_slice %arg2[%dma_wait3A_265, %dma_wait3A_266] : memref<1000001x32xf32, #tpu.memory_space<hbm>> -> memref<1x32xf32, #tpu.memory_space<hbm>>
        %dma_wait3A_268 = arith.constant 0 : i32
        %dma_wait3A_269 = arith.constant 0 : i32
        %dma_wait3A_270 = tpu.memref_slice %arg6[%dma_wait3A_268, %dma_wait3A_269] : memref<640x32xf32, #tpu.memory_space<vmem>> -> memref<1x32xf32, #tpu.memory_space<vmem>>
        %dma_wait3A_271 = arith.constant 0 : i32
        %dma_wait3A_272 = arith.constant 0 : i32
        %dma_wait3A_273 = tpu.memref_slice %arg2[%dma_wait3A_271, %dma_wait3A_272] : memref<1000001x32xf32, #tpu.memory_space<hbm>> -> memref<1x32xf32, #tpu.memory_space<hbm>>
        tpu.wait_dma2 semaphore(%arg7 : memref<!tpu.dma_semaphore, #tpu.memory_space<semaphore_mem>>) src(%dma_wait3A_273 : memref<1x32xf32, #tpu.memory_space<hbm>>) dst(%dma_wait3A_270 : memref<1x32xf32, #tpu.memory_space<vmem>>)
        %dma_wait3A_274 = arith.constant 0 : i32
        %dma_wait3A_275 = arith.constant 0 : i32
        %dma_wait3A_276 = tpu.memref_slice %arg6[%dma_wait3A_274, %dma_wait3A_275] : memref<640x32xf32, #tpu.memory_space<vmem>> -> memref<1x32xf32, #tpu.memory_space<vmem>>
        %dma_wait3A_277 = arith.constant 0 : i32
        %dma_wait3A_278 = arith.constant 0 : i32
        %dma_wait3A_279 = tpu.memref_slice %arg2[%dma_wait3A_277, %dma_wait3A_278] : memref<1000001x32xf32, #tpu.memory_space<hbm>> -> memref<1x32xf32, #tpu.memory_space<hbm>>
        %dma_wait3A_280 = arith.constant 0 : i32
        %dma_wait3A_281 = arith.constant 0 : i32
        %dma_wait3A_282 = tpu.memref_slice %arg6[%dma_wait3A_280, %dma_wait3A_281] : memref<640x32xf32, #tpu.memory_space<vmem>> -> memref<1x32xf32, #tpu.memory_space<vmem>>
        %dma_wait3A_283 = arith.constant 0 : i32
        %dma_wait3A_284 = arith.constant 0 : i32
        %dma_wait3A_285 = tpu.memref_slice %arg2[%dma_wait3A_283, %dma_wait3A_284] : memref<1000001x32xf32, #tpu.memory_space<hbm>> -> memref<1x32xf32, #tpu.memory_space<hbm>>
        tpu.wait_dma2 semaphore(%arg7 : memref<!tpu.dma_semaphore, #tpu.memory_space<semaphore_mem>>) src(%dma_wait3A_285 : memref<1x32xf32, #tpu.memory_space<hbm>>) dst(%dma_wait3A_282 : memref<1x32xf32, #tpu.memory_space<vmem>>)
        %dma_wait3A_286 = arith.constant 0 : i32
        %dma_wait3A_287 = arith.constant 0 : i32
        %dma_wait3A_288 = tpu.memref_slice %arg6[%dma_wait3A_286, %dma_wait3A_287] : memref<640x32xf32, #tpu.memory_space<vmem>> -> memref<1x32xf32, #tpu.memory_space<vmem>>
        %dma_wait3A_289 = arith.constant 0 : i32
        %dma_wait3A_290 = arith.constant 0 : i32
        %dma_wait3A_291 = tpu.memref_slice %arg2[%dma_wait3A_289, %dma_wait3A_290] : memref<1000001x32xf32, #tpu.memory_space<hbm>> -> memref<1x32xf32, #tpu.memory_space<hbm>>
        %dma_wait3A_292 = arith.constant 0 : i32
        %dma_wait3A_293 = arith.constant 0 : i32
        %dma_wait3A_294 = tpu.memref_slice %arg6[%dma_wait3A_292, %dma_wait3A_293] : memref<640x32xf32, #tpu.memory_space<vmem>> -> memref<1x32xf32, #tpu.memory_space<vmem>>
        %dma_wait3A_295 = arith.constant 0 : i32
        %dma_wait3A_296 = arith.constant 0 : i32
        %dma_wait3A_297 = tpu.memref_slice %arg2[%dma_wait3A_295, %dma_wait3A_296] : memref<1000001x32xf32, #tpu.memory_space<hbm>> -> memref<1x32xf32, #tpu.memory_space<hbm>>
        tpu.wait_dma2 semaphore(%arg7 : memref<!tpu.dma_semaphore, #tpu.memory_space<semaphore_mem>>) src(%dma_wait3A_297 : memref<1x32xf32, #tpu.memory_space<hbm>>) dst(%dma_wait3A_294 : memref<1x32xf32, #tpu.memory_space<vmem>>)
        %dma_wait3A_298 = arith.constant 0 : i32
        %dma_wait3A_299 = arith.constant 0 : i32
        %dma_wait3A_300 = tpu.memref_slice %arg6[%dma_wait3A_298, %dma_wait3A_299] : memref<640x32xf32, #tpu.memory_space<vmem>> -> memref<1x32xf32, #tpu.memory_space<vmem>>
        %dma_wait3A_301 = arith.constant 0 : i32
        %dma_wait3A_302 = arith.constant 0 : i32
        %dma_wait3A_303 = tpu.memref_slice %arg2[%dma_wait3A_301, %dma_wait3A_302] : memref<1000001x32xf32, #tpu.memory_space<hbm>> -> memref<1x32xf32, #tpu.memory_space<hbm>>
        %dma_wait3A_304 = arith.constant 0 : i32
        %dma_wait3A_305 = arith.constant 0 : i32
        %dma_wait3A_306 = tpu.memref_slice %arg6[%dma_wait3A_304, %dma_wait3A_305] : memref<640x32xf32, #tpu.memory_space<vmem>> -> memref<1x32xf32, #tpu.memory_space<vmem>>
        %dma_wait3A_307 = arith.constant 0 : i32
        %dma_wait3A_308 = arith.constant 0 : i32
        %dma_wait3A_309 = tpu.memref_slice %arg2[%dma_wait3A_307, %dma_wait3A_308] : memref<1000001x32xf32, #tpu.memory_space<hbm>> -> memref<1x32xf32, #tpu.memory_space<hbm>>
        tpu.wait_dma2 semaphore(%arg7 : memref<!tpu.dma_semaphore, #tpu.memory_space<semaphore_mem>>) src(%dma_wait3A_309 : memref<1x32xf32, #tpu.memory_space<hbm>>) dst(%dma_wait3A_306 : memref<1x32xf32, #tpu.memory_space<vmem>>)
        %dma_wait3A_310 = arith.constant 0 : i32
        %dma_wait3A_311 = arith.constant 0 : i32
        %dma_wait3A_312 = tpu.memref_slice %arg6[%dma_wait3A_310, %dma_wait3A_311] : memref<640x32xf32, #tpu.memory_space<vmem>> -> memref<1x32xf32, #tpu.memory_space<vmem>>
        %dma_wait3A_313 = arith.constant 0 : i32
        %dma_wait3A_314 = arith.constant 0 : i32
        %dma_wait3A_315 = tpu.memref_slice %arg2[%dma_wait3A_313, %dma_wait3A_314] : memref<1000001x32xf32, #tpu.memory_space<hbm>> -> memref<1x32xf32, #tpu.memory_space<hbm>>
        %dma_wait3A_316 = arith.constant 0 : i32
        %dma_wait3A_317 = arith.constant 0 : i32
        %dma_wait3A_318 = tpu.memref_slice %arg6[%dma_wait3A_316, %dma_wait3A_317] : memref<640x32xf32, #tpu.memory_space<vmem>> -> memref<1x32xf32, #tpu.memory_space<vmem>>
        %dma_wait3A_319 = arith.constant 0 : i32
        %dma_wait3A_320 = arith.constant 0 : i32
        %dma_wait3A_321 = tpu.memref_slice %arg2[%dma_wait3A_319, %dma_wait3A_320] : memref<1000001x32xf32, #tpu.memory_space<hbm>> -> memref<1x32xf32, #tpu.memory_space<hbm>>
        tpu.wait_dma2 semaphore(%arg7 : memref<!tpu.dma_semaphore, #tpu.memory_space<semaphore_mem>>) src(%dma_wait3A_321 : memref<1x32xf32, #tpu.memory_space<hbm>>) dst(%dma_wait3A_318 : memref<1x32xf32, #tpu.memory_space<vmem>>)
        %dma_wait3A_322 = arith.constant 0 : i32
        %dma_wait3A_323 = arith.constant 0 : i32
        %dma_wait3A_324 = tpu.memref_slice %arg6[%dma_wait3A_322, %dma_wait3A_323] : memref<640x32xf32, #tpu.memory_space<vmem>> -> memref<1x32xf32, #tpu.memory_space<vmem>>
        %dma_wait3A_325 = arith.constant 0 : i32
        %dma_wait3A_326 = arith.constant 0 : i32
        %dma_wait3A_327 = tpu.memref_slice %arg2[%dma_wait3A_325, %dma_wait3A_326] : memref<1000001x32xf32, #tpu.memory_space<hbm>> -> memref<1x32xf32, #tpu.memory_space<hbm>>
        %dma_wait3A_328 = arith.constant 0 : i32
        %dma_wait3A_329 = arith.constant 0 : i32
        %dma_wait3A_330 = tpu.memref_slice %arg6[%dma_wait3A_328, %dma_wait3A_329] : memref<640x32xf32, #tpu.memory_space<vmem>> -> memref<1x32xf32, #tpu.memory_space<vmem>>
        %dma_wait3A_331 = arith.constant 0 : i32
        %dma_wait3A_332 = arith.constant 0 : i32
        %dma_wait3A_333 = tpu.memref_slice %arg2[%dma_wait3A_331, %dma_wait3A_332] : memref<1000001x32xf32, #tpu.memory_space<hbm>> -> memref<1x32xf32, #tpu.memory_space<hbm>>
        tpu.wait_dma2 semaphore(%arg7 : memref<!tpu.dma_semaphore, #tpu.memory_space<semaphore_mem>>) src(%dma_wait3A_333 : memref<1x32xf32, #tpu.memory_space<hbm>>) dst(%dma_wait3A_330 : memref<1x32xf32, #tpu.memory_space<vmem>>)
        %dma_wait3A_334 = arith.constant 0 : i32
        %dma_wait3A_335 = arith.constant 0 : i32
        %dma_wait3A_336 = tpu.memref_slice %arg6[%dma_wait3A_334, %dma_wait3A_335] : memref<640x32xf32, #tpu.memory_space<vmem>> -> memref<1x32xf32, #tpu.memory_space<vmem>>
        %dma_wait3A_337 = arith.constant 0 : i32
        %dma_wait3A_338 = arith.constant 0 : i32
        %dma_wait3A_339 = tpu.memref_slice %arg2[%dma_wait3A_337, %dma_wait3A_338] : memref<1000001x32xf32, #tpu.memory_space<hbm>> -> memref<1x32xf32, #tpu.memory_space<hbm>>
        %dma_wait3A_340 = arith.constant 0 : i32
        %dma_wait3A_341 = arith.constant 0 : i32
        %dma_wait3A_342 = tpu.memref_slice %arg6[%dma_wait3A_340, %dma_wait3A_341] : memref<640x32xf32, #tpu.memory_space<vmem>> -> memref<1x32xf32, #tpu.memory_space<vmem>>
        %dma_wait3A_343 = arith.constant 0 : i32
        %dma_wait3A_344 = arith.constant 0 : i32
        %dma_wait3A_345 = tpu.memref_slice %arg2[%dma_wait3A_343, %dma_wait3A_344] : memref<1000001x32xf32, #tpu.memory_space<hbm>> -> memref<1x32xf32, #tpu.memory_space<hbm>>
        tpu.wait_dma2 semaphore(%arg7 : memref<!tpu.dma_semaphore, #tpu.memory_space<semaphore_mem>>) src(%dma_wait3A_345 : memref<1x32xf32, #tpu.memory_space<hbm>>) dst(%dma_wait3A_342 : memref<1x32xf32, #tpu.memory_space<vmem>>)
        %dma_wait3A_346 = arith.constant 0 : i32
        %dma_wait3A_347 = arith.constant 0 : i32
        %dma_wait3A_348 = tpu.memref_slice %arg6[%dma_wait3A_346, %dma_wait3A_347] : memref<640x32xf32, #tpu.memory_space<vmem>> -> memref<1x32xf32, #tpu.memory_space<vmem>>
        %dma_wait3A_349 = arith.constant 0 : i32
        %dma_wait3A_350 = arith.constant 0 : i32
        %dma_wait3A_351 = tpu.memref_slice %arg2[%dma_wait3A_349, %dma_wait3A_350] : memref<1000001x32xf32, #tpu.memory_space<hbm>> -> memref<1x32xf32, #tpu.memory_space<hbm>>
        %dma_wait3A_352 = arith.constant 0 : i32
        %dma_wait3A_353 = arith.constant 0 : i32
        %dma_wait3A_354 = tpu.memref_slice %arg6[%dma_wait3A_352, %dma_wait3A_353] : memref<640x32xf32, #tpu.memory_space<vmem>> -> memref<1x32xf32, #tpu.memory_space<vmem>>
        %dma_wait3A_355 = arith.constant 0 : i32
        %dma_wait3A_356 = arith.constant 0 : i32
        %dma_wait3A_357 = tpu.memref_slice %arg2[%dma_wait3A_355, %dma_wait3A_356] : memref<1000001x32xf32, #tpu.memory_space<hbm>> -> memref<1x32xf32, #tpu.memory_space<hbm>>
        tpu.wait_dma2 semaphore(%arg7 : memref<!tpu.dma_semaphore, #tpu.memory_space<semaphore_mem>>) src(%dma_wait3A_357 : memref<1x32xf32, #tpu.memory_space<hbm>>) dst(%dma_wait3A_354 : memref<1x32xf32, #tpu.memory_space<vmem>>)
        %dma_wait3A_358 = arith.constant 0 : i32
        %dma_wait3A_359 = arith.constant 0 : i32
        %dma_wait3A_360 = tpu.memref_slice %arg6[%dma_wait3A_358, %dma_wait3A_359] : memref<640x32xf32, #tpu.memory_space<vmem>> -> memref<1x32xf32, #tpu.memory_space<vmem>>
        %dma_wait3A_361 = arith.constant 0 : i32
        %dma_wait3A_362 = arith.constant 0 : i32
        %dma_wait3A_363 = tpu.memref_slice %arg2[%dma_wait3A_361, %dma_wait3A_362] : memref<1000001x32xf32, #tpu.memory_space<hbm>> -> memref<1x32xf32, #tpu.memory_space<hbm>>
        %dma_wait3A_364 = arith.constant 0 : i32
        %dma_wait3A_365 = arith.constant 0 : i32
        %dma_wait3A_366 = tpu.memref_slice %arg6[%dma_wait3A_364, %dma_wait3A_365] : memref<640x32xf32, #tpu.memory_space<vmem>> -> memref<1x32xf32, #tpu.memory_space<vmem>>
        %dma_wait3A_367 = arith.constant 0 : i32
        %dma_wait3A_368 = arith.constant 0 : i32
        %dma_wait3A_369 = tpu.memref_slice %arg2[%dma_wait3A_367, %dma_wait3A_368] : memref<1000001x32xf32, #tpu.memory_space<hbm>> -> memref<1x32xf32, #tpu.memory_space<hbm>>
        tpu.wait_dma2 semaphore(%arg7 : memref<!tpu.dma_semaphore, #tpu.memory_space<semaphore_mem>>) src(%dma_wait3A_369 : memref<1x32xf32, #tpu.memory_space<hbm>>) dst(%dma_wait3A_366 : memref<1x32xf32, #tpu.memory_space<vmem>>)
        %dma_wait3A_370 = arith.constant 0 : i32
        %dma_wait3A_371 = arith.constant 0 : i32
        %dma_wait3A_372 = tpu.memref_slice %arg6[%dma_wait3A_370, %dma_wait3A_371] : memref<640x32xf32, #tpu.memory_space<vmem>> -> memref<1x32xf32, #tpu.memory_space<vmem>>
        %dma_wait3A_373 = arith.constant 0 : i32
        %dma_wait3A_374 = arith.constant 0 : i32
        %dma_wait3A_375 = tpu.memref_slice %arg2[%dma_wait3A_373, %dma_wait3A_374] : memref<1000001x32xf32, #tpu.memory_space<hbm>> -> memref<1x32xf32, #tpu.memory_space<hbm>>
        %dma_wait3A_376 = arith.constant 0 : i32
        %dma_wait3A_377 = arith.constant 0 : i32
        %dma_wait3A_378 = tpu.memref_slice %arg6[%dma_wait3A_376, %dma_wait3A_377] : memref<640x32xf32, #tpu.memory_space<vmem>> -> memref<1x32xf32, #tpu.memory_space<vmem>>
        %dma_wait3A_379 = arith.constant 0 : i32
        %dma_wait3A_380 = arith.constant 0 : i32
        %dma_wait3A_381 = tpu.memref_slice %arg2[%dma_wait3A_379, %dma_wait3A_380] : memref<1000001x32xf32, #tpu.memory_space<hbm>> -> memref<1x32xf32, #tpu.memory_space<hbm>>
        tpu.wait_dma2 semaphore(%arg7 : memref<!tpu.dma_semaphore, #tpu.memory_space<semaphore_mem>>) src(%dma_wait3A_381 : memref<1x32xf32, #tpu.memory_space<hbm>>) dst(%dma_wait3A_378 : memref<1x32xf32, #tpu.memory_space<vmem>>)
        %dma_wait3A_382 = arith.constant 0 : i32
        %dma_wait3A_383 = arith.constant 0 : i32
        %dma_wait3A_384 = tpu.memref_slice %arg6[%dma_wait3A_382, %dma_wait3A_383] : memref<640x32xf32, #tpu.memory_space<vmem>> -> memref<1x32xf32, #tpu.memory_space<vmem>>
        %dma_wait3A_385 = arith.constant 0 : i32
        %dma_wait3A_386 = arith.constant 0 : i32
        %dma_wait3A_387 = tpu.memref_slice %arg2[%dma_wait3A_385, %dma_wait3A_386] : memref<1000001x32xf32, #tpu.memory_space<hbm>> -> memref<1x32xf32, #tpu.memory_space<hbm>>
        %dma_wait3A_388 = arith.constant 0 : i32
        %dma_wait3A_389 = arith.constant 0 : i32
        %dma_wait3A_390 = tpu.memref_slice %arg6[%dma_wait3A_388, %dma_wait3A_389] : memref<640x32xf32, #tpu.memory_space<vmem>> -> memref<1x32xf32, #tpu.memory_space<vmem>>
        %dma_wait3A_391 = arith.constant 0 : i32
        %dma_wait3A_392 = arith.constant 0 : i32
        %dma_wait3A_393 = tpu.memref_slice %arg2[%dma_wait3A_391, %dma_wait3A_392] : memref<1000001x32xf32, #tpu.memory_space<hbm>> -> memref<1x32xf32, #tpu.memory_space<hbm>>
        tpu.wait_dma2 semaphore(%arg7 : memref<!tpu.dma_semaphore, #tpu.memory_space<semaphore_mem>>) src(%dma_wait3A_393 : memref<1x32xf32, #tpu.memory_space<hbm>>) dst(%dma_wait3A_390 : memref<1x32xf32, #tpu.memory_space<vmem>>)
        %dma_wait3A_394 = arith.constant 0 : i32
        %dma_wait3A_395 = arith.constant 0 : i32
        %dma_wait3A_396 = tpu.memref_slice %arg6[%dma_wait3A_394, %dma_wait3A_395] : memref<640x32xf32, #tpu.memory_space<vmem>> -> memref<1x32xf32, #tpu.memory_space<vmem>>
        %dma_wait3A_397 = arith.constant 0 : i32
        %dma_wait3A_398 = arith.constant 0 : i32
        %dma_wait3A_399 = tpu.memref_slice %arg2[%dma_wait3A_397, %dma_wait3A_398] : memref<1000001x32xf32, #tpu.memory_space<hbm>> -> memref<1x32xf32, #tpu.memory_space<hbm>>
        %dma_wait3A_400 = arith.constant 0 : i32
        %dma_wait3A_401 = arith.constant 0 : i32
        %dma_wait3A_402 = tpu.memref_slice %arg6[%dma_wait3A_400, %dma_wait3A_401] : memref<640x32xf32, #tpu.memory_space<vmem>> -> memref<1x32xf32, #tpu.memory_space<vmem>>
        %dma_wait3A_403 = arith.constant 0 : i32
        %dma_wait3A_404 = arith.constant 0 : i32
        %dma_wait3A_405 = tpu.memref_slice %arg2[%dma_wait3A_403, %dma_wait3A_404] : memref<1000001x32xf32, #tpu.memory_space<hbm>> -> memref<1x32xf32, #tpu.memory_space<hbm>>
        tpu.wait_dma2 semaphore(%arg7 : memref<!tpu.dma_semaphore, #tpu.memory_space<semaphore_mem>>) src(%dma_wait3A_405 : memref<1x32xf32, #tpu.memory_space<hbm>>) dst(%dma_wait3A_402 : memref<1x32xf32, #tpu.memory_space<vmem>>)
        %dma_wait3A_406 = arith.constant 0 : i32
        %dma_wait3A_407 = arith.constant 0 : i32
        %dma_wait3A_408 = tpu.memref_slice %arg6[%dma_wait3A_406, %dma_wait3A_407] : memref<640x32xf32, #tpu.memory_space<vmem>> -> memref<1x32xf32, #tpu.memory_space<vmem>>
        %dma_wait3A_409 = arith.constant 0 : i32
        %dma_wait3A_410 = arith.constant 0 : i32
        %dma_wait3A_411 = tpu.memref_slice %arg2[%dma_wait3A_409, %dma_wait3A_410] : memref<1000001x32xf32, #tpu.memory_space<hbm>> -> memref<1x32xf32, #tpu.memory_space<hbm>>
        %dma_wait3A_412 = arith.constant 0 : i32
        %dma_wait3A_413 = arith.constant 0 : i32
        %dma_wait3A_414 = tpu.memref_slice %arg6[%dma_wait3A_412, %dma_wait3A_413] : memref<640x32xf32, #tpu.memory_space<vmem>> -> memref<1x32xf32, #tpu.memory_space<vmem>>
        %dma_wait3A_415 = arith.constant 0 : i32
        %dma_wait3A_416 = arith.constant 0 : i32
        %dma_wait3A_417 = tpu.memref_slice %arg2[%dma_wait3A_415, %dma_wait3A_416] : memref<1000001x32xf32, #tpu.memory_space<hbm>> -> memref<1x32xf32, #tpu.memory_space<hbm>>
        tpu.wait_dma2 semaphore(%arg7 : memref<!tpu.dma_semaphore, #tpu.memory_space<semaphore_mem>>) src(%dma_wait3A_417 : memref<1x32xf32, #tpu.memory_space<hbm>>) dst(%dma_wait3A_414 : memref<1x32xf32, #tpu.memory_space<vmem>>)
        %dma_wait3A_418 = arith.constant 0 : i32
        %dma_wait3A_419 = arith.constant 0 : i32
        %dma_wait3A_420 = tpu.memref_slice %arg6[%dma_wait3A_418, %dma_wait3A_419] : memref<640x32xf32, #tpu.memory_space<vmem>> -> memref<1x32xf32, #tpu.memory_space<vmem>>
        %dma_wait3A_421 = arith.constant 0 : i32
        %dma_wait3A_422 = arith.constant 0 : i32
        %dma_wait3A_423 = tpu.memref_slice %arg2[%dma_wait3A_421, %dma_wait3A_422] : memref<1000001x32xf32, #tpu.memory_space<hbm>> -> memref<1x32xf32, #tpu.memory_space<hbm>>
        %dma_wait3A_424 = arith.constant 0 : i32
        %dma_wait3A_425 = arith.constant 0 : i32
        %dma_wait3A_426 = tpu.memref_slice %arg6[%dma_wait3A_424, %dma_wait3A_425] : memref<640x32xf32, #tpu.memory_space<vmem>> -> memref<1x32xf32, #tpu.memory_space<vmem>>
        %dma_wait3A_427 = arith.constant 0 : i32
        %dma_wait3A_428 = arith.constant 0 : i32
        %dma_wait3A_429 = tpu.memref_slice %arg2[%dma_wait3A_427, %dma_wait3A_428] : memref<1000001x32xf32, #tpu.memory_space<hbm>> -> memref<1x32xf32, #tpu.memory_space<hbm>>
        tpu.wait_dma2 semaphore(%arg7 : memref<!tpu.dma_semaphore, #tpu.memory_space<semaphore_mem>>) src(%dma_wait3A_429 : memref<1x32xf32, #tpu.memory_space<hbm>>) dst(%dma_wait3A_426 : memref<1x32xf32, #tpu.memory_space<vmem>>)
      } else {
      }
      %scan3A_46 = arith.constant 0 : i32
      scf.yield %scan3A_46 : i32
    }
    %scan3A_35 = arith.constant 21 : i32
    %add3A_36 = arith.constant 1920 : i32
    %add3A_37 = arith.addi %mul3A_2, %add3A_36 : i32
    "tpu.region"() ({
      %run_scoped3A = tpu.sem_alloc : memref<!tpu.dma_semaphore, #tpu.memory_space<semaphore_mem>>
      %dma_start3A = arith.constant 0 : i32
      %dma_start3A_38 = tpu.memref_slice %arg4[%add3A_37, %dma_start3A] : memref<81920x32xf32, #tpu.memory_space<hbm>> -> memref<640x32xf32, #tpu.memory_space<hbm>>
      %dma_start3A_39 = arith.constant 0 : i32
      %dma_start3A_40 = tpu.memref_slice %arg4[%add3A_37, %dma_start3A_39] : memref<81920x32xf32, #tpu.memory_space<hbm>> -> memref<640x32xf32, #tpu.memory_space<hbm>>
      tpu.enqueue_dma source(%arg6 : memref<640x32xf32, #tpu.memory_space<vmem>>) target(%dma_start3A_40 : memref<640x32xf32, #tpu.memory_space<hbm>>) target_semaphore(%run_scoped3A : memref<!tpu.dma_semaphore, #tpu.memory_space<semaphore_mem>>)
      %dma_wait3A = arith.constant 0 : i32
      %dma_wait3A_41 = tpu.memref_slice %arg4[%add3A_37, %dma_wait3A] : memref<81920x32xf32, #tpu.memory_space<hbm>> -> memref<640x32xf32, #tpu.memory_space<hbm>>
      %dma_wait3A_42 = arith.constant 0 : i32
      %dma_wait3A_43 = tpu.memref_slice %arg4[%add3A_37, %dma_wait3A_42] : memref<81920x32xf32, #tpu.memory_space<hbm>> -> memref<640x32xf32, #tpu.memory_space<hbm>>
      tpu.wait_dma2 semaphore(%run_scoped3A : memref<!tpu.dma_semaphore, #tpu.memory_space<semaphore_mem>>) src(%arg6 : memref<640x32xf32, #tpu.memory_space<vmem>>) dst(%dma_wait3A_43 : memref<640x32xf32, #tpu.memory_space<hbm>>)
      tpu.yield
    }) : () -> ()
    return
  }
}

</mosaic_0001>

<sc_bundles>
// kernel: _sc_gather.3.cloned.1.call-start
scs
__scs_entry_jumppad:
0x0: {  	(pc) =	sbr.rel $0x88, $3  }
0x1: {  	(tag) =	ssettag $0x0;
	lr =	simm.s32 $0x1  }
0x2: {  	[smem:$0x3F9F] =	sst lr;
	_ =	strace $0xD0000000  }
0x3: {  	_ = 	snop  }
0x4: {  	_ = 	snop  }
0x5: {  	_ = 	snop  }
0x6: {  	_ = 	snop  }
0x7: {  	_ = 	snop  }
__scs_overlays_trampoline_lowered:
0x8: {  	[smem:$0x3FAE] =	sst s0  }
0x9: {  	[smem:$0x3FAF] =	sst s1  }
0xa: {  	[smem:$0x3FB0] =	sst s2  }
0xb: {  	[smem:$0x3FB1] =	sst s3  }
0xc: {  	[smem:$0x3FB2] =	sst s4  }
0xd: {  	[smem:$0x3FB3] =	sst s5  }
0xe: {  	[smem:$0x3FB4] =	sst s6  }
0xf: {  	[smem:$0x3FB5] =	sst s7  }
0x10: {  	[smem:$0x3FB6] =	sst s8  }
0x11: {  	[smem:$0x3FB7] =	sst s9;
	s0 =	simm.s32 @!p0 $0x0  }
0x12: {  	s1 =	sld [smem:$0x3F9D];
	s0 =	simm.s32 @p0 $0x1  }
0x13: {  	[smem:$0x3FB8] =	sst s0;
	s0 =	simm.s32 @!p1 $0x0  }
0x14: {  	s2 =	sld [smem:$0x3F9C];
	s0 =	simm.s32 @p1 $0x1  }
0x15: {  	[smem:$0x3FB9] =	sst s0;
	s0 =	simm.s32 @!p2 $0x0  }
0x16: {  	s3 =	sld [smem:$0x3FDB];
	s0 =	simm.s32 @p2 $0x1  }
0x17: {  	s4 =	simm.s32 $0x1BF5;
	[smem:$0x3FBB] =	sst s0  }
0x18: {  	s0 =	sld [smem:$0x3F9E];
	_ =	swait.ge [sflag:s4], $0x0  }
0x19: {  	s7 =	sld [smem:$0x3F9F]  }
0x1a: {  	s8 =	sadd.s32 $0xFFFFE003, lr  }
0x1b: {  	s9 =	sadd.s32 $0xFFFFFEF7, lr;
	s5 =	simm.s32 $0xFFFFFFFF;
	p2 =	slt.u32 s8, $0xFFFFF086  }
0x1c: {  	p1 =	slt.u32 s9, $0xF7A;
	s5 =	simm.s32 @!p2 $0x0  }
0x1d: {  	s5 =	simm.s32 @p1 $0x1;
	p0 =	seq.s32 s7, s2  }
0x1e: {  	s7 =	smul.u32 @!p0 $0xF7A, s2;
	p2 =	seq.s32 @!p0 s5, $0x0  }
0x1f: {  	s9 =	smul.u32 $0xF7A, s1;
	s8 =	simm.s32 @!p0 $0x1BF5;
	p2 =	por !p2, p0  }
0x20: {  	[sflag:s8] =	ssyncset.s32 @!p0 $0xFFFFF086;
	s6 =	sadd.s32 @!p0 s3, s7;
	s7 =	simm.s32 @!p0 $0x108  }
0x21: {  	s3 =	sadd.s32 s3, s9;
	s6 =	sadd.s32 @!p0 $0x88, s6;
	s7 =	simm.s32 @p2 $0x1082  }
0x22: {  	[simem:s7], [sflag:s8] =	dma.local @!p0 [hbm:s6], $0xF7A  }
0x23: {  	s9 =	sor.u32 $0xD0000000, s2;
	s6 =	simm.s32 $0x108;
	_ =	swait.ge @!p0 [sflag:s8], $0x0  }
0x24: {  	s3 =	sadd.s32 $0x88, s3;
	s6 =	simm.s32 @!p1 $0x1082;
	[sflag:s4] =	ssyncset.s32 $0xFFFFF086  }
0x25: {  	[simem:s6], [sflag:s4] =	dma.local [hbm:s3], $0xF7A  }
0x26: {  	[smem:$0x3F9F] =	sst s1;
	(tag) =	ssettag s2;
	_ =	strace s9  }
0x27: {  	s1 =	sld [smem:$0x3FAF]  }
0x28: {  	s2 =	sld [smem:$0x3FB0]  }
0x29: {  	s4 =	sld [smem:$0x3FB2]  }
0x2a: {  	p0 =	seq.s32 s5, $0x0;
	s5 =	sld [smem:$0x3FB3]  }
0x2b: {  	s6 =	sld [smem:$0x3FB4]  }
0x2c: {  	s7 =	sld [smem:$0x3FB5]  }
0x2d: {  	s3 =	simm.s32 $0x108;
	s8 =	sld [smem:$0x3FB6]  }
0x2e: {  	s3 =	simm.s32 @!p0 $0x1082;
	s9 =	sld [smem:$0x3FB7]  }
0x2f: {  	lr =	sadd.s32 s0, s3;
	s0 =	sld [smem:$0x3FAE]  }
0x30: {  	s3 =	sld [smem:$0x3FB1]  }
0x31: {  	[smem:$0x3FBA] =	sst s10  }
0x32: {  	s10 =	sld [smem:$0x3FB8];
	_ =	sdelay $0x3  }
0x33: {  	p0 =	seq.s32 s10, $0x1;
	s10 =	sld [smem:$0x3FBA];
	_ =	sdelay $0x3  }
0x34: {  	[smem:$0x3FBA] =	sst s10  }
0x35: {  	s10 =	sld [smem:$0x3FB9];
	_ =	sdelay $0x3  }
0x36: {  	p1 =	seq.s32 s10, $0x1;
	s10 =	sld [smem:$0x3FBA];
	_ =	sdelay $0x3  }
0x37: {  	[smem:$0x3FBA] =	sst s10  }
0x38: {  	s10 =	sld [smem:$0x3FBB]  }
0x39: {  	_ = 	snop;
	(pc) =	sbr.ind lr, $3  }
0x3a: {  	_ = 	snop  }
0x3b: {  	_ = 	snop  }
0x3c: {  	p2 =	seq.s32 s10, $0x1;
	s10 =	sld [smem:$0x3FBA]  }
0x3d: {  	_ =	shalt  }
0x3e: {  	_ =	shalt  }
0x3f: {  	_ =	shalt  }
0x40: {  	_ =	shalt  }
0x41: {  	_ =	shalt  }
0x42: {  	_ =	shalt  }
0x43: {  	_ =	shalt  }
0x44: {  	_ =	shalt  }
0x45: {  	_ =	shalt  }
0x46: {  	_ =	shalt  }
0x47: {  	_ =	shalt  }
0x48: {  	_ =	shalt  }
0x49: {  	_ =	shalt  }
0x4a: {  	_ =	shalt  }
0x4b: {  	_ =	shalt  }
0x4c: {  	_ =	shalt  }
0x4d: {  	_ =	shalt  }
0x4e: {  	_ =	shalt  }
0x4f: {  	_ =	shalt  }
0x50: {  	_ =	shalt  }
0x51: {  	_ =	shalt  }
0x52: {  	_ =	shalt  }
0x53: {  	_ =	shalt  }
0x54: {  	_ =	shalt  }
0x55: {  	_ =	shalt  }
0x56: {  	_ =	shalt  }
0x57: {  	_ =	shalt  }
0x58: {  	_ =	shalt  }
0x59: {  	_ =	shalt  }
0x5a: {  	_ =	shalt  }
0x5b: {  	_ =	shalt  }
0x5c: {  	_ =	shalt  }
0x5d: {  	_ =	shalt  }
0x5e: {  	_ =	shalt  }
0x5f: {  	_ =	shalt  }
0x60: {  	_ =	shalt  }
0x61: {  	_ =	shalt  }
0x62: {  	_ =	shalt  }
0x63: {  	_ =	shalt  }
0x64: {  	_ =	shalt  }
0x65: {  	_ =	shalt  }
0x66: {  	_ =	shalt  }
0x67: {  	_ =	shalt  }
0x68: {  	_ =	shalt  }
0x69: {  	_ =	shalt  }
0x6a: {  	_ =	shalt  }
0x6b: {  	_ =	shalt  }
0x6c: {  	_ =	shalt  }
0x6d: {  	_ =	shalt  }
0x6e: {  	_ =	shalt  }
0x6f: {  	_ =	shalt  }
0x70: {  	_ =	shalt  }
0x71: {  	_ =	shalt  }
0x72: {  	_ =	shalt  }
0x73: {  	_ =	shalt  }
0x74: {  	_ =	shalt  }
0x75: {  	_ =	shalt  }
0x76: {  	_ =	shalt  }
0x77: {  	_ =	shalt  }
0x78: {  	_ =	shalt  }
0x79: {  	_ =	shalt  }
0x7a: {  	_ =	shalt  }
0x7b: {  	_ =	shalt  }
0x7c: {  	_ =	shalt  }
0x7d: {  	_ =	shalt  }
0x7e: {  	_ =	shalt  }
0x7f: {  	_ =	shalt  }
0x80: {  	_ =	shalt  }
0x81: {  	_ =	shalt  }
0x82: {  	_ =	shalt  }
0x83: {  	_ =	shalt  }
0x84: {  	_ =	shalt  }
0x85: {  	_ =	shalt  }
0x86: {  	_ =	shalt  }
0x87: {  	_ =	shalt  }
.Lfunc_end0:
.L_simem_size_0:
called_computation_lowered:
.L_overlay_start_0:
0x88: {  	s2 =	sld [smem:$0x3FD9]  }
0x89: {  	s3 =	sld [smem:$0x3FFE];
	_ =	sdelay $0x1  }
0x8a: {  	s1 =	srdreg.scid  }
0x8b: {  	s0 =	sand.u32 $0x1, s1  }
0x8c: {  	s17 =	sshll.u32 s0, $0xA;
	s2 =	sadd.s32 s3, s2  }
0x8d: {  	s2 =	sadd.s32 s2, s17  }
0x8e: {  	[smem:$0x3FC6] =	sst s2  }
0x8f: {  	_ = 	snop  }
0x90: {  	s2 =	sld [smem:$0x3FC8];
	(tm) =	ssettm $0x1  }
0x91: {  	s18 =	sld [smem:$0x3FFB];
	_ =	sdelay $0x3  }
0x92: {  	_ =	strace s18  }
0x93: {  	s3 =	sld [smem:$0x3FFC];
	_ =	sdelay $0x3  }
0x94: {  	_ =	strace s3  }
0x95: {  	s3 =	sld [smem:$0x3FFD];
	_ =	sdelay $0x3  }
0x96: {  	_ =	strace s3  }
0x97: {  	_ =	strace $0x8FFFFFFF  }
0x98: {  	s19 =	sld [smem:$0x3FDB];
	_ =	sdelay $0x1  }
0x99: {  	s4 =	simm.s32 $_scs_section_size  }
0x9a: {  	s5 =	simm.s32 $_size__tile_overlayer_lowered;
	s6 =	simm.s32 $_tile_overlayer_lowered  }
0x9b: {  	s22 =	simm.s32 $0x1BFF;
	s21 =	sshll.u32 s6, $0x1;
	s3 =	sadd.s32 s4, s19  }
0x9c: {  	s7 =	simm.s32 $0x0;
	s20 =	sshll.u32 s5, $0x1;
	s5 =	sadd.s32 s21, s3  }
0x9d: {  	[timem:s7], [sflag:s22] =	dma.local [hbm:s5], s20  }
0x9e: {  	_ =	swait.ge [sflag:s22], s20  }
0x9f: {  	s4 =	ssub.s32 $0x0, s20;
	[sflag:s22] =	ssyncset.done $0x0  }
0xa0: {  	[sflag:s22] =	ssyncadd.s32 s4;
	_ =	sdelay $0x1  }
0xa1: {  	s23 =	simm.s32 $0x1B8B  }
0xa2: {  	_ =	swait.ge [sflag:s23], $0x1  }
0xa3: {  	[sflag:s23] =	ssyncset.done $0x0  }
0xa4: {  	s25 =	simm.s32 $0x1B8E;
	s24 =	sld [smem:$0x3FFE];
	[sflag:s23] =	ssyncadd.s32 $0xFFFFFFFF  }
0xa5: {  	s26 =	simm.s32 $execute0_lowered;
	[smem:$0x3FD2] =	sst s25  }
0xa6: {  	s5 =	sshll.u32 s26, $0x1;
	_ =	strace $0x80000046;
	[dreg:$0x1] =	wrdreg $0xFFFFFFFF  }
0xa7: {  	s28 =	simm.s32 $_size_execute0_lowered;
	s3 =	sadd.s32 s3, s5;
	[dreg:$0x0] =	wrdreg $0x0  }
0xa8: {  	s5 =	sshll.u32 s28, $0x1;
	[dreg:$0x2] =	wrdreg s3  }
0xa9: {  	[dreg:$0x3] =	wrdreg s5  }
0xaa: {  	[dreg:$0x4] =	wrdreg $0xC0  }
0xab: {  	_ =	task [dreg:s7], $0x5FFFF  }
0xac: {  	[dreg:$0x1] =	wrdreg $0xFFFFFFFF  }
0xad: {  	[dreg:$0x0] =	wrdreg $0x60  }
0xae: {  	[dreg:$0x2] =	wrdreg s24  }
0xaf: {  	[dreg:$0x3] =	wrdreg s2  }
0xb0: {  	[dreg:$0x4] =	wrdreg $0x9  }
0xb1: {  	_ =	task.clear_ibuf [dreg:s7], $0x5FFFF;
	_ =	strace $0x90000046  }
0xb2: {  	s29 =	simm.s32 $0x9;
	_ =	strace $0x80000048  }
0xb3: {  	_ =	swait.ge [sflag:s29], $0x1  }
0xb4: {  	[sflag:s29] =	ssyncadd.s32 $0xFFFFFFFF  }
0xb5: {  	_ =	strace $0x90000048  }
0xb6: {  	_ =	sfence  }
0xb7: {  	s30 =	sld [smem:$0x0];
	_ =	sdelay $0x2  }
0xb8: {  	s31 =	sshll.u32 s1, $0xD;
	s1 =	sshrl.u32 s1, $0x2  }
0xb9: {  	s3 =	sand.u32 $0x4000, s31;
	s1 =	sadd.s32 s1, s30  }
0xba: {  	s0 =	sor.u32 s3, s0;
	s1 =	sshll.u32 s1, $0x11  }
0xbb: {  	s0 =	sor.u32 s1, s0  }
0xbc: {  	s0 =	sadd.s32 $0x8F2B, s0  }
0xbd: {  	[sflag:s0] =	ssyncadd.remote.s32 $0x1  }
0xbe: {  	_ =	sfence.sel $0xFFFF  }
0xbf: {  	[dreg:$0x0] =	wrdreg $0xFFFFFFFF;
	(pc) =	sbr.abs _section_cstart, $3  }
0xc0: {  	[dreg:$0x1] =	wrdreg $0xFFFFFFFF  }
0xc1: {  	_ =	task.clear_ibuf [dreg:s7], $0x2FFFF;
	_ =	strace $0x9FFFFFFF  }
0xc2: {  	(tm) =	ssettm $0x7FFFFFFF  }
0xc3: {  	_ =	shalt  }
tec
execute0_lowered:
.L_overlay_start_1:
0x0: {  	(tag) =	ssettag $0x1  }
0x1: {  	s4 =	rddreg [dreg:$0x0]  }
0x2: {  	s3 =	srdreg.scid;
	s1 =	stileid.u32  }
0x3: {  	s5 =	rddreg [dreg:$0x1];
	s6 =	sand.u32 $0x1, s3;
	s29 =	sshll.u32 s1, $0x1  }
0x4: {  	s0 =	rddreg [dreg:$0x2];
	s7 =	sor.u32 s6, s29  }
0x5: {  	s2 =	simm.s32 $0x0;
	s11 =	simm.s32 $0x1;
	s8 =	smul.u32 $0x50000, s7  }
0x6: {  	s12 =	simm.s32 $0xA00;
	s13 =	simm.s32 $0x0;
	s31 =	smul.u32 $0x140, s7  }
0x7: {  	[smem:$0x7FF] =	sst s2;
	s30 =	ssub.s32 $0x2, s6;
	s7 =	smul.u32 $0xA000, s7  }
.Ltmp0:
0x8: {  	s3 =	sadd.s32 $0x400, s4;
	s10 =	sshrl.u32 s30, $0x1;
	(pc) =	sbr.rel .LBB2_1-.Ltmp0, $4  }
0x9: {  	s9 =	sadd.s32 $0xF42A00, s4;
	_ =	strace $0x80000047;
	s10 =	ssub.s32 s30, s10  }
0xa: {  	s8 =	sshrl.u32 s8, $0x3;
	s4 =	sadd.s32 s5, s31;
	s5 =	sadd.s32 s9, s7  }
0xb: {  	s8 =	sadd.s32 s9, s8;
	s9 =	smax.u32 s10, $0x1;
	s10 =	simm.s32 $0x2  }
0xc: {  	s6 =	sadd.s32 $0x2800, s8;
	s7 =	sadd.s32 $0x5000, s8;
	s8 =	sadd.s32 $0x7800, s8  }
.LBB2_21:
0xd: {  	s13 =	sadd.s32 $0x1, s13  }
0xe: {  	p0 =	sne.s32 s13, s9  }
.Ltmp1:
0xf: {  	_ = 	snop;
	(pc) =	sbr.rel @!p0 .LBB2_22-.Ltmp1, $4  }
0x10: {  	[hbm4b:s8+s2] =	stream.linear.scatter [tilespmem:s12], [sflag:$0x2], $0x14000, $0x38;
	[tilespmem:$0x14A00] =	vst v63  }
0x11: {  	_ =	swait.ge [sflag:s10], $0x14000  }
0x12: {  	[sflag:s10] =	ssyncset.done $0x0  }
0x13: {  	[sflag:s10] =	ssyncadd.s32 $0xFFFEC000  }
.LBB2_1:
.Ltmp2:
0x14: {  	(pc) =	sbr.rel .LBB2_2-.Ltmp2, $4  }
0x15: {  	[tilespmem:s2], [sflag:$0x2] =	stream.linear.gather [hbm4b:s4+s2], $0xA00, $0x38;
	[tilespmem:$0x14A00] =	vst v63  }
0x16: {  	_ =	swait.ge [sflag:s10], $0xA00  }
0x17: {  	[sflag:s10] =	ssyncset.done $0x0  }
0x18: {  	s14 =	simm.s32 $0x10;
	s15 =	simm.s32 $0x0;
	[sflag:s10] =	ssyncadd.s32 $0xFFFFF600  }
.LBB2_4:
0x19: {  	_ =	swait.ge [sflag:s11], $0x80  }
0x1a: {  	[sflag:s11] =	ssyncset.done $0x0  }
0x1b: {  	[sflag:s11] =	ssyncadd.s32 $0xFFFFFF80  }
0x1c: {  	_ =	swait.ge [sflag:s11], $0x80  }
0x1d: {  	[sflag:s11] =	ssyncset.done $0x0  }
0x1e: {  	[sflag:s11] =	ssyncadd.s32 $0xFFFFFF80  }
0x1f: {  	_ =	swait.ge [sflag:s11], $0x80  }
0x20: {  	[sflag:s11] =	ssyncset.done $0x0  }
0x21: {  	[sflag:s11] =	ssyncadd.s32 $0xFFFFFF80  }
0x22: {  	_ =	swait.ge [sflag:s11], $0x80  }
0x23: {  	[sflag:s11] =	ssyncset.done $0x0  }
0x24: {  	[sflag:s11] =	ssyncadd.s32 $0xFFFFFF80  }
0x25: {  	_ =	swait.ge [sflag:s11], $0x80  }
0x26: {  	[sflag:s11] =	ssyncset.done $0x0  }
0x27: {  	[sflag:s11] =	ssyncadd.s32 $0xFFFFFF80  }
0x28: {  	_ =	swait.ge [sflag:s11], $0x80  }
0x29: {  	[sflag:s11] =	ssyncset.done $0x0  }
0x2a: {  	[sflag:s11] =	ssyncadd.s32 $0xFFFFFF80  }
0x2b: {  	_ =	swait.ge [sflag:s11], $0x80  }
0x2c: {  	[sflag:s11] =	ssyncset.done $0x0  }
0x2d: {  	[sflag:s11] =	ssyncadd.s32 $0xFFFFFF80  }
0x2e: {  	_ =	swait.ge [sflag:s11], $0x80  }
0x2f: {  	[sflag:s11] =	ssyncset.done $0x0  }
0x30: {  	[sflag:s11] =	ssyncadd.s32 $0xFFFFFF80  }
0x31: {  	_ =	swait.ge [sflag:s11], $0x80  }
0x32: {  	[sflag:s11] =	ssyncset.done $0x0  }
0x33: {  	[sflag:s11] =	ssyncadd.s32 $0xFFFFFF80  }
0x34: {  	_ =	swait.ge [sflag:s11], $0x80  }
0x35: {  	[sflag:s11] =	ssyncset.done $0x0  }
0x36: {  	[sflag:s11] =	ssyncadd.s32 $0xFFFFFF80  }
0x37: {  	_ =	swait.ge [sflag:s11], $0x80  }
0x38: {  	[sflag:s11] =	ssyncset.done $0x0  }
0x39: {  	[sflag:s11] =	ssyncadd.s32 $0xFFFFFF80  }
0x3a: {  	_ =	swait.ge [sflag:s11], $0x80  }
0x3b: {  	[sflag:s11] =	ssyncset.done $0x0  }
0x3c: {  	[sflag:s11] =	ssyncadd.s32 $0xFFFFFF80  }
0x3d: {  	_ =	swait.ge [sflag:s11], $0x80  }
0x3e: {  	[sflag:s11] =	ssyncset.done $0x0  }
0x3f: {  	[sflag:s11] =	ssyncadd.s32 $0xFFFFFF80  }
0x40: {  	_ =	swait.ge [sflag:s11], $0x80  }
0x41: {  	[sflag:s11] =	ssyncset.done $0x0  }
0x42: {  	[sflag:s11] =	ssyncadd.s32 $0xFFFFFF80  }
0x43: {  	_ =	swait.ge [sflag:s11], $0x80  }
0x44: {  	[sflag:s11] =	ssyncset.done $0x0  }
0x45: {  	[sflag:s11] =	ssyncadd.s32 $0xFFFFFF80  }
0x46: {  	_ =	swait.ge [sflag:s11], $0x80  }
0x47: {  	[sflag:s11] =	ssyncset.done $0x0  }
0x48: {  	[sflag:s11] =	ssyncadd.s32 $0xFFFFFF80  }
0x49: {  	_ =	swait.ge [sflag:s11], $0x80  }
0x4a: {  	[sflag:s11] =	ssyncset.done $0x0  }
0x4b: {  	[sflag:s11] =	ssyncadd.s32 $0xFFFFFF80  }
0x4c: {  	_ =	swait.ge [sflag:s11], $0x80  }
0x4d: {  	[sflag:s11] =	ssyncset.done $0x0  }
0x4e: {  	[sflag:s11] =	ssyncadd.s32 $0xFFFFFF80  }
0x4f: {  	_ =	swait.ge [sflag:s11], $0x80  }
0x50: {  	[sflag:s11] =	ssyncset.done $0x0  }
0x51: {  	[sflag:s11] =	ssyncadd.s32 $0xFFFFFF80  }
0x52: {  	_ =	swait.ge [sflag:s11], $0x80  }
0x53: {  	[sflag:s11] =	ssyncset.done $0x0  }
0x54: {  	[sflag:s11] =	ssyncadd.s32 $0xFFFFFF80  }
0x55: {  	_ =	swait.ge [sflag:s11], $0x80  }
0x56: {  	[sflag:s11] =	ssyncset.done $0x0  }
0x57: {  	[sflag:s11] =	ssyncadd.s32 $0xFFFFFF80  }
0x58: {  	_ =	swait.ge [sflag:s11], $0x80  }
0x59: {  	[sflag:s11] =	ssyncset.done $0x0  }
0x5a: {  	[sflag:s11] =	ssyncadd.s32 $0xFFFFFF80  }
0x5b: {  	_ =	swait.ge [sflag:s11], $0x80  }
0x5c: {  	[sflag:s11] =	ssyncset.done $0x0  }
0x5d: {  	[sflag:s11] =	ssyncadd.s32 $0xFFFFFF80  }
0x5e: {  	_ =	swait.ge [sflag:s11], $0x80  }
0x5f: {  	[sflag:s11] =	ssyncset.done $0x0  }
0x60: {  	[sflag:s11] =	ssyncadd.s32 $0xFFFFFF80  }
0x61: {  	_ =	swait.ge [sflag:s11], $0x80  }
0x62: {  	[sflag:s11] =	ssyncset.done $0x0  }
0x63: {  	[sflag:s11] =	ssyncadd.s32 $0xFFFFFF80  }
0x64: {  	_ =	swait.ge [sflag:s11], $0x80  }
0x65: {  	[sflag:s11] =	ssyncset.done $0x0  }
0x66: {  	[sflag:s11] =	ssyncadd.s32 $0xFFFFFF80  }
0x67: {  	_ =	swait.ge [sflag:s11], $0x80  }
0x68: {  	[sflag:s11] =	ssyncset.done $0x0  }
0x69: {  	[sflag:s11] =	ssyncadd.s32 $0xFFFFFF80  }
0x6a: {  	_ =	swait.ge [sflag:s11], $0x80  }
0x6b: {  	[sflag:s11] =	ssyncset.done $0x0  }
0x6c: {  	[sflag:s11] =	ssyncadd.s32 $0xFFFFFF80  }
0x6d: {  	_ =	swait.ge [sflag:s11], $0x80  }
0x6e: {  	[sflag:s11] =	ssyncset.done $0x0  }
0x6f: {  	[sflag:s11] =	ssyncadd.s32 $0xFFFFFF80  }
0x70: {  	_ =	swait.ge [sflag:s11], $0x80  }
0x71: {  	[sflag:s11] =	ssyncset.done $0x0  }
0x72: {  	[sflag:s11] =	ssyncadd.s32 $0xFFFFFF80  }
0x73: {  	_ =	swait.ge [sflag:s11], $0x80  }
0x74: {  	[sflag:s11] =	ssyncset.done $0x0  }
0x75: {  	[sflag:s11] =	ssyncadd.s32 $0xFFFFFF80  }
0x76: {  	_ =	swait.ge [sflag:s11], $0x80  }
0x77: {  	[sflag:s11] =	ssyncset.done $0x0  }
0x78: {  	[sflag:s11] =	ssyncadd.s32 $0xFFFFFF80  }
.LBB2_5:
0x79: {  	s15 =	sadd.s32 $0x4000, s15  }
0x7a: {  	p0 =	sne.s32 s15, $0x54000  }
.Ltmp3:
0x7b: {  	_ = 	snop;
	(pc) =	sbr.rel @!p0 .LBB2_6-.Ltmp3, $2  }
0x7c: {  	_ =	sdelay $0x2  }
0x7d: {  	s14 =	sadd.s32 $0x20, s14  }
.LBB2_2:
0x7e: {  	p0 =	seq.s32 s15, $0x50000  }
.Ltmp4:
0x7f: {  	_ = 	snop;
	(pc) =	sbr.rel @p0 .LBB2_4-.Ltmp4, $1  }
0x80: {  	_ =	sdelay $0x3  }
0x81: {  	v0 =	vld [tilespmem:s14+$0xFFFFFFF0];
	_ =	sdelay $0x4  }
0x82: {  	v0 =	vshll.u32 v0, $0x4  }
0x83: {  	(v2sf) =	vpush v0, $0x0;
	_ =	sdelay $0x1  }
0x84: {  	(v2sf) =	vpush v0, $0x1;
	_ =	sdelay $0x1  }
0x85: {  	(v2sf) =	vpush v0, $0x2;
	_ =	sdelay $0x4  }
0x86: {  	(v2sf) =	vpush v0, $0x3;
	_ =	sdelay $0x5  }
0x87: {  	s17 =	spop (v2sf);
	(v2sf) =	vpush v0, $0x4;
	_ =	sdelay $0x1  }
0x88: {  	s19 =	spop (v2sf);
	(v2sf) =	vpush v0, $0x5;
	_ =	sdelay $0x1  }
0x89: {  	s21 =	spop (v2sf);
	(v2sf) =	vpush v0, $0x6;
	_ =	sdelay $0x4  }
0x8a: {  	s23 =	spop (v2sf);
	(v2sf) =	vpush v0, $0x7;
	_ =	sdelay $0x2  }
0x8b: {  	s16 =	sshra.s32 s15, $0x2;
	s17 =	sand.u32 $0x1FFFFFF0, s17  }
0x8c: {  	s18 =	sadd.s32 $0xA00, s16;
	s17 =	sadd.s32 s3, s17  }
0x8d: {  	v1 =	vld [tilespmem:s14+$0x0];
	[tilespmem:s18], [sflag:$0x1] =	stream.linear.gather [hbm4b:s17+s2], $0x80, $0x38  }
0x8e: {  	s25 =	spop (v2sf);
	(v2sf) =	vpush v0, $0x8  }
0x8f: {  	s17 =	sand.u32 $0x1FFFFFF0, s19  }
0x90: {  	s20 =	sadd.s32 $0xA80, s16;
	s17 =	sadd.s32 s3, s17;
	s28 =	spop (v2sf);
	(v2sf) =	vpush v0, $0x9  }
0x91: {  	[tilespmem:s20], [sflag:$0x1] =	stream.linear.gather [hbm4b:s17+s2], $0x80, $0x38;
	[tilespmem:$0x14A00] =	vst v63  }
0x92: {  	s30 =	spop (v2sf);
	(v2sf) =	vpush v0, $0xA  }
0x93: {  	s17 =	sand.u32 $0x1FFFFFF0, s21  }
0x94: {  	s22 =	sadd.s32 $0xB00, s16;
	s17 =	sadd.s32 s3, s17  }
0x95: {  	[tilespmem:s22], [sflag:$0x1] =	stream.linear.gather [hbm4b:s17+s2], $0x80, $0x38;
	[tilespmem:$0x14A00] =	vst v63  }
0x96: {  	s17 =	sand.u32 $0x1FFFFFF0, s23  }
0x97: {  	s24 =	sadd.s32 $0xB80, s16;
	s17 =	sadd.s32 s3, s17;
	s19 =	spop (v2sf);
	(v2sf) =	vpush v0, $0xB  }
0x98: {  	[tilespmem:s24], [sflag:$0x1] =	stream.linear.gather [hbm4b:s17+s2], $0x80, $0x38;
	[tilespmem:$0x14A00] =	vst v63  }
0x99: {  	s17 =	sand.u32 $0x1FFFFFF0, s25  }
0x9a: {  	s26 =	sadd.s32 $0xC00, s16;
	s17 =	sadd.s32 s3, s17  }
0x9b: {  	[tilespmem:s26], [sflag:$0x1] =	stream.linear.gather [hbm4b:s17+s2], $0x80, $0x38;
	[tilespmem:$0x14A00] =	vst v63  }
0x9c: {  	s17 =	sand.u32 $0x1FFFFFF0, s28  }
0x9d: {  	s29 =	sadd.s32 $0xC80, s16;
	s17 =	sadd.s32 s3, s17;
	s21 =	spop (v2sf);
	(v2sf) =	vpush v0, $0xC  }
0x9e: {  	[tilespmem:s29], [sflag:$0x1] =	stream.linear.gather [hbm4b:s17+s2], $0x80, $0x38;
	[tilespmem:$0x14A00] =	vst v63  }
0x9f: {  	s23 =	spop (v2sf);
	(v2sf) =	vpush v0, $0xD  }
0xa0: {  	s17 =	sand.u32 $0x1FFFFFF0, s30  }
0xa1: {  	s31 =	sadd.s32 $0xD00, s16;
	s17 =	sadd.s32 s3, s17;
	s25 =	spop (v2sf);
	(v2sf) =	vpush v0, $0xE  }
0xa2: {  	[tilespmem:s31], [sflag:$0x1] =	stream.linear.gather [hbm4b:s17+s2], $0x80, $0x38;
	[tilespmem:$0x14A00] =	vst v63  }
0xa3: {  	s17 =	sand.u32 $0x1FFFFFF0, s19  }
0xa4: {  	s20 =	sadd.s32 $0xD80, s16;
	s17 =	sadd.s32 s3, s17  }
0xa5: {  	[tilespmem:s20], [sflag:$0x1] =	stream.linear.gather [hbm4b:s17+s2], $0x80, $0x38;
	[tilespmem:$0x14A00] =	vst v63  }
0xa6: {  	s17 =	sand.u32 $0x1FFFFFF0, s21;
	s28 =	spop (v2sf);
	(v2sf) =	vpush v0, $0xF  }
0xa7: {  	s22 =	sadd.s32 $0xE00, s16;
	s17 =	sadd.s32 s3, s17  }
0xa8: {  	[tilespmem:s22], [sflag:$0x1] =	stream.linear.gather [hbm4b:s17+s2], $0x80, $0x38;
	[tilespmem:$0x14A00] =	vst v63  }
0xa9: {  	s17 =	sand.u32 $0x1FFFFFF0, s23  }
0xaa: {  	s24 =	sadd.s32 $0xE80, s16;
	s17 =	sadd.s32 s3, s17  }
0xab: {  	v63 =	vshll.u32 v1, $0x4;
	[tilespmem:s24], [sflag:$0x1] =	stream.linear.gather [hbm4b:s17+s2], $0x80, $0x38;
	[tilespmem:$0x14A00] =	vst v63  }
0xac: {  	s30 =	spop (v2sf);
	(v2sf) =	vpush v63, $0x0  }
0xad: {  	s17 =	sand.u32 $0x1FFFFFF0, s25  }
0xae: {  	s26 =	sadd.s32 $0xF00, s16;
	s17 =	sadd.s32 s3, s17;
	s19 =	spop (v2sf);
	(v2sf) =	vpush v63, $0x1  }
0xaf: {  	[tilespmem:s26], [sflag:$0x1] =	stream.linear.gather [hbm4b:s17+s2], $0x80, $0x38;
	[tilespmem:$0x14A00] =	vst v63  }
0xb0: {  	s21 =	spop (v2sf);
	(v2sf) =	vpush v63, $0x2  }
0xb1: {  	s17 =	sand.u32 $0x1FFFFFF0, s28  }
0xb2: {  	s29 =	sadd.s32 $0xF80, s16;
	s17 =	sadd.s32 s3, s17  }
0xb3: {  	[tilespmem:s29], [sflag:$0x1] =	stream.linear.gather [hbm4b:s17+s2], $0x80, $0x38;
	[tilespmem:$0x14A00] =	vst v63  }
0xb4: {  	s17 =	sand.u32 $0x1FFFFFF0, s30  }
0xb5: {  	s31 =	sadd.s32 $0x1000, s16;
	s17 =	sadd.s32 s3, s17;
	s23 =	spop (v2sf);
	(v2sf) =	vpush v63, $0x3  }
0xb6: {  	[tilespmem:s31], [sflag:$0x1] =	stream.linear.gather [hbm4b:s17+s2], $0x80, $0x38;
	[tilespmem:$0x14A00] =	vst v63  }
0xb7: {  	s17 =	sand.u32 $0x1FFFFFF0, s19  }
0xb8: {  	s20 =	sadd.s32 $0x1080, s16;
	s17 =	sadd.s32 s3, s17  }
0xb9: {  	[tilespmem:s20], [sflag:$0x1] =	stream.linear.gather [hbm4b:s17+s2], $0x80, $0x38;
	[tilespmem:$0x14A00] =	vst v63  }
0xba: {  	s17 =	sand.u32 $0x1FFFFFF0, s21  }
0xbb: {  	s22 =	sadd.s32 $0x1100, s16;
	s17 =	sadd.s32 s3, s17;
	s25 =	spop (v2sf);
	(v2sf) =	vpush v63, $0x4  }
0xbc: {  	[tilespmem:s22], [sflag:$0x1] =	stream.linear.gather [hbm4b:s17+s2], $0x80, $0x38;
	[tilespmem:$0x14A00] =	vst v63  }
0xbd: {  	s28 =	spop (v2sf);
	(v2sf) =	vpush v63, $0x5  }
0xbe: {  	s17 =	sand.u32 $0x1FFFFFF0, s23  }
0xbf: {  	s24 =	sadd.s32 $0x1180, s16;
	s17 =	sadd.s32 s3, s17;
	s30 =	spop (v2sf);
	(v2sf) =	vpush v63, $0x6  }
0xc0: {  	[tilespmem:s24], [sflag:$0x1] =	stream.linear.gather [hbm4b:s17+s2], $0x80, $0x38;
	[tilespmem:$0x14A00] =	vst v63  }
0xc1: {  	s17 =	sand.u32 $0x1FFFFFF0, s25  }
0xc2: {  	s26 =	sadd.s32 $0x1200, s16;
	s17 =	sadd.s32 s3, s17  }
0xc3: {  	[tilespmem:s26], [sflag:$0x1] =	stream.linear.gather [hbm4b:s17+s2], $0x80, $0x38;
	[tilespmem:$0x14A00] =	vst v63  }
0xc4: {  	s17 =	sand.u32 $0x1FFFFFF0, s28;
	s19 =	spop (v2sf);
	(v2sf) =	vpush v63, $0x7  }
0xc5: {  	s29 =	sadd.s32 $0x1280, s16;
	s17 =	sadd.s32 s3, s17  }
0xc6: {  	[tilespmem:s29], [sflag:$0x1] =	stream.linear.gather [hbm4b:s17+s2], $0x80, $0x38;
	[tilespmem:$0x14A00] =	vst v63  }
0xc7: {  	s17 =	sand.u32 $0x1FFFFFF0, s30  }
0xc8: {  	s31 =	sadd.s32 $0x1300, s16;
	s17 =	sadd.s32 s3, s17  }
0xc9: {  	[tilespmem:s31], [sflag:$0x1] =	stream.linear.gather [hbm4b:s17+s2], $0x80, $0x38;
	[tilespmem:$0x14A00] =	vst v63  }
0xca: {  	s21 =	spop (v2sf);
	(v2sf) =	vpush v63, $0x8  }
0xcb: {  	s17 =	sand.u32 $0x1FFFFFF0, s19  }
0xcc: {  	s20 =	sadd.s32 $0x1380, s16;
	s17 =	sadd.s32 s3, s17;
	s23 =	spop (v2sf);
	(v2sf) =	vpush v63, $0x9  }
0xcd: {  	[tilespmem:s20], [sflag:$0x1] =	stream.linear.gather [hbm4b:s17+s2], $0x80, $0x38;
	[tilespmem:$0x14A00] =	vst v63  }
0xce: {  	s25 =	spop (v2sf);
	(v2sf) =	vpush v63, $0xA  }
0xcf: {  	s17 =	sand.u32 $0x1FFFFFF0, s21  }
0xd0: {  	s22 =	sadd.s32 $0x1400, s16;
	s17 =	sadd.s32 s3, s17  }
0xd1: {  	[tilespmem:s22], [sflag:$0x1] =	stream.linear.gather [hbm4b:s17+s2], $0x80, $0x38;
	[tilespmem:$0x14A00] =	vst v63  }
0xd2: {  	s17 =	sand.u32 $0x1FFFFFF0, s23  }
0xd3: {  	s24 =	sadd.s32 $0x1480, s16;
	s28 =	spop (v2sf);
	s17 =	sadd.s32 s3, s17  }
0xd4: {  	(v2sf) =	vpush v63, $0xB;
	[tilespmem:s24], [sflag:$0x1] =	stream.linear.gather [hbm4b:s17+s2], $0x80, $0x38;
	[tilespmem:$0x14A00] =	vst v63  }
0xd5: {  	s17 =	sand.u32 $0x1FFFFFF0, s25  }
0xd6: {  	s26 =	sadd.s32 $0x1500, s16;
	s17 =	sadd.s32 s3, s17  }
0xd7: {  	[tilespmem:s26], [sflag:$0x1] =	stream.linear.gather [hbm4b:s17+s2], $0x80, $0x38;
	[tilespmem:$0x14A00] =	vst v63  }
0xd8: {  	s17 =	sand.u32 $0x1FFFFFF0, s28  }
0xd9: {  	s29 =	sadd.s32 $0x1580, s16;
	s17 =	sadd.s32 s3, s17;
	s30 =	spop (v2sf);
	(v2sf) =	vpush v63, $0xC  }
0xda: {  	[tilespmem:s29], [sflag:$0x1] =	stream.linear.gather [hbm4b:s17+s2], $0x80, $0x38;
	[tilespmem:$0x14A00] =	vst v63  }
0xdb: {  	s18 =	spop (v2sf);
	(v2sf) =	vpush v63, $0xD  }
0xdc: {  	s17 =	sand.u32 $0x1FFFFFF0, s30  }
0xdd: {  	s31 =	sadd.s32 $0x1600, s16;
	s17 =	sadd.s32 s3, s17;
	s20 =	spop (v2sf)  }
0xde: {  	(v2sf) =	vpush v63, $0xE;
	[tilespmem:s31], [sflag:$0x1] =	stream.linear.gather [hbm4b:s17+s2], $0x80, $0x38;
	[tilespmem:$0x14A00] =	vst v63  }
0xdf: {  	s17 =	sand.u32 $0x1FFFFFF0, s18  }
0xe0: {  	s19 =	sadd.s32 $0x1680, s16;
	s17 =	sadd.s32 s3, s17  }
0xe1: {  	[tilespmem:s19], [sflag:$0x1] =	stream.linear.gather [hbm4b:s17+s2], $0x80, $0x38;
	[tilespmem:$0x14A00] =	vst v63  }
0xe2: {  	s17 =	sand.u32 $0x1FFFFFF0, s20  }
0xe3: {  	s21 =	sadd.s32 $0x1700, s16;
	s22 =	spop (v2sf);
	s17 =	sadd.s32 s3, s17  }
0xe4: {  	(v2sf) =	vpush v63, $0xF;
	[tilespmem:s21], [sflag:$0x1] =	stream.linear.gather [hbm4b:s17+s2], $0x80, $0x38;
	[tilespmem:$0x14A00] =	vst v63  }
0xe5: {  	s17 =	sand.u32 $0x1FFFFFF0, s22  }
0xe6: {  	s23 =	sadd.s32 $0x1780, s16;
	s17 =	sadd.s32 s3, s17  }
0xe7: {  	[tilespmem:s23], [sflag:$0x1] =	stream.linear.gather [hbm4b:s17+s2], $0x80, $0x38;
	[tilespmem:$0x14A00] =	vst v63  }
0xe8: {  	s24 =	spop (v2sf)  }
0xe9: {  	s17 =	sand.u32 $0x1FFFFFF0, s24  }
0xea: {  	s25 =	sadd.s32 $0x1800, s16;
	s26 =	spop (v2sf);
	s17 =	sadd.s32 s3, s17  }
0xeb: {  	[tilespmem:s25], [sflag:$0x1] =	stream.linear.gather [hbm4b:s17+s2], $0x80, $0x38;
	[tilespmem:$0x14A00] =	vst v63  }
0xec: {  	s17 =	sand.u32 $0x1FFFFFF0, s26  }
0xed: {  	s28 =	sadd.s32 $0x1880, s16;
	s29 =	spop (v2sf);
	s17 =	sadd.s32 s3, s17  }
0xee: {  	[tilespmem:s28], [sflag:$0x1] =	stream.linear.gather [hbm4b:s17+s2], $0x80, $0x38;
	[tilespmem:$0x14A00] =	vst v63  }
0xef: {  	s17 =	sand.u32 $0x1FFFFFF0, s29  }
0xf0: {  	p0 =	seq.s32 s15, $0x0;
	s30 =	sadd.s32 $0x1900, s16;
	s17 =	sadd.s32 s3, s17  }
0xf1: {  	[tilespmem:s30], [sflag:$0x1] =	stream.linear.gather [hbm4b:s17+s2], $0x80, $0x38;
	[tilespmem:$0x14A00] =	vst v63  }
.Ltmp5:
0xf2: {  	_ = 	snop;
	(pc) =	sbr.rel @!p0 .LBB2_4-.Ltmp5, $4  }
.Ltmp6:
0xf3: {  	s31 =	spop (v2sf);
	(pc) =	sbr.rel @p0 .LBB2_5-.Ltmp6, $4  }
0xf4: {  	s17 =	sand.u32 $0x1FFFFFF0, s31  }
0xf5: {  	s16 =	sadd.s32 $0x1980, s16;
	s17 =	sadd.s32 s3, s17  }
0xf6: {  	[tilespmem:s16], [sflag:$0x1] =	stream.linear.gather [hbm4b:s17+s2], $0x80, $0x38;
	[tilespmem:$0x14A00] =	vst v63  }
0xf7: {  	_ = 	snop  }
.LBB2_6:
.Ltmp7:
0xf8: {  	s14 =	simm.s32 $0x0;
	(pc) =	sbr.rel .LBB2_7-.Ltmp7, $4  }
0xf9: {  	[hbm4b:s5+s14] =	stream.linear.scatter [tilespmem:s12], [sflag:$0x2], $0x14000, $0x38;
	[tilespmem:$0x14A00] =	vst v63  }
0xfa: {  	_ =	swait.ge [sflag:s10], $0x14000  }
0xfb: {  	[sflag:s10] =	ssyncset.done $0x0  }
0xfc: {  	s15 =	simm.s32 $0x290;
	s16 =	simm.s32 $0x0;
	[sflag:s10] =	ssyncadd.s32 $0xFFFEC000  }
.LBB2_9:
0xfd: {  	_ =	swait.ge [sflag:s11], $0x80  }
0xfe: {  	[sflag:s11] =	ssyncset.done $0x0  }
0xff: {  	[sflag:s11] =	ssyncadd.s32 $0xFFFFFF80  }
0x100: {  	_ =	swait.ge [sflag:s11], $0x80  }
0x101: {  	[sflag:s11] =	ssyncset.done $0x0  }
0x102: {  	[sflag:s11] =	ssyncadd.s32 $0xFFFFFF80  }
0x103: {  	_ =	swait.ge [sflag:s11], $0x80  }
0x104: {  	[sflag:s11] =	ssyncset.done $0x0  }
0x105: {  	[sflag:s11] =	ssyncadd.s32 $0xFFFFFF80  }
0x106: {  	_ =	swait.ge [sflag:s11], $0x80  }
0x107: {  	[sflag:s11] =	ssyncset.done $0x0  }
0x108: {  	[sflag:s11] =	ssyncadd.s32 $0xFFFFFF80  }
0x109: {  	_ =	swait.ge [sflag:s11], $0x80  }
0x10a: {  	[sflag:s11] =	ssyncset.done $0x0  }
0x10b: {  	[sflag:s11] =	ssyncadd.s32 $0xFFFFFF80  }
0x10c: {  	_ =	swait.ge [sflag:s11], $0x80  }
0x10d: {  	[sflag:s11] =	ssyncset.done $0x0  }
0x10e: {  	[sflag:s11] =	ssyncadd.s32 $0xFFFFFF80  }
0x10f: {  	_ =	swait.ge [sflag:s11], $0x80  }
0x110: {  	[sflag:s11] =	ssyncset.done $0x0  }
0x111: {  	[sflag:s11] =	ssyncadd.s32 $0xFFFFFF80  }
0x112: {  	_ =	swait.ge [sflag:s11], $0x80  }
0x113: {  	[sflag:s11] =	ssyncset.done $0x0  }
0x114: {  	[sflag:s11] =	ssyncadd.s32 $0xFFFFFF80  }
0x115: {  	_ =	swait.ge [sflag:s11], $0x80  }
0x116: {  	[sflag:s11] =	ssyncset.done $0x0  }
0x117: {  	[sflag:s11] =	ssyncadd.s32 $0xFFFFFF80  }
0x118: {  	_ =	swait.ge [sflag:s11], $0x80  }
0x119: {  	[sflag:s11] =	ssyncset.done $0x0  }
0x11a: {  	[sflag:s11] =	ssyncadd.s32 $0xFFFFFF80  }
0x11b: {  	_ =	swait.ge [sflag:s11], $0x80  }
0x11c: {  	[sflag:s11] =	ssyncset.done $0x0  }
0x11d: {  	[sflag:s11] =	ssyncadd.s32 $0xFFFFFF80  }
0x11e: {  	_ =	swait.ge [sflag:s11], $0x80  }
0x11f: {  	[sflag:s11] =	ssyncset.done $0x0  }
0x120: {  	[sflag:s11] =	ssyncadd.s32 $0xFFFFFF80  }
0x121: {  	_ =	swait.ge [sflag:s11], $0x80  }
0x122: {  	[sflag:s11] =	ssyncset.done $0x0  }
0x123: {  	[sflag:s11] =	ssyncadd.s32 $0xFFFFFF80  }
0x124: {  	_ =	swait.ge [sflag:s11], $0x80  }
0x125: {  	[sflag:s11] =	ssyncset.done $0x0  }
0x126: {  	[sflag:s11] =	ssyncadd.s32 $0xFFFFFF80  }
0x127: {  	_ =	swait.ge [sflag:s11], $0x80  }
0x128: {  	[sflag:s11] =	ssyncset.done $0x0  }
0x129: {  	[sflag:s11] =	ssyncadd.s32 $0xFFFFFF80  }
0x12a: {  	_ =	swait.ge [sflag:s11], $0x80  }
0x12b: {  	[sflag:s11] =	ssyncset.done $0x0  }
0x12c: {  	[sflag:s11] =	ssyncadd.s32 $0xFFFFFF80  }
0x12d: {  	_ =	swait.ge [sflag:s11], $0x80  }
0x12e: {  	[sflag:s11] =	ssyncset.done $0x0  }
0x12f: {  	[sflag:s11] =	ssyncadd.s32 $0xFFFFFF80  }
0x130: {  	_ =	swait.ge [sflag:s11], $0x80  }
0x131: {  	[sflag:s11] =	ssyncset.done $0x0  }
0x132: {  	[sflag:s11] =	ssyncadd.s32 $0xFFFFFF80  }
0x133: {  	_ =	swait.ge [sflag:s11], $0x80  }
0x134: {  	[sflag:s11] =	ssyncset.done $0x0  }
0x135: {  	[sflag:s11] =	ssyncadd.s32 $0xFFFFFF80  }
0x136: {  	_ =	swait.ge [sflag:s11], $0x80  }
0x137: {  	[sflag:s11] =	ssyncset.done $0x0  }
0x138: {  	[sflag:s11] =	ssyncadd.s32 $0xFFFFFF80  }
0x139: {  	_ =	swait.ge [sflag:s11], $0x80  }
0x13a: {  	[sflag:s11] =	ssyncset.done $0x0  }
0x13b: {  	[sflag:s11] =	ssyncadd.s32 $0xFFFFFF80  }
0x13c: {  	_ =	swait.ge [sflag:s11], $0x80  }
0x13d: {  	[sflag:s11] =	ssyncset.done $0x0  }
0x13e: {  	[sflag:s11] =	ssyncadd.s32 $0xFFFFFF80  }
0x13f: {  	_ =	swait.ge [sflag:s11], $0x80  }
0x140: {  	[sflag:s11] =	ssyncset.done $0x0  }
0x141: {  	[sflag:s11] =	ssyncadd.s32 $0xFFFFFF80  }
0x142: {  	_ =	swait.ge [sflag:s11], $0x80  }
0x143: {  	[sflag:s11] =	ssyncset.done $0x0  }
0x144: {  	[sflag:s11] =	ssyncadd.s32 $0xFFFFFF80  }
0x145: {  	_ =	swait.ge [sflag:s11], $0x80  }
0x146: {  	[sflag:s11] =	ssyncset.done $0x0  }
0x147: {  	[sflag:s11] =	ssyncadd.s32 $0xFFFFFF80  }
0x148: {  	_ =	swait.ge [sflag:s11], $0x80  }
0x149: {  	[sflag:s11] =	ssyncset.done $0x0  }
0x14a: {  	[sflag:s11] =	ssyncadd.s32 $0xFFFFFF80  }
0x14b: {  	_ =	swait.ge [sflag:s11], $0x80  }
0x14c: {  	[sflag:s11] =	ssyncset.done $0x0  }
0x14d: {  	[sflag:s11] =	ssyncadd.s32 $0xFFFFFF80  }
0x14e: {  	_ =	swait.ge [sflag:s11], $0x80  }
0x14f: {  	[sflag:s11] =	ssyncset.done $0x0  }
0x150: {  	[sflag:s11] =	ssyncadd.s32 $0xFFFFFF80  }
0x151: {  	_ =	swait.ge [sflag:s11], $0x80  }
0x152: {  	[sflag:s11] =	ssyncset.done $0x0  }
0x153: {  	[sflag:s11] =	ssyncadd.s32 $0xFFFFFF80  }
0x154: {  	_ =	swait.ge [sflag:s11], $0x80  }
0x155: {  	[sflag:s11] =	ssyncset.done $0x0  }
0x156: {  	[sflag:s11] =	ssyncadd.s32 $0xFFFFFF80  }
0x157: {  	_ =	swait.ge [sflag:s11], $0x80  }
0x158: {  	[sflag:s11] =	ssyncset.done $0x0  }
0x159: {  	[sflag:s11] =	ssyncadd.s32 $0xFFFFFF80  }
0x15a: {  	_ =	swait.ge [sflag:s11], $0x80  }
0x15b: {  	[sflag:s11] =	ssyncset.done $0x0  }
0x15c: {  	[sflag:s11] =	ssyncadd.s32 $0xFFFFFF80  }
.LBB2_10:
0x15d: {  	s14 =	sadd.s32 $0x4000, s14  }
0x15e: {  	p0 =	sne.s32 s14, $0x54000  }
.Ltmp8:
0x15f: {  	_ = 	snop;
	(pc) =	sbr.rel @!p0 .LBB2_11-.Ltmp8, $2  }
0x160: {  	_ =	sdelay $0x2  }
0x161: {  	s15 =	sadd.s32 $0x20, s15;
	s16 =	sadd.s32 $0x20, s16  }
.LBB2_7:
0x162: {  	p0 =	seq.s32 s14, $0x50000  }
.Ltmp9:
0x163: {  	_ = 	snop;
	(pc) =	sbr.rel @p0 .LBB2_9-.Ltmp9, $1  }
0x164: {  	_ =	sdelay $0x3  }
0x165: {  	s17 =	sand.u32 $0x3E0, s16  }
0x166: {  	v0 =	vld [tilespmem:s17+$0x280];
	_ =	sdelay $0x4  }
0x167: {  	v0 =	vshll.u32 v0, $0x4  }
0x168: {  	(v2sf) =	vpush v0, $0x0;
	_ =	sdelay $0x1  }
0x169: {  	(v2sf) =	vpush v0, $0x1;
	_ =	sdelay $0x2  }
0x16a: {  	(v2sf) =	vpush v0, $0x2;
	_ =	sdelay $0x3  }
0x16b: {  	(v2sf) =	vpush v0, $0x3;
	_ =	sdelay $0x5  }
0x16c: {  	s18 =	spop (v2sf);
	(v2sf) =	vpush v0, $0x4;
	_ =	sdelay $0x1  }
0x16d: {  	s17 =	sshra.s32 s14, $0x2;
	s18 =	sand.u32 $0x1FFFFFF0, s18;
	s30 =	spop (v2sf);
	(v2sf) =	vpush v0, $0x5  }
0x16e: {  	s19 =	sadd.s32 $0xA00, s17;
	s18 =	sadd.s32 s3, s18  }
0x16f: {  	v1 =	vld [tilespmem:s15+$0x0];
	[tilespmem:s19], [sflag:$0x1] =	stream.linear.gather [hbm4b:s18+s2], $0x80, $0x38  }
0x170: {  	s19 =	spop (v2sf);
	(v2sf) =	vpush v0, $0x6;
	_ =	sdelay $0x3  }
0x171: {  	s21 =	spop (v2sf);
	(v2sf) =	vpush v0, $0x7;
	_ =	sdelay $0x5  }
0x172: {  	s23 =	spop (v2sf);
	(v2sf) =	vpush v0, $0x8;
	_ =	sdelay $0x1  }
0x173: {  	s25 =	spop (v2sf);
	(v2sf) =	vpush v0, $0x9;
	_ =	sdelay $0x2  }
0x174: {  	s28 =	spop (v2sf);
	(v2sf) =	vpush v0, $0xA;
	_ =	sdelay $0x2  }
0x175: {  	s18 =	sand.u32 $0x1FFFFFF0, s30  }
0x176: {  	s31 =	sadd.s32 $0xA80, s17;
	s18 =	sadd.s32 s3, s18;
	s30 =	spop (v2sf);
	(v2sf) =	vpush v0, $0xB  }
0x177: {  	[tilespmem:s31], [sflag:$0x1] =	stream.linear.gather [hbm4b:s18+s2], $0x80, $0x38;
	[tilespmem:$0x14A00] =	vst v63  }
0x178: {  	s18 =	sand.u32 $0x1FFFFFF0, s19  }
0x179: {  	s20 =	sadd.s32 $0xB00, s17;
	s18 =	sadd.s32 s3, s18  }
0x17a: {  	[tilespmem:s20], [sflag:$0x1] =	stream.linear.gather [hbm4b:s18+s2], $0x80, $0x38;
	[tilespmem:$0x14A00] =	vst v63  }
0x17b: {  	s18 =	sand.u32 $0x1FFFFFF0, s21  }
0x17c: {  	s22 =	sadd.s32 $0xB80, s17;
	s18 =	sadd.s32 s3, s18;
	s19 =	spop (v2sf);
	(v2sf) =	vpush v0, $0xC  }
0x17d: {  	[tilespmem:s22], [sflag:$0x1] =	stream.linear.gather [hbm4b:s18+s2], $0x80, $0x38;
	[tilespmem:$0x14A00] =	vst v63  }
0x17e: {  	s18 =	sand.u32 $0x1FFFFFF0, s23;
	s21 =	spop (v2sf);
	(v2sf) =	vpush v0, $0xD  }
0x17f: {  	s24 =	sadd.s32 $0xC00, s17;
	s18 =	sadd.s32 s3, s18  }
0x180: {  	[tilespmem:s24], [sflag:$0x1] =	stream.linear.gather [hbm4b:s18+s2], $0x80, $0x38;
	[tilespmem:$0x14A00] =	vst v63  }
0x181: {  	s18 =	sand.u32 $0x1FFFFFF0, s25;
	s23 =	spop (v2sf);
	(v2sf) =	vpush v0, $0xE  }
0x182: {  	s26 =	sadd.s32 $0xC80, s17;
	s18 =	sadd.s32 s3, s18  }
0x183: {  	[tilespmem:s26], [sflag:$0x1] =	stream.linear.gather [hbm4b:s18+s2], $0x80, $0x38;
	[tilespmem:$0x14A00] =	vst v63  }
0x184: {  	s18 =	sand.u32 $0x1FFFFFF0, s28  }
0x185: {  	s29 =	sadd.s32 $0xD00, s17;
	s18 =	sadd.s32 s3, s18;
	s25 =	spop (v2sf);
	(v2sf) =	vpush v0, $0xF  }
0x186: {  	[tilespmem:s29], [sflag:$0x1] =	stream.linear.gather [hbm4b:s18+s2], $0x80, $0x38;
	[tilespmem:$0x14A00] =	vst v63  }
0x187: {  	s18 =	sand.u32 $0x1FFFFFF0, s30  }
0x188: {  	s31 =	sadd.s32 $0xD80, s17;
	s18 =	sadd.s32 s3, s18  }
0x189: {  	[tilespmem:s31], [sflag:$0x1] =	stream.linear.gather [hbm4b:s18+s2], $0x80, $0x38;
	[tilespmem:$0x14A00] =	vst v63  }
0x18a: {  	v63 =	vshll.u32 v1, $0x4;
	s18 =	sand.u32 $0x1FFFFFF0, s19  }
0x18b: {  	s20 =	sadd.s32 $0xE00, s17;
	s18 =	sadd.s32 s3, s18;
	s28 =	spop (v2sf);
	(v2sf) =	vpush v63, $0x0  }
0x18c: {  	[tilespmem:s20], [sflag:$0x1] =	stream.linear.gather [hbm4b:s18+s2], $0x80, $0x38;
	[tilespmem:$0x14A00] =	vst v63  }
0x18d: {  	s18 =	sand.u32 $0x1FFFFFF0, s21;
	s30 =	spop (v2sf);
	(v2sf) =	vpush v63, $0x1  }
0x18e: {  	s22 =	sadd.s32 $0xE80, s17;
	s18 =	sadd.s32 s3, s18  }
0x18f: {  	[tilespmem:s22], [sflag:$0x1] =	stream.linear.gather [hbm4b:s18+s2], $0x80, $0x38;
	[tilespmem:$0x14A00] =	vst v63  }
0x190: {  	s18 =	sand.u32 $0x1FFFFFF0, s23;
	s19 =	spop (v2sf);
	(v2sf) =	vpush v63, $0x2  }
0x191: {  	s24 =	sadd.s32 $0xF00, s17;
	s18 =	sadd.s32 s3, s18  }
0x192: {  	[tilespmem:s24], [sflag:$0x1] =	stream.linear.gather [hbm4b:s18+s2], $0x80, $0x38;
	[tilespmem:$0x14A00] =	vst v63  }
0x193: {  	s18 =	sand.u32 $0x1FFFFFF0, s25  }
0x194: {  	s26 =	sadd.s32 $0xF80, s17;
	s18 =	sadd.s32 s3, s18;
	s21 =	spop (v2sf);
	(v2sf) =	vpush v63, $0x3  }
0x195: {  	[tilespmem:s26], [sflag:$0x1] =	stream.linear.gather [hbm4b:s18+s2], $0x80, $0x38;
	[tilespmem:$0x14A00] =	vst v63  }
0x196: {  	s18 =	sand.u32 $0x1FFFFFF0, s28  }
0x197: {  	s29 =	sadd.s32 $0x1000, s17;
	s18 =	sadd.s32 s3, s18  }
0x198: {  	[tilespmem:s29], [sflag:$0x1] =	stream.linear.gather [hbm4b:s18+s2], $0x80, $0x38;
	[tilespmem:$0x14A00] =	vst v63  }
0x199: {  	s18 =	sand.u32 $0x1FFFFFF0, s30  }
0x19a: {  	s31 =	sadd.s32 $0x1080, s17;
	s18 =	sadd.s32 s3, s18;
	s23 =	spop (v2sf);
	(v2sf) =	vpush v63, $0x4  }
0x19b: {  	[tilespmem:s31], [sflag:$0x1] =	stream.linear.gather [hbm4b:s18+s2], $0x80, $0x38;
	[tilespmem:$0x14A00] =	vst v63  }
0x19c: {  	s18 =	sand.u32 $0x1FFFFFF0, s19;
	s25 =	spop (v2sf);
	(v2sf) =	vpush v63, $0x5  }
0x19d: {  	s20 =	sadd.s32 $0x1100, s17;
	s18 =	sadd.s32 s3, s18  }
0x19e: {  	[tilespmem:s20], [sflag:$0x1] =	stream.linear.gather [hbm4b:s18+s2], $0x80, $0x38;
	[tilespmem:$0x14A00] =	vst v63  }
0x19f: {  	s18 =	sand.u32 $0x1FFFFFF0, s21;
	s28 =	spop (v2sf);
	(v2sf) =	vpush v63, $0x6  }
0x1a0: {  	s22 =	sadd.s32 $0x1180, s17;
	s18 =	sadd.s32 s3, s18  }
0x1a1: {  	[tilespmem:s22], [sflag:$0x1] =	stream.linear.gather [hbm4b:s18+s2], $0x80, $0x38;
	[tilespmem:$0x14A00] =	vst v63  }
0x1a2: {  	s18 =	sand.u32 $0x1FFFFFF0, s23  }
0x1a3: {  	s24 =	sadd.s32 $0x1200, s17;
	s18 =	sadd.s32 s3, s18;
	s30 =	spop (v2sf);
	(v2sf) =	vpush v63, $0x7  }
0x1a4: {  	[tilespmem:s24], [sflag:$0x1] =	stream.linear.gather [hbm4b:s18+s2], $0x80, $0x38;
	[tilespmem:$0x14A00] =	vst v63  }
0x1a5: {  	s18 =	sand.u32 $0x1FFFFFF0, s25  }
0x1a6: {  	s26 =	sadd.s32 $0x1280, s17;
	s18 =	sadd.s32 s3, s18  }
0x1a7: {  	[tilespmem:s26], [sflag:$0x1] =	stream.linear.gather [hbm4b:s18+s2], $0x80, $0x38;
	[tilespmem:$0x14A00] =	vst v63  }
0x1a8: {  	s18 =	sand.u32 $0x1FFFFFF0, s28  }
0x1a9: {  	s29 =	sadd.s32 $0x1300, s17;
	s18 =	sadd.s32 s3, s18;
	s19 =	spop (v2sf);
	(v2sf) =	vpush v63, $0x8  }
0x1aa: {  	[tilespmem:s29], [sflag:$0x1] =	stream.linear.gather [hbm4b:s18+s2], $0x80, $0x38;
	[tilespmem:$0x14A00] =	vst v63  }
0x1ab: {  	s18 =	sand.u32 $0x1FFFFFF0, s30;
	s21 =	spop (v2sf);
	(v2sf) =	vpush v63, $0x9  }
0x1ac: {  	s31 =	sadd.s32 $0x1380, s17;
	s18 =	sadd.s32 s3, s18  }
0x1ad: {  	[tilespmem:s31], [sflag:$0x1] =	stream.linear.gather [hbm4b:s18+s2], $0x80, $0x38;
	[tilespmem:$0x14A00] =	vst v63  }
0x1ae: {  	s18 =	sand.u32 $0x1FFFFFF0, s19;
	s23 =	spop (v2sf);
	(v2sf) =	vpush v63, $0xA  }
0x1af: {  	s20 =	sadd.s32 $0x1400, s17;
	s18 =	sadd.s32 s3, s18  }
0x1b0: {  	[tilespmem:s20], [sflag:$0x1] =	stream.linear.gather [hbm4b:s18+s2], $0x80, $0x38;
	[tilespmem:$0x14A00] =	vst v63  }
0x1b1: {  	s18 =	sand.u32 $0x1FFFFFF0, s21  }
0x1b2: {  	s22 =	sadd.s32 $0x1480, s17;
	s18 =	sadd.s32 s3, s18;
	s25 =	spop (v2sf)  }
0x1b3: {  	(v2sf) =	vpush v63, $0xB;
	[tilespmem:s22], [sflag:$0x1] =	stream.linear.gather [hbm4b:s18+s2], $0x80, $0x38;
	[tilespmem:$0x14A00] =	vst v63  }
0x1b4: {  	s18 =	sand.u32 $0x1FFFFFF0, s23  }
0x1b5: {  	s24 =	sadd.s32 $0x1500, s17;
	s18 =	sadd.s32 s3, s18  }
0x1b6: {  	[tilespmem:s24], [sflag:$0x1] =	stream.linear.gather [hbm4b:s18+s2], $0x80, $0x38;
	[tilespmem:$0x14A00] =	vst v63  }
0x1b7: {  	s18 =	sand.u32 $0x1FFFFFF0, s25  }
0x1b8: {  	s26 =	sadd.s32 $0x1580, s17;
	s18 =	sadd.s32 s3, s18;
	s28 =	spop (v2sf);
	(v2sf) =	vpush v63, $0xC  }
0x1b9: {  	[tilespmem:s26], [sflag:$0x1] =	stream.linear.gather [hbm4b:s18+s2], $0x80, $0x38;
	[tilespmem:$0x14A00] =	vst v63  }
0x1ba: {  	s18 =	sand.u32 $0x1FFFFFF0, s28;
	s30 =	spop (v2sf);
	(v2sf) =	vpush v63, $0xD  }
0x1bb: {  	s29 =	sadd.s32 $0x1600, s17;
	s18 =	sadd.s32 s3, s18  }
0x1bc: {  	[tilespmem:s29], [sflag:$0x1] =	stream.linear.gather [hbm4b:s18+s2], $0x80, $0x38;
	[tilespmem:$0x14A00] =	vst v63  }
0x1bd: {  	s20 =	spop (v2sf);
	(v2sf) =	vpush v63, $0xE  }
0x1be: {  	s18 =	sand.u32 $0x1FFFFFF0, s30  }
0x1bf: {  	s31 =	sadd.s32 $0x1680, s17;
	s18 =	sadd.s32 s3, s18  }
0x1c0: {  	[tilespmem:s31], [sflag:$0x1] =	stream.linear.gather [hbm4b:s18+s2], $0x80, $0x38;
	[tilespmem:$0x14A00] =	vst v63  }
0x1c1: {  	s18 =	sand.u32 $0x1FFFFFF0, s20  }
0x1c2: {  	s21 =	sadd.s32 $0x1700, s17;
	s22 =	spop (v2sf);
	s18 =	sadd.s32 s3, s18  }
0x1c3: {  	(v2sf) =	vpush v63, $0xF;
	[tilespmem:s21], [sflag:$0x1] =	stream.linear.gather [hbm4b:s18+s2], $0x80, $0x38;
	[tilespmem:$0x14A00] =	vst v63  }
0x1c4: {  	s18 =	sand.u32 $0x1FFFFFF0, s22  }
0x1c5: {  	s23 =	sadd.s32 $0x1780, s17;
	s18 =	sadd.s32 s3, s18  }
0x1c6: {  	[tilespmem:s23], [sflag:$0x1] =	stream.linear.gather [hbm4b:s18+s2], $0x80, $0x38;
	[tilespmem:$0x14A00] =	vst v63  }
0x1c7: {  	s24 =	spop (v2sf)  }
0x1c8: {  	s18 =	sand.u32 $0x1FFFFFF0, s24  }
0x1c9: {  	s25 =	sadd.s32 $0x1800, s17;
	s26 =	spop (v2sf);
	s18 =	sadd.s32 s3, s18  }
0x1ca: {  	[tilespmem:s25], [sflag:$0x1] =	stream.linear.gather [hbm4b:s18+s2], $0x80, $0x38;
	[tilespmem:$0x14A00] =	vst v63  }
0x1cb: {  	s18 =	sand.u32 $0x1FFFFFF0, s26  }
0x1cc: {  	s28 =	sadd.s32 $0x1880, s17;
	s29 =	spop (v2sf);
	s18 =	sadd.s32 s3, s18  }
0x1cd: {  	[tilespmem:s28], [sflag:$0x1] =	stream.linear.gather [hbm4b:s18+s2], $0x80, $0x38;
	[tilespmem:$0x14A00] =	vst v63  }
0x1ce: {  	s18 =	sand.u32 $0x1FFFFFF0, s29  }
0x1cf: {  	p0 =	seq.s32 s14, $0x0;
	s30 =	sadd.s32 $0x1900, s17;
	s18 =	sadd.s32 s3, s18  }
0x1d0: {  	[tilespmem:s30], [sflag:$0x1] =	stream.linear.gather [hbm4b:s18+s2], $0x80, $0x38;
	[tilespmem:$0x14A00] =	vst v63  }
.Ltmp10:
0x1d1: {  	_ = 	snop;
	(pc) =	sbr.rel @!p0 .LBB2_9-.Ltmp10, $4  }
.Ltmp11:
0x1d2: {  	s31 =	spop (v2sf);
	(pc) =	sbr.rel @p0 .LBB2_10-.Ltmp11, $4  }
0x1d3: {  	s18 =	sand.u32 $0x1FFFFFF0, s31  }
0x1d4: {  	s17 =	sadd.s32 $0x1980, s17;
	s18 =	sadd.s32 s3, s18  }
0x1d5: {  	[tilespmem:s17], [sflag:$0x1] =	stream.linear.gather [hbm4b:s18+s2], $0x80, $0x38;
	[tilespmem:$0x14A00] =	vst v63  }
0x1d6: {  	_ = 	snop  }
.LBB2_11:
.Ltmp12:
0x1d7: {  	s14 =	simm.s32 $0x0;
	(pc) =	sbr.rel .LBB2_12-.Ltmp12, $4  }
0x1d8: {  	[hbm4b:s6+s14] =	stream.linear.scatter [tilespmem:s12], [sflag:$0x2], $0x14000, $0x38;
	[tilespmem:$0x14A00] =	vst v63  }
0x1d9: {  	_ =	swait.ge [sflag:s10], $0x14000  }
0x1da: {  	[sflag:s10] =	ssyncset.done $0x0  }
0x1db: {  	s15 =	simm.s32 $0x510;
	s16 =	simm.s32 $0x0;
	[sflag:s10] =	ssyncadd.s32 $0xFFFEC000  }
.LBB2_14:
0x1dc: {  	_ =	swait.ge [sflag:s11], $0x80  }
0x1dd: {  	[sflag:s11] =	ssyncset.done $0x0  }
0x1de: {  	[sflag:s11] =	ssyncadd.s32 $0xFFFFFF80  }
0x1df: {  	_ =	swait.ge [sflag:s11], $0x80  }
0x1e0: {  	[sflag:s11] =	ssyncset.done $0x0  }
0x1e1: {  	[sflag:s11] =	ssyncadd.s32 $0xFFFFFF80  }
0x1e2: {  	_ =	swait.ge [sflag:s11], $0x80  }
0x1e3: {  	[sflag:s11] =	ssyncset.done $0x0  }
0x1e4: {  	[sflag:s11] =	ssyncadd.s32 $0xFFFFFF80  }
0x1e5: {  	_ =	swait.ge [sflag:s11], $0x80  }
0x1e6: {  	[sflag:s11] =	ssyncset.done $0x0  }
0x1e7: {  	[sflag:s11] =	ssyncadd.s32 $0xFFFFFF80  }
0x1e8: {  	_ =	swait.ge [sflag:s11], $0x80  }
0x1e9: {  	[sflag:s11] =	ssyncset.done $0x0  }
0x1ea: {  	[sflag:s11] =	ssyncadd.s32 $0xFFFFFF80  }
0x1eb: {  	_ =	swait.ge [sflag:s11], $0x80  }
0x1ec: {  	[sflag:s11] =	ssyncset.done $0x0  }
0x1ed: {  	[sflag:s11] =	ssyncadd.s32 $0xFFFFFF80  }
0x1ee: {  	_ =	swait.ge [sflag:s11], $0x80  }
0x1ef: {  	[sflag:s11] =	ssyncset.done $0x0  }
0x1f0: {  	[sflag:s11] =	ssyncadd.s32 $0xFFFFFF80  }
0x1f1: {  	_ =	swait.ge [sflag:s11], $0x80  }
0x1f2: {  	[sflag:s11] =	ssyncset.done $0x0  }
0x1f3: {  	[sflag:s11] =	ssyncadd.s32 $0xFFFFFF80  }
0x1f4: {  	_ =	swait.ge [sflag:s11], $0x80  }
0x1f5: {  	[sflag:s11] =	ssyncset.done $0x0  }
0x1f6: {  	[sflag:s11] =	ssyncadd.s32 $0xFFFFFF80  }
0x1f7: {  	_ =	swait.ge [sflag:s11], $0x80  }
0x1f8: {  	[sflag:s11] =	ssyncset.done $0x0  }
0x1f9: {  	[sflag:s11] =	ssyncadd.s32 $0xFFFFFF80  }
0x1fa: {  	_ =	swait.ge [sflag:s11], $0x80  }
0x1fb: {  	[sflag:s11] =	ssyncset.done $0x0  }
0x1fc: {  	[sflag:s11] =	ssyncadd.s32 $0xFFFFFF80  }
0x1fd: {  	_ =	swait.ge [sflag:s11], $0x80  }
0x1fe: {  	[sflag:s11] =	ssyncset.done $0x0  }
0x1ff: {  	[sflag:s11] =	ssyncadd.s32 $0xFFFFFF80  }
0x200: {  	_ =	swait.ge [sflag:s11], $0x80  }
0x201: {  	[sflag:s11] =	ssyncset.done $0x0  }
0x202: {  	[sflag:s11] =	ssyncadd.s32 $0xFFFFFF80  }
0x203: {  	_ =	swait.ge [sflag:s11], $0x80  }
0x204: {  	[sflag:s11] =	ssyncset.done $0x0  }
0x205: {  	[sflag:s11] =	ssyncadd.s32 $0xFFFFFF80  }
0x206: {  	_ =	swait.ge [sflag:s11], $0x80  }
0x207: {  	[sflag:s11] =	ssyncset.done $0x0  }
0x208: {  	[sflag:s11] =	ssyncadd.s32 $0xFFFFFF80  }
0x209: {  	_ =	swait.ge [sflag:s11], $0x80  }
0x20a: {  	[sflag:s11] =	ssyncset.done $0x0  }
0x20b: {  	[sflag:s11] =	ssyncadd.s32 $0xFFFFFF80  }
0x20c: {  	_ =	swait.ge [sflag:s11], $0x80  }
0x20d: {  	[sflag:s11] =	ssyncset.done $0x0  }
0x20e: {  	[sflag:s11] =	ssyncadd.s32 $0xFFFFFF80  }
0x20f: {  	_ =	swait.ge [sflag:s11], $0x80  }
0x210: {  	[sflag:s11] =	ssyncset.done $0x0  }
0x211: {  	[sflag:s11] =	ssyncadd.s32 $0xFFFFFF80  }
0x212: {  	_ =	swait.ge [sflag:s11], $0x80  }
0x213: {  	[sflag:s11] =	ssyncset.done $0x0  }
0x214: {  	[sflag:s11] =	ssyncadd.s32 $0xFFFFFF80  }
0x215: {  	_ =	swait.ge [sflag:s11], $0x80  }
0x216: {  	[sflag:s11] =	ssyncset.done $0x0  }
0x217: {  	[sflag:s11] =	ssyncadd.s32 $0xFFFFFF80  }
0x218: {  	_ =	swait.ge [sflag:s11], $0x80  }
0x219: {  	[sflag:s11] =	ssyncset.done $0x0  }
0x21a: {  	[sflag:s11] =	ssyncadd.s32 $0xFFFFFF80  }
0x21b: {  	_ =	swait.ge [sflag:s11], $0x80  }
0x21c: {  	[sflag:s11] =	ssyncset.done $0x0  }
0x21d: {  	[sflag:s11] =	ssyncadd.s32 $0xFFFFFF80  }
0x21e: {  	_ =	swait.ge [sflag:s11], $0x80  }
0x21f: {  	[sflag:s11] =	ssyncset.done $0x0  }
0x220: {  	[sflag:s11] =	ssyncadd.s32 $0xFFFFFF80  }
0x221: {  	_ =	swait.ge [sflag:s11], $0x80  }
0x222: {  	[sflag:s11] =	ssyncset.done $0x0  }
0x223: {  	[sflag:s11] =	ssyncadd.s32 $0xFFFFFF80  }
0x224: {  	_ =	swait.ge [sflag:s11], $0x80  }
0x225: {  	[sflag:s11] =	ssyncset.done $0x0  }
0x226: {  	[sflag:s11] =	ssyncadd.s32 $0xFFFFFF80  }
0x227: {  	_ =	swait.ge [sflag:s11], $0x80  }
0x228: {  	[sflag:s11] =	ssyncset.done $0x0  }
0x229: {  	[sflag:s11] =	ssyncadd.s32 $0xFFFFFF80  }
0x22a: {  	_ =	swait.ge [sflag:s11], $0x80  }
0x22b: {  	[sflag:s11] =	ssyncset.done $0x0  }
0x22c: {  	[sflag:s11] =	ssyncadd.s32 $0xFFFFFF80  }
0x22d: {  	_ =	swait.ge [sflag:s11], $0x80  }
0x22e: {  	[sflag:s11] =	ssyncset.done $0x0  }
0x22f: {  	[sflag:s11] =	ssyncadd.s32 $0xFFFFFF80  }
0x230: {  	_ =	swait.ge [sflag:s11], $0x80  }
0x231: {  	[sflag:s11] =	ssyncset.done $0x0  }
0x232: {  	[sflag:s11] =	ssyncadd.s32 $0xFFFFFF80  }
0x233: {  	_ =	swait.ge [sflag:s11], $0x80  }
0x234: {  	[sflag:s11] =	ssyncset.done $0x0  }
0x235: {  	[sflag:s11] =	ssyncadd.s32 $0xFFFFFF80  }
0x236: {  	_ =	swait.ge [sflag:s11], $0x80  }
0x237: {  	[sflag:s11] =	ssyncset.done $0x0  }
0x238: {  	[sflag:s11] =	ssyncadd.s32 $0xFFFFFF80  }
0x239: {  	_ =	swait.ge [sflag:s11], $0x80  }
0x23a: {  	[sflag:s11] =	ssyncset.done $0x0  }
0x23b: {  	[sflag:s11] =	ssyncadd.s32 $0xFFFFFF80  }
.LBB2_15:
0x23c: {  	s14 =	sadd.s32 $0x4000, s14  }
0x23d: {  	p0 =	sne.s32 s14, $0x54000  }
.Ltmp13:
0x23e: {  	_ = 	snop;
	(pc) =	sbr.rel @!p0 .LBB2_16-.Ltmp13, $2  }
0x23f: {  	_ =	sdelay $0x2  }
0x240: {  	s15 =	sadd.s32 $0x20, s15;
	s16 =	sadd.s32 $0x20, s16  }
.LBB2_12:
0x241: {  	p0 =	seq.s32 s14, $0x50000  }
.Ltmp14:
0x242: {  	_ = 	snop;
	(pc) =	sbr.rel @p0 .LBB2_14-.Ltmp14, $1  }
0x243: {  	_ =	sdelay $0x3  }
0x244: {  	s17 =	sand.u32 $0x3E0, s16  }
0x245: {  	v0 =	vld [tilespmem:s17+$0x500];
	_ =	sdelay $0x4  }
0x246: {  	v0 =	vshll.u32 v0, $0x4  }
0x247: {  	(v2sf) =	vpush v0, $0x0;
	_ =	sdelay $0x1  }
0x248: {  	(v2sf) =	vpush v0, $0x1;
	_ =	sdelay $0x2  }
0x249: {  	(v2sf) =	vpush v0, $0x2;
	_ =	sdelay $0x3  }
0x24a: {  	(v2sf) =	vpush v0, $0x3;
	_ =	sdelay $0x5  }
0x24b: {  	s18 =	spop (v2sf);
	(v2sf) =	vpush v0, $0x4;
	_ =	sdelay $0x1  }
0x24c: {  	s17 =	sshra.s32 s14, $0x2;
	s18 =	sand.u32 $0x1FFFFFF0, s18;
	s30 =	spop (v2sf);
	(v2sf) =	vpush v0, $0x5  }
0x24d: {  	s19 =	sadd.s32 $0xA00, s17;
	s18 =	sadd.s32 s3, s18  }
0x24e: {  	v1 =	vld [tilespmem:s15+$0x0];
	[tilespmem:s19], [sflag:$0x1] =	stream.linear.gather [hbm4b:s18+s2], $0x80, $0x38  }
0x24f: {  	s19 =	spop (v2sf);
	(v2sf) =	vpush v0, $0x6;
	_ =	sdelay $0x3  }
0x250: {  	s21 =	spop (v2sf);
	(v2sf) =	vpush v0, $0x7;
	_ =	sdelay $0x5  }
0x251: {  	s23 =	spop (v2sf);
	(v2sf) =	vpush v0, $0x8;
	_ =	sdelay $0x1  }
0x252: {  	s25 =	spop (v2sf);
	(v2sf) =	vpush v0, $0x9;
	_ =	sdelay $0x2  }
0x253: {  	s28 =	spop (v2sf);
	(v2sf) =	vpush v0, $0xA;
	_ =	sdelay $0x2  }
0x254: {  	s18 =	sand.u32 $0x1FFFFFF0, s30  }
0x255: {  	s31 =	sadd.s32 $0xA80, s17;
	s18 =	sadd.s32 s3, s18;
	s30 =	spop (v2sf);
	(v2sf) =	vpush v0, $0xB  }
0x256: {  	[tilespmem:s31], [sflag:$0x1] =	stream.linear.gather [hbm4b:s18+s2], $0x80, $0x38;
	[tilespmem:$0x14A00] =	vst v63  }
0x257: {  	s18 =	sand.u32 $0x1FFFFFF0, s19  }
0x258: {  	s20 =	sadd.s32 $0xB00, s17;
	s18 =	sadd.s32 s3, s18  }
0x259: {  	[tilespmem:s20], [sflag:$0x1] =	stream.linear.gather [hbm4b:s18+s2], $0x80, $0x38;
	[tilespmem:$0x14A00] =	vst v63  }
0x25a: {  	s18 =	sand.u32 $0x1FFFFFF0, s21  }
0x25b: {  	s22 =	sadd.s32 $0xB80, s17;
	s18 =	sadd.s32 s3, s18;
	s19 =	spop (v2sf);
	(v2sf) =	vpush v0, $0xC  }
0x25c: {  	[tilespmem:s22], [sflag:$0x1] =	stream.linear.gather [hbm4b:s18+s2], $0x80, $0x38;
	[tilespmem:$0x14A00] =	vst v63  }
0x25d: {  	s18 =	sand.u32 $0x1FFFFFF0, s23;
	s21 =	spop (v2sf);
	(v2sf) =	vpush v0, $0xD  }
0x25e: {  	s24 =	sadd.s32 $0xC00, s17;
	s18 =	sadd.s32 s3, s18  }
0x25f: {  	[tilespmem:s24], [sflag:$0x1] =	stream.linear.gather [hbm4b:s18+s2], $0x80, $0x38;
	[tilespmem:$0x14A00] =	vst v63  }
0x260: {  	s18 =	sand.u32 $0x1FFFFFF0, s25;
	s23 =	spop (v2sf);
	(v2sf) =	vpush v0, $0xE  }
0x261: {  	s26 =	sadd.s32 $0xC80, s17;
	s18 =	sadd.s32 s3, s18  }
0x262: {  	[tilespmem:s26], [sflag:$0x1] =	stream.linear.gather [hbm4b:s18+s2], $0x80, $0x38;
	[tilespmem:$0x14A00] =	vst v63  }
0x263: {  	s18 =	sand.u32 $0x1FFFFFF0, s28  }
0x264: {  	s29 =	sadd.s32 $0xD00, s17;
	s18 =	sadd.s32 s3, s18;
	s25 =	spop (v2sf);
	(v2sf) =	vpush v0, $0xF  }
0x265: {  	[tilespmem:s29], [sflag:$0x1] =	stream.linear.gather [hbm4b:s18+s2], $0x80, $0x38;
	[tilespmem:$0x14A00] =	vst v63  }
0x266: {  	s18 =	sand.u32 $0x1FFFFFF0, s30  }
0x267: {  	s31 =	sadd.s32 $0xD80, s17;
	s18 =	sadd.s32 s3, s18  }
0x268: {  	[tilespmem:s31], [sflag:$0x1] =	stream.linear.gather [hbm4b:s18+s2], $0x80, $0x38;
	[tilespmem:$0x14A00] =	vst v63  }
0x269: {  	v63 =	vshll.u32 v1, $0x4;
	s18 =	sand.u32 $0x1FFFFFF0, s19  }
0x26a: {  	s20 =	sadd.s32 $0xE00, s17;
	s18 =	sadd.s32 s3, s18;
	s28 =	spop (v2sf);
	(v2sf) =	vpush v63, $0x0  }
0x26b: {  	[tilespmem:s20], [sflag:$0x1] =	stream.linear.gather [hbm4b:s18+s2], $0x80, $0x38;
	[tilespmem:$0x14A00] =	vst v63  }
0x26c: {  	s18 =	sand.u32 $0x1FFFFFF0, s21;
	s30 =	spop (v2sf);
	(v2sf) =	vpush v63, $0x1  }
0x26d: {  	s22 =	sadd.s32 $0xE80, s17;
	s18 =	sadd.s32 s3, s18  }
0x26e: {  	[tilespmem:s22], [sflag:$0x1] =	stream.linear.gather [hbm4b:s18+s2], $0x80, $0x38;
	[tilespmem:$0x14A00] =	vst v63  }
0x26f: {  	s18 =	sand.u32 $0x1FFFFFF0, s23;
	s19 =	spop (v2sf);
	(v2sf) =	vpush v63, $0x2  }
0x270: {  	s24 =	sadd.s32 $0xF00, s17;
	s18 =	sadd.s32 s3, s18  }
0x271: {  	[tilespmem:s24], [sflag:$0x1] =	stream.linear.gather [hbm4b:s18+s2], $0x80, $0x38;
	[tilespmem:$0x14A00] =	vst v63  }
0x272: {  	s18 =	sand.u32 $0x1FFFFFF0, s25  }
0x273: {  	s26 =	sadd.s32 $0xF80, s17;
	s18 =	sadd.s32 s3, s18;
	s21 =	spop (v2sf);
	(v2sf) =	vpush v63, $0x3  }
0x274: {  	[tilespmem:s26], [sflag:$0x1] =	stream.linear.gather [hbm4b:s18+s2], $0x80, $0x38;
	[tilespmem:$0x14A00] =	vst v63  }
0x275: {  	s18 =	sand.u32 $0x1FFFFFF0, s28  }
0x276: {  	s29 =	sadd.s32 $0x1000, s17;
	s18 =	sadd.s32 s3, s18  }
0x277: {  	[tilespmem:s29], [sflag:$0x1] =	stream.linear.gather [hbm4b:s18+s2], $0x80, $0x38;
	[tilespmem:$0x14A00] =	vst v63  }
0x278: {  	s18 =	sand.u32 $0x1FFFFFF0, s30  }
0x279: {  	s31 =	sadd.s32 $0x1080, s17;
	s18 =	sadd.s32 s3, s18;
	s23 =	spop (v2sf);
	(v2sf) =	vpush v63, $0x4  }
0x27a: {  	[tilespmem:s31], [sflag:$0x1] =	stream.linear.gather [hbm4b:s18+s2], $0x80, $0x38;
	[tilespmem:$0x14A00] =	vst v63  }
0x27b: {  	s18 =	sand.u32 $0x1FFFFFF0, s19;
	s25 =	spop (v2sf);
	(v2sf) =	vpush v63, $0x5  }
0x27c: {  	s20 =	sadd.s32 $0x1100, s17;
	s18 =	sadd.s32 s3, s18  }
0x27d: {  	[tilespmem:s20], [sflag:$0x1] =	stream.linear.gather [hbm4b:s18+s2], $0x80, $0x38;
	[tilespmem:$0x14A00] =	vst v63  }
0x27e: {  	s18 =	sand.u32 $0x1FFFFFF0, s21;
	s28 =	spop (v2sf);
	(v2sf) =	vpush v63, $0x6  }
0x27f: {  	s22 =	sadd.s32 $0x1180, s17;
	s18 =	sadd.s32 s3, s18  }
0x280: {  	[tilespmem:s22], [sflag:$0x1] =	stream.linear.gather [hbm4b:s18+s2], $0x80, $0x38;
	[tilespmem:$0x14A00] =	vst v63  }
0x281: {  	s18 =	sand.u32 $0x1FFFFFF0, s23  }
0x282: {  	s24 =	sadd.s32 $0x1200, s17;
	s18 =	sadd.s32 s3, s18;
	s30 =	spop (v2sf);
	(v2sf) =	vpush v63, $0x7  }
0x283: {  	[tilespmem:s24], [sflag:$0x1] =	stream.linear.gather [hbm4b:s18+s2], $0x80, $0x38;
	[tilespmem:$0x14A00] =	vst v63  }
0x284: {  	s18 =	sand.u32 $0x1FFFFFF0, s25  }
0x285: {  	s26 =	sadd.s32 $0x1280, s17;
	s18 =	sadd.s32 s3, s18  }
0x286: {  	[tilespmem:s26], [sflag:$0x1] =	stream.linear.gather [hbm4b:s18+s2], $0x80, $0x38;
	[tilespmem:$0x14A00] =	vst v63  }
0x287: {  	s18 =	sand.u32 $0x1FFFFFF0, s28  }
0x288: {  	s29 =	sadd.s32 $0x1300, s17;
	s18 =	sadd.s32 s3, s18;
	s19 =	spop (v2sf);
	(v2sf) =	vpush v63, $0x8  }
0x289: {  	[tilespmem:s29], [sflag:$0x1] =	stream.linear.gather [hbm4b:s18+s2], $0x80, $0x38;
	[tilespmem:$0x14A00] =	vst v63  }
0x28a: {  	s18 =	sand.u32 $0x1FFFFFF0, s30;
	s21 =	spop (v2sf);
	(v2sf) =	vpush v63, $0x9  }
0x28b: {  	s31 =	sadd.s32 $0x1380, s17;
	s18 =	sadd.s32 s3, s18  }
0x28c: {  	[tilespmem:s31], [sflag:$0x1] =	stream.linear.gather [hbm4b:s18+s2], $0x80, $0x38;
	[tilespmem:$0x14A00] =	vst v63  }
0x28d: {  	s18 =	sand.u32 $0x1FFFFFF0, s19;
	s23 =	spop (v2sf);
	(v2sf) =	vpush v63, $0xA  }
0x28e: {  	s20 =	sadd.s32 $0x1400, s17;
	s18 =	sadd.s32 s3, s18  }
0x28f: {  	[tilespmem:s20], [sflag:$0x1] =	stream.linear.gather [hbm4b:s18+s2], $0x80, $0x38;
	[tilespmem:$0x14A00] =	vst v63  }
0x290: {  	s18 =	sand.u32 $0x1FFFFFF0, s21  }
0x291: {  	s22 =	sadd.s32 $0x1480, s17;
	s18 =	sadd.s32 s3, s18;
	s25 =	spop (v2sf)  }
0x292: {  	(v2sf) =	vpush v63, $0xB;
	[tilespmem:s22], [sflag:$0x1] =	stream.linear.gather [hbm4b:s18+s2], $0x80, $0x38;
	[tilespmem:$0x14A00] =	vst v63  }
0x293: {  	s18 =	sand.u32 $0x1FFFFFF0, s23  }
0x294: {  	s24 =	sadd.s32 $0x1500, s17;
	s18 =	sadd.s32 s3, s18  }
0x295: {  	[tilespmem:s24], [sflag:$0x1] =	stream.linear.gather [hbm4b:s18+s2], $0x80, $0x38;
	[tilespmem:$0x14A00] =	vst v63  }
0x296: {  	s18 =	sand.u32 $0x1FFFFFF0, s25  }
0x297: {  	s26 =	sadd.s32 $0x1580, s17;
	s18 =	sadd.s32 s3, s18;
	s28 =	spop (v2sf);
	(v2sf) =	vpush v63, $0xC  }
0x298: {  	[tilespmem:s26], [sflag:$0x1] =	stream.linear.gather [hbm4b:s18+s2], $0x80, $0x38;
	[tilespmem:$0x14A00] =	vst v63  }
0x299: {  	s18 =	sand.u32 $0x1FFFFFF0, s28;
	s30 =	spop (v2sf);
	(v2sf) =	vpush v63, $0xD  }
0x29a: {  	s29 =	sadd.s32 $0x1600, s17;
	s18 =	sadd.s32 s3, s18  }
0x29b: {  	[tilespmem:s29], [sflag:$0x1] =	stream.linear.gather [hbm4b:s18+s2], $0x80, $0x38;
	[tilespmem:$0x14A00] =	vst v63  }
0x29c: {  	s20 =	spop (v2sf);
	(v2sf) =	vpush v63, $0xE  }
0x29d: {  	s18 =	sand.u32 $0x1FFFFFF0, s30  }
0x29e: {  	s31 =	sadd.s32 $0x1680, s17;
	s18 =	sadd.s32 s3, s18  }
0x29f: {  	[tilespmem:s31], [sflag:$0x1] =	stream.linear.gather [hbm4b:s18+s2], $0x80, $0x38;
	[tilespmem:$0x14A00] =	vst v63  }
0x2a0: {  	s18 =	sand.u32 $0x1FFFFFF0, s20  }
0x2a1: {  	s21 =	sadd.s32 $0x1700, s17;
	s22 =	spop (v2sf);
	s18 =	sadd.s32 s3, s18  }
0x2a2: {  	(v2sf) =	vpush v63, $0xF;
	[tilespmem:s21], [sflag:$0x1] =	stream.linear.gather [hbm4b:s18+s2], $0x80, $0x38;
	[tilespmem:$0x14A00] =	vst v63  }
0x2a3: {  	s18 =	sand.u32 $0x1FFFFFF0, s22  }
0x2a4: {  	s23 =	sadd.s32 $0x1780, s17;
	s18 =	sadd.s32 s3, s18  }
0x2a5: {  	[tilespmem:s23], [sflag:$0x1] =	stream.linear.gather [hbm4b:s18+s2], $0x80, $0x38;
	[tilespmem:$0x14A00] =	vst v63  }
0x2a6: {  	s24 =	spop (v2sf)  }
0x2a7: {  	s18 =	sand.u32 $0x1FFFFFF0, s24  }
0x2a8: {  	s25 =	sadd.s32 $0x1800, s17;
	s26 =	spop (v2sf);
	s18 =	sadd.s32 s3, s18  }
0x2a9: {  	[tilespmem:s25], [sflag:$0x1] =	stream.linear.gather [hbm4b:s18+s2], $0x80, $0x38;
	[tilespmem:$0x14A00] =	vst v63  }
0x2aa: {  	s18 =	sand.u32 $0x1FFFFFF0, s26  }
0x2ab: {  	s28 =	sadd.s32 $0x1880, s17;
	s29 =	spop (v2sf);
	s18 =	sadd.s32 s3, s18  }
0x2ac: {  	[tilespmem:s28], [sflag:$0x1] =	stream.linear.gather [hbm4b:s18+s2], $0x80, $0x38;
	[tilespmem:$0x14A00] =	vst v63  }
0x2ad: {  	s18 =	sand.u32 $0x1FFFFFF0, s29  }
0x2ae: {  	p0 =	seq.s32 s14, $0x0;
	s30 =	sadd.s32 $0x1900, s17;
	s18 =	sadd.s32 s3, s18  }
0x2af: {  	[tilespmem:s30], [sflag:$0x1] =	stream.linear.gather [hbm4b:s18+s2], $0x80, $0x38;
	[tilespmem:$0x14A00] =	vst v63  }
.Ltmp15:
0x2b0: {  	_ = 	snop;
	(pc) =	sbr.rel @!p0 .LBB2_14-.Ltmp15, $4  }
.Ltmp16:
0x2b1: {  	s31 =	spop (v2sf);
	(pc) =	sbr.rel @p0 .LBB2_15-.Ltmp16, $4  }
0x2b2: {  	s18 =	sand.u32 $0x1FFFFFF0, s31  }
0x2b3: {  	s17 =	sadd.s32 $0x1980, s17;
	s18 =	sadd.s32 s3, s18  }
0x2b4: {  	[tilespmem:s17], [sflag:$0x1] =	stream.linear.gather [hbm4b:s18+s2], $0x80, $0x38;
	[tilespmem:$0x14A00] =	vst v63  }
0x2b5: {  	_ = 	snop  }
.LBB2_16:
.Ltmp17:
0x2b6: {  	s14 =	simm.s32 $0x0;
	(pc) =	sbr.rel .LBB2_17-.Ltmp17, $4  }
0x2b7: {  	[hbm4b:s7+s14] =	stream.linear.scatter [tilespmem:s12], [sflag:$0x2], $0x14000, $0x38;
	[tilespmem:$0x14A00] =	vst v63  }
0x2b8: {  	_ =	swait.ge [sflag:s10], $0x14000  }
0x2b9: {  	[sflag:s10] =	ssyncset.done $0x0  }
0x2ba: {  	s15 =	simm.s32 $0x790;
	s16 =	simm.s32 $0x0;
	[sflag:s10] =	ssyncadd.s32 $0xFFFEC000  }
.LBB2_19:
0x2bb: {  	_ =	swait.ge [sflag:s11], $0x80  }
0x2bc: {  	[sflag:s11] =	ssyncset.done $0x0  }
0x2bd: {  	[sflag:s11] =	ssyncadd.s32 $0xFFFFFF80  }
0x2be: {  	_ =	swait.ge [sflag:s11], $0x80  }
0x2bf: {  	[sflag:s11] =	ssyncset.done $0x0  }
0x2c0: {  	[sflag:s11] =	ssyncadd.s32 $0xFFFFFF80  }
0x2c1: {  	_ =	swait.ge [sflag:s11], $0x80  }
0x2c2: {  	[sflag:s11] =	ssyncset.done $0x0  }
0x2c3: {  	[sflag:s11] =	ssyncadd.s32 $0xFFFFFF80  }
0x2c4: {  	_ =	swait.ge [sflag:s11], $0x80  }
0x2c5: {  	[sflag:s11] =	ssyncset.done $0x0  }
0x2c6: {  	[sflag:s11] =	ssyncadd.s32 $0xFFFFFF80  }
0x2c7: {  	_ =	swait.ge [sflag:s11], $0x80  }
0x2c8: {  	[sflag:s11] =	ssyncset.done $0x0  }
0x2c9: {  	[sflag:s11] =	ssyncadd.s32 $0xFFFFFF80  }
0x2ca: {  	_ =	swait.ge [sflag:s11], $0x80  }
0x2cb: {  	[sflag:s11] =	ssyncset.done $0x0  }
0x2cc: {  	[sflag:s11] =	ssyncadd.s32 $0xFFFFFF80  }
0x2cd: {  	_ =	swait.ge [sflag:s11], $0x80  }
0x2ce: {  	[sflag:s11] =	ssyncset.done $0x0  }
0x2cf: {  	[sflag:s11] =	ssyncadd.s32 $0xFFFFFF80  }
0x2d0: {  	_ =	swait.ge [sflag:s11], $0x80  }
0x2d1: {  	[sflag:s11] =	ssyncset.done $0x0  }
0x2d2: {  	[sflag:s11] =	ssyncadd.s32 $0xFFFFFF80  }
0x2d3: {  	_ =	swait.ge [sflag:s11], $0x80  }
0x2d4: {  	[sflag:s11] =	ssyncset.done $0x0  }
0x2d5: {  	[sflag:s11] =	ssyncadd.s32 $0xFFFFFF80  }
0x2d6: {  	_ =	swait.ge [sflag:s11], $0x80  }
0x2d7: {  	[sflag:s11] =	ssyncset.done $0x0  }
0x2d8: {  	[sflag:s11] =	ssyncadd.s32 $0xFFFFFF80  }
0x2d9: {  	_ =	swait.ge [sflag:s11], $0x80  }
0x2da: {  	[sflag:s11] =	ssyncset.done $0x0  }
0x2db: {  	[sflag:s11] =	ssyncadd.s32 $0xFFFFFF80  }
0x2dc: {  	_ =	swait.ge [sflag:s11], $0x80  }
0x2dd: {  	[sflag:s11] =	ssyncset.done $0x0  }
0x2de: {  	[sflag:s11] =	ssyncadd.s32 $0xFFFFFF80  }
0x2df: {  	_ =	swait.ge [sflag:s11], $0x80  }
0x2e0: {  	[sflag:s11] =	ssyncset.done $0x0  }
0x2e1: {  	[sflag:s11] =	ssyncadd.s32 $0xFFFFFF80  }
0x2e2: {  	_ =	swait.ge [sflag:s11], $0x80  }
0x2e3: {  	[sflag:s11] =	ssyncset.done $0x0  }
0x2e4: {  	[sflag:s11] =	ssyncadd.s32 $0xFFFFFF80  }
0x2e5: {  	_ =	swait.ge [sflag:s11], $0x80  }
0x2e6: {  	[sflag:s11] =	ssyncset.done $0x0  }
0x2e7: {  	[sflag:s11] =	ssyncadd.s32 $0xFFFFFF80  }
0x2e8: {  	_ =	swait.ge [sflag:s11], $0x80  }
0x2e9: {  	[sflag:s11] =	ssyncset.done $0x0  }
0x2ea: {  	[sflag:s11] =	ssyncadd.s32 $0xFFFFFF80  }
0x2eb: {  	_ =	swait.ge [sflag:s11], $0x80  }
0x2ec: {  	[sflag:s11] =	ssyncset.done $0x0  }
0x2ed: {  	[sflag:s11] =	ssyncadd.s32 $0xFFFFFF80  }
0x2ee: {  	_ =	swait.ge [sflag:s11], $0x80  }
0x2ef: {  	[sflag:s11] =	ssyncset.done $0x0  }
0x2f0: {  	[sflag:s11] =	ssyncadd.s32 $0xFFFFFF80  }
0x2f1: {  	_ =	swait.ge [sflag:s11], $0x80  }
0x2f2: {  	[sflag:s11] =	ssyncset.done $0x0  }
0x2f3: {  	[sflag:s11] =	ssyncadd.s32 $0xFFFFFF80  }
0x2f4: {  	_ =	swait.ge [sflag:s11], $0x80  }
0x2f5: {  	[sflag:s11] =	ssyncset.done $0x0  }
0x2f6: {  	[sflag:s11] =	ssyncadd.s32 $0xFFFFFF80  }
0x2f7: {  	_ =	swait.ge [sflag:s11], $0x80  }
0x2f8: {  	[sflag:s11] =	ssyncset.done $0x0  }
0x2f9: {  	[sflag:s11] =	ssyncadd.s32 $0xFFFFFF80  }
0x2fa: {  	_ =	swait.ge [sflag:s11], $0x80  }
0x2fb: {  	[sflag:s11] =	ssyncset.done $0x0  }
0x2fc: {  	[sflag:s11] =	ssyncadd.s32 $0xFFFFFF80  }
0x2fd: {  	_ =	swait.ge [sflag:s11], $0x80  }
0x2fe: {  	[sflag:s11] =	ssyncset.done $0x0  }
0x2ff: {  	[sflag:s11] =	ssyncadd.s32 $0xFFFFFF80  }
0x300: {  	_ =	swait.ge [sflag:s11], $0x80  }
0x301: {  	[sflag:s11] =	ssyncset.done $0x0  }
0x302: {  	[sflag:s11] =	ssyncadd.s32 $0xFFFFFF80  }
0x303: {  	_ =	swait.ge [sflag:s11], $0x80  }
0x304: {  	[sflag:s11] =	ssyncset.done $0x0  }
0x305: {  	[sflag:s11] =	ssyncadd.s32 $0xFFFFFF80  }
0x306: {  	_ =	swait.ge [sflag:s11], $0x80  }
0x307: {  	[sflag:s11] =	ssyncset.done $0x0  }
0x308: {  	[sflag:s11] =	ssyncadd.s32 $0xFFFFFF80  }
0x309: {  	_ =	swait.ge [sflag:s11], $0x80  }
0x30a: {  	[sflag:s11] =	ssyncset.done $0x0  }
0x30b: {  	[sflag:s11] =	ssyncadd.s32 $0xFFFFFF80  }
0x30c: {  	_ =	swait.ge [sflag:s11], $0x80  }
0x30d: {  	[sflag:s11] =	ssyncset.done $0x0  }
0x30e: {  	[sflag:s11] =	ssyncadd.s32 $0xFFFFFF80  }
0x30f: {  	_ =	swait.ge [sflag:s11], $0x80  }
0x310: {  	[sflag:s11] =	ssyncset.done $0x0  }
0x311: {  	[sflag:s11] =	ssyncadd.s32 $0xFFFFFF80  }
0x312: {  	_ =	swait.ge [sflag:s11], $0x80  }
0x313: {  	[sflag:s11] =	ssyncset.done $0x0  }
0x314: {  	[sflag:s11] =	ssyncadd.s32 $0xFFFFFF80  }
0x315: {  	_ =	swait.ge [sflag:s11], $0x80  }
0x316: {  	[sflag:s11] =	ssyncset.done $0x0  }
0x317: {  	[sflag:s11] =	ssyncadd.s32 $0xFFFFFF80  }
0x318: {  	_ =	swait.ge [sflag:s11], $0x80  }
0x319: {  	[sflag:s11] =	ssyncset.done $0x0  }
0x31a: {  	[sflag:s11] =	ssyncadd.s32 $0xFFFFFF80  }
.LBB2_20:
0x31b: {  	s14 =	sadd.s32 $0x4000, s14  }
0x31c: {  	p0 =	sne.s32 s14, $0x54000  }
.Ltmp18:
0x31d: {  	_ = 	snop;
	(pc) =	sbr.rel @!p0 .LBB2_21-.Ltmp18, $2  }
0x31e: {  	_ =	sdelay $0x2  }
0x31f: {  	s15 =	sadd.s32 $0x20, s15;
	s16 =	sadd.s32 $0x20, s16  }
.LBB2_17:
0x320: {  	p0 =	seq.s32 s14, $0x50000  }
.Ltmp19:
0x321: {  	_ = 	snop;
	(pc) =	sbr.rel @p0 .LBB2_19-.Ltmp19, $1  }
0x322: {  	_ =	sdelay $0x3  }
0x323: {  	s17 =	sand.u32 $0x3E0, s16  }
0x324: {  	v0 =	vld [tilespmem:s17+$0x780];
	_ =	sdelay $0x4  }
0x325: {  	v0 =	vshll.u32 v0, $0x4  }
0x326: {  	(v2sf) =	vpush v0, $0x0;
	_ =	sdelay $0x1  }
0x327: {  	(v2sf) =	vpush v0, $0x1;
	_ =	sdelay $0x2  }
0x328: {  	(v2sf) =	vpush v0, $0x2;
	_ =	sdelay $0x3  }
0x329: {  	(v2sf) =	vpush v0, $0x3;
	_ =	sdelay $0x5  }
0x32a: {  	s18 =	spop (v2sf);
	(v2sf) =	vpush v0, $0x4;
	_ =	sdelay $0x1  }
0x32b: {  	s17 =	sshra.s32 s14, $0x2;
	s18 =	sand.u32 $0x1FFFFFF0, s18;
	s30 =	spop (v2sf);
	(v2sf) =	vpush v0, $0x5  }
0x32c: {  	s19 =	sadd.s32 $0xA00, s17;
	s18 =	sadd.s32 s3, s18  }
0x32d: {  	v1 =	vld [tilespmem:s15+$0x0];
	[tilespmem:s19], [sflag:$0x1] =	stream.linear.gather [hbm4b:s18+s2], $0x80, $0x38  }
0x32e: {  	s19 =	spop (v2sf);
	(v2sf) =	vpush v0, $0x6;
	_ =	sdelay $0x3  }
0x32f: {  	s21 =	spop (v2sf);
	(v2sf) =	vpush v0, $0x7;
	_ =	sdelay $0x5  }
0x330: {  	s23 =	spop (v2sf);
	(v2sf) =	vpush v0, $0x8;
	_ =	sdelay $0x1  }
0x331: {  	s25 =	spop (v2sf);
	(v2sf) =	vpush v0, $0x9;
	_ =	sdelay $0x2  }
0x332: {  	s28 =	spop (v2sf);
	(v2sf) =	vpush v0, $0xA;
	_ =	sdelay $0x2  }
0x333: {  	s18 =	sand.u32 $0x1FFFFFF0, s30  }
0x334: {  	s31 =	sadd.s32 $0xA80, s17;
	s18 =	sadd.s32 s3, s18;
	s30 =	spop (v2sf);
	(v2sf) =	vpush v0, $0xB  }
0x335: {  	[tilespmem:s31], [sflag:$0x1] =	stream.linear.gather [hbm4b:s18+s2], $0x80, $0x38;
	[tilespmem:$0x14A00] =	vst v63  }
0x336: {  	s18 =	sand.u32 $0x1FFFFFF0, s19  }
0x337: {  	s20 =	sadd.s32 $0xB00, s17;
	s18 =	sadd.s32 s3, s18  }
0x338: {  	[tilespmem:s20], [sflag:$0x1] =	stream.linear.gather [hbm4b:s18+s2], $0x80, $0x38;
	[tilespmem:$0x14A00] =	vst v63  }
0x339: {  	s18 =	sand.u32 $0x1FFFFFF0, s21  }
0x33a: {  	s22 =	sadd.s32 $0xB80, s17;
	s18 =	sadd.s32 s3, s18;
	s19 =	spop (v2sf);
	(v2sf) =	vpush v0, $0xC  }
0x33b: {  	[tilespmem:s22], [sflag:$0x1] =	stream.linear.gather [hbm4b:s18+s2], $0x80, $0x38;
	[tilespmem:$0x14A00] =	vst v63  }
0x33c: {  	s18 =	sand.u32 $0x1FFFFFF0, s23;
	s21 =	spop (v2sf);
	(v2sf) =	vpush v0, $0xD  }
0x33d: {  	s24 =	sadd.s32 $0xC00, s17;
	s18 =	sadd.s32 s3, s18  }
0x33e: {  	[tilespmem:s24], [sflag:$0x1] =	stream.linear.gather [hbm4b:s18+s2], $0x80, $0x38;
	[tilespmem:$0x14A00] =	vst v63  }
0x33f: {  	s18 =	sand.u32 $0x1FFFFFF0, s25;
	s23 =	spop (v2sf);
	(v2sf) =	vpush v0, $0xE  }
0x340: {  	s26 =	sadd.s32 $0xC80, s17;
	s18 =	sadd.s32 s3, s18  }
0x341: {  	[tilespmem:s26], [sflag:$0x1] =	stream.linear.gather [hbm4b:s18+s2], $0x80, $0x38;
	[tilespmem:$0x14A00] =	vst v63  }
0x342: {  	s18 =	sand.u32 $0x1FFFFFF0, s28  }
0x343: {  	s29 =	sadd.s32 $0xD00, s17;
	s18 =	sadd.s32 s3, s18;
	s25 =	spop (v2sf);
	(v2sf) =	vpush v0, $0xF  }
0x344: {  	[tilespmem:s29], [sflag:$0x1] =	stream.linear.gather [hbm4b:s18+s2], $0x80, $0x38;
	[tilespmem:$0x14A00] =	vst v63  }
0x345: {  	s18 =	sand.u32 $0x1FFFFFF0, s30  }
0x346: {  	s31 =	sadd.s32 $0xD80, s17;
	s18 =	sadd.s32 s3, s18  }
0x347: {  	[tilespmem:s31], [sflag:$0x1] =	stream.linear.gather [hbm4b:s18+s2], $0x80, $0x38;
	[tilespmem:$0x14A00] =	vst v63  }
0x348: {  	v63 =	vshll.u32 v1, $0x4;
	s18 =	sand.u32 $0x1FFFFFF0, s19  }
0x349: {  	s20 =	sadd.s32 $0xE00, s17;
	s18 =	sadd.s32 s3, s18;
	s28 =	spop (v2sf);
	(v2sf) =	vpush v63, $0x0  }
0x34a: {  	[tilespmem:s20], [sflag:$0x1] =	stream.linear.gather [hbm4b:s18+s2], $0x80, $0x38;
	[tilespmem:$0x14A00] =	vst v63  }
0x34b: {  	s18 =	sand.u32 $0x1FFFFFF0, s21;
	s30 =	spop (v2sf);
	(v2sf) =	vpush v63, $0x1  }
0x34c: {  	s22 =	sadd.s32 $0xE80, s17;
	s18 =	sadd.s32 s3, s18  }
0x34d: {  	[tilespmem:s22], [sflag:$0x1] =	stream.linear.gather [hbm4b:s18+s2], $0x80, $0x38;
	[tilespmem:$0x14A00] =	vst v63  }
0x34e: {  	s18 =	sand.u32 $0x1FFFFFF0, s23;
	s19 =	spop (v2sf);
	(v2sf) =	vpush v63, $0x2  }
0x34f: {  	s24 =	sadd.s32 $0xF00, s17;
	s18 =	sadd.s32 s3, s18  }
0x350: {  	[tilespmem:s24], [sflag:$0x1] =	stream.linear.gather [hbm4b:s18+s2], $0x80, $0x38;
	[tilespmem:$0x14A00] =	vst v63  }
0x351: {  	s18 =	sand.u32 $0x1FFFFFF0, s25  }
0x352: {  	s26 =	sadd.s32 $0xF80, s17;
	s18 =	sadd.s32 s3, s18;
	s21 =	spop (v2sf);
	(v2sf) =	vpush v63, $0x3  }
0x353: {  	[tilespmem:s26], [sflag:$0x1] =	stream.linear.gather [hbm4b:s18+s2], $0x80, $0x38;
	[tilespmem:$0x14A00] =	vst v63  }
0x354: {  	s18 =	sand.u32 $0x1FFFFFF0, s28  }
0x355: {  	s29 =	sadd.s32 $0x1000, s17;
	s18 =	sadd.s32 s3, s18  }
0x356: {  	[tilespmem:s29], [sflag:$0x1] =	stream.linear.gather [hbm4b:s18+s2], $0x80, $0x38;
	[tilespmem:$0x14A00] =	vst v63  }
0x357: {  	s18 =	sand.u32 $0x1FFFFFF0, s30  }
0x358: {  	s31 =	sadd.s32 $0x1080, s17;
	s18 =	sadd.s32 s3, s18;
	s23 =	spop (v2sf);
	(v2sf) =	vpush v63, $0x4  }
0x359: {  	[tilespmem:s31], [sflag:$0x1] =	stream.linear.gather [hbm4b:s18+s2], $0x80, $0x38;
	[tilespmem:$0x14A00] =	vst v63  }
0x35a: {  	s18 =	sand.u32 $0x1FFFFFF0, s19;
	s25 =	spop (v2sf);
	(v2sf) =	vpush v63, $0x5  }
0x35b: {  	s20 =	sadd.s32 $0x1100, s17;
	s18 =	sadd.s32 s3, s18  }
0x35c: {  	[tilespmem:s20], [sflag:$0x1] =	stream.linear.gather [hbm4b:s18+s2], $0x80, $0x38;
	[tilespmem:$0x14A00] =	vst v63  }
0x35d: {  	s18 =	sand.u32 $0x1FFFFFF0, s21;
	s28 =	spop (v2sf);
	(v2sf) =	vpush v63, $0x6  }
0x35e: {  	s22 =	sadd.s32 $0x1180, s17;
	s18 =	sadd.s32 s3, s18  }
0x35f: {  	[tilespmem:s22], [sflag:$0x1] =	stream.linear.gather [hbm4b:s18+s2], $0x80, $0x38;
	[tilespmem:$0x14A00] =	vst v63  }
0x360: {  	s18 =	sand.u32 $0x1FFFFFF0, s23  }
0x361: {  	s24 =	sadd.s32 $0x1200, s17;
	s18 =	sadd.s32 s3, s18;
	s30 =	spop (v2sf);
	(v2sf) =	vpush v63, $0x7  }
0x362: {  	[tilespmem:s24], [sflag:$0x1] =	stream.linear.gather [hbm4b:s18+s2], $0x80, $0x38;
	[tilespmem:$0x14A00] =	vst v63  }
0x363: {  	s18 =	sand.u32 $0x1FFFFFF0, s25  }
0x364: {  	s26 =	sadd.s32 $0x1280, s17;
	s18 =	sadd.s32 s3, s18  }
0x365: {  	[tilespmem:s26], [sflag:$0x1] =	stream.linear.gather [hbm4b:s18+s2], $0x80, $0x38;
	[tilespmem:$0x14A00] =	vst v63  }
0x366: {  	s18 =	sand.u32 $0x1FFFFFF0, s28  }
0x367: {  	s29 =	sadd.s32 $0x1300, s17;
	s18 =	sadd.s32 s3, s18;
	s19 =	spop (v2sf);
	(v2sf) =	vpush v63, $0x8  }
0x368: {  	[tilespmem:s29], [sflag:$0x1] =	stream.linear.gather [hbm4b:s18+s2], $0x80, $0x38;
	[tilespmem:$0x14A00] =	vst v63  }
0x369: {  	s18 =	sand.u32 $0x1FFFFFF0, s30;
	s21 =	spop (v2sf);
	(v2sf) =	vpush v63, $0x9  }
0x36a: {  	s31 =	sadd.s32 $0x1380, s17;
	s18 =	sadd.s32 s3, s18  }
0x36b: {  	[tilespmem:s31], [sflag:$0x1] =	stream.linear.gather [hbm4b:s18+s2], $0x80, $0x38;
	[tilespmem:$0x14A00] =	vst v63  }
0x36c: {  	s18 =	sand.u32 $0x1FFFFFF0, s19;
	s23 =	spop (v2sf);
	(v2sf) =	vpush v63, $0xA  }
0x36d: {  	s20 =	sadd.s32 $0x1400, s17;
	s18 =	sadd.s32 s3, s18  }
0x36e: {  	[tilespmem:s20], [sflag:$0x1] =	stream.linear.gather [hbm4b:s18+s2], $0x80, $0x38;
	[tilespmem:$0x14A00] =	vst v63  }
0x36f: {  	s18 =	sand.u32 $0x1FFFFFF0, s21  }
0x370: {  	s22 =	sadd.s32 $0x1480, s17;
	s18 =	sadd.s32 s3, s18;
	s25 =	spop (v2sf)  }
0x371: {  	(v2sf) =	vpush v63, $0xB;
	[tilespmem:s22], [sflag:$0x1] =	stream.linear.gather [hbm4b:s18+s2], $0x80, $0x38;
	[tilespmem:$0x14A00] =	vst v63  }
0x372: {  	s18 =	sand.u32 $0x1FFFFFF0, s23  }
0x373: {  	s24 =	sadd.s32 $0x1500, s17;
	s18 =	sadd.s32 s3, s18  }
0x374: {  	[tilespmem:s24], [sflag:$0x1] =	stream.linear.gather [hbm4b:s18+s2], $0x80, $0x38;
	[tilespmem:$0x14A00] =	vst v63  }
0x375: {  	s18 =	sand.u32 $0x1FFFFFF0, s25  }
0x376: {  	s26 =	sadd.s32 $0x1580, s17;
	s18 =	sadd.s32 s3, s18;
	s28 =	spop (v2sf);
	(v2sf) =	vpush v63, $0xC  }
0x377: {  	[tilespmem:s26], [sflag:$0x1] =	stream.linear.gather [hbm4b:s18+s2], $0x80, $0x38;
	[tilespmem:$0x14A00] =	vst v63  }
0x378: {  	s18 =	sand.u32 $0x1FFFFFF0, s28;
	s30 =	spop (v2sf);
	(v2sf) =	vpush v63, $0xD  }
0x379: {  	s29 =	sadd.s32 $0x1600, s17;
	s18 =	sadd.s32 s3, s18  }
0x37a: {  	[tilespmem:s29], [sflag:$0x1] =	stream.linear.gather [hbm4b:s18+s2], $0x80, $0x38;
	[tilespmem:$0x14A00] =	vst v63  }
0x37b: {  	s20 =	spop (v2sf);
	(v2sf) =	vpush v63, $0xE  }
0x37c: {  	s18 =	sand.u32 $0x1FFFFFF0, s30  }
0x37d: {  	s31 =	sadd.s32 $0x1680, s17;
	s18 =	sadd.s32 s3, s18  }
0x37e: {  	[tilespmem:s31], [sflag:$0x1] =	stream.linear.gather [hbm4b:s18+s2], $0x80, $0x38;
	[tilespmem:$0x14A00] =	vst v63  }
0x37f: {  	s18 =	sand.u32 $0x1FFFFFF0, s20  }
0x380: {  	s21 =	sadd.s32 $0x1700, s17;
	s22 =	spop (v2sf);
	s18 =	sadd.s32 s3, s18  }
0x381: {  	(v2sf) =	vpush v63, $0xF;
	[tilespmem:s21], [sflag:$0x1] =	stream.linear.gather [hbm4b:s18+s2], $0x80, $0x38;
	[tilespmem:$0x14A00] =	vst v63  }
0x382: {  	s18 =	sand.u32 $0x1FFFFFF0, s22  }
0x383: {  	s23 =	sadd.s32 $0x1780, s17;
	s18 =	sadd.s32 s3, s18  }
0x384: {  	[tilespmem:s23], [sflag:$0x1] =	stream.linear.gather [hbm4b:s18+s2], $0x80, $0x38;
	[tilespmem:$0x14A00] =	vst v63  }
0x385: {  	s24 =	spop (v2sf)  }
0x386: {  	s18 =	sand.u32 $0x1FFFFFF0, s24  }
0x387: {  	s25 =	sadd.s32 $0x1800, s17;
	s26 =	spop (v2sf);
	s18 =	sadd.s32 s3, s18  }
0x388: {  	[tilespmem:s25], [sflag:$0x1] =	stream.linear.gather [hbm4b:s18+s2], $0x80, $0x38;
	[tilespmem:$0x14A00] =	vst v63  }
0x389: {  	s18 =	sand.u32 $0x1FFFFFF0, s26  }
0x38a: {  	s28 =	sadd.s32 $0x1880, s17;
	s29 =	spop (v2sf);
	s18 =	sadd.s32 s3, s18  }
0x38b: {  	[tilespmem:s28], [sflag:$0x1] =	stream.linear.gather [hbm4b:s18+s2], $0x80, $0x38;
	[tilespmem:$0x14A00] =	vst v63  }
0x38c: {  	s18 =	sand.u32 $0x1FFFFFF0, s29  }
0x38d: {  	p0 =	seq.s32 s14, $0x0;
	s30 =	sadd.s32 $0x1900, s17;
	s18 =	sadd.s32 s3, s18  }
0x38e: {  	[tilespmem:s30], [sflag:$0x1] =	stream.linear.gather [hbm4b:s18+s2], $0x80, $0x38;
	[tilespmem:$0x14A00] =	vst v63  }
.Ltmp20:
0x38f: {  	_ = 	snop;
	(pc) =	sbr.rel @!p0 .LBB2_19-.Ltmp20, $4  }
.Ltmp21:
0x390: {  	s31 =	spop (v2sf);
	(pc) =	sbr.rel @p0 .LBB2_20-.Ltmp21, $4  }
0x391: {  	s18 =	sand.u32 $0x1FFFFFF0, s31  }
0x392: {  	s17 =	sadd.s32 $0x1980, s17;
	s18 =	sadd.s32 s3, s18  }
0x393: {  	[tilespmem:s17], [sflag:$0x1] =	stream.linear.gather [hbm4b:s18+s2], $0x80, $0x38;
	[tilespmem:$0x14A00] =	vst v63  }
0x394: {  	_ = 	snop  }
.LBB2_22:
0x395: {  	_ =	sfence.sel $0x180000  }
0x396: {  	[bflag:$0x0] =	sbarrier.arrive $0xFFFF  }
0x397: {  	p0 =	sne.s32 s1, $0x0;
	_ =	strace $0x90000047  }
0x398: {  	s0 =	sadd.s32 @!p0 $0x100000, s0;
	[bflag:$0x2] =	sbarrier.arrive $0xFFFF  }
0x399: {  	[sflag:s0] =	ssyncadd.tile.s32 @!p0 $0x1;
	_ =	shalt  }
.Lfunc_end2:
_tile_overlayer_lowered:
.L_overlay_start_2:
0x39a: {  	(tag) =	ssettag $0x2  }
0x39b: {  	s0 =	rddreg [dreg:$0x0];
	s2 =	stileid.u32  }
0x39c: {  	s1 =	rddreg [dreg:$0x1];
	p0 =	sne.s32 s2, $0x0  }
0x39d: {  	s3 =	rddreg [dreg:$0x2];
	[bflag:$0x3] =	sbarrier.arrive $0xFFFF;
	s2 =	simm.s32 @!p0 $0x1C02  }
0x39e: {  	[timem:s3], [sflag:s2] =	dma.local @!p0 [hbm:s0], s1  }
0x39f: {  	s0 =	simm.s32 @!p0 $0x2  }
0x3a0: {  	_ =	swait.ge @!p0 [sflag:s0], s1  }
0x3a1: {  	s1 =	ssub.s32 @!p0 $0x0, s1;
	[sflag:s0] =	ssyncset.done @!p0 $0x0  }
0x3a2: {  	[sflag:s0] =	ssyncadd.s32 @!p0 s1  }
0x3a3: {  	[bflag:$0x3] =	sbarrier.arrive $0xFFFF  }
0x3a4: {  	_ =	shalt  }

</sc_bundles>
